<compile_context>
chip_gen: v7x
topology: tpu7x:2x2x1
jax: 0.10.2.dev20260603
libtpu: 0.0.44.dev20260713+nightly
codegen_flags: <defaults>
</compile_context>

<pallas_src>
import functools

import jax
import jax.numpy as jnp
from jax import lax
from jax.experimental import pallas as pl
from jax.experimental.pallas import tpu as pltpu
from jax.experimental.pallas import tpu_sc as plsc

_NC = 2
_NS = 16
_L = 16
_NW = _NC * _NS


@functools.lru_cache(maxsize=None)
def _build(B, F, V, VS):
    rows_w = B // _NW
    bf_w = rows_w * F
    n_chunks = rows_w // _L

    mesh = plsc.VectorSubcoreMesh(
        core_axis_name="c", subcore_axis_name="s",
        num_cores=_NC, num_subcores=_NS,
    )

    @functools.partial(
        pl.kernel,
        out_type=jax.ShapeDtypeStruct((B,), jnp.float32),
        mesh=mesh,
        scratch_types=[
            pltpu.VMEM((F, rows_w), jnp.int32),
            pltpu.VMEM((bf_w,), jnp.float32),
            pltpu.VMEM((rows_w,), jnp.float32),
            pltpu.VMEM((_L,), jnp.float32),
            pltpu.SemaphoreType.DMA,
            pltpu.SemaphoreType.DMA,
        ],
    )
    def launch(idx_hbm, table_hbm, bias_hbm, out_hbm,
               idx_v, vals_v, out_v, bias_v, sem_i, sem_g):
        wid = lax.axis_index("s") * _NC + lax.axis_index("c")
        idx_copy = pltpu.async_copy(
            idx_hbm.at[:, pl.ds(wid * rows_w, rows_w)], idx_v, sem_i)
        pltpu.sync_copy(bias_hbm, bias_v)
        idx_copy.wait()

        gathers = []
        for f in range(F):
            for j in range(rows_w // _L):
                sl = pl.ds(j * _L, _L)
                idx_v[f, sl] = idx_v[f, sl] + f * VS
            gathers.append(pltpu.async_copy(
                table_hbm.at[idx_v.at[f]],
                vals_v.at[pl.ds(f * rows_w, rows_w)],
                sem_g,
            ))
        for g in gathers:
            g.wait()

        bias_vec = bias_v[...]
        for c in range(n_chunks):
            acc = bias_vec
            for f in range(F):
                acc = acc + vals_v[pl.ds(f * rows_w + c * _L, _L)]
            out_v[pl.ds(c * _L, _L)] = acc

        pltpu.sync_copy(out_v, out_hbm.at[pl.ds(wid * rows_w, rows_w)])

    return launch


def kernel(indices, weights, bias):
    B, F = indices.shape
    _, V, U = weights.shape
    VS = V
    table = lax.optimization_barrier(weights.squeeze(-1)).reshape(F * V)
    idx_t = indices.T
    bias_vec = jnp.broadcast_to(bias.astype(jnp.float32), (_L,))
    out = _build(B, F, V, VS)(idx_t, table, bias_vec)
    return out.reshape(B, U)

# --- scband reference (transcript-rebuilt; emitter-appended) ---
"""Pipeline reference for scband-linear-model-layer-37950331027633 (READ-ONLY COPY).

The authoritative reference and input builder live on the scoring server;
editing this copy changes nothing except your own understanding.
"""

import jax, jax.numpy as jnp
import numpy as np

B = 4096
F = 26
V = 100000
U = 1

def setup_inputs(seed: int = 0) -> dict:
    key = jax.random.key(seed)
    k1, k2, k3 = jax.random.split(key, 3)
    # one categorical (identity) column per sparse field, each with V buckets
    indices = jax.random.randint(k1, (B, F), 0, V, dtype=jnp.int32)
    # per-column linear weight tables, shape [num_buckets, units], stacked over fields
    weights = jax.random.normal(k2, (F, V, U), dtype=jnp.float32) * 0.01
    bias = jax.random.normal(k3, (U,), dtype=jnp.float32) * 0.01
    return {"indices": indices, "weights": weights, "bias": bias}

def reference(indices, weights, bias):
    # For each categorical column: weighted_sum = gather(weight_var, ids) with
    # sparse_combiner='sum' and exactly one id per example -> weights[f][ids].
    # Then add_n over columns and bias_add, matching _LinearModelLayer.call.
    F_ = weights.shape[0]
    field_idx = jnp.arange(F_)[None, :]            # [1, F]
    gathered = weights[field_idx, indices]          # [B, F, U] gather per field
    predictions_no_bias = jnp.sum(gathered, axis=1) # add_n over feature columns -> [B, U]
    predictions = predictions_no_bias + bias        # bias_add
    return predictions

if __name__ == "__main__":
    import jax
    _d = setup_inputs()
    print(jax.jit(kernel)(*tuple(_d.values())))

</pallas_src>

<mosaic_0001>
#map = affine_map<(d0, d1) -> (0, 0)>
#map1 = affine_map<(d0, d1) -> (0)>
module attributes {stable_mosaic.version = 14 : i64} {
  func.func @launch(%arg0: i32, %arg1: i32, %arg2: memref<26x4096xi32, #tpu.memory_space<hbm>>, %arg3: memref<2600000xf32, #tpu.memory_space<hbm>>, %arg4: memref<16xf32, #tpu.memory_space<hbm>>, %arg5: memref<4096xf32, #tpu.memory_space<hbm>>, %arg6: memref<26x128xi32, #tpu.memory_space<vmem>>, %arg7: memref<3328xf32, #tpu.memory_space<vmem>>, %arg8: memref<128xf32, #tpu.memory_space<vmem>>, %arg9: memref<16xf32, #tpu.memory_space<vmem>>, %arg10: memref<!tpu.dma_semaphore, #tpu.memory_space<semaphore_mem>>, %arg11: memref<!tpu.dma_semaphore, #tpu.memory_space<semaphore_mem>>) attributes {dimension_semantics = [#tpu.dimension_semantics<core_parallel>, #tpu.dimension_semantics<subcore_parallel>], iteration_bounds = array<i64: 2, 16>, scalar_prefetch = 0 : i64, scratch_operands = 6 : i64, tpu.core_type = #tpu.core_type<sc_vector_subcore>, window_params = [{transform_indices = #map}, {transform_indices = #map1}, {transform_indices = #map1}, {transform_indices = #map1}]} {
    %mul3A = arith.constant 2 : i32
    %mul3A_0 = arith.muli %arg1, %mul3A : i32
    %add3A = arith.addi %mul3A_0, %arg0 : i32
    %mul3A_1 = arith.constant 128 : i32
    %mul3A_2 = arith.muli %add3A, %mul3A_1 : i32
    %dma_start3A = arith.constant 0 : i32
    %dma_start3A_3 = tpu.memref_slice %arg2[%dma_start3A, %mul3A_2] : memref<26x4096xi32, #tpu.memory_space<hbm>> -> memref<26x128xi32, #tpu.memory_space<hbm>>
    %dma_start3A_4 = arith.constant 0 : i32
    %dma_start3A_5 = tpu.memref_slice %arg2[%dma_start3A_4, %mul3A_2] : memref<26x4096xi32, #tpu.memory_space<hbm>> -> memref<26x128xi32, #tpu.memory_space<hbm>>
    tpu.enqueue_dma source(%dma_start3A_5 : memref<26x128xi32, #tpu.memory_space<hbm>>) target(%arg6 : memref<26x128xi32, #tpu.memory_space<vmem>>) target_semaphore(%arg10 : memref<!tpu.dma_semaphore, #tpu.memory_space<semaphore_mem>>)
    "tpu.region"() ({
      %run_scoped3A = tpu.sem_alloc : memref<!tpu.dma_semaphore, #tpu.memory_space<semaphore_mem>>
      tpu.enqueue_dma source(%arg4 : memref<16xf32, #tpu.memory_space<hbm>>) target(%arg9 : memref<16xf32, #tpu.memory_space<vmem>>) target_semaphore(%run_scoped3A : memref<!tpu.dma_semaphore, #tpu.memory_space<semaphore_mem>>)
      tpu.wait_dma2 semaphore(%run_scoped3A : memref<!tpu.dma_semaphore, #tpu.memory_space<semaphore_mem>>) src(%arg4 : memref<16xf32, #tpu.memory_space<hbm>>) dst(%arg9 : memref<16xf32, #tpu.memory_space<vmem>>)
      tpu.yield
    }) : () -> ()
    %dma_wait3A = arith.constant 0 : i32
    %dma_wait3A_6 = tpu.memref_slice %arg2[%dma_wait3A, %mul3A_2] : memref<26x4096xi32, #tpu.memory_space<hbm>> -> memref<26x128xi32, #tpu.memory_space<hbm>>
    %dma_wait3A_7 = arith.constant 0 : i32
    %dma_wait3A_8 = tpu.memref_slice %arg2[%dma_wait3A_7, %mul3A_2] : memref<26x4096xi32, #tpu.memory_space<hbm>> -> memref<26x128xi32, #tpu.memory_space<hbm>>
    tpu.wait_dma2 semaphore(%arg10 : memref<!tpu.dma_semaphore, #tpu.memory_space<semaphore_mem>>) src(%dma_wait3A_8 : memref<26x128xi32, #tpu.memory_space<hbm>>) dst(%arg6 : memref<26x128xi32, #tpu.memory_space<vmem>>)
    %get3A = arith.constant 0 : i32
    %get3A_9 = arith.index_cast %get3A : i32 to index
    %get3A_10 = arith.constant 0 : index
    %get3A_11 = tpu.vector_load %arg6[%get3A_9, %get3A_10] {strides = array<i32>} : memref<26x128xi32, #tpu.memory_space<vmem>>, vector<1x16xi32>,
    %get3A_12 = vector.shape_cast %get3A_11 : vector<1x16xi32> to vector<16xi32>
    %add3A_13 = arith.constant 0 : i32
    %add3A_14 = vector.broadcast %add3A_13 : i32 to vector<16xi32>
    %add3A_15 = arith.addi %get3A_12, %add3A_14 : vector<16xi32>
    %swap3A = arith.constant 0 : i32
    %swap3A_16 = arith.index_cast %swap3A : i32 to index
    %swap3A_17 = arith.constant 0 : index
    %swap3A_18 = tpu.vector_load %arg6[%swap3A_16, %swap3A_17] {strides = array<i32>} : memref<26x128xi32, #tpu.memory_space<vmem>>, vector<1x16xi32>,
    %swap3A_19 = vector.shape_cast %swap3A_18 : vector<1x16xi32> to vector<16xi32>
    %swap3A_20 = vector.shape_cast %add3A_15 : vector<16xi32> to vector<1x16xi32>
    tpu.vector_store %arg6[%swap3A_16, %swap3A_17], %swap3A_20 {strides = array<i32>} : memref<26x128xi32, #tpu.memory_space<vmem>>, vector<1x16xi32>,
    %get3A_21 = arith.constant 0 : i32
    %get3A_22 = arith.index_cast %get3A_21 : i32 to index
    %get3A_23 = arith.constant 16 : index
    %get3A_24 = tpu.vector_load %arg6[%get3A_22, %get3A_23] {strides = array<i32>} : memref<26x128xi32, #tpu.memory_space<vmem>>, vector<1x16xi32>,
    %get3A_25 = vector.shape_cast %get3A_24 : vector<1x16xi32> to vector<16xi32>
    %add3A_26 = arith.constant 0 : i32
    %add3A_27 = vector.broadcast %add3A_26 : i32 to vector<16xi32>
    %add3A_28 = arith.addi %get3A_25, %add3A_27 : vector<16xi32>
    %swap3A_29 = arith.constant 0 : i32
    %swap3A_30 = arith.index_cast %swap3A_29 : i32 to index
    %swap3A_31 = arith.constant 16 : index
    %swap3A_32 = tpu.vector_load %arg6[%swap3A_30, %swap3A_31] {strides = array<i32>} : memref<26x128xi32, #tpu.memory_space<vmem>>, vector<1x16xi32>,
    %swap3A_33 = vector.shape_cast %swap3A_32 : vector<1x16xi32> to vector<16xi32>
    %swap3A_34 = vector.shape_cast %add3A_28 : vector<16xi32> to vector<1x16xi32>
    tpu.vector_store %arg6[%swap3A_30, %swap3A_31], %swap3A_34 {strides = array<i32>} : memref<26x128xi32, #tpu.memory_space<vmem>>, vector<1x16xi32>,
    %get3A_35 = arith.constant 0 : i32
    %get3A_36 = arith.index_cast %get3A_35 : i32 to index
    %get3A_37 = arith.constant 32 : index
    %get3A_38 = tpu.vector_load %arg6[%get3A_36, %get3A_37] {strides = array<i32>} : memref<26x128xi32, #tpu.memory_space<vmem>>, vector<1x16xi32>,
    %get3A_39 = vector.shape_cast %get3A_38 : vector<1x16xi32> to vector<16xi32>
    %add3A_40 = arith.constant 0 : i32
    %add3A_41 = vector.broadcast %add3A_40 : i32 to vector<16xi32>
    %add3A_42 = arith.addi %get3A_39, %add3A_41 : vector<16xi32>
    %swap3A_43 = arith.constant 0 : i32
    %swap3A_44 = arith.index_cast %swap3A_43 : i32 to index
    %swap3A_45 = arith.constant 32 : index
    %swap3A_46 = tpu.vector_load %arg6[%swap3A_44, %swap3A_45] {strides = array<i32>} : memref<26x128xi32, #tpu.memory_space<vmem>>, vector<1x16xi32>,
    %swap3A_47 = vector.shape_cast %swap3A_46 : vector<1x16xi32> to vector<16xi32>
    %swap3A_48 = vector.shape_cast %add3A_42 : vector<16xi32> to vector<1x16xi32>
    tpu.vector_store %arg6[%swap3A_44, %swap3A_45], %swap3A_48 {strides = array<i32>} : memref<26x128xi32, #tpu.memory_space<vmem>>, vector<1x16xi32>,
    %get3A_49 = arith.constant 0 : i32
    %get3A_50 = arith.index_cast %get3A_49 : i32 to index
    %get3A_51 = arith.constant 48 : index
    %get3A_52 = tpu.vector_load %arg6[%get3A_50, %get3A_51] {strides = array<i32>} : memref<26x128xi32, #tpu.memory_space<vmem>>, vector<1x16xi32>,
    %get3A_53 = vector.shape_cast %get3A_52 : vector<1x16xi32> to vector<16xi32>
    %add3A_54 = arith.constant 0 : i32
    %add3A_55 = vector.broadcast %add3A_54 : i32 to vector<16xi32>
    %add3A_56 = arith.addi %get3A_53, %add3A_55 : vector<16xi32>
    %swap3A_57 = arith.constant 0 : i32
    %swap3A_58 = arith.index_cast %swap3A_57 : i32 to index
    %swap3A_59 = arith.constant 48 : index
    %swap3A_60 = tpu.vector_load %arg6[%swap3A_58, %swap3A_59] {strides = array<i32>} : memref<26x128xi32, #tpu.memory_space<vmem>>, vector<1x16xi32>,
    %swap3A_61 = vector.shape_cast %swap3A_60 : vector<1x16xi32> to vector<16xi32>
    %swap3A_62 = vector.shape_cast %add3A_56 : vector<16xi32> to vector<1x16xi32>
    tpu.vector_store %arg6[%swap3A_58, %swap3A_59], %swap3A_62 {strides = array<i32>} : memref<26x128xi32, #tpu.memory_space<vmem>>, vector<1x16xi32>,
    %get3A_63 = arith.constant 0 : i32
    %get3A_64 = arith.index_cast %get3A_63 : i32 to index
    %get3A_65 = arith.constant 64 : index
    %get3A_66 = tpu.vector_load %arg6[%get3A_64, %get3A_65] {strides = array<i32>} : memref<26x128xi32, #tpu.memory_space<vmem>>, vector<1x16xi32>,
    %get3A_67 = vector.shape_cast %get3A_66 : vector<1x16xi32> to vector<16xi32>
    %add3A_68 = arith.constant 0 : i32
    %add3A_69 = vector.broadcast %add3A_68 : i32 to vector<16xi32>
    %add3A_70 = arith.addi %get3A_67, %add3A_69 : vector<16xi32>
    %swap3A_71 = arith.constant 0 : i32
    %swap3A_72 = arith.index_cast %swap3A_71 : i32 to index
    %swap3A_73 = arith.constant 64 : index
    %swap3A_74 = tpu.vector_load %arg6[%swap3A_72, %swap3A_73] {strides = array<i32>} : memref<26x128xi32, #tpu.memory_space<vmem>>, vector<1x16xi32>,
    %swap3A_75 = vector.shape_cast %swap3A_74 : vector<1x16xi32> to vector<16xi32>
    %swap3A_76 = vector.shape_cast %add3A_70 : vector<16xi32> to vector<1x16xi32>
    tpu.vector_store %arg6[%swap3A_72, %swap3A_73], %swap3A_76 {strides = array<i32>} : memref<26x128xi32, #tpu.memory_space<vmem>>, vector<1x16xi32>,
    %get3A_77 = arith.constant 0 : i32
    %get3A_78 = arith.index_cast %get3A_77 : i32 to index
    %get3A_79 = arith.constant 80 : index
    %get3A_80 = tpu.vector_load %arg6[%get3A_78, %get3A_79] {strides = array<i32>} : memref<26x128xi32, #tpu.memory_space<vmem>>, vector<1x16xi32>,
    %get3A_81 = vector.shape_cast %get3A_80 : vector<1x16xi32> to vector<16xi32>
    %add3A_82 = arith.constant 0 : i32
    %add3A_83 = vector.broadcast %add3A_82 : i32 to vector<16xi32>
    %add3A_84 = arith.addi %get3A_81, %add3A_83 : vector<16xi32>
    %swap3A_85 = arith.constant 0 : i32
    %swap3A_86 = arith.index_cast %swap3A_85 : i32 to index
    %swap3A_87 = arith.constant 80 : index
    %swap3A_88 = tpu.vector_load %arg6[%swap3A_86, %swap3A_87] {strides = array<i32>} : memref<26x128xi32, #tpu.memory_space<vmem>>, vector<1x16xi32>,
    %swap3A_89 = vector.shape_cast %swap3A_88 : vector<1x16xi32> to vector<16xi32>
    %swap3A_90 = vector.shape_cast %add3A_84 : vector<16xi32> to vector<1x16xi32>
    tpu.vector_store %arg6[%swap3A_86, %swap3A_87], %swap3A_90 {strides = array<i32>} : memref<26x128xi32, #tpu.memory_space<vmem>>, vector<1x16xi32>,
    %get3A_91 = arith.constant 0 : i32
    %get3A_92 = arith.index_cast %get3A_91 : i32 to index
    %get3A_93 = arith.constant 96 : index
    %get3A_94 = tpu.vector_load %arg6[%get3A_92, %get3A_93] {strides = array<i32>} : memref<26x128xi32, #tpu.memory_space<vmem>>, vector<1x16xi32>,
    %get3A_95 = vector.shape_cast %get3A_94 : vector<1x16xi32> to vector<16xi32>
    %add3A_96 = arith.constant 0 : i32
    %add3A_97 = vector.broadcast %add3A_96 : i32 to vector<16xi32>
    %add3A_98 = arith.addi %get3A_95, %add3A_97 : vector<16xi32>
    %swap3A_99 = arith.constant 0 : i32
    %swap3A_100 = arith.index_cast %swap3A_99 : i32 to index
    %swap3A_101 = arith.constant 96 : index
    %swap3A_102 = tpu.vector_load %arg6[%swap3A_100, %swap3A_101] {strides = array<i32>} : memref<26x128xi32, #tpu.memory_space<vmem>>, vector<1x16xi32>,
    %swap3A_103 = vector.shape_cast %swap3A_102 : vector<1x16xi32> to vector<16xi32>
    %swap3A_104 = vector.shape_cast %add3A_98 : vector<16xi32> to vector<1x16xi32>
    tpu.vector_store %arg6[%swap3A_100, %swap3A_101], %swap3A_104 {strides = array<i32>} : memref<26x128xi32, #tpu.memory_space<vmem>>, vector<1x16xi32>,
    %get3A_105 = arith.constant 0 : i32
    %get3A_106 = arith.index_cast %get3A_105 : i32 to index
    %get3A_107 = arith.constant 112 : index
    %get3A_108 = tpu.vector_load %arg6[%get3A_106, %get3A_107] {strides = array<i32>} : memref<26x128xi32, #tpu.memory_space<vmem>>, vector<1x16xi32>,
    %get3A_109 = vector.shape_cast %get3A_108 : vector<1x16xi32> to vector<16xi32>
    %add3A_110 = arith.constant 0 : i32
    %add3A_111 = vector.broadcast %add3A_110 : i32 to vector<16xi32>
    %add3A_112 = arith.addi %get3A_109, %add3A_111 : vector<16xi32>
    %swap3A_113 = arith.constant 0 : i32
    %swap3A_114 = arith.index_cast %swap3A_113 : i32 to index
    %swap3A_115 = arith.constant 112 : index
    %swap3A_116 = tpu.vector_load %arg6[%swap3A_114, %swap3A_115] {strides = array<i32>} : memref<26x128xi32, #tpu.memory_space<vmem>>, vector<1x16xi32>,
    %swap3A_117 = vector.shape_cast %swap3A_116 : vector<1x16xi32> to vector<16xi32>
    %swap3A_118 = vector.shape_cast %add3A_112 : vector<16xi32> to vector<1x16xi32>
    tpu.vector_store %arg6[%swap3A_114, %swap3A_115], %swap3A_118 {strides = array<i32>} : memref<26x128xi32, #tpu.memory_space<vmem>>, vector<1x16xi32>,
    %dma_start3A_119 = arith.constant 0 : i32
    %dma_start3A_120 = arith.constant 0 : i32
    %dma_start3A_121 = tpu.memref_slice %arg7[%dma_start3A_120] : memref<3328xf32, #tpu.memory_space<vmem>> -> memref<128xf32, #tpu.memory_space<vmem>>
    %dma_start3A_122 = arith.constant 0 : i32
    %dma_start3A_123 = tpu.memref_slice %arg6[%dma_start3A_119, %dma_start3A_122] : memref<26x128xi32, #tpu.memory_space<vmem>> -> memref<1x128xi32, #tpu.memory_space<vmem>>
    %dma_start3A_124 = tpu.memref_squeeze %dma_start3A_123 : memref<1x128xi32, #tpu.memory_space<vmem>> -> memref<128xi32, #tpu.memory_space<vmem>>
    %dma_start3A_125 = arith.constant 0 : i32
    %dma_start3A_126 = tpu.memref_slice %arg3[%dma_start3A_125] : memref<2600000xf32, #tpu.memory_space<hbm>> -> memref<2600000xf32, #tpu.memory_space<hbm>>
    tpu.enqueue_indirect_dma source(%dma_start3A_126 : memref<2600000xf32, #tpu.memory_space<hbm>>) target(%dma_start3A_121 : memref<128xf32, #tpu.memory_space<vmem>>) offsets(%dma_start3A_124 : memref<128xi32, #tpu.memory_space<vmem>>) semaphore(%arg11 : memref<!tpu.dma_semaphore, #tpu.memory_space<semaphore_mem>>)
    %get3A_127 = arith.constant 1 : i32
    %get3A_128 = arith.index_cast %get3A_127 : i32 to index
    %get3A_129 = arith.constant 0 : index
    %get3A_130 = tpu.vector_load %arg6[%get3A_128, %get3A_129] {strides = array<i32>} : memref<26x128xi32, #tpu.memory_space<vmem>>, vector<1x16xi32>,
    %get3A_131 = vector.shape_cast %get3A_130 : vector<1x16xi32> to vector<16xi32>
    %add3A_132 = arith.constant 100000 : i32
    %add3A_133 = vector.broadcast %add3A_132 : i32 to vector<16xi32>
    %add3A_134 = arith.addi %get3A_131, %add3A_133 : vector<16xi32>
    %swap3A_135 = arith.constant 1 : i32
    %swap3A_136 = arith.index_cast %swap3A_135 : i32 to index
    %swap3A_137 = arith.constant 0 : index
    %swap3A_138 = tpu.vector_load %arg6[%swap3A_136, %swap3A_137] {strides = array<i32>} : memref<26x128xi32, #tpu.memory_space<vmem>>, vector<1x16xi32>,
    %swap3A_139 = vector.shape_cast %swap3A_138 : vector<1x16xi32> to vector<16xi32>
    %swap3A_140 = vector.shape_cast %add3A_134 : vector<16xi32> to vector<1x16xi32>
    tpu.vector_store %arg6[%swap3A_136, %swap3A_137], %swap3A_140 {strides = array<i32>} : memref<26x128xi32, #tpu.memory_space<vmem>>, vector<1x16xi32>,
    %get3A_141 = arith.constant 1 : i32
    %get3A_142 = arith.index_cast %get3A_141 : i32 to index
    %get3A_143 = arith.constant 16 : index
    %get3A_144 = tpu.vector_load %arg6[%get3A_142, %get3A_143] {strides = array<i32>} : memref<26x128xi32, #tpu.memory_space<vmem>>, vector<1x16xi32>,
    %get3A_145 = vector.shape_cast %get3A_144 : vector<1x16xi32> to vector<16xi32>
    %add3A_146 = arith.constant 100000 : i32
    %add3A_147 = vector.broadcast %add3A_146 : i32 to vector<16xi32>
    %add3A_148 = arith.addi %get3A_145, %add3A_147 : vector<16xi32>
    %swap3A_149 = arith.constant 1 : i32
    %swap3A_150 = arith.index_cast %swap3A_149 : i32 to index
    %swap3A_151 = arith.constant 16 : index
    %swap3A_152 = tpu.vector_load %arg6[%swap3A_150, %swap3A_151] {strides = array<i32>} : memref<26x128xi32, #tpu.memory_space<vmem>>, vector<1x16xi32>,
    %swap3A_153 = vector.shape_cast %swap3A_152 : vector<1x16xi32> to vector<16xi32>
    %swap3A_154 = vector.shape_cast %add3A_148 : vector<16xi32> to vector<1x16xi32>
    tpu.vector_store %arg6[%swap3A_150, %swap3A_151], %swap3A_154 {strides = array<i32>} : memref<26x128xi32, #tpu.memory_space<vmem>>, vector<1x16xi32>,
    %get3A_155 = arith.constant 1 : i32
    %get3A_156 = arith.index_cast %get3A_155 : i32 to index
    %get3A_157 = arith.constant 32 : index
    %get3A_158 = tpu.vector_load %arg6[%get3A_156, %get3A_157] {strides = array<i32>} : memref<26x128xi32, #tpu.memory_space<vmem>>, vector<1x16xi32>,
    %get3A_159 = vector.shape_cast %get3A_158 : vector<1x16xi32> to vector<16xi32>
    %add3A_160 = arith.constant 100000 : i32
    %add3A_161 = vector.broadcast %add3A_160 : i32 to vector<16xi32>
    %add3A_162 = arith.addi %get3A_159, %add3A_161 : vector<16xi32>
    %swap3A_163 = arith.constant 1 : i32
    %swap3A_164 = arith.index_cast %swap3A_163 : i32 to index
    %swap3A_165 = arith.constant 32 : index
    %swap3A_166 = tpu.vector_load %arg6[%swap3A_164, %swap3A_165] {strides = array<i32>} : memref<26x128xi32, #tpu.memory_space<vmem>>, vector<1x16xi32>,
    %swap3A_167 = vector.shape_cast %swap3A_166 : vector<1x16xi32> to vector<16xi32>
    %swap3A_168 = vector.shape_cast %add3A_162 : vector<16xi32> to vector<1x16xi32>
    tpu.vector_store %arg6[%swap3A_164, %swap3A_165], %swap3A_168 {strides = array<i32>} : memref<26x128xi32, #tpu.memory_space<vmem>>, vector<1x16xi32>,
    %get3A_169 = arith.constant 1 : i32
    %get3A_170 = arith.index_cast %get3A_169 : i32 to index
    %get3A_171 = arith.constant 48 : index
    %get3A_172 = tpu.vector_load %arg6[%get3A_170, %get3A_171] {strides = array<i32>} : memref<26x128xi32, #tpu.memory_space<vmem>>, vector<1x16xi32>,
    %get3A_173 = vector.shape_cast %get3A_172 : vector<1x16xi32> to vector<16xi32>
    %add3A_174 = arith.constant 100000 : i32
    %add3A_175 = vector.broadcast %add3A_174 : i32 to vector<16xi32>
    %add3A_176 = arith.addi %get3A_173, %add3A_175 : vector<16xi32>
    %swap3A_177 = arith.constant 1 : i32
    %swap3A_178 = arith.index_cast %swap3A_177 : i32 to index
    %swap3A_179 = arith.constant 48 : index
    %swap3A_180 = tpu.vector_load %arg6[%swap3A_178, %swap3A_179] {strides = array<i32>} : memref<26x128xi32, #tpu.memory_space<vmem>>, vector<1x16xi32>,
    %swap3A_181 = vector.shape_cast %swap3A_180 : vector<1x16xi32> to vector<16xi32>
    %swap3A_182 = vector.shape_cast %add3A_176 : vector<16xi32> to vector<1x16xi32>
    tpu.vector_store %arg6[%swap3A_178, %swap3A_179], %swap3A_182 {strides = array<i32>} : memref<26x128xi32, #tpu.memory_space<vmem>>, vector<1x16xi32>,
    %get3A_183 = arith.constant 1 : i32
    %get3A_184 = arith.index_cast %get3A_183 : i32 to index
    %get3A_185 = arith.constant 64 : index
    %get3A_186 = tpu.vector_load %arg6[%get3A_184, %get3A_185] {strides = array<i32>} : memref<26x128xi32, #tpu.memory_space<vmem>>, vector<1x16xi32>,
    %get3A_187 = vector.shape_cast %get3A_186 : vector<1x16xi32> to vector<16xi32>
    %add3A_188 = arith.constant 100000 : i32
    %add3A_189 = vector.broadcast %add3A_188 : i32 to vector<16xi32>
    %add3A_190 = arith.addi %get3A_187, %add3A_189 : vector<16xi32>
    %swap3A_191 = arith.constant 1 : i32
    %swap3A_192 = arith.index_cast %swap3A_191 : i32 to index
    %swap3A_193 = arith.constant 64 : index
    %swap3A_194 = tpu.vector_load %arg6[%swap3A_192, %swap3A_193] {strides = array<i32>} : memref<26x128xi32, #tpu.memory_space<vmem>>, vector<1x16xi32>,
    %swap3A_195 = vector.shape_cast %swap3A_194 : vector<1x16xi32> to vector<16xi32>
    %swap3A_196 = vector.shape_cast %add3A_190 : vector<16xi32> to vector<1x16xi32>
    tpu.vector_store %arg6[%swap3A_192, %swap3A_193], %swap3A_196 {strides = array<i32>} : memref<26x128xi32, #tpu.memory_space<vmem>>, vector<1x16xi32>,
    %get3A_197 = arith.constant 1 : i32
    %get3A_198 = arith.index_cast %get3A_197 : i32 to index
    %get3A_199 = arith.constant 80 : index
    %get3A_200 = tpu.vector_load %arg6[%get3A_198, %get3A_199] {strides = array<i32>} : memref<26x128xi32, #tpu.memory_space<vmem>>, vector<1x16xi32>,
    %get3A_201 = vector.shape_cast %get3A_200 : vector<1x16xi32> to vector<16xi32>
    %add3A_202 = arith.constant 100000 : i32
    %add3A_203 = vector.broadcast %add3A_202 : i32 to vector<16xi32>
    %add3A_204 = arith.addi %get3A_201, %add3A_203 : vector<16xi32>
    %swap3A_205 = arith.constant 1 : i32
    %swap3A_206 = arith.index_cast %swap3A_205 : i32 to index
    %swap3A_207 = arith.constant 80 : index
    %swap3A_208 = tpu.vector_load %arg6[%swap3A_206, %swap3A_207] {strides = array<i32>} : memref<26x128xi32, #tpu.memory_space<vmem>>, vector<1x16xi32>,
    %swap3A_209 = vector.shape_cast %swap3A_208 : vector<1x16xi32> to vector<16xi32>
    %swap3A_210 = vector.shape_cast %add3A_204 : vector<16xi32> to vector<1x16xi32>
    tpu.vector_store %arg6[%swap3A_206, %swap3A_207], %swap3A_210 {strides = array<i32>} : memref<26x128xi32, #tpu.memory_space<vmem>>, vector<1x16xi32>,
    %get3A_211 = arith.constant 1 : i32
    %get3A_212 = arith.index_cast %get3A_211 : i32 to index
    %get3A_213 = arith.constant 96 : index
    %get3A_214 = tpu.vector_load %arg6[%get3A_212, %get3A_213] {strides = array<i32>} : memref<26x128xi32, #tpu.memory_space<vmem>>, vector<1x16xi32>,
    %get3A_215 = vector.shape_cast %get3A_214 : vector<1x16xi32> to vector<16xi32>
    %add3A_216 = arith.constant 100000 : i32
    %add3A_217 = vector.broadcast %add3A_216 : i32 to vector<16xi32>
    %add3A_218 = arith.addi %get3A_215, %add3A_217 : vector<16xi32>
    %swap3A_219 = arith.constant 1 : i32
    %swap3A_220 = arith.index_cast %swap3A_219 : i32 to index
    %swap3A_221 = arith.constant 96 : index
    %swap3A_222 = tpu.vector_load %arg6[%swap3A_220, %swap3A_221] {strides = array<i32>} : memref<26x128xi32, #tpu.memory_space<vmem>>, vector<1x16xi32>,
    %swap3A_223 = vector.shape_cast %swap3A_222 : vector<1x16xi32> to vector<16xi32>
    %swap3A_224 = vector.shape_cast %add3A_218 : vector<16xi32> to vector<1x16xi32>
    tpu.vector_store %arg6[%swap3A_220, %swap3A_221], %swap3A_224 {strides = array<i32>} : memref<26x128xi32, #tpu.memory_space<vmem>>, vector<1x16xi32>,
    %get3A_225 = arith.constant 1 : i32
    %get3A_226 = arith.index_cast %get3A_225 : i32 to index
    %get3A_227 = arith.constant 112 : index
    %get3A_228 = tpu.vector_load %arg6[%get3A_226, %get3A_227] {strides = array<i32>} : memref<26x128xi32, #tpu.memory_space<vmem>>, vector<1x16xi32>,
    %get3A_229 = vector.shape_cast %get3A_228 : vector<1x16xi32> to vector<16xi32>
    %add3A_230 = arith.constant 100000 : i32
    %add3A_231 = vector.broadcast %add3A_230 : i32 to vector<16xi32>
    %add3A_232 = arith.addi %get3A_229, %add3A_231 : vector<16xi32>
    %swap3A_233 = arith.constant 1 : i32
    %swap3A_234 = arith.index_cast %swap3A_233 : i32 to index
    %swap3A_235 = arith.constant 112 : index
    %swap3A_236 = tpu.vector_load %arg6[%swap3A_234, %swap3A_235] {strides = array<i32>} : memref<26x128xi32, #tpu.memory_space<vmem>>, vector<1x16xi32>,
    %swap3A_237 = vector.shape_cast %swap3A_236 : vector<1x16xi32> to vector<16xi32>
    %swap3A_238 = vector.shape_cast %add3A_232 : vector<16xi32> to vector<1x16xi32>
    tpu.vector_store %arg6[%swap3A_234, %swap3A_235], %swap3A_238 {strides = array<i32>} : memref<26x128xi32, #tpu.memory_space<vmem>>, vector<1x16xi32>,
    %dma_start3A_239 = arith.constant 1 : i32
    %dma_start3A_240 = arith.constant 128 : i32
    %dma_start3A_241 = tpu.memref_slice %arg7[%dma_start3A_240] : memref<3328xf32, #tpu.memory_space<vmem>> -> memref<128xf32, #tpu.memory_space<vmem>>
    %dma_start3A_242 = arith.constant 0 : i32
    %dma_start3A_243 = tpu.memref_slice %arg6[%dma_start3A_239, %dma_start3A_242] : memref<26x128xi32, #tpu.memory_space<vmem>> -> memref<1x128xi32, #tpu.memory_space<vmem>>
    %dma_start3A_244 = tpu.memref_squeeze %dma_start3A_243 : memref<1x128xi32, #tpu.memory_space<vmem>> -> memref<128xi32, #tpu.memory_space<vmem>>
    %dma_start3A_245 = arith.constant 0 : i32
    %dma_start3A_246 = tpu.memref_slice %arg3[%dma_start3A_245] : memref<2600000xf32, #tpu.memory_space<hbm>> -> memref<2600000xf32, #tpu.memory_space<hbm>>
    tpu.enqueue_indirect_dma source(%dma_start3A_246 : memref<2600000xf32, #tpu.memory_space<hbm>>) target(%dma_start3A_241 : memref<128xf32, #tpu.memory_space<vmem>>) offsets(%dma_start3A_244 : memref<128xi32, #tpu.memory_space<vmem>>) semaphore(%arg11 : memref<!tpu.dma_semaphore, #tpu.memory_space<semaphore_mem>>)
    %get3A_247 = arith.constant 2 : i32
    %get3A_248 = arith.index_cast %get3A_247 : i32 to index
    %get3A_249 = arith.constant 0 : index
    %get3A_250 = tpu.vector_load %arg6[%get3A_248, %get3A_249] {strides = array<i32>} : memref<26x128xi32, #tpu.memory_space<vmem>>, vector<1x16xi32>,
    %get3A_251 = vector.shape_cast %get3A_250 : vector<1x16xi32> to vector<16xi32>
    %add3A_252 = arith.constant 200000 : i32
    %add3A_253 = vector.broadcast %add3A_252 : i32 to vector<16xi32>
    %add3A_254 = arith.addi %get3A_251, %add3A_253 : vector<16xi32>
    %swap3A_255 = arith.constant 2 : i32
    %swap3A_256 = arith.index_cast %swap3A_255 : i32 to index
    %swap3A_257 = arith.constant 0 : index
    %swap3A_258 = tpu.vector_load %arg6[%swap3A_256, %swap3A_257] {strides = array<i32>} : memref<26x128xi32, #tpu.memory_space<vmem>>, vector<1x16xi32>,
    %swap3A_259 = vector.shape_cast %swap3A_258 : vector<1x16xi32> to vector<16xi32>
    %swap3A_260 = vector.shape_cast %add3A_254 : vector<16xi32> to vector<1x16xi32>
    tpu.vector_store %arg6[%swap3A_256, %swap3A_257], %swap3A_260 {strides = array<i32>} : memref<26x128xi32, #tpu.memory_space<vmem>>, vector<1x16xi32>,
    %get3A_261 = arith.constant 2 : i32
    %get3A_262 = arith.index_cast %get3A_261 : i32 to index
    %get3A_263 = arith.constant 16 : index
    %get3A_264 = tpu.vector_load %arg6[%get3A_262, %get3A_263] {strides = array<i32>} : memref<26x128xi32, #tpu.memory_space<vmem>>, vector<1x16xi32>,
    %get3A_265 = vector.shape_cast %get3A_264 : vector<1x16xi32> to vector<16xi32>
    %add3A_266 = arith.constant 200000 : i32
    %add3A_267 = vector.broadcast %add3A_266 : i32 to vector<16xi32>
    %add3A_268 = arith.addi %get3A_265, %add3A_267 : vector<16xi32>
    %swap3A_269 = arith.constant 2 : i32
    %swap3A_270 = arith.index_cast %swap3A_269 : i32 to index
    %swap3A_271 = arith.constant 16 : index
    %swap3A_272 = tpu.vector_load %arg6[%swap3A_270, %swap3A_271] {strides = array<i32>} : memref<26x128xi32, #tpu.memory_space<vmem>>, vector<1x16xi32>,
    %swap3A_273 = vector.shape_cast %swap3A_272 : vector<1x16xi32> to vector<16xi32>
    %swap3A_274 = vector.shape_cast %add3A_268 : vector<16xi32> to vector<1x16xi32>
    tpu.vector_store %arg6[%swap3A_270, %swap3A_271], %swap3A_274 {strides = array<i32>} : memref<26x128xi32, #tpu.memory_space<vmem>>, vector<1x16xi32>,
    %get3A_275 = arith.constant 2 : i32
    %get3A_276 = arith.index_cast %get3A_275 : i32 to index
    %get3A_277 = arith.constant 32 : index
    %get3A_278 = tpu.vector_load %arg6[%get3A_276, %get3A_277] {strides = array<i32>} : memref<26x128xi32, #tpu.memory_space<vmem>>, vector<1x16xi32>,
    %get3A_279 = vector.shape_cast %get3A_278 : vector<1x16xi32> to vector<16xi32>
    %add3A_280 = arith.constant 200000 : i32
    %add3A_281 = vector.broadcast %add3A_280 : i32 to vector<16xi32>
    %add3A_282 = arith.addi %get3A_279, %add3A_281 : vector<16xi32>
    %swap3A_283 = arith.constant 2 : i32
    %swap3A_284 = arith.index_cast %swap3A_283 : i32 to index
    %swap3A_285 = arith.constant 32 : index
    %swap3A_286 = tpu.vector_load %arg6[%swap3A_284, %swap3A_285] {strides = array<i32>} : memref<26x128xi32, #tpu.memory_space<vmem>>, vector<1x16xi32>,
    %swap3A_287 = vector.shape_cast %swap3A_286 : vector<1x16xi32> to vector<16xi32>
    %swap3A_288 = vector.shape_cast %add3A_282 : vector<16xi32> to vector<1x16xi32>
    tpu.vector_store %arg6[%swap3A_284, %swap3A_285], %swap3A_288 {strides = array<i32>} : memref<26x128xi32, #tpu.memory_space<vmem>>, vector<1x16xi32>,
    %get3A_289 = arith.constant 2 : i32
    %get3A_290 = arith.index_cast %get3A_289 : i32 to index
    %get3A_291 = arith.constant 48 : index
    %get3A_292 = tpu.vector_load %arg6[%get3A_290, %get3A_291] {strides = array<i32>} : memref<26x128xi32, #tpu.memory_space<vmem>>, vector<1x16xi32>,
    %get3A_293 = vector.shape_cast %get3A_292 : vector<1x16xi32> to vector<16xi32>
    %add3A_294 = arith.constant 200000 : i32
    %add3A_295 = vector.broadcast %add3A_294 : i32 to vector<16xi32>
    %add3A_296 = arith.addi %get3A_293, %add3A_295 : vector<16xi32>
    %swap3A_297 = arith.constant 2 : i32
    %swap3A_298 = arith.index_cast %swap3A_297 : i32 to index
    %swap3A_299 = arith.constant 48 : index
    %swap3A_300 = tpu.vector_load %arg6[%swap3A_298, %swap3A_299] {strides = array<i32>} : memref<26x128xi32, #tpu.memory_space<vmem>>, vector<1x16xi32>,
    %swap3A_301 = vector.shape_cast %swap3A_300 : vector<1x16xi32> to vector<16xi32>
    %swap3A_302 = vector.shape_cast %add3A_296 : vector<16xi32> to vector<1x16xi32>
    tpu.vector_store %arg6[%swap3A_298, %swap3A_299], %swap3A_302 {strides = array<i32>} : memref<26x128xi32, #tpu.memory_space<vmem>>, vector<1x16xi32>,
    %get3A_303 = arith.constant 2 : i32
    %get3A_304 = arith.index_cast %get3A_303 : i32 to index
    %get3A_305 = arith.constant 64 : index
    %get3A_306 = tpu.vector_load %arg6[%get3A_304, %get3A_305] {strides = array<i32>} : memref<26x128xi32, #tpu.memory_space<vmem>>, vector<1x16xi32>,
    %get3A_307 = vector.shape_cast %get3A_306 : vector<1x16xi32> to vector<16xi32>
    %add3A_308 = arith.constant 200000 : i32
    %add3A_309 = vector.broadcast %add3A_308 : i32 to vector<16xi32>
    %add3A_310 = arith.addi %get3A_307, %add3A_309 : vector<16xi32>
    %swap3A_311 = arith.constant 2 : i32
    %swap3A_312 = arith.index_cast %swap3A_311 : i32 to index
    %swap3A_313 = arith.constant 64 : index
    %swap3A_314 = tpu.vector_load %arg6[%swap3A_312, %swap3A_313] {strides = array<i32>} : memref<26x128xi32, #tpu.memory_space<vmem>>, vector<1x16xi32>,
    %swap3A_315 = vector.shape_cast %swap3A_314 : vector<1x16xi32> to vector<16xi32>
    %swap3A_316 = vector.shape_cast %add3A_310 : vector<16xi32> to vector<1x16xi32>
    tpu.vector_store %arg6[%swap3A_312, %swap3A_313], %swap3A_316 {strides = array<i32>} : memref<26x128xi32, #tpu.memory_space<vmem>>, vector<1x16xi32>,
    %get3A_317 = arith.constant 2 : i32
    %get3A_318 = arith.index_cast %get3A_317 : i32 to index
    %get3A_319 = arith.constant 80 : index
    %get3A_320 = tpu.vector_load %arg6[%get3A_318, %get3A_319] {strides = array<i32>} : memref<26x128xi32, #tpu.memory_space<vmem>>, vector<1x16xi32>,
    %get3A_321 = vector.shape_cast %get3A_320 : vector<1x16xi32> to vector<16xi32>
    %add3A_322 = arith.constant 200000 : i32
    %add3A_323 = vector.broadcast %add3A_322 : i32 to vector<16xi32>
    %add3A_324 = arith.addi %get3A_321, %add3A_323 : vector<16xi32>
    %swap3A_325 = arith.constant 2 : i32
    %swap3A_326 = arith.index_cast %swap3A_325 : i32 to index
    %swap3A_327 = arith.constant 80 : index
    %swap3A_328 = tpu.vector_load %arg6[%swap3A_326, %swap3A_327] {strides = array<i32>} : memref<26x128xi32, #tpu.memory_space<vmem>>, vector<1x16xi32>,
    %swap3A_329 = vector.shape_cast %swap3A_328 : vector<1x16xi32> to vector<16xi32>
    %swap3A_330 = vector.shape_cast %add3A_324 : vector<16xi32> to vector<1x16xi32>
    tpu.vector_store %arg6[%swap3A_326, %swap3A_327], %swap3A_330 {strides = array<i32>} : memref<26x128xi32, #tpu.memory_space<vmem>>, vector<1x16xi32>,
    %get3A_331 = arith.constant 2 : i32
    %get3A_332 = arith.index_cast %get3A_331 : i32 to index
    %get3A_333 = arith.constant 96 : index
    %get3A_334 = tpu.vector_load %arg6[%get3A_332, %get3A_333] {strides = array<i32>} : memref<26x128xi32, #tpu.memory_space<vmem>>, vector<1x16xi32>,
    %get3A_335 = vector.shape_cast %get3A_334 : vector<1x16xi32> to vector<16xi32>
    %add3A_336 = arith.constant 200000 : i32
    %add3A_337 = vector.broadcast %add3A_336 : i32 to vector<16xi32>
    %add3A_338 = arith.addi %get3A_335, %add3A_337 : vector<16xi32>
    %swap3A_339 = arith.constant 2 : i32
    %swap3A_340 = arith.index_cast %swap3A_339 : i32 to index
    %swap3A_341 = arith.constant 96 : index
    %swap3A_342 = tpu.vector_load %arg6[%swap3A_340, %swap3A_341] {strides = array<i32>} : memref<26x128xi32, #tpu.memory_space<vmem>>, vector<1x16xi32>,
    %swap3A_343 = vector.shape_cast %swap3A_342 : vector<1x16xi32> to vector<16xi32>
    %swap3A_344 = vector.shape_cast %add3A_338 : vector<16xi32> to vector<1x16xi32>
    tpu.vector_store %arg6[%swap3A_340, %swap3A_341], %swap3A_344 {strides = array<i32>} : memref<26x128xi32, #tpu.memory_space<vmem>>, vector<1x16xi32>,
    %get3A_345 = arith.constant 2 : i32
    %get3A_346 = arith.index_cast %get3A_345 : i32 to index
    %get3A_347 = arith.constant 112 : index
    %get3A_348 = tpu.vector_load %arg6[%get3A_346, %get3A_347] {strides = array<i32>} : memref<26x128xi32, #tpu.memory_space<vmem>>, vector<1x16xi32>,
    %get3A_349 = vector.shape_cast %get3A_348 : vector<1x16xi32> to vector<16xi32>
    %add3A_350 = arith.constant 200000 : i32
    %add3A_351 = vector.broadcast %add3A_350 : i32 to vector<16xi32>
    %add3A_352 = arith.addi %get3A_349, %add3A_351 : vector<16xi32>
    %swap3A_353 = arith.constant 2 : i32
    %swap3A_354 = arith.index_cast %swap3A_353 : i32 to index
    %swap3A_355 = arith.constant 112 : index
    %swap3A_356 = tpu.vector_load %arg6[%swap3A_354, %swap3A_355] {strides = array<i32>} : memref<26x128xi32, #tpu.memory_space<vmem>>, vector<1x16xi32>,
    %swap3A_357 = vector.shape_cast %swap3A_356 : vector<1x16xi32> to vector<16xi32>
    %swap3A_358 = vector.shape_cast %add3A_352 : vector<16xi32> to vector<1x16xi32>
    tpu.vector_store %arg6[%swap3A_354, %swap3A_355], %swap3A_358 {strides = array<i32>} : memref<26x128xi32, #tpu.memory_space<vmem>>, vector<1x16xi32>,
    %dma_start3A_359 = arith.constant 2 : i32
    %dma_start3A_360 = arith.constant 256 : i32
    %dma_start3A_361 = tpu.memref_slice %arg7[%dma_start3A_360] : memref<3328xf32, #tpu.memory_space<vmem>> -> memref<128xf32, #tpu.memory_space<vmem>>
    %dma_start3A_362 = arith.constant 0 : i32
    %dma_start3A_363 = tpu.memref_slice %arg6[%dma_start3A_359, %dma_start3A_362] : memref<26x128xi32, #tpu.memory_space<vmem>> -> memref<1x128xi32, #tpu.memory_space<vmem>>
    %dma_start3A_364 = tpu.memref_squeeze %dma_start3A_363 : memref<1x128xi32, #tpu.memory_space<vmem>> -> memref<128xi32, #tpu.memory_space<vmem>>
    %dma_start3A_365 = arith.constant 0 : i32
    %dma_start3A_366 = tpu.memref_slice %arg3[%dma_start3A_365] : memref<2600000xf32, #tpu.memory_space<hbm>> -> memref<2600000xf32, #tpu.memory_space<hbm>>
    tpu.enqueue_indirect_dma source(%dma_start3A_366 : memref<2600000xf32, #tpu.memory_space<hbm>>) target(%dma_start3A_361 : memref<128xf32, #tpu.memory_space<vmem>>) offsets(%dma_start3A_364 : memref<128xi32, #tpu.memory_space<vmem>>) semaphore(%arg11 : memref<!tpu.dma_semaphore, #tpu.memory_space<semaphore_mem>>)
    %get3A_367 = arith.constant 3 : i32
    %get3A_368 = arith.index_cast %get3A_367 : i32 to index
    %get3A_369 = arith.constant 0 : index
    %get3A_370 = tpu.vector_load %arg6[%get3A_368, %get3A_369] {strides = array<i32>} : memref<26x128xi32, #tpu.memory_space<vmem>>, vector<1x16xi32>,
    %get3A_371 = vector.shape_cast %get3A_370 : vector<1x16xi32> to vector<16xi32>
    %add3A_372 = arith.constant 300000 : i32
    %add3A_373 = vector.broadcast %add3A_372 : i32 to vector<16xi32>
    %add3A_374 = arith.addi %get3A_371, %add3A_373 : vector<16xi32>
    %swap3A_375 = arith.constant 3 : i32
    %swap3A_376 = arith.index_cast %swap3A_375 : i32 to index
    %swap3A_377 = arith.constant 0 : index
    %swap3A_378 = tpu.vector_load %arg6[%swap3A_376, %swap3A_377] {strides = array<i32>} : memref<26x128xi32, #tpu.memory_space<vmem>>, vector<1x16xi32>,
    %swap3A_379 = vector.shape_cast %swap3A_378 : vector<1x16xi32> to vector<16xi32>
    %swap3A_380 = vector.shape_cast %add3A_374 : vector<16xi32> to vector<1x16xi32>
    tpu.vector_store %arg6[%swap3A_376, %swap3A_377], %swap3A_380 {strides = array<i32>} : memref<26x128xi32, #tpu.memory_space<vmem>>, vector<1x16xi32>,
    %get3A_381 = arith.constant 3 : i32
    %get3A_382 = arith.index_cast %get3A_381 : i32 to index
    %get3A_383 = arith.constant 16 : index
    %get3A_384 = tpu.vector_load %arg6[%get3A_382, %get3A_383] {strides = array<i32>} : memref<26x128xi32, #tpu.memory_space<vmem>>, vector<1x16xi32>,
    %get3A_385 = vector.shape_cast %get3A_384 : vector<1x16xi32> to vector<16xi32>
    %add3A_386 = arith.constant 300000 : i32
    %add3A_387 = vector.broadcast %add3A_386 : i32 to vector<16xi32>
    %add3A_388 = arith.addi %get3A_385, %add3A_387 : vector<16xi32>
    %swap3A_389 = arith.constant 3 : i32
    %swap3A_390 = arith.index_cast %swap3A_389 : i32 to index
    %swap3A_391 = arith.constant 16 : index
    %swap3A_392 = tpu.vector_load %arg6[%swap3A_390, %swap3A_391] {strides = array<i32>} : memref<26x128xi32, #tpu.memory_space<vmem>>, vector<1x16xi32>,
    %swap3A_393 = vector.shape_cast %swap3A_392 : vector<1x16xi32> to vector<16xi32>
    %swap3A_394 = vector.shape_cast %add3A_388 : vector<16xi32> to vector<1x16xi32>
    tpu.vector_store %arg6[%swap3A_390, %swap3A_391], %swap3A_394 {strides = array<i32>} : memref<26x128xi32, #tpu.memory_space<vmem>>, vector<1x16xi32>,
    %get3A_395 = arith.constant 3 : i32
    %get3A_396 = arith.index_cast %get3A_395 : i32 to index
    %get3A_397 = arith.constant 32 : index
    %get3A_398 = tpu.vector_load %arg6[%get3A_396, %get3A_397] {strides = array<i32>} : memref<26x128xi32, #tpu.memory_space<vmem>>, vector<1x16xi32>,
    %get3A_399 = vector.shape_cast %get3A_398 : vector<1x16xi32> to vector<16xi32>
    %add3A_400 = arith.constant 300000 : i32
    %add3A_401 = vector.broadcast %add3A_400 : i32 to vector<16xi32>
    %add3A_402 = arith.addi %get3A_399, %add3A_401 : vector<16xi32>
    %swap3A_403 = arith.constant 3 : i32
    %swap3A_404 = arith.index_cast %swap3A_403 : i32 to index
    %swap3A_405 = arith.constant 32 : index
    %swap3A_406 = tpu.vector_load %arg6[%swap3A_404, %swap3A_405] {strides = array<i32>} : memref<26x128xi32, #tpu.memory_space<vmem>>, vector<1x16xi32>,
    %swap3A_407 = vector.shape_cast %swap3A_406 : vector<1x16xi32> to vector<16xi32>
    %swap3A_408 = vector.shape_cast %add3A_402 : vector<16xi32> to vector<1x16xi32>
    tpu.vector_store %arg6[%swap3A_404, %swap3A_405], %swap3A_408 {strides = array<i32>} : memref<26x128xi32, #tpu.memory_space<vmem>>, vector<1x16xi32>,
    %get3A_409 = arith.constant 3 : i32
    %get3A_410 = arith.index_cast %get3A_409 : i32 to index
    %get3A_411 = arith.constant 48 : index
    %get3A_412 = tpu.vector_load %arg6[%get3A_410, %get3A_411] {strides = array<i32>} : memref<26x128xi32, #tpu.memory_space<vmem>>, vector<1x16xi32>,
    %get3A_413 = vector.shape_cast %get3A_412 : vector<1x16xi32> to vector<16xi32>
    %add3A_414 = arith.constant 300000 : i32
    %add3A_415 = vector.broadcast %add3A_414 : i32 to vector<16xi32>
    %add3A_416 = arith.addi %get3A_413, %add3A_415 : vector<16xi32>
    %swap3A_417 = arith.constant 3 : i32
    %swap3A_418 = arith.index_cast %swap3A_417 : i32 to index
    %swap3A_419 = arith.constant 48 : index
    %swap3A_420 = tpu.vector_load %arg6[%swap3A_418, %swap3A_419] {strides = array<i32>} : memref<26x128xi32, #tpu.memory_space<vmem>>, vector<1x16xi32>,
    %swap3A_421 = vector.shape_cast %swap3A_420 : vector<1x16xi32> to vector<16xi32>
    %swap3A_422 = vector.shape_cast %add3A_416 : vector<16xi32> to vector<1x16xi32>
    tpu.vector_store %arg6[%swap3A_418, %swap3A_419], %swap3A_422 {strides = array<i32>} : memref<26x128xi32, #tpu.memory_space<vmem>>, vector<1x16xi32>,
    %get3A_423 = arith.constant 3 : i32
    %get3A_424 = arith.index_cast %get3A_423 : i32 to index
    %get3A_425 = arith.constant 64 : index
    %get3A_426 = tpu.vector_load %arg6[%get3A_424, %get3A_425] {strides = array<i32>} : memref<26x128xi32, #tpu.memory_space<vmem>>, vector<1x16xi32>,
    %get3A_427 = vector.shape_cast %get3A_426 : vector<1x16xi32> to vector<16xi32>
    %add3A_428 = arith.constant 300000 : i32
    %add3A_429 = vector.broadcast %add3A_428 : i32 to vector<16xi32>
    %add3A_430 = arith.addi %get3A_427, %add3A_429 : vector<16xi32>
    %swap3A_431 = arith.constant 3 : i32
    %swap3A_432 = arith.index_cast %swap3A_431 : i32 to index
    %swap3A_433 = arith.constant 64 : index
    %swap3A_434 = tpu.vector_load %arg6[%swap3A_432, %swap3A_433] {strides = array<i32>} : memref<26x128xi32, #tpu.memory_space<vmem>>, vector<1x16xi32>,
    %swap3A_435 = vector.shape_cast %swap3A_434 : vector<1x16xi32> to vector<16xi32>
    %swap3A_436 = vector.shape_cast %add3A_430 : vector<16xi32> to vector<1x16xi32>
    tpu.vector_store %arg6[%swap3A_432, %swap3A_433], %swap3A_436 {strides = array<i32>} : memref<26x128xi32, #tpu.memory_space<vmem>>, vector<1x16xi32>,
    %get3A_437 = arith.constant 3 : i32
    %get3A_438 = arith.index_cast %get3A_437 : i32 to index
    %get3A_439 = arith.constant 80 : index
    %get3A_440 = tpu.vector_load %arg6[%get3A_438, %get3A_439] {strides = array<i32>} : memref<26x128xi32, #tpu.memory_space<vmem>>, vector<1x16xi32>,
    %get3A_441 = vector.shape_cast %get3A_440 : vector<1x16xi32> to vector<16xi32>
    %add3A_442 = arith.constant 300000 : i32
    %add3A_443 = vector.broadcast %add3A_442 : i32 to vector<16xi32>
    %add3A_444 = arith.addi %get3A_441, %add3A_443 : vector<16xi32>
    %swap3A_445 = arith.constant 3 : i32
    %swap3A_446 = arith.index_cast %swap3A_445 : i32 to index
    %swap3A_447 = arith.constant 80 : index
    %swap3A_448 = tpu.vector_load %arg6[%swap3A_446, %swap3A_447] {strides = array<i32>} : memref<26x128xi32, #tpu.memory_space<vmem>>, vector<1x16xi32>,
    %swap3A_449 = vector.shape_cast %swap3A_448 : vector<1x16xi32> to vector<16xi32>
    %swap3A_450 = vector.shape_cast %add3A_444 : vector<16xi32> to vector<1x16xi32>
    tpu.vector_store %arg6[%swap3A_446, %swap3A_447], %swap3A_450 {strides = array<i32>} : memref<26x128xi32, #tpu.memory_space<vmem>>, vector<1x16xi32>,
    %get3A_451 = arith.constant 3 : i32
    %get3A_452 = arith.index_cast %get3A_451 : i32 to index
    %get3A_453 = arith.constant 96 : index
    %get3A_454 = tpu.vector_load %arg6[%get3A_452, %get3A_453] {strides = array<i32>} : memref<26x128xi32, #tpu.memory_space<vmem>>, vector<1x16xi32>,
    %get3A_455 = vector.shape_cast %get3A_454 : vector<1x16xi32> to vector<16xi32>
    %add3A_456 = arith.constant 300000 : i32
    %add3A_457 = vector.broadcast %add3A_456 : i32 to vector<16xi32>
    %add3A_458 = arith.addi %get3A_455, %add3A_457 : vector<16xi32>
    %swap3A_459 = arith.constant 3 : i32
    %swap3A_460 = arith.index_cast %swap3A_459 : i32 to index
    %swap3A_461 = arith.constant 96 : index
    %swap3A_462 = tpu.vector_load %arg6[%swap3A_460, %swap3A_461] {strides = array<i32>} : memref<26x128xi32, #tpu.memory_space<vmem>>, vector<1x16xi32>,
    %swap3A_463 = vector.shape_cast %swap3A_462 : vector<1x16xi32> to vector<16xi32>
    %swap3A_464 = vector.shape_cast %add3A_458 : vector<16xi32> to vector<1x16xi32>
    tpu.vector_store %arg6[%swap3A_460, %swap3A_461], %swap3A_464 {strides = array<i32>} : memref<26x128xi32, #tpu.memory_space<vmem>>, vector<1x16xi32>,
    %get3A_465 = arith.constant 3 : i32
    %get3A_466 = arith.index_cast %get3A_465 : i32 to index
    %get3A_467 = arith.constant 112 : index
    %get3A_468 = tpu.vector_load %arg6[%get3A_466, %get3A_467] {strides = array<i32>} : memref<26x128xi32, #tpu.memory_space<vmem>>, vector<1x16xi32>,
    %get3A_469 = vector.shape_cast %get3A_468 : vector<1x16xi32> to vector<16xi32>
    %add3A_470 = arith.constant 300000 : i32
    %add3A_471 = vector.broadcast %add3A_470 : i32 to vector<16xi32>
    %add3A_472 = arith.addi %get3A_469, %add3A_471 : vector<16xi32>
    %swap3A_473 = arith.constant 3 : i32
    %swap3A_474 = arith.index_cast %swap3A_473 : i32 to index
    %swap3A_475 = arith.constant 112 : index
    %swap3A_476 = tpu.vector_load %arg6[%swap3A_474, %swap3A_475] {strides = array<i32>} : memref<26x128xi32, #tpu.memory_space<vmem>>, vector<1x16xi32>,
    %swap3A_477 = vector.shape_cast %swap3A_476 : vector<1x16xi32> to vector<16xi32>
    %swap3A_478 = vector.shape_cast %add3A_472 : vector<16xi32> to vector<1x16xi32>
    tpu.vector_store %arg6[%swap3A_474, %swap3A_475], %swap3A_478 {strides = array<i32>} : memref<26x128xi32, #tpu.memory_space<vmem>>, vector<1x16xi32>,
    %dma_start3A_479 = arith.constant 3 : i32
    %dma_start3A_480 = arith.constant 384 : i32
    %dma_start3A_481 = tpu.memref_slice %arg7[%dma_start3A_480] : memref<3328xf32, #tpu.memory_space<vmem>> -> memref<128xf32, #tpu.memory_space<vmem>>
    %dma_start3A_482 = arith.constant 0 : i32
    %dma_start3A_483 = tpu.memref_slice %arg6[%dma_start3A_479, %dma_start3A_482] : memref<26x128xi32, #tpu.memory_space<vmem>> -> memref<1x128xi32, #tpu.memory_space<vmem>>
    %dma_start3A_484 = tpu.memref_squeeze %dma_start3A_483 : memref<1x128xi32, #tpu.memory_space<vmem>> -> memref<128xi32, #tpu.memory_space<vmem>>
    %dma_start3A_485 = arith.constant 0 : i32
    %dma_start3A_486 = tpu.memref_slice %arg3[%dma_start3A_485] : memref<2600000xf32, #tpu.memory_space<hbm>> -> memref<2600000xf32, #tpu.memory_space<hbm>>
    tpu.enqueue_indirect_dma source(%dma_start3A_486 : memref<2600000xf32, #tpu.memory_space<hbm>>) target(%dma_start3A_481 : memref<128xf32, #tpu.memory_space<vmem>>) offsets(%dma_start3A_484 : memref<128xi32, #tpu.memory_space<vmem>>) semaphore(%arg11 : memref<!tpu.dma_semaphore, #tpu.memory_space<semaphore_mem>>)
    %get3A_487 = arith.constant 4 : i32
    %get3A_488 = arith.index_cast %get3A_487 : i32 to index
    %get3A_489 = arith.constant 0 : index
    %get3A_490 = tpu.vector_load %arg6[%get3A_488, %get3A_489] {strides = array<i32>} : memref<26x128xi32, #tpu.memory_space<vmem>>, vector<1x16xi32>,
    %get3A_491 = vector.shape_cast %get3A_490 : vector<1x16xi32> to vector<16xi32>
    %add3A_492 = arith.constant 400000 : i32
    %add3A_493 = vector.broadcast %add3A_492 : i32 to vector<16xi32>
    %add3A_494 = arith.addi %get3A_491, %add3A_493 : vector<16xi32>
    %swap3A_495 = arith.constant 4 : i32
    %swap3A_496 = arith.index_cast %swap3A_495 : i32 to index
    %swap3A_497 = arith.constant 0 : index
    %swap3A_498 = tpu.vector_load %arg6[%swap3A_496, %swap3A_497] {strides = array<i32>} : memref<26x128xi32, #tpu.memory_space<vmem>>, vector<1x16xi32>,
    %swap3A_499 = vector.shape_cast %swap3A_498 : vector<1x16xi32> to vector<16xi32>
    %swap3A_500 = vector.shape_cast %add3A_494 : vector<16xi32> to vector<1x16xi32>
    tpu.vector_store %arg6[%swap3A_496, %swap3A_497], %swap3A_500 {strides = array<i32>} : memref<26x128xi32, #tpu.memory_space<vmem>>, vector<1x16xi32>,
    %get3A_501 = arith.constant 4 : i32
    %get3A_502 = arith.index_cast %get3A_501 : i32 to index
    %get3A_503 = arith.constant 16 : index
    %get3A_504 = tpu.vector_load %arg6[%get3A_502, %get3A_503] {strides = array<i32>} : memref<26x128xi32, #tpu.memory_space<vmem>>, vector<1x16xi32>,
    %get3A_505 = vector.shape_cast %get3A_504 : vector<1x16xi32> to vector<16xi32>
    %add3A_506 = arith.constant 400000 : i32
    %add3A_507 = vector.broadcast %add3A_506 : i32 to vector<16xi32>
    %add3A_508 = arith.addi %get3A_505, %add3A_507 : vector<16xi32>
    %swap3A_509 = arith.constant 4 : i32
    %swap3A_510 = arith.index_cast %swap3A_509 : i32 to index
    %swap3A_511 = arith.constant 16 : index
    %swap3A_512 = tpu.vector_load %arg6[%swap3A_510, %swap3A_511] {strides = array<i32>} : memref<26x128xi32, #tpu.memory_space<vmem>>, vector<1x16xi32>,
    %swap3A_513 = vector.shape_cast %swap3A_512 : vector<1x16xi32> to vector<16xi32>
    %swap3A_514 = vector.shape_cast %add3A_508 : vector<16xi32> to vector<1x16xi32>
    tpu.vector_store %arg6[%swap3A_510, %swap3A_511], %swap3A_514 {strides = array<i32>} : memref<26x128xi32, #tpu.memory_space<vmem>>, vector<1x16xi32>,
    %get3A_515 = arith.constant 4 : i32
    %get3A_516 = arith.index_cast %get3A_515 : i32 to index
    %get3A_517 = arith.constant 32 : index
    %get3A_518 = tpu.vector_load %arg6[%get3A_516, %get3A_517] {strides = array<i32>} : memref<26x128xi32, #tpu.memory_space<vmem>>, vector<1x16xi32>,
    %get3A_519 = vector.shape_cast %get3A_518 : vector<1x16xi32> to vector<16xi32>
    %add3A_520 = arith.constant 400000 : i32
    %add3A_521 = vector.broadcast %add3A_520 : i32 to vector<16xi32>
    %add3A_522 = arith.addi %get3A_519, %add3A_521 : vector<16xi32>
    %swap3A_523 = arith.constant 4 : i32
    %swap3A_524 = arith.index_cast %swap3A_523 : i32 to index
    %swap3A_525 = arith.constant 32 : index
    %swap3A_526 = tpu.vector_load %arg6[%swap3A_524, %swap3A_525] {strides = array<i32>} : memref<26x128xi32, #tpu.memory_space<vmem>>, vector<1x16xi32>,
    %swap3A_527 = vector.shape_cast %swap3A_526 : vector<1x16xi32> to vector<16xi32>
    %swap3A_528 = vector.shape_cast %add3A_522 : vector<16xi32> to vector<1x16xi32>
    tpu.vector_store %arg6[%swap3A_524, %swap3A_525], %swap3A_528 {strides = array<i32>} : memref<26x128xi32, #tpu.memory_space<vmem>>, vector<1x16xi32>,
    %get3A_529 = arith.constant 4 : i32
    %get3A_530 = arith.index_cast %get3A_529 : i32 to index
    %get3A_531 = arith.constant 48 : index
    %get3A_532 = tpu.vector_load %arg6[%get3A_530, %get3A_531] {strides = array<i32>} : memref<26x128xi32, #tpu.memory_space<vmem>>, vector<1x16xi32>,
    %get3A_533 = vector.shape_cast %get3A_532 : vector<1x16xi32> to vector<16xi32>
    %add3A_534 = arith.constant 400000 : i32
    %add3A_535 = vector.broadcast %add3A_534 : i32 to vector<16xi32>
    %add3A_536 = arith.addi %get3A_533, %add3A_535 : vector<16xi32>
    %swap3A_537 = arith.constant 4 : i32
    %swap3A_538 = arith.index_cast %swap3A_537 : i32 to index
    %swap3A_539 = arith.constant 48 : index
    %swap3A_540 = tpu.vector_load %arg6[%swap3A_538, %swap3A_539] {strides = array<i32>} : memref<26x128xi32, #tpu.memory_space<vmem>>, vector<1x16xi32>,
    %swap3A_541 = vector.shape_cast %swap3A_540 : vector<1x16xi32> to vector<16xi32>
    %swap3A_542 = vector.shape_cast %add3A_536 : vector<16xi32> to vector<1x16xi32>
    tpu.vector_store %arg6[%swap3A_538, %swap3A_539], %swap3A_542 {strides = array<i32>} : memref<26x128xi32, #tpu.memory_space<vmem>>, vector<1x16xi32>,
    %get3A_543 = arith.constant 4 : i32
    %get3A_544 = arith.index_cast %get3A_543 : i32 to index
    %get3A_545 = arith.constant 64 : index
    %get3A_546 = tpu.vector_load %arg6[%get3A_544, %get3A_545] {strides = array<i32>} : memref<26x128xi32, #tpu.memory_space<vmem>>, vector<1x16xi32>,
    %get3A_547 = vector.shape_cast %get3A_546 : vector<1x16xi32> to vector<16xi32>
    %add3A_548 = arith.constant 400000 : i32
    %add3A_549 = vector.broadcast %add3A_548 : i32 to vector<16xi32>
    %add3A_550 = arith.addi %get3A_547, %add3A_549 : vector<16xi32>
    %swap3A_551 = arith.constant 4 : i32
    %swap3A_552 = arith.index_cast %swap3A_551 : i32 to index
    %swap3A_553 = arith.constant 64 : index
    %swap3A_554 = tpu.vector_load %arg6[%swap3A_552, %swap3A_553] {strides = array<i32>} : memref<26x128xi32, #tpu.memory_space<vmem>>, vector<1x16xi32>,
    %swap3A_555 = vector.shape_cast %swap3A_554 : vector<1x16xi32> to vector<16xi32>
    %swap3A_556 = vector.shape_cast %add3A_550 : vector<16xi32> to vector<1x16xi32>
    tpu.vector_store %arg6[%swap3A_552, %swap3A_553], %swap3A_556 {strides = array<i32>} : memref<26x128xi32, #tpu.memory_space<vmem>>, vector<1x16xi32>,
    %get3A_557 = arith.constant 4 : i32
    %get3A_558 = arith.index_cast %get3A_557 : i32 to index
    %get3A_559 = arith.constant 80 : index
    %get3A_560 = tpu.vector_load %arg6[%get3A_558, %get3A_559] {strides = array<i32>} : memref<26x128xi32, #tpu.memory_space<vmem>>, vector<1x16xi32>,
    %get3A_561 = vector.shape_cast %get3A_560 : vector<1x16xi32> to vector<16xi32>
    %add3A_562 = arith.constant 400000 : i32
    %add3A_563 = vector.broadcast %add3A_562 : i32 to vector<16xi32>
    %add3A_564 = arith.addi %get3A_561, %add3A_563 : vector<16xi32>
    %swap3A_565 = arith.constant 4 : i32
    %swap3A_566 = arith.index_cast %swap3A_565 : i32 to index
    %swap3A_567 = arith.constant 80 : index
    %swap3A_568 = tpu.vector_load %arg6[%swap3A_566, %swap3A_567] {strides = array<i32>} : memref<26x128xi32, #tpu.memory_space<vmem>>, vector<1x16xi32>,
    %swap3A_569 = vector.shape_cast %swap3A_568 : vector<1x16xi32> to vector<16xi32>
    %swap3A_570 = vector.shape_cast %add3A_564 : vector<16xi32> to vector<1x16xi32>
    tpu.vector_store %arg6[%swap3A_566, %swap3A_567], %swap3A_570 {strides = array<i32>} : memref<26x128xi32, #tpu.memory_space<vmem>>, vector<1x16xi32>,
    %get3A_571 = arith.constant 4 : i32
    %get3A_572 = arith.index_cast %get3A_571 : i32 to index
    %get3A_573 = arith.constant 96 : index
    %get3A_574 = tpu.vector_load %arg6[%get3A_572, %get3A_573] {strides = array<i32>} : memref<26x128xi32, #tpu.memory_space<vmem>>, vector<1x16xi32>,
    %get3A_575 = vector.shape_cast %get3A_574 : vector<1x16xi32> to vector<16xi32>
    %add3A_576 = arith.constant 400000 : i32
    %add3A_577 = vector.broadcast %add3A_576 : i32 to vector<16xi32>
    %add3A_578 = arith.addi %get3A_575, %add3A_577 : vector<16xi32>
    %swap3A_579 = arith.constant 4 : i32
    %swap3A_580 = arith.index_cast %swap3A_579 : i32 to index
    %swap3A_581 = arith.constant 96 : index
    %swap3A_582 = tpu.vector_load %arg6[%swap3A_580, %swap3A_581] {strides = array<i32>} : memref<26x128xi32, #tpu.memory_space<vmem>>, vector<1x16xi32>,
    %swap3A_583 = vector.shape_cast %swap3A_582 : vector<1x16xi32> to vector<16xi32>
    %swap3A_584 = vector.shape_cast %add3A_578 : vector<16xi32> to vector<1x16xi32>
    tpu.vector_store %arg6[%swap3A_580, %swap3A_581], %swap3A_584 {strides = array<i32>} : memref<26x128xi32, #tpu.memory_space<vmem>>, vector<1x16xi32>,
    %get3A_585 = arith.constant 4 : i32
    %get3A_586 = arith.index_cast %get3A_585 : i32 to index
    %get3A_587 = arith.constant 112 : index
    %get3A_588 = tpu.vector_load %arg6[%get3A_586, %get3A_587] {strides = array<i32>} : memref<26x128xi32, #tpu.memory_space<vmem>>, vector<1x16xi32>,
    %get3A_589 = vector.shape_cast %get3A_588 : vector<1x16xi32> to vector<16xi32>
    %add3A_590 = arith.constant 400000 : i32
    %add3A_591 = vector.broadcast %add3A_590 : i32 to vector<16xi32>
    %add3A_592 = arith.addi %get3A_589, %add3A_591 : vector<16xi32>
    %swap3A_593 = arith.constant 4 : i32
    %swap3A_594 = arith.index_cast %swap3A_593 : i32 to index
    %swap3A_595 = arith.constant 112 : index
    %swap3A_596 = tpu.vector_load %arg6[%swap3A_594, %swap3A_595] {strides = array<i32>} : memref<26x128xi32, #tpu.memory_space<vmem>>, vector<1x16xi32>,
    %swap3A_597 = vector.shape_cast %swap3A_596 : vector<1x16xi32> to vector<16xi32>
    %swap3A_598 = vector.shape_cast %add3A_592 : vector<16xi32> to vector<1x16xi32>
    tpu.vector_store %arg6[%swap3A_594, %swap3A_595], %swap3A_598 {strides = array<i32>} : memref<26x128xi32, #tpu.memory_space<vmem>>, vector<1x16xi32>,
    %dma_start3A_599 = arith.constant 4 : i32
    %dma_start3A_600 = arith.constant 512 : i32
    %dma_start3A_601 = tpu.memref_slice %arg7[%dma_start3A_600] : memref<3328xf32, #tpu.memory_space<vmem>> -> memref<128xf32, #tpu.memory_space<vmem>>
    %dma_start3A_602 = arith.constant 0 : i32
    %dma_start3A_603 = tpu.memref_slice %arg6[%dma_start3A_599, %dma_start3A_602] : memref<26x128xi32, #tpu.memory_space<vmem>> -> memref<1x128xi32, #tpu.memory_space<vmem>>
    %dma_start3A_604 = tpu.memref_squeeze %dma_start3A_603 : memref<1x128xi32, #tpu.memory_space<vmem>> -> memref<128xi32, #tpu.memory_space<vmem>>
    %dma_start3A_605 = arith.constant 0 : i32
    %dma_start3A_606 = tpu.memref_slice %arg3[%dma_start3A_605] : memref<2600000xf32, #tpu.memory_space<hbm>> -> memref<2600000xf32, #tpu.memory_space<hbm>>
    tpu.enqueue_indirect_dma source(%dma_start3A_606 : memref<2600000xf32, #tpu.memory_space<hbm>>) target(%dma_start3A_601 : memref<128xf32, #tpu.memory_space<vmem>>) offsets(%dma_start3A_604 : memref<128xi32, #tpu.memory_space<vmem>>) semaphore(%arg11 : memref<!tpu.dma_semaphore, #tpu.memory_space<semaphore_mem>>)
    %get3A_607 = arith.constant 5 : i32
    %get3A_608 = arith.index_cast %get3A_607 : i32 to index
    %get3A_609 = arith.constant 0 : index
    %get3A_610 = tpu.vector_load %arg6[%get3A_608, %get3A_609] {strides = array<i32>} : memref<26x128xi32, #tpu.memory_space<vmem>>, vector<1x16xi32>,
    %get3A_611 = vector.shape_cast %get3A_610 : vector<1x16xi32> to vector<16xi32>
    %add3A_612 = arith.constant 500000 : i32
    %add3A_613 = vector.broadcast %add3A_612 : i32 to vector<16xi32>
    %add3A_614 = arith.addi %get3A_611, %add3A_613 : vector<16xi32>
    %swap3A_615 = arith.constant 5 : i32
    %swap3A_616 = arith.index_cast %swap3A_615 : i32 to index
    %swap3A_617 = arith.constant 0 : index
    %swap3A_618 = tpu.vector_load %arg6[%swap3A_616, %swap3A_617] {strides = array<i32>} : memref<26x128xi32, #tpu.memory_space<vmem>>, vector<1x16xi32>,
    %swap3A_619 = vector.shape_cast %swap3A_618 : vector<1x16xi32> to vector<16xi32>
    %swap3A_620 = vector.shape_cast %add3A_614 : vector<16xi32> to vector<1x16xi32>
    tpu.vector_store %arg6[%swap3A_616, %swap3A_617], %swap3A_620 {strides = array<i32>} : memref<26x128xi32, #tpu.memory_space<vmem>>, vector<1x16xi32>,
    %get3A_621 = arith.constant 5 : i32
    %get3A_622 = arith.index_cast %get3A_621 : i32 to index
    %get3A_623 = arith.constant 16 : index
    %get3A_624 = tpu.vector_load %arg6[%get3A_622, %get3A_623] {strides = array<i32>} : memref<26x128xi32, #tpu.memory_space<vmem>>, vector<1x16xi32>,
    %get3A_625 = vector.shape_cast %get3A_624 : vector<1x16xi32> to vector<16xi32>
    %add3A_626 = arith.constant 500000 : i32
    %add3A_627 = vector.broadcast %add3A_626 : i32 to vector<16xi32>
    %add3A_628 = arith.addi %get3A_625, %add3A_627 : vector<16xi32>
    %swap3A_629 = arith.constant 5 : i32
    %swap3A_630 = arith.index_cast %swap3A_629 : i32 to index
    %swap3A_631 = arith.constant 16 : index
    %swap3A_632 = tpu.vector_load %arg6[%swap3A_630, %swap3A_631] {strides = array<i32>} : memref<26x128xi32, #tpu.memory_space<vmem>>, vector<1x16xi32>,
    %swap3A_633 = vector.shape_cast %swap3A_632 : vector<1x16xi32> to vector<16xi32>
    %swap3A_634 = vector.shape_cast %add3A_628 : vector<16xi32> to vector<1x16xi32>
    tpu.vector_store %arg6[%swap3A_630, %swap3A_631], %swap3A_634 {strides = array<i32>} : memref<26x128xi32, #tpu.memory_space<vmem>>, vector<1x16xi32>,
    %get3A_635 = arith.constant 5 : i32
    %get3A_636 = arith.index_cast %get3A_635 : i32 to index
    %get3A_637 = arith.constant 32 : index
    %get3A_638 = tpu.vector_load %arg6[%get3A_636, %get3A_637] {strides = array<i32>} : memref<26x128xi32, #tpu.memory_space<vmem>>, vector<1x16xi32>,
    %get3A_639 = vector.shape_cast %get3A_638 : vector<1x16xi32> to vector<16xi32>
    %add3A_640 = arith.constant 500000 : i32
    %add3A_641 = vector.broadcast %add3A_640 : i32 to vector<16xi32>
    %add3A_642 = arith.addi %get3A_639, %add3A_641 : vector<16xi32>
    %swap3A_643 = arith.constant 5 : i32
    %swap3A_644 = arith.index_cast %swap3A_643 : i32 to index
    %swap3A_645 = arith.constant 32 : index
    %swap3A_646 = tpu.vector_load %arg6[%swap3A_644, %swap3A_645] {strides = array<i32>} : memref<26x128xi32, #tpu.memory_space<vmem>>, vector<1x16xi32>,
    %swap3A_647 = vector.shape_cast %swap3A_646 : vector<1x16xi32> to vector<16xi32>
    %swap3A_648 = vector.shape_cast %add3A_642 : vector<16xi32> to vector<1x16xi32>
    tpu.vector_store %arg6[%swap3A_644, %swap3A_645], %swap3A_648 {strides = array<i32>} : memref<26x128xi32, #tpu.memory_space<vmem>>, vector<1x16xi32>,
    %get3A_649 = arith.constant 5 : i32
    %get3A_650 = arith.index_cast %get3A_649 : i32 to index
    %get3A_651 = arith.constant 48 : index
    %get3A_652 = tpu.vector_load %arg6[%get3A_650, %get3A_651] {strides = array<i32>} : memref<26x128xi32, #tpu.memory_space<vmem>>, vector<1x16xi32>,
    %get3A_653 = vector.shape_cast %get3A_652 : vector<1x16xi32> to vector<16xi32>
    %add3A_654 = arith.constant 500000 : i32
    %add3A_655 = vector.broadcast %add3A_654 : i32 to vector<16xi32>
    %add3A_656 = arith.addi %get3A_653, %add3A_655 : vector<16xi32>
    %swap3A_657 = arith.constant 5 : i32
    %swap3A_658 = arith.index_cast %swap3A_657 : i32 to index
    %swap3A_659 = arith.constant 48 : index
    %swap3A_660 = tpu.vector_load %arg6[%swap3A_658, %swap3A_659] {strides = array<i32>} : memref<26x128xi32, #tpu.memory_space<vmem>>, vector<1x16xi32>,
    %swap3A_661 = vector.shape_cast %swap3A_660 : vector<1x16xi32> to vector<16xi32>
    %swap3A_662 = vector.shape_cast %add3A_656 : vector<16xi32> to vector<1x16xi32>
    tpu.vector_store %arg6[%swap3A_658, %swap3A_659], %swap3A_662 {strides = array<i32>} : memref<26x128xi32, #tpu.memory_space<vmem>>, vector<1x16xi32>,
    %get3A_663 = arith.constant 5 : i32
    %get3A_664 = arith.index_cast %get3A_663 : i32 to index
    %get3A_665 = arith.constant 64 : index
    %get3A_666 = tpu.vector_load %arg6[%get3A_664, %get3A_665] {strides = array<i32>} : memref<26x128xi32, #tpu.memory_space<vmem>>, vector<1x16xi32>,
    %get3A_667 = vector.shape_cast %get3A_666 : vector<1x16xi32> to vector<16xi32>
    %add3A_668 = arith.constant 500000 : i32
    %add3A_669 = vector.broadcast %add3A_668 : i32 to vector<16xi32>
    %add3A_670 = arith.addi %get3A_667, %add3A_669 : vector<16xi32>
    %swap3A_671 = arith.constant 5 : i32
    %swap3A_672 = arith.index_cast %swap3A_671 : i32 to index
    %swap3A_673 = arith.constant 64 : index
    %swap3A_674 = tpu.vector_load %arg6[%swap3A_672, %swap3A_673] {strides = array<i32>} : memref<26x128xi32, #tpu.memory_space<vmem>>, vector<1x16xi32>,
    %swap3A_675 = vector.shape_cast %swap3A_674 : vector<1x16xi32> to vector<16xi32>
    %swap3A_676 = vector.shape_cast %add3A_670 : vector<16xi32> to vector<1x16xi32>
    tpu.vector_store %arg6[%swap3A_672, %swap3A_673], %swap3A_676 {strides = array<i32>} : memref<26x128xi32, #tpu.memory_space<vmem>>, vector<1x16xi32>,
    %get3A_677 = arith.constant 5 : i32
    %get3A_678 = arith.index_cast %get3A_677 : i32 to index
    %get3A_679 = arith.constant 80 : index
    %get3A_680 = tpu.vector_load %arg6[%get3A_678, %get3A_679] {strides = array<i32>} : memref<26x128xi32, #tpu.memory_space<vmem>>, vector<1x16xi32>,
    %get3A_681 = vector.shape_cast %get3A_680 : vector<1x16xi32> to vector<16xi32>
    %add3A_682 = arith.constant 500000 : i32
    %add3A_683 = vector.broadcast %add3A_682 : i32 to vector<16xi32>
    %add3A_684 = arith.addi %get3A_681, %add3A_683 : vector<16xi32>
    %swap3A_685 = arith.constant 5 : i32
    %swap3A_686 = arith.index_cast %swap3A_685 : i32 to index
    %swap3A_687 = arith.constant 80 : index
    %swap3A_688 = tpu.vector_load %arg6[%swap3A_686, %swap3A_687] {strides = array<i32>} : memref<26x128xi32, #tpu.memory_space<vmem>>, vector<1x16xi32>,
    %swap3A_689 = vector.shape_cast %swap3A_688 : vector<1x16xi32> to vector<16xi32>
    %swap3A_690 = vector.shape_cast %add3A_684 : vector<16xi32> to vector<1x16xi32>
    tpu.vector_store %arg6[%swap3A_686, %swap3A_687], %swap3A_690 {strides = array<i32>} : memref<26x128xi32, #tpu.memory_space<vmem>>, vector<1x16xi32>,
    %get3A_691 = arith.constant 5 : i32
    %get3A_692 = arith.index_cast %get3A_691 : i32 to index
    %get3A_693 = arith.constant 96 : index
    %get3A_694 = tpu.vector_load %arg6[%get3A_692, %get3A_693] {strides = array<i32>} : memref<26x128xi32, #tpu.memory_space<vmem>>, vector<1x16xi32>,
    %get3A_695 = vector.shape_cast %get3A_694 : vector<1x16xi32> to vector<16xi32>
    %add3A_696 = arith.constant 500000 : i32
    %add3A_697 = vector.broadcast %add3A_696 : i32 to vector<16xi32>
    %add3A_698 = arith.addi %get3A_695, %add3A_697 : vector<16xi32>
    %swap3A_699 = arith.constant 5 : i32
    %swap3A_700 = arith.index_cast %swap3A_699 : i32 to index
    %swap3A_701 = arith.constant 96 : index
    %swap3A_702 = tpu.vector_load %arg6[%swap3A_700, %swap3A_701] {strides = array<i32>} : memref<26x128xi32, #tpu.memory_space<vmem>>, vector<1x16xi32>,
    %swap3A_703 = vector.shape_cast %swap3A_702 : vector<1x16xi32> to vector<16xi32>
    %swap3A_704 = vector.shape_cast %add3A_698 : vector<16xi32> to vector<1x16xi32>
    tpu.vector_store %arg6[%swap3A_700, %swap3A_701], %swap3A_704 {strides = array<i32>} : memref<26x128xi32, #tpu.memory_space<vmem>>, vector<1x16xi32>,
    %get3A_705 = arith.constant 5 : i32
    %get3A_706 = arith.index_cast %get3A_705 : i32 to index
    %get3A_707 = arith.constant 112 : index
    %get3A_708 = tpu.vector_load %arg6[%get3A_706, %get3A_707] {strides = array<i32>} : memref<26x128xi32, #tpu.memory_space<vmem>>, vector<1x16xi32>,
    %get3A_709 = vector.shape_cast %get3A_708 : vector<1x16xi32> to vector<16xi32>
    %add3A_710 = arith.constant 500000 : i32
    %add3A_711 = vector.broadcast %add3A_710 : i32 to vector<16xi32>
    %add3A_712 = arith.addi %get3A_709, %add3A_711 : vector<16xi32>
    %swap3A_713 = arith.constant 5 : i32
    %swap3A_714 = arith.index_cast %swap3A_713 : i32 to index
    %swap3A_715 = arith.constant 112 : index
    %swap3A_716 = tpu.vector_load %arg6[%swap3A_714, %swap3A_715] {strides = array<i32>} : memref<26x128xi32, #tpu.memory_space<vmem>>, vector<1x16xi32>,
    %swap3A_717 = vector.shape_cast %swap3A_716 : vector<1x16xi32> to vector<16xi32>
    %swap3A_718 = vector.shape_cast %add3A_712 : vector<16xi32> to vector<1x16xi32>
    tpu.vector_store %arg6[%swap3A_714, %swap3A_715], %swap3A_718 {strides = array<i32>} : memref<26x128xi32, #tpu.memory_space<vmem>>, vector<1x16xi32>,
    %dma_start3A_719 = arith.constant 5 : i32
    %dma_start3A_720 = arith.constant 640 : i32
    %dma_start3A_721 = tpu.memref_slice %arg7[%dma_start3A_720] : memref<3328xf32, #tpu.memory_space<vmem>> -> memref<128xf32, #tpu.memory_space<vmem>>
    %dma_start3A_722 = arith.constant 0 : i32
    %dma_start3A_723 = tpu.memref_slice %arg6[%dma_start3A_719, %dma_start3A_722] : memref<26x128xi32, #tpu.memory_space<vmem>> -> memref<1x128xi32, #tpu.memory_space<vmem>>
    %dma_start3A_724 = tpu.memref_squeeze %dma_start3A_723 : memref<1x128xi32, #tpu.memory_space<vmem>> -> memref<128xi32, #tpu.memory_space<vmem>>
    %dma_start3A_725 = arith.constant 0 : i32
    %dma_start3A_726 = tpu.memref_slice %arg3[%dma_start3A_725] : memref<2600000xf32, #tpu.memory_space<hbm>> -> memref<2600000xf32, #tpu.memory_space<hbm>>
    tpu.enqueue_indirect_dma source(%dma_start3A_726 : memref<2600000xf32, #tpu.memory_space<hbm>>) target(%dma_start3A_721 : memref<128xf32, #tpu.memory_space<vmem>>) offsets(%dma_start3A_724 : memref<128xi32, #tpu.memory_space<vmem>>) semaphore(%arg11 : memref<!tpu.dma_semaphore, #tpu.memory_space<semaphore_mem>>)
    %get3A_727 = arith.constant 6 : i32
    %get3A_728 = arith.index_cast %get3A_727 : i32 to index
    %get3A_729 = arith.constant 0 : index
    %get3A_730 = tpu.vector_load %arg6[%get3A_728, %get3A_729] {strides = array<i32>} : memref<26x128xi32, #tpu.memory_space<vmem>>, vector<1x16xi32>,
    %get3A_731 = vector.shape_cast %get3A_730 : vector<1x16xi32> to vector<16xi32>
    %add3A_732 = arith.constant 600000 : i32
    %add3A_733 = vector.broadcast %add3A_732 : i32 to vector<16xi32>
    %add3A_734 = arith.addi %get3A_731, %add3A_733 : vector<16xi32>
    %swap3A_735 = arith.constant 6 : i32
    %swap3A_736 = arith.index_cast %swap3A_735 : i32 to index
    %swap3A_737 = arith.constant 0 : index
    %swap3A_738 = tpu.vector_load %arg6[%swap3A_736, %swap3A_737] {strides = array<i32>} : memref<26x128xi32, #tpu.memory_space<vmem>>, vector<1x16xi32>,
    %swap3A_739 = vector.shape_cast %swap3A_738 : vector<1x16xi32> to vector<16xi32>
    %swap3A_740 = vector.shape_cast %add3A_734 : vector<16xi32> to vector<1x16xi32>
    tpu.vector_store %arg6[%swap3A_736, %swap3A_737], %swap3A_740 {strides = array<i32>} : memref<26x128xi32, #tpu.memory_space<vmem>>, vector<1x16xi32>,
    %get3A_741 = arith.constant 6 : i32
    %get3A_742 = arith.index_cast %get3A_741 : i32 to index
    %get3A_743 = arith.constant 16 : index
    %get3A_744 = tpu.vector_load %arg6[%get3A_742, %get3A_743] {strides = array<i32>} : memref<26x128xi32, #tpu.memory_space<vmem>>, vector<1x16xi32>,
    %get3A_745 = vector.shape_cast %get3A_744 : vector<1x16xi32> to vector<16xi32>
    %add3A_746 = arith.constant 600000 : i32
    %add3A_747 = vector.broadcast %add3A_746 : i32 to vector<16xi32>
    %add3A_748 = arith.addi %get3A_745, %add3A_747 : vector<16xi32>
    %swap3A_749 = arith.constant 6 : i32
    %swap3A_750 = arith.index_cast %swap3A_749 : i32 to index
    %swap3A_751 = arith.constant 16 : index
    %swap3A_752 = tpu.vector_load %arg6[%swap3A_750, %swap3A_751] {strides = array<i32>} : memref<26x128xi32, #tpu.memory_space<vmem>>, vector<1x16xi32>,
    %swap3A_753 = vector.shape_cast %swap3A_752 : vector<1x16xi32> to vector<16xi32>
    %swap3A_754 = vector.shape_cast %add3A_748 : vector<16xi32> to vector<1x16xi32>
    tpu.vector_store %arg6[%swap3A_750, %swap3A_751], %swap3A_754 {strides = array<i32>} : memref<26x128xi32, #tpu.memory_space<vmem>>, vector<1x16xi32>,
    %get3A_755 = arith.constant 6 : i32
    %get3A_756 = arith.index_cast %get3A_755 : i32 to index
    %get3A_757 = arith.constant 32 : index
    %get3A_758 = tpu.vector_load %arg6[%get3A_756, %get3A_757] {strides = array<i32>} : memref<26x128xi32, #tpu.memory_space<vmem>>, vector<1x16xi32>,
    %get3A_759 = vector.shape_cast %get3A_758 : vector<1x16xi32> to vector<16xi32>
    %add3A_760 = arith.constant 600000 : i32
    %add3A_761 = vector.broadcast %add3A_760 : i32 to vector<16xi32>
    %add3A_762 = arith.addi %get3A_759, %add3A_761 : vector<16xi32>
    %swap3A_763 = arith.constant 6 : i32
    %swap3A_764 = arith.index_cast %swap3A_763 : i32 to index
    %swap3A_765 = arith.constant 32 : index
    %swap3A_766 = tpu.vector_load %arg6[%swap3A_764, %swap3A_765] {strides = array<i32>} : memref<26x128xi32, #tpu.memory_space<vmem>>, vector<1x16xi32>,
    %swap3A_767 = vector.shape_cast %swap3A_766 : vector<1x16xi32> to vector<16xi32>
    %swap3A_768 = vector.shape_cast %add3A_762 : vector<16xi32> to vector<1x16xi32>
    tpu.vector_store %arg6[%swap3A_764, %swap3A_765], %swap3A_768 {strides = array<i32>} : memref<26x128xi32, #tpu.memory_space<vmem>>, vector<1x16xi32>,
    %get3A_769 = arith.constant 6 : i32
    %get3A_770 = arith.index_cast %get3A_769 : i32 to index
    %get3A_771 = arith.constant 48 : index
    %get3A_772 = tpu.vector_load %arg6[%get3A_770, %get3A_771] {strides = array<i32>} : memref<26x128xi32, #tpu.memory_space<vmem>>, vector<1x16xi32>,
    %get3A_773 = vector.shape_cast %get3A_772 : vector<1x16xi32> to vector<16xi32>
    %add3A_774 = arith.constant 600000 : i32
    %add3A_775 = vector.broadcast %add3A_774 : i32 to vector<16xi32>
    %add3A_776 = arith.addi %get3A_773, %add3A_775 : vector<16xi32>
    %swap3A_777 = arith.constant 6 : i32
    %swap3A_778 = arith.index_cast %swap3A_777 : i32 to index
    %swap3A_779 = arith.constant 48 : index
    %swap3A_780 = tpu.vector_load %arg6[%swap3A_778, %swap3A_779] {strides = array<i32>} : memref<26x128xi32, #tpu.memory_space<vmem>>, vector<1x16xi32>,
    %swap3A_781 = vector.shape_cast %swap3A_780 : vector<1x16xi32> to vector<16xi32>
    %swap3A_782 = vector.shape_cast %add3A_776 : vector<16xi32> to vector<1x16xi32>
    tpu.vector_store %arg6[%swap3A_778, %swap3A_779], %swap3A_782 {strides = array<i32>} : memref<26x128xi32, #tpu.memory_space<vmem>>, vector<1x16xi32>,
    %get3A_783 = arith.constant 6 : i32
    %get3A_784 = arith.index_cast %get3A_783 : i32 to index
    %get3A_785 = arith.constant 64 : index
    %get3A_786 = tpu.vector_load %arg6[%get3A_784, %get3A_785] {strides = array<i32>} : memref<26x128xi32, #tpu.memory_space<vmem>>, vector<1x16xi32>,
    %get3A_787 = vector.shape_cast %get3A_786 : vector<1x16xi32> to vector<16xi32>
    %add3A_788 = arith.constant 600000 : i32
    %add3A_789 = vector.broadcast %add3A_788 : i32 to vector<16xi32>
    %add3A_790 = arith.addi %get3A_787, %add3A_789 : vector<16xi32>
    %swap3A_791 = arith.constant 6 : i32
    %swap3A_792 = arith.index_cast %swap3A_791 : i32 to index
    %swap3A_793 = arith.constant 64 : index
    %swap3A_794 = tpu.vector_load %arg6[%swap3A_792, %swap3A_793] {strides = array<i32>} : memref<26x128xi32, #tpu.memory_space<vmem>>, vector<1x16xi32>,
    %swap3A_795 = vector.shape_cast %swap3A_794 : vector<1x16xi32> to vector<16xi32>
    %swap3A_796 = vector.shape_cast %add3A_790 : vector<16xi32> to vector<1x16xi32>
    tpu.vector_store %arg6[%swap3A_792, %swap3A_793], %swap3A_796 {strides = array<i32>} : memref<26x128xi32, #tpu.memory_space<vmem>>, vector<1x16xi32>,
    %get3A_797 = arith.constant 6 : i32
    %get3A_798 = arith.index_cast %get3A_797 : i32 to index
    %get3A_799 = arith.constant 80 : index
    %get3A_800 = tpu.vector_load %arg6[%get3A_798, %get3A_799] {strides = array<i32>} : memref<26x128xi32, #tpu.memory_space<vmem>>, vector<1x16xi32>,
    %get3A_801 = vector.shape_cast %get3A_800 : vector<1x16xi32> to vector<16xi32>
    %add3A_802 = arith.constant 600000 : i32
    %add3A_803 = vector.broadcast %add3A_802 : i32 to vector<16xi32>
    %add3A_804 = arith.addi %get3A_801, %add3A_803 : vector<16xi32>
    %swap3A_805 = arith.constant 6 : i32
    %swap3A_806 = arith.index_cast %swap3A_805 : i32 to index
    %swap3A_807 = arith.constant 80 : index
    %swap3A_808 = tpu.vector_load %arg6[%swap3A_806, %swap3A_807] {strides = array<i32>} : memref<26x128xi32, #tpu.memory_space<vmem>>, vector<1x16xi32>,
    %swap3A_809 = vector.shape_cast %swap3A_808 : vector<1x16xi32> to vector<16xi32>
    %swap3A_810 = vector.shape_cast %add3A_804 : vector<16xi32> to vector<1x16xi32>
    tpu.vector_store %arg6[%swap3A_806, %swap3A_807], %swap3A_810 {strides = array<i32>} : memref<26x128xi32, #tpu.memory_space<vmem>>, vector<1x16xi32>,
    %get3A_811 = arith.constant 6 : i32
    %get3A_812 = arith.index_cast %get3A_811 : i32 to index
    %get3A_813 = arith.constant 96 : index
    %get3A_814 = tpu.vector_load %arg6[%get3A_812, %get3A_813] {strides = array<i32>} : memref<26x128xi32, #tpu.memory_space<vmem>>, vector<1x16xi32>,
    %get3A_815 = vector.shape_cast %get3A_814 : vector<1x16xi32> to vector<16xi32>
    %add3A_816 = arith.constant 600000 : i32
    %add3A_817 = vector.broadcast %add3A_816 : i32 to vector<16xi32>
    %add3A_818 = arith.addi %get3A_815, %add3A_817 : vector<16xi32>
    %swap3A_819 = arith.constant 6 : i32
    %swap3A_820 = arith.index_cast %swap3A_819 : i32 to index
    %swap3A_821 = arith.constant 96 : index
    %swap3A_822 = tpu.vector_load %arg6[%swap3A_820, %swap3A_821] {strides = array<i32>} : memref<26x128xi32, #tpu.memory_space<vmem>>, vector<1x16xi32>,
    %swap3A_823 = vector.shape_cast %swap3A_822 : vector<1x16xi32> to vector<16xi32>
    %swap3A_824 = vector.shape_cast %add3A_818 : vector<16xi32> to vector<1x16xi32>
    tpu.vector_store %arg6[%swap3A_820, %swap3A_821], %swap3A_824 {strides = array<i32>} : memref<26x128xi32, #tpu.memory_space<vmem>>, vector<1x16xi32>,
    %get3A_825 = arith.constant 6 : i32
    %get3A_826 = arith.index_cast %get3A_825 : i32 to index
    %get3A_827 = arith.constant 112 : index
    %get3A_828 = tpu.vector_load %arg6[%get3A_826, %get3A_827] {strides = array<i32>} : memref<26x128xi32, #tpu.memory_space<vmem>>, vector<1x16xi32>,
    %get3A_829 = vector.shape_cast %get3A_828 : vector<1x16xi32> to vector<16xi32>
    %add3A_830 = arith.constant 600000 : i32
    %add3A_831 = vector.broadcast %add3A_830 : i32 to vector<16xi32>
    %add3A_832 = arith.addi %get3A_829, %add3A_831 : vector<16xi32>
    %swap3A_833 = arith.constant 6 : i32
    %swap3A_834 = arith.index_cast %swap3A_833 : i32 to index
    %swap3A_835 = arith.constant 112 : index
    %swap3A_836 = tpu.vector_load %arg6[%swap3A_834, %swap3A_835] {strides = array<i32>} : memref<26x128xi32, #tpu.memory_space<vmem>>, vector<1x16xi32>,
    %swap3A_837 = vector.shape_cast %swap3A_836 : vector<1x16xi32> to vector<16xi32>
    %swap3A_838 = vector.shape_cast %add3A_832 : vector<16xi32> to vector<1x16xi32>
    tpu.vector_store %arg6[%swap3A_834, %swap3A_835], %swap3A_838 {strides = array<i32>} : memref<26x128xi32, #tpu.memory_space<vmem>>, vector<1x16xi32>,
    %dma_start3A_839 = arith.constant 6 : i32
    %dma_start3A_840 = arith.constant 768 : i32
    %dma_start3A_841 = tpu.memref_slice %arg7[%dma_start3A_840] : memref<3328xf32, #tpu.memory_space<vmem>> -> memref<128xf32, #tpu.memory_space<vmem>>
    %dma_start3A_842 = arith.constant 0 : i32
    %dma_start3A_843 = tpu.memref_slice %arg6[%dma_start3A_839, %dma_start3A_842] : memref<26x128xi32, #tpu.memory_space<vmem>> -> memref<1x128xi32, #tpu.memory_space<vmem>>
    %dma_start3A_844 = tpu.memref_squeeze %dma_start3A_843 : memref<1x128xi32, #tpu.memory_space<vmem>> -> memref<128xi32, #tpu.memory_space<vmem>>
    %dma_start3A_845 = arith.constant 0 : i32
    %dma_start3A_846 = tpu.memref_slice %arg3[%dma_start3A_845] : memref<2600000xf32, #tpu.memory_space<hbm>> -> memref<2600000xf32, #tpu.memory_space<hbm>>
    tpu.enqueue_indirect_dma source(%dma_start3A_846 : memref<2600000xf32, #tpu.memory_space<hbm>>) target(%dma_start3A_841 : memref<128xf32, #tpu.memory_space<vmem>>) offsets(%dma_start3A_844 : memref<128xi32, #tpu.memory_space<vmem>>) semaphore(%arg11 : memref<!tpu.dma_semaphore, #tpu.memory_space<semaphore_mem>>)
    %get3A_847 = arith.constant 7 : i32
    %get3A_848 = arith.index_cast %get3A_847 : i32 to index
    %get3A_849 = arith.constant 0 : index
    %get3A_850 = tpu.vector_load %arg6[%get3A_848, %get3A_849] {strides = array<i32>} : memref<26x128xi32, #tpu.memory_space<vmem>>, vector<1x16xi32>,
    %get3A_851 = vector.shape_cast %get3A_850 : vector<1x16xi32> to vector<16xi32>
    %add3A_852 = arith.constant 700000 : i32
    %add3A_853 = vector.broadcast %add3A_852 : i32 to vector<16xi32>
    %add3A_854 = arith.addi %get3A_851, %add3A_853 : vector<16xi32>
    %swap3A_855 = arith.constant 7 : i32
    %swap3A_856 = arith.index_cast %swap3A_855 : i32 to index
    %swap3A_857 = arith.constant 0 : index
    %swap3A_858 = tpu.vector_load %arg6[%swap3A_856, %swap3A_857] {strides = array<i32>} : memref<26x128xi32, #tpu.memory_space<vmem>>, vector<1x16xi32>,
    %swap3A_859 = vector.shape_cast %swap3A_858 : vector<1x16xi32> to vector<16xi32>
    %swap3A_860 = vector.shape_cast %add3A_854 : vector<16xi32> to vector<1x16xi32>
    tpu.vector_store %arg6[%swap3A_856, %swap3A_857], %swap3A_860 {strides = array<i32>} : memref<26x128xi32, #tpu.memory_space<vmem>>, vector<1x16xi32>,
    %get3A_861 = arith.constant 7 : i32
    %get3A_862 = arith.index_cast %get3A_861 : i32 to index
    %get3A_863 = arith.constant 16 : index
    %get3A_864 = tpu.vector_load %arg6[%get3A_862, %get3A_863] {strides = array<i32>} : memref<26x128xi32, #tpu.memory_space<vmem>>, vector<1x16xi32>,
    %get3A_865 = vector.shape_cast %get3A_864 : vector<1x16xi32> to vector<16xi32>
    %add3A_866 = arith.constant 700000 : i32
    %add3A_867 = vector.broadcast %add3A_866 : i32 to vector<16xi32>
    %add3A_868 = arith.addi %get3A_865, %add3A_867 : vector<16xi32>
    %swap3A_869 = arith.constant 7 : i32
    %swap3A_870 = arith.index_cast %swap3A_869 : i32 to index
    %swap3A_871 = arith.constant 16 : index
    %swap3A_872 = tpu.vector_load %arg6[%swap3A_870, %swap3A_871] {strides = array<i32>} : memref<26x128xi32, #tpu.memory_space<vmem>>, vector<1x16xi32>,
    %swap3A_873 = vector.shape_cast %swap3A_872 : vector<1x16xi32> to vector<16xi32>
    %swap3A_874 = vector.shape_cast %add3A_868 : vector<16xi32> to vector<1x16xi32>
    tpu.vector_store %arg6[%swap3A_870, %swap3A_871], %swap3A_874 {strides = array<i32>} : memref<26x128xi32, #tpu.memory_space<vmem>>, vector<1x16xi32>,
    %get3A_875 = arith.constant 7 : i32
    %get3A_876 = arith.index_cast %get3A_875 : i32 to index
    %get3A_877 = arith.constant 32 : index
    %get3A_878 = tpu.vector_load %arg6[%get3A_876, %get3A_877] {strides = array<i32>} : memref<26x128xi32, #tpu.memory_space<vmem>>, vector<1x16xi32>,
    %get3A_879 = vector.shape_cast %get3A_878 : vector<1x16xi32> to vector<16xi32>
    %add3A_880 = arith.constant 700000 : i32
    %add3A_881 = vector.broadcast %add3A_880 : i32 to vector<16xi32>
    %add3A_882 = arith.addi %get3A_879, %add3A_881 : vector<16xi32>
    %swap3A_883 = arith.constant 7 : i32
    %swap3A_884 = arith.index_cast %swap3A_883 : i32 to index
    %swap3A_885 = arith.constant 32 : index
    %swap3A_886 = tpu.vector_load %arg6[%swap3A_884, %swap3A_885] {strides = array<i32>} : memref<26x128xi32, #tpu.memory_space<vmem>>, vector<1x16xi32>,
    %swap3A_887 = vector.shape_cast %swap3A_886 : vector<1x16xi32> to vector<16xi32>
    %swap3A_888 = vector.shape_cast %add3A_882 : vector<16xi32> to vector<1x16xi32>
    tpu.vector_store %arg6[%swap3A_884, %swap3A_885], %swap3A_888 {strides = array<i32>} : memref<26x128xi32, #tpu.memory_space<vmem>>, vector<1x16xi32>,
    %get3A_889 = arith.constant 7 : i32
    %get3A_890 = arith.index_cast %get3A_889 : i32 to index
    %get3A_891 = arith.constant 48 : index
    %get3A_892 = tpu.vector_load %arg6[%get3A_890, %get3A_891] {strides = array<i32>} : memref<26x128xi32, #tpu.memory_space<vmem>>, vector<1x16xi32>,
    %get3A_893 = vector.shape_cast %get3A_892 : vector<1x16xi32> to vector<16xi32>
    %add3A_894 = arith.constant 700000 : i32
    %add3A_895 = vector.broadcast %add3A_894 : i32 to vector<16xi32>
    %add3A_896 = arith.addi %get3A_893, %add3A_895 : vector<16xi32>
    %swap3A_897 = arith.constant 7 : i32
    %swap3A_898 = arith.index_cast %swap3A_897 : i32 to index
    %swap3A_899 = arith.constant 48 : index
    %swap3A_900 = tpu.vector_load %arg6[%swap3A_898, %swap3A_899] {strides = array<i32>} : memref<26x128xi32, #tpu.memory_space<vmem>>, vector<1x16xi32>,
    %swap3A_901 = vector.shape_cast %swap3A_900 : vector<1x16xi32> to vector<16xi32>
    %swap3A_902 = vector.shape_cast %add3A_896 : vector<16xi32> to vector<1x16xi32>
    tpu.vector_store %arg6[%swap3A_898, %swap3A_899], %swap3A_902 {strides = array<i32>} : memref<26x128xi32, #tpu.memory_space<vmem>>, vector<1x16xi32>,
    %get3A_903 = arith.constant 7 : i32
    %get3A_904 = arith.index_cast %get3A_903 : i32 to index
    %get3A_905 = arith.constant 64 : index
    %get3A_906 = tpu.vector_load %arg6[%get3A_904, %get3A_905] {strides = array<i32>} : memref<26x128xi32, #tpu.memory_space<vmem>>, vector<1x16xi32>,
    %get3A_907 = vector.shape_cast %get3A_906 : vector<1x16xi32> to vector<16xi32>
    %add3A_908 = arith.constant 700000 : i32
    %add3A_909 = vector.broadcast %add3A_908 : i32 to vector<16xi32>
    %add3A_910 = arith.addi %get3A_907, %add3A_909 : vector<16xi32>
    %swap3A_911 = arith.constant 7 : i32
    %swap3A_912 = arith.index_cast %swap3A_911 : i32 to index
    %swap3A_913 = arith.constant 64 : index
    %swap3A_914 = tpu.vector_load %arg6[%swap3A_912, %swap3A_913] {strides = array<i32>} : memref<26x128xi32, #tpu.memory_space<vmem>>, vector<1x16xi32>,
    %swap3A_915 = vector.shape_cast %swap3A_914 : vector<1x16xi32> to vector<16xi32>
    %swap3A_916 = vector.shape_cast %add3A_910 : vector<16xi32> to vector<1x16xi32>
    tpu.vector_store %arg6[%swap3A_912, %swap3A_913], %swap3A_916 {strides = array<i32>} : memref<26x128xi32, #tpu.memory_space<vmem>>, vector<1x16xi32>,
    %get3A_917 = arith.constant 7 : i32
    %get3A_918 = arith.index_cast %get3A_917 : i32 to index
    %get3A_919 = arith.constant 80 : index
    %get3A_920 = tpu.vector_load %arg6[%get3A_918, %get3A_919] {strides = array<i32>} : memref<26x128xi32, #tpu.memory_space<vmem>>, vector<1x16xi32>,
    %get3A_921 = vector.shape_cast %get3A_920 : vector<1x16xi32> to vector<16xi32>
    %add3A_922 = arith.constant 700000 : i32
    %add3A_923 = vector.broadcast %add3A_922 : i32 to vector<16xi32>
    %add3A_924 = arith.addi %get3A_921, %add3A_923 : vector<16xi32>
    %swap3A_925 = arith.constant 7 : i32
    %swap3A_926 = arith.index_cast %swap3A_925 : i32 to index
    %swap3A_927 = arith.constant 80 : index
    %swap3A_928 = tpu.vector_load %arg6[%swap3A_926, %swap3A_927] {strides = array<i32>} : memref<26x128xi32, #tpu.memory_space<vmem>>, vector<1x16xi32>,
    %swap3A_929 = vector.shape_cast %swap3A_928 : vector<1x16xi32> to vector<16xi32>
    %swap3A_930 = vector.shape_cast %add3A_924 : vector<16xi32> to vector<1x16xi32>
    tpu.vector_store %arg6[%swap3A_926, %swap3A_927], %swap3A_930 {strides = array<i32>} : memref<26x128xi32, #tpu.memory_space<vmem>>, vector<1x16xi32>,
    %get3A_931 = arith.constant 7 : i32
    %get3A_932 = arith.index_cast %get3A_931 : i32 to index
    %get3A_933 = arith.constant 96 : index
    %get3A_934 = tpu.vector_load %arg6[%get3A_932, %get3A_933] {strides = array<i32>} : memref<26x128xi32, #tpu.memory_space<vmem>>, vector<1x16xi32>,
    %get3A_935 = vector.shape_cast %get3A_934 : vector<1x16xi32> to vector<16xi32>
    %add3A_936 = arith.constant 700000 : i32
    %add3A_937 = vector.broadcast %add3A_936 : i32 to vector<16xi32>
    %add3A_938 = arith.addi %get3A_935, %add3A_937 : vector<16xi32>
    %swap3A_939 = arith.constant 7 : i32
    %swap3A_940 = arith.index_cast %swap3A_939 : i32 to index
    %swap3A_941 = arith.constant 96 : index
    %swap3A_942 = tpu.vector_load %arg6[%swap3A_940, %swap3A_941] {strides = array<i32>} : memref<26x128xi32, #tpu.memory_space<vmem>>, vector<1x16xi32>,
    %swap3A_943 = vector.shape_cast %swap3A_942 : vector<1x16xi32> to vector<16xi32>
    %swap3A_944 = vector.shape_cast %add3A_938 : vector<16xi32> to vector<1x16xi32>
    tpu.vector_store %arg6[%swap3A_940, %swap3A_941], %swap3A_944 {strides = array<i32>} : memref<26x128xi32, #tpu.memory_space<vmem>>, vector<1x16xi32>,
    %get3A_945 = arith.constant 7 : i32
    %get3A_946 = arith.index_cast %get3A_945 : i32 to index
    %get3A_947 = arith.constant 112 : index
    %get3A_948 = tpu.vector_load %arg6[%get3A_946, %get3A_947] {strides = array<i32>} : memref<26x128xi32, #tpu.memory_space<vmem>>, vector<1x16xi32>,
    %get3A_949 = vector.shape_cast %get3A_948 : vector<1x16xi32> to vector<16xi32>
    %add3A_950 = arith.constant 700000 : i32
    %add3A_951 = vector.broadcast %add3A_950 : i32 to vector<16xi32>
    %add3A_952 = arith.addi %get3A_949, %add3A_951 : vector<16xi32>
    %swap3A_953 = arith.constant 7 : i32
    %swap3A_954 = arith.index_cast %swap3A_953 : i32 to index
    %swap3A_955 = arith.constant 112 : index
    %swap3A_956 = tpu.vector_load %arg6[%swap3A_954, %swap3A_955] {strides = array<i32>} : memref<26x128xi32, #tpu.memory_space<vmem>>, vector<1x16xi32>,
    %swap3A_957 = vector.shape_cast %swap3A_956 : vector<1x16xi32> to vector<16xi32>
    %swap3A_958 = vector.shape_cast %add3A_952 : vector<16xi32> to vector<1x16xi32>
    tpu.vector_store %arg6[%swap3A_954, %swap3A_955], %swap3A_958 {strides = array<i32>} : memref<26x128xi32, #tpu.memory_space<vmem>>, vector<1x16xi32>,
    %dma_start3A_959 = arith.constant 7 : i32
    %dma_start3A_960 = arith.constant 896 : i32
    %dma_start3A_961 = tpu.memref_slice %arg7[%dma_start3A_960] : memref<3328xf32, #tpu.memory_space<vmem>> -> memref<128xf32, #tpu.memory_space<vmem>>
    %dma_start3A_962 = arith.constant 0 : i32
    %dma_start3A_963 = tpu.memref_slice %arg6[%dma_start3A_959, %dma_start3A_962] : memref<26x128xi32, #tpu.memory_space<vmem>> -> memref<1x128xi32, #tpu.memory_space<vmem>>
    %dma_start3A_964 = tpu.memref_squeeze %dma_start3A_963 : memref<1x128xi32, #tpu.memory_space<vmem>> -> memref<128xi32, #tpu.memory_space<vmem>>
    %dma_start3A_965 = arith.constant 0 : i32
    %dma_start3A_966 = tpu.memref_slice %arg3[%dma_start3A_965] : memref<2600000xf32, #tpu.memory_space<hbm>> -> memref<2600000xf32, #tpu.memory_space<hbm>>
    tpu.enqueue_indirect_dma source(%dma_start3A_966 : memref<2600000xf32, #tpu.memory_space<hbm>>) target(%dma_start3A_961 : memref<128xf32, #tpu.memory_space<vmem>>) offsets(%dma_start3A_964 : memref<128xi32, #tpu.memory_space<vmem>>) semaphore(%arg11 : memref<!tpu.dma_semaphore, #tpu.memory_space<semaphore_mem>>)
    %get3A_967 = arith.constant 8 : i32
    %get3A_968 = arith.index_cast %get3A_967 : i32 to index
    %get3A_969 = arith.constant 0 : index
    %get3A_970 = tpu.vector_load %arg6[%get3A_968, %get3A_969] {strides = array<i32>} : memref<26x128xi32, #tpu.memory_space<vmem>>, vector<1x16xi32>,
    %get3A_971 = vector.shape_cast %get3A_970 : vector<1x16xi32> to vector<16xi32>
    %add3A_972 = arith.constant 800000 : i32
    %add3A_973 = vector.broadcast %add3A_972 : i32 to vector<16xi32>
    %add3A_974 = arith.addi %get3A_971, %add3A_973 : vector<16xi32>
    %swap3A_975 = arith.constant 8 : i32
    %swap3A_976 = arith.index_cast %swap3A_975 : i32 to index
    %swap3A_977 = arith.constant 0 : index
    %swap3A_978 = tpu.vector_load %arg6[%swap3A_976, %swap3A_977] {strides = array<i32>} : memref<26x128xi32, #tpu.memory_space<vmem>>, vector<1x16xi32>,
    %swap3A_979 = vector.shape_cast %swap3A_978 : vector<1x16xi32> to vector<16xi32>
    %swap3A_980 = vector.shape_cast %add3A_974 : vector<16xi32> to vector<1x16xi32>
    tpu.vector_store %arg6[%swap3A_976, %swap3A_977], %swap3A_980 {strides = array<i32>} : memref<26x128xi32, #tpu.memory_space<vmem>>, vector<1x16xi32>,
    %get3A_981 = arith.constant 8 : i32
    %get3A_982 = arith.index_cast %get3A_981 : i32 to index
    %get3A_983 = arith.constant 16 : index
    %get3A_984 = tpu.vector_load %arg6[%get3A_982, %get3A_983] {strides = array<i32>} : memref<26x128xi32, #tpu.memory_space<vmem>>, vector<1x16xi32>,
    %get3A_985 = vector.shape_cast %get3A_984 : vector<1x16xi32> to vector<16xi32>
    %add3A_986 = arith.constant 800000 : i32
    %add3A_987 = vector.broadcast %add3A_986 : i32 to vector<16xi32>
    %add3A_988 = arith.addi %get3A_985, %add3A_987 : vector<16xi32>
    %swap3A_989 = arith.constant 8 : i32
    %swap3A_990 = arith.index_cast %swap3A_989 : i32 to index
    %swap3A_991 = arith.constant 16 : index
    %swap3A_992 = tpu.vector_load %arg6[%swap3A_990, %swap3A_991] {strides = array<i32>} : memref<26x128xi32, #tpu.memory_space<vmem>>, vector<1x16xi32>,
    %swap3A_993 = vector.shape_cast %swap3A_992 : vector<1x16xi32> to vector<16xi32>
    %swap3A_994 = vector.shape_cast %add3A_988 : vector<16xi32> to vector<1x16xi32>
    tpu.vector_store %arg6[%swap3A_990, %swap3A_991], %swap3A_994 {strides = array<i32>} : memref<26x128xi32, #tpu.memory_space<vmem>>, vector<1x16xi32>,
    %get3A_995 = arith.constant 8 : i32
    %get3A_996 = arith.index_cast %get3A_995 : i32 to index
    %get3A_997 = arith.constant 32 : index
    %get3A_998 = tpu.vector_load %arg6[%get3A_996, %get3A_997] {strides = array<i32>} : memref<26x128xi32, #tpu.memory_space<vmem>>, vector<1x16xi32>,
    %get3A_999 = vector.shape_cast %get3A_998 : vector<1x16xi32> to vector<16xi32>
    %add3A_1000 = arith.constant 800000 : i32
    %add3A_1001 = vector.broadcast %add3A_1000 : i32 to vector<16xi32>
    %add3A_1002 = arith.addi %get3A_999, %add3A_1001 : vector<16xi32>
    %swap3A_1003 = arith.constant 8 : i32
    %swap3A_1004 = arith.index_cast %swap3A_1003 : i32 to index
    %swap3A_1005 = arith.constant 32 : index
    %swap3A_1006 = tpu.vector_load %arg6[%swap3A_1004, %swap3A_1005] {strides = array<i32>} : memref<26x128xi32, #tpu.memory_space<vmem>>, vector<1x16xi32>,
    %swap3A_1007 = vector.shape_cast %swap3A_1006 : vector<1x16xi32> to vector<16xi32>
    %swap3A_1008 = vector.shape_cast %add3A_1002 : vector<16xi32> to vector<1x16xi32>
    tpu.vector_store %arg6[%swap3A_1004, %swap3A_1005], %swap3A_1008 {strides = array<i32>} : memref<26x128xi32, #tpu.memory_space<vmem>>, vector<1x16xi32>,
    %get3A_1009 = arith.constant 8 : i32
    %get3A_1010 = arith.index_cast %get3A_1009 : i32 to index
    %get3A_1011 = arith.constant 48 : index
    %get3A_1012 = tpu.vector_load %arg6[%get3A_1010, %get3A_1011] {strides = array<i32>} : memref<26x128xi32, #tpu.memory_space<vmem>>, vector<1x16xi32>,
    %get3A_1013 = vector.shape_cast %get3A_1012 : vector<1x16xi32> to vector<16xi32>
    %add3A_1014 = arith.constant 800000 : i32
    %add3A_1015 = vector.broadcast %add3A_1014 : i32 to vector<16xi32>
    %add3A_1016 = arith.addi %get3A_1013, %add3A_1015 : vector<16xi32>
    %swap3A_1017 = arith.constant 8 : i32
    %swap3A_1018 = arith.index_cast %swap3A_1017 : i32 to index
    %swap3A_1019 = arith.constant 48 : index
    %swap3A_1020 = tpu.vector_load %arg6[%swap3A_1018, %swap3A_1019] {strides = array<i32>} : memref<26x128xi32, #tpu.memory_space<vmem>>, vector<1x16xi32>,
    %swap3A_1021 = vector.shape_cast %swap3A_1020 : vector<1x16xi32> to vector<16xi32>
    %swap3A_1022 = vector.shape_cast %add3A_1016 : vector<16xi32> to vector<1x16xi32>
    tpu.vector_store %arg6[%swap3A_1018, %swap3A_1019], %swap3A_1022 {strides = array<i32>} : memref<26x128xi32, #tpu.memory_space<vmem>>, vector<1x16xi32>,
    %get3A_1023 = arith.constant 8 : i32
    %get3A_1024 = arith.index_cast %get3A_1023 : i32 to index
    %get3A_1025 = arith.constant 64 : index
    %get3A_1026 = tpu.vector_load %arg6[%get3A_1024, %get3A_1025] {strides = array<i32>} : memref<26x128xi32, #tpu.memory_space<vmem>>, vector<1x16xi32>,
    %get3A_1027 = vector.shape_cast %get3A_1026 : vector<1x16xi32> to vector<16xi32>
    %add3A_1028 = arith.constant 800000 : i32
    %add3A_1029 = vector.broadcast %add3A_1028 : i32 to vector<16xi32>
    %add3A_1030 = arith.addi %get3A_1027, %add3A_1029 : vector<16xi32>
    %swap3A_1031 = arith.constant 8 : i32
    %swap3A_1032 = arith.index_cast %swap3A_1031 : i32 to index
    %swap3A_1033 = arith.constant 64 : index
    %swap3A_1034 = tpu.vector_load %arg6[%swap3A_1032, %swap3A_1033] {strides = array<i32>} : memref<26x128xi32, #tpu.memory_space<vmem>>, vector<1x16xi32>,
    %swap3A_1035 = vector.shape_cast %swap3A_1034 : vector<1x16xi32> to vector<16xi32>
    %swap3A_1036 = vector.shape_cast %add3A_1030 : vector<16xi32> to vector<1x16xi32>
    tpu.vector_store %arg6[%swap3A_1032, %swap3A_1033], %swap3A_1036 {strides = array<i32>} : memref<26x128xi32, #tpu.memory_space<vmem>>, vector<1x16xi32>,
    %get3A_1037 = arith.constant 8 : i32
    %get3A_1038 = arith.index_cast %get3A_1037 : i32 to index
    %get3A_1039 = arith.constant 80 : index
    %get3A_1040 = tpu.vector_load %arg6[%get3A_1038, %get3A_1039] {strides = array<i32>} : memref<26x128xi32, #tpu.memory_space<vmem>>, vector<1x16xi32>,
    %get3A_1041 = vector.shape_cast %get3A_1040 : vector<1x16xi32> to vector<16xi32>
    %add3A_1042 = arith.constant 800000 : i32
    %add3A_1043 = vector.broadcast %add3A_1042 : i32 to vector<16xi32>
    %add3A_1044 = arith.addi %get3A_1041, %add3A_1043 : vector<16xi32>
    %swap3A_1045 = arith.constant 8 : i32
    %swap3A_1046 = arith.index_cast %swap3A_1045 : i32 to index
    %swap3A_1047 = arith.constant 80 : index
    %swap3A_1048 = tpu.vector_load %arg6[%swap3A_1046, %swap3A_1047] {strides = array<i32>} : memref<26x128xi32, #tpu.memory_space<vmem>>, vector<1x16xi32>,
    %swap3A_1049 = vector.shape_cast %swap3A_1048 : vector<1x16xi32> to vector<16xi32>
    %swap3A_1050 = vector.shape_cast %add3A_1044 : vector<16xi32> to vector<1x16xi32>
    tpu.vector_store %arg6[%swap3A_1046, %swap3A_1047], %swap3A_1050 {strides = array<i32>} : memref<26x128xi32, #tpu.memory_space<vmem>>, vector<1x16xi32>,
    %get3A_1051 = arith.constant 8 : i32
    %get3A_1052 = arith.index_cast %get3A_1051 : i32 to index
    %get3A_1053 = arith.constant 96 : index
    %get3A_1054 = tpu.vector_load %arg6[%get3A_1052, %get3A_1053] {strides = array<i32>} : memref<26x128xi32, #tpu.memory_space<vmem>>, vector<1x16xi32>,
    %get3A_1055 = vector.shape_cast %get3A_1054 : vector<1x16xi32> to vector<16xi32>
    %add3A_1056 = arith.constant 800000 : i32
    %add3A_1057 = vector.broadcast %add3A_1056 : i32 to vector<16xi32>
    %add3A_1058 = arith.addi %get3A_1055, %add3A_1057 : vector<16xi32>
    %swap3A_1059 = arith.constant 8 : i32
    %swap3A_1060 = arith.index_cast %swap3A_1059 : i32 to index
    %swap3A_1061 = arith.constant 96 : index
    %swap3A_1062 = tpu.vector_load %arg6[%swap3A_1060, %swap3A_1061] {strides = array<i32>} : memref<26x128xi32, #tpu.memory_space<vmem>>, vector<1x16xi32>,
    %swap3A_1063 = vector.shape_cast %swap3A_1062 : vector<1x16xi32> to vector<16xi32>
    %swap3A_1064 = vector.shape_cast %add3A_1058 : vector<16xi32> to vector<1x16xi32>
    tpu.vector_store %arg6[%swap3A_1060, %swap3A_1061], %swap3A_1064 {strides = array<i32>} : memref<26x128xi32, #tpu.memory_space<vmem>>, vector<1x16xi32>,
    %get3A_1065 = arith.constant 8 : i32
    %get3A_1066 = arith.index_cast %get3A_1065 : i32 to index
    %get3A_1067 = arith.constant 112 : index
    %get3A_1068 = tpu.vector_load %arg6[%get3A_1066, %get3A_1067] {strides = array<i32>} : memref<26x128xi32, #tpu.memory_space<vmem>>, vector<1x16xi32>,
    %get3A_1069 = vector.shape_cast %get3A_1068 : vector<1x16xi32> to vector<16xi32>
    %add3A_1070 = arith.constant 800000 : i32
    %add3A_1071 = vector.broadcast %add3A_1070 : i32 to vector<16xi32>
    %add3A_1072 = arith.addi %get3A_1069, %add3A_1071 : vector<16xi32>
    %swap3A_1073 = arith.constant 8 : i32
    %swap3A_1074 = arith.index_cast %swap3A_1073 : i32 to index
    %swap3A_1075 = arith.constant 112 : index
    %swap3A_1076 = tpu.vector_load %arg6[%swap3A_1074, %swap3A_1075] {strides = array<i32>} : memref<26x128xi32, #tpu.memory_space<vmem>>, vector<1x16xi32>,
    %swap3A_1077 = vector.shape_cast %swap3A_1076 : vector<1x16xi32> to vector<16xi32>
    %swap3A_1078 = vector.shape_cast %add3A_1072 : vector<16xi32> to vector<1x16xi32>
    tpu.vector_store %arg6[%swap3A_1074, %swap3A_1075], %swap3A_1078 {strides = array<i32>} : memref<26x128xi32, #tpu.memory_space<vmem>>, vector<1x16xi32>,
    %dma_start3A_1079 = arith.constant 8 : i32
    %dma_start3A_1080 = arith.constant 1024 : i32
    %dma_start3A_1081 = tpu.memref_slice %arg7[%dma_start3A_1080] : memref<3328xf32, #tpu.memory_space<vmem>> -> memref<128xf32, #tpu.memory_space<vmem>>
    %dma_start3A_1082 = arith.constant 0 : i32
    %dma_start3A_1083 = tpu.memref_slice %arg6[%dma_start3A_1079, %dma_start3A_1082] : memref<26x128xi32, #tpu.memory_space<vmem>> -> memref<1x128xi32, #tpu.memory_space<vmem>>
    %dma_start3A_1084 = tpu.memref_squeeze %dma_start3A_1083 : memref<1x128xi32, #tpu.memory_space<vmem>> -> memref<128xi32, #tpu.memory_space<vmem>>
    %dma_start3A_1085 = arith.constant 0 : i32
    %dma_start3A_1086 = tpu.memref_slice %arg3[%dma_start3A_1085] : memref<2600000xf32, #tpu.memory_space<hbm>> -> memref<2600000xf32, #tpu.memory_space<hbm>>
    tpu.enqueue_indirect_dma source(%dma_start3A_1086 : memref<2600000xf32, #tpu.memory_space<hbm>>) target(%dma_start3A_1081 : memref<128xf32, #tpu.memory_space<vmem>>) offsets(%dma_start3A_1084 : memref<128xi32, #tpu.memory_space<vmem>>) semaphore(%arg11 : memref<!tpu.dma_semaphore, #tpu.memory_space<semaphore_mem>>)
    %get3A_1087 = arith.constant 9 : i32
    %get3A_1088 = arith.index_cast %get3A_1087 : i32 to index
    %get3A_1089 = arith.constant 0 : index
    %get3A_1090 = tpu.vector_load %arg6[%get3A_1088, %get3A_1089] {strides = array<i32>} : memref<26x128xi32, #tpu.memory_space<vmem>>, vector<1x16xi32>,
    %get3A_1091 = vector.shape_cast %get3A_1090 : vector<1x16xi32> to vector<16xi32>
    %add3A_1092 = arith.constant 900000 : i32
    %add3A_1093 = vector.broadcast %add3A_1092 : i32 to vector<16xi32>
    %add3A_1094 = arith.addi %get3A_1091, %add3A_1093 : vector<16xi32>
    %swap3A_1095 = arith.constant 9 : i32
    %swap3A_1096 = arith.index_cast %swap3A_1095 : i32 to index
    %swap3A_1097 = arith.constant 0 : index
    %swap3A_1098 = tpu.vector_load %arg6[%swap3A_1096, %swap3A_1097] {strides = array<i32>} : memref<26x128xi32, #tpu.memory_space<vmem>>, vector<1x16xi32>,
    %swap3A_1099 = vector.shape_cast %swap3A_1098 : vector<1x16xi32> to vector<16xi32>
    %swap3A_1100 = vector.shape_cast %add3A_1094 : vector<16xi32> to vector<1x16xi32>
    tpu.vector_store %arg6[%swap3A_1096, %swap3A_1097], %swap3A_1100 {strides = array<i32>} : memref<26x128xi32, #tpu.memory_space<vmem>>, vector<1x16xi32>,
    %get3A_1101 = arith.constant 9 : i32
    %get3A_1102 = arith.index_cast %get3A_1101 : i32 to index
    %get3A_1103 = arith.constant 16 : index
    %get3A_1104 = tpu.vector_load %arg6[%get3A_1102, %get3A_1103] {strides = array<i32>} : memref<26x128xi32, #tpu.memory_space<vmem>>, vector<1x16xi32>,
    %get3A_1105 = vector.shape_cast %get3A_1104 : vector<1x16xi32> to vector<16xi32>
    %add3A_1106 = arith.constant 900000 : i32
    %add3A_1107 = vector.broadcast %add3A_1106 : i32 to vector<16xi32>
    %add3A_1108 = arith.addi %get3A_1105, %add3A_1107 : vector<16xi32>
    %swap3A_1109 = arith.constant 9 : i32
    %swap3A_1110 = arith.index_cast %swap3A_1109 : i32 to index
    %swap3A_1111 = arith.constant 16 : index
    %swap3A_1112 = tpu.vector_load %arg6[%swap3A_1110, %swap3A_1111] {strides = array<i32>} : memref<26x128xi32, #tpu.memory_space<vmem>>, vector<1x16xi32>,
    %swap3A_1113 = vector.shape_cast %swap3A_1112 : vector<1x16xi32> to vector<16xi32>
    %swap3A_1114 = vector.shape_cast %add3A_1108 : vector<16xi32> to vector<1x16xi32>
    tpu.vector_store %arg6[%swap3A_1110, %swap3A_1111], %swap3A_1114 {strides = array<i32>} : memref<26x128xi32, #tpu.memory_space<vmem>>, vector<1x16xi32>,
    %get3A_1115 = arith.constant 9 : i32
    %get3A_1116 = arith.index_cast %get3A_1115 : i32 to index
    %get3A_1117 = arith.constant 32 : index
    %get3A_1118 = tpu.vector_load %arg6[%get3A_1116, %get3A_1117] {strides = array<i32>} : memref<26x128xi32, #tpu.memory_space<vmem>>, vector<1x16xi32>,
    %get3A_1119 = vector.shape_cast %get3A_1118 : vector<1x16xi32> to vector<16xi32>
    %add3A_1120 = arith.constant 900000 : i32
    %add3A_1121 = vector.broadcast %add3A_1120 : i32 to vector<16xi32>
    %add3A_1122 = arith.addi %get3A_1119, %add3A_1121 : vector<16xi32>
    %swap3A_1123 = arith.constant 9 : i32
    %swap3A_1124 = arith.index_cast %swap3A_1123 : i32 to index
    %swap3A_1125 = arith.constant 32 : index
    %swap3A_1126 = tpu.vector_load %arg6[%swap3A_1124, %swap3A_1125] {strides = array<i32>} : memref<26x128xi32, #tpu.memory_space<vmem>>, vector<1x16xi32>,
    %swap3A_1127 = vector.shape_cast %swap3A_1126 : vector<1x16xi32> to vector<16xi32>
    %swap3A_1128 = vector.shape_cast %add3A_1122 : vector<16xi32> to vector<1x16xi32>
    tpu.vector_store %arg6[%swap3A_1124, %swap3A_1125], %swap3A_1128 {strides = array<i32>} : memref<26x128xi32, #tpu.memory_space<vmem>>, vector<1x16xi32>,
    %get3A_1129 = arith.constant 9 : i32
    %get3A_1130 = arith.index_cast %get3A_1129 : i32 to index
    %get3A_1131 = arith.constant 48 : index
    %get3A_1132 = tpu.vector_load %arg6[%get3A_1130, %get3A_1131] {strides = array<i32>} : memref<26x128xi32, #tpu.memory_space<vmem>>, vector<1x16xi32>,
    %get3A_1133 = vector.shape_cast %get3A_1132 : vector<1x16xi32> to vector<16xi32>
    %add3A_1134 = arith.constant 900000 : i32
    %add3A_1135 = vector.broadcast %add3A_1134 : i32 to vector<16xi32>
    %add3A_1136 = arith.addi %get3A_1133, %add3A_1135 : vector<16xi32>
    %swap3A_1137 = arith.constant 9 : i32
    %swap3A_1138 = arith.index_cast %swap3A_1137 : i32 to index
    %swap3A_1139 = arith.constant 48 : index
    %swap3A_1140 = tpu.vector_load %arg6[%swap3A_1138, %swap3A_1139] {strides = array<i32>} : memref<26x128xi32, #tpu.memory_space<vmem>>, vector<1x16xi32>,
    %swap3A_1141 = vector.shape_cast %swap3A_1140 : vector<1x16xi32> to vector<16xi32>
    %swap3A_1142 = vector.shape_cast %add3A_1136 : vector<16xi32> to vector<1x16xi32>
    tpu.vector_store %arg6[%swap3A_1138, %swap3A_1139], %swap3A_1142 {strides = array<i32>} : memref<26x128xi32, #tpu.memory_space<vmem>>, vector<1x16xi32>,
    %get3A_1143 = arith.constant 9 : i32
    %get3A_1144 = arith.index_cast %get3A_1143 : i32 to index
    %get3A_1145 = arith.constant 64 : index
    %get3A_1146 = tpu.vector_load %arg6[%get3A_1144, %get3A_1145] {strides = array<i32>} : memref<26x128xi32, #tpu.memory_space<vmem>>, vector<1x16xi32>,
    %get3A_1147 = vector.shape_cast %get3A_1146 : vector<1x16xi32> to vector<16xi32>
    %add3A_1148 = arith.constant 900000 : i32
    %add3A_1149 = vector.broadcast %add3A_1148 : i32 to vector<16xi32>
    %add3A_1150 = arith.addi %get3A_1147, %add3A_1149 : vector<16xi32>
    %swap3A_1151 = arith.constant 9 : i32
    %swap3A_1152 = arith.index_cast %swap3A_1151 : i32 to index
    %swap3A_1153 = arith.constant 64 : index
    %swap3A_1154 = tpu.vector_load %arg6[%swap3A_1152, %swap3A_1153] {strides = array<i32>} : memref<26x128xi32, #tpu.memory_space<vmem>>, vector<1x16xi32>,
    %swap3A_1155 = vector.shape_cast %swap3A_1154 : vector<1x16xi32> to vector<16xi32>
    %swap3A_1156 = vector.shape_cast %add3A_1150 : vector<16xi32> to vector<1x16xi32>
    tpu.vector_store %arg6[%swap3A_1152, %swap3A_1153], %swap3A_1156 {strides = array<i32>} : memref<26x128xi32, #tpu.memory_space<vmem>>, vector<1x16xi32>,
    %get3A_1157 = arith.constant 9 : i32
    %get3A_1158 = arith.index_cast %get3A_1157 : i32 to index
    %get3A_1159 = arith.constant 80 : index
    %get3A_1160 = tpu.vector_load %arg6[%get3A_1158, %get3A_1159] {strides = array<i32>} : memref<26x128xi32, #tpu.memory_space<vmem>>, vector<1x16xi32>,
    %get3A_1161 = vector.shape_cast %get3A_1160 : vector<1x16xi32> to vector<16xi32>
    %add3A_1162 = arith.constant 900000 : i32
    %add3A_1163 = vector.broadcast %add3A_1162 : i32 to vector<16xi32>
    %add3A_1164 = arith.addi %get3A_1161, %add3A_1163 : vector<16xi32>
    %swap3A_1165 = arith.constant 9 : i32
    %swap3A_1166 = arith.index_cast %swap3A_1165 : i32 to index
    %swap3A_1167 = arith.constant 80 : index
    %swap3A_1168 = tpu.vector_load %arg6[%swap3A_1166, %swap3A_1167] {strides = array<i32>} : memref<26x128xi32, #tpu.memory_space<vmem>>, vector<1x16xi32>,
    %swap3A_1169 = vector.shape_cast %swap3A_1168 : vector<1x16xi32> to vector<16xi32>
    %swap3A_1170 = vector.shape_cast %add3A_1164 : vector<16xi32> to vector<1x16xi32>
    tpu.vector_store %arg6[%swap3A_1166, %swap3A_1167], %swap3A_1170 {strides = array<i32>} : memref<26x128xi32, #tpu.memory_space<vmem>>, vector<1x16xi32>,
    %get3A_1171 = arith.constant 9 : i32
    %get3A_1172 = arith.index_cast %get3A_1171 : i32 to index
    %get3A_1173 = arith.constant 96 : index
    %get3A_1174 = tpu.vector_load %arg6[%get3A_1172, %get3A_1173] {strides = array<i32>} : memref<26x128xi32, #tpu.memory_space<vmem>>, vector<1x16xi32>,
    %get3A_1175 = vector.shape_cast %get3A_1174 : vector<1x16xi32> to vector<16xi32>
    %add3A_1176 = arith.constant 900000 : i32
    %add3A_1177 = vector.broadcast %add3A_1176 : i32 to vector<16xi32>
    %add3A_1178 = arith.addi %get3A_1175, %add3A_1177 : vector<16xi32>
    %swap3A_1179 = arith.constant 9 : i32
    %swap3A_1180 = arith.index_cast %swap3A_1179 : i32 to index
    %swap3A_1181 = arith.constant 96 : index
    %swap3A_1182 = tpu.vector_load %arg6[%swap3A_1180, %swap3A_1181] {strides = array<i32>} : memref<26x128xi32, #tpu.memory_space<vmem>>, vector<1x16xi32>,
    %swap3A_1183 = vector.shape_cast %swap3A_1182 : vector<1x16xi32> to vector<16xi32>
    %swap3A_1184 = vector.shape_cast %add3A_1178 : vector<16xi32> to vector<1x16xi32>
    tpu.vector_store %arg6[%swap3A_1180, %swap3A_1181], %swap3A_1184 {strides = array<i32>} : memref<26x128xi32, #tpu.memory_space<vmem>>, vector<1x16xi32>,
    %get3A_1185 = arith.constant 9 : i32
    %get3A_1186 = arith.index_cast %get3A_1185 : i32 to index
    %get3A_1187 = arith.constant 112 : index
    %get3A_1188 = tpu.vector_load %arg6[%get3A_1186, %get3A_1187] {strides = array<i32>} : memref<26x128xi32, #tpu.memory_space<vmem>>, vector<1x16xi32>,
    %get3A_1189 = vector.shape_cast %get3A_1188 : vector<1x16xi32> to vector<16xi32>
    %add3A_1190 = arith.constant 900000 : i32
    %add3A_1191 = vector.broadcast %add3A_1190 : i32 to vector<16xi32>
    %add3A_1192 = arith.addi %get3A_1189, %add3A_1191 : vector<16xi32>
    %swap3A_1193 = arith.constant 9 : i32
    %swap3A_1194 = arith.index_cast %swap3A_1193 : i32 to index
    %swap3A_1195 = arith.constant 112 : index
    %swap3A_1196 = tpu.vector_load %arg6[%swap3A_1194, %swap3A_1195] {strides = array<i32>} : memref<26x128xi32, #tpu.memory_space<vmem>>, vector<1x16xi32>,
    %swap3A_1197 = vector.shape_cast %swap3A_1196 : vector<1x16xi32> to vector<16xi32>
    %swap3A_1198 = vector.shape_cast %add3A_1192 : vector<16xi32> to vector<1x16xi32>
    tpu.vector_store %arg6[%swap3A_1194, %swap3A_1195], %swap3A_1198 {strides = array<i32>} : memref<26x128xi32, #tpu.memory_space<vmem>>, vector<1x16xi32>,
    %dma_start3A_1199 = arith.constant 9 : i32
    %dma_start3A_1200 = arith.constant 1152 : i32
    %dma_start3A_1201 = tpu.memref_slice %arg7[%dma_start3A_1200] : memref<3328xf32, #tpu.memory_space<vmem>> -> memref<128xf32, #tpu.memory_space<vmem>>
    %dma_start3A_1202 = arith.constant 0 : i32
    %dma_start3A_1203 = tpu.memref_slice %arg6[%dma_start3A_1199, %dma_start3A_1202] : memref<26x128xi32, #tpu.memory_space<vmem>> -> memref<1x128xi32, #tpu.memory_space<vmem>>
    %dma_start3A_1204 = tpu.memref_squeeze %dma_start3A_1203 : memref<1x128xi32, #tpu.memory_space<vmem>> -> memref<128xi32, #tpu.memory_space<vmem>>
    %dma_start3A_1205 = arith.constant 0 : i32
    %dma_start3A_1206 = tpu.memref_slice %arg3[%dma_start3A_1205] : memref<2600000xf32, #tpu.memory_space<hbm>> -> memref<2600000xf32, #tpu.memory_space<hbm>>
    tpu.enqueue_indirect_dma source(%dma_start3A_1206 : memref<2600000xf32, #tpu.memory_space<hbm>>) target(%dma_start3A_1201 : memref<128xf32, #tpu.memory_space<vmem>>) offsets(%dma_start3A_1204 : memref<128xi32, #tpu.memory_space<vmem>>) semaphore(%arg11 : memref<!tpu.dma_semaphore, #tpu.memory_space<semaphore_mem>>)
    %get3A_1207 = arith.constant 10 : i32
    %get3A_1208 = arith.index_cast %get3A_1207 : i32 to index
    %get3A_1209 = arith.constant 0 : index
    %get3A_1210 = tpu.vector_load %arg6[%get3A_1208, %get3A_1209] {strides = array<i32>} : memref<26x128xi32, #tpu.memory_space<vmem>>, vector<1x16xi32>,
    %get3A_1211 = vector.shape_cast %get3A_1210 : vector<1x16xi32> to vector<16xi32>
    %add3A_1212 = arith.constant 1000000 : i32
    %add3A_1213 = vector.broadcast %add3A_1212 : i32 to vector<16xi32>
    %add3A_1214 = arith.addi %get3A_1211, %add3A_1213 : vector<16xi32>
    %swap3A_1215 = arith.constant 10 : i32
    %swap3A_1216 = arith.index_cast %swap3A_1215 : i32 to index
    %swap3A_1217 = arith.constant 0 : index
    %swap3A_1218 = tpu.vector_load %arg6[%swap3A_1216, %swap3A_1217] {strides = array<i32>} : memref<26x128xi32, #tpu.memory_space<vmem>>, vector<1x16xi32>,
    %swap3A_1219 = vector.shape_cast %swap3A_1218 : vector<1x16xi32> to vector<16xi32>
    %swap3A_1220 = vector.shape_cast %add3A_1214 : vector<16xi32> to vector<1x16xi32>
    tpu.vector_store %arg6[%swap3A_1216, %swap3A_1217], %swap3A_1220 {strides = array<i32>} : memref<26x128xi32, #tpu.memory_space<vmem>>, vector<1x16xi32>,
    %get3A_1221 = arith.constant 10 : i32
    %get3A_1222 = arith.index_cast %get3A_1221 : i32 to index
    %get3A_1223 = arith.constant 16 : index
    %get3A_1224 = tpu.vector_load %arg6[%get3A_1222, %get3A_1223] {strides = array<i32>} : memref<26x128xi32, #tpu.memory_space<vmem>>, vector<1x16xi32>,
    %get3A_1225 = vector.shape_cast %get3A_1224 : vector<1x16xi32> to vector<16xi32>
    %add3A_1226 = arith.constant 1000000 : i32
    %add3A_1227 = vector.broadcast %add3A_1226 : i32 to vector<16xi32>
    %add3A_1228 = arith.addi %get3A_1225, %add3A_1227 : vector<16xi32>
    %swap3A_1229 = arith.constant 10 : i32
    %swap3A_1230 = arith.index_cast %swap3A_1229 : i32 to index
    %swap3A_1231 = arith.constant 16 : index
    %swap3A_1232 = tpu.vector_load %arg6[%swap3A_1230, %swap3A_1231] {strides = array<i32>} : memref<26x128xi32, #tpu.memory_space<vmem>>, vector<1x16xi32>,
    %swap3A_1233 = vector.shape_cast %swap3A_1232 : vector<1x16xi32> to vector<16xi32>
    %swap3A_1234 = vector.shape_cast %add3A_1228 : vector<16xi32> to vector<1x16xi32>
    tpu.vector_store %arg6[%swap3A_1230, %swap3A_1231], %swap3A_1234 {strides = array<i32>} : memref<26x128xi32, #tpu.memory_space<vmem>>, vector<1x16xi32>,
    %get3A_1235 = arith.constant 10 : i32
    %get3A_1236 = arith.index_cast %get3A_1235 : i32 to index
    %get3A_1237 = arith.constant 32 : index
    %get3A_1238 = tpu.vector_load %arg6[%get3A_1236, %get3A_1237] {strides = array<i32>} : memref<26x128xi32, #tpu.memory_space<vmem>>, vector<1x16xi32>,
    %get3A_1239 = vector.shape_cast %get3A_1238 : vector<1x16xi32> to vector<16xi32>
    %add3A_1240 = arith.constant 1000000 : i32
    %add3A_1241 = vector.broadcast %add3A_1240 : i32 to vector<16xi32>
    %add3A_1242 = arith.addi %get3A_1239, %add3A_1241 : vector<16xi32>
    %swap3A_1243 = arith.constant 10 : i32
    %swap3A_1244 = arith.index_cast %swap3A_1243 : i32 to index
    %swap3A_1245 = arith.constant 32 : index
    %swap3A_1246 = tpu.vector_load %arg6[%swap3A_1244, %swap3A_1245] {strides = array<i32>} : memref<26x128xi32, #tpu.memory_space<vmem>>, vector<1x16xi32>,
    %swap3A_1247 = vector.shape_cast %swap3A_1246 : vector<1x16xi32> to vector<16xi32>
    %swap3A_1248 = vector.shape_cast %add3A_1242 : vector<16xi32> to vector<1x16xi32>
    tpu.vector_store %arg6[%swap3A_1244, %swap3A_1245], %swap3A_1248 {strides = array<i32>} : memref<26x128xi32, #tpu.memory_space<vmem>>, vector<1x16xi32>,
    %get3A_1249 = arith.constant 10 : i32
    %get3A_1250 = arith.index_cast %get3A_1249 : i32 to index
    %get3A_1251 = arith.constant 48 : index
    %get3A_1252 = tpu.vector_load %arg6[%get3A_1250, %get3A_1251] {strides = array<i32>} : memref<26x128xi32, #tpu.memory_space<vmem>>, vector<1x16xi32>,
    %get3A_1253 = vector.shape_cast %get3A_1252 : vector<1x16xi32> to vector<16xi32>
    %add3A_1254 = arith.constant 1000000 : i32
    %add3A_1255 = vector.broadcast %add3A_1254 : i32 to vector<16xi32>
    %add3A_1256 = arith.addi %get3A_1253, %add3A_1255 : vector<16xi32>
    %swap3A_1257 = arith.constant 10 : i32
    %swap3A_1258 = arith.index_cast %swap3A_1257 : i32 to index
    %swap3A_1259 = arith.constant 48 : index
    %swap3A_1260 = tpu.vector_load %arg6[%swap3A_1258, %swap3A_1259] {strides = array<i32>} : memref<26x128xi32, #tpu.memory_space<vmem>>, vector<1x16xi32>,
    %swap3A_1261 = vector.shape_cast %swap3A_1260 : vector<1x16xi32> to vector<16xi32>
    %swap3A_1262 = vector.shape_cast %add3A_1256 : vector<16xi32> to vector<1x16xi32>
    tpu.vector_store %arg6[%swap3A_1258, %swap3A_1259], %swap3A_1262 {strides = array<i32>} : memref<26x128xi32, #tpu.memory_space<vmem>>, vector<1x16xi32>,
    %get3A_1263 = arith.constant 10 : i32
    %get3A_1264 = arith.index_cast %get3A_1263 : i32 to index
    %get3A_1265 = arith.constant 64 : index
    %get3A_1266 = tpu.vector_load %arg6[%get3A_1264, %get3A_1265] {strides = array<i32>} : memref<26x128xi32, #tpu.memory_space<vmem>>, vector<1x16xi32>,
    %get3A_1267 = vector.shape_cast %get3A_1266 : vector<1x16xi32> to vector<16xi32>
    %add3A_1268 = arith.constant 1000000 : i32
    %add3A_1269 = vector.broadcast %add3A_1268 : i32 to vector<16xi32>
    %add3A_1270 = arith.addi %get3A_1267, %add3A_1269 : vector<16xi32>
    %swap3A_1271 = arith.constant 10 : i32
    %swap3A_1272 = arith.index_cast %swap3A_1271 : i32 to index
    %swap3A_1273 = arith.constant 64 : index
    %swap3A_1274 = tpu.vector_load %arg6[%swap3A_1272, %swap3A_1273] {strides = array<i32>} : memref<26x128xi32, #tpu.memory_space<vmem>>, vector<1x16xi32>,
    %swap3A_1275 = vector.shape_cast %swap3A_1274 : vector<1x16xi32> to vector<16xi32>
    %swap3A_1276 = vector.shape_cast %add3A_1270 : vector<16xi32> to vector<1x16xi32>
    tpu.vector_store %arg6[%swap3A_1272, %swap3A_1273], %swap3A_1276 {strides = array<i32>} : memref<26x128xi32, #tpu.memory_space<vmem>>, vector<1x16xi32>,
    %get3A_1277 = arith.constant 10 : i32
    %get3A_1278 = arith.index_cast %get3A_1277 : i32 to index
    %get3A_1279 = arith.constant 80 : index
    %get3A_1280 = tpu.vector_load %arg6[%get3A_1278, %get3A_1279] {strides = array<i32>} : memref<26x128xi32, #tpu.memory_space<vmem>>, vector<1x16xi32>,
    %get3A_1281 = vector.shape_cast %get3A_1280 : vector<1x16xi32> to vector<16xi32>
    %add3A_1282 = arith.constant 1000000 : i32
    %add3A_1283 = vector.broadcast %add3A_1282 : i32 to vector<16xi32>
    %add3A_1284 = arith.addi %get3A_1281, %add3A_1283 : vector<16xi32>
    %swap3A_1285 = arith.constant 10 : i32
    %swap3A_1286 = arith.index_cast %swap3A_1285 : i32 to index
    %swap3A_1287 = arith.constant 80 : index
    %swap3A_1288 = tpu.vector_load %arg6[%swap3A_1286, %swap3A_1287] {strides = array<i32>} : memref<26x128xi32, #tpu.memory_space<vmem>>, vector<1x16xi32>,
    %swap3A_1289 = vector.shape_cast %swap3A_1288 : vector<1x16xi32> to vector<16xi32>
    %swap3A_1290 = vector.shape_cast %add3A_1284 : vector<16xi32> to vector<1x16xi32>
    tpu.vector_store %arg6[%swap3A_1286, %swap3A_1287], %swap3A_1290 {strides = array<i32>} : memref<26x128xi32, #tpu.memory_space<vmem>>, vector<1x16xi32>,
    %get3A_1291 = arith.constant 10 : i32
    %get3A_1292 = arith.index_cast %get3A_1291 : i32 to index
    %get3A_1293 = arith.constant 96 : index
    %get3A_1294 = tpu.vector_load %arg6[%get3A_1292, %get3A_1293] {strides = array<i32>} : memref<26x128xi32, #tpu.memory_space<vmem>>, vector<1x16xi32>,
    %get3A_1295 = vector.shape_cast %get3A_1294 : vector<1x16xi32> to vector<16xi32>
    %add3A_1296 = arith.constant 1000000 : i32
    %add3A_1297 = vector.broadcast %add3A_1296 : i32 to vector<16xi32>
    %add3A_1298 = arith.addi %get3A_1295, %add3A_1297 : vector<16xi32>
    %swap3A_1299 = arith.constant 10 : i32
    %swap3A_1300 = arith.index_cast %swap3A_1299 : i32 to index
    %swap3A_1301 = arith.constant 96 : index
    %swap3A_1302 = tpu.vector_load %arg6[%swap3A_1300, %swap3A_1301] {strides = array<i32>} : memref<26x128xi32, #tpu.memory_space<vmem>>, vector<1x16xi32>,
    %swap3A_1303 = vector.shape_cast %swap3A_1302 : vector<1x16xi32> to vector<16xi32>
    %swap3A_1304 = vector.shape_cast %add3A_1298 : vector<16xi32> to vector<1x16xi32>
    tpu.vector_store %arg6[%swap3A_1300, %swap3A_1301], %swap3A_1304 {strides = array<i32>} : memref<26x128xi32, #tpu.memory_space<vmem>>, vector<1x16xi32>,
    %get3A_1305 = arith.constant 10 : i32
    %get3A_1306 = arith.index_cast %get3A_1305 : i32 to index
    %get3A_1307 = arith.constant 112 : index
    %get3A_1308 = tpu.vector_load %arg6[%get3A_1306, %get3A_1307] {strides = array<i32>} : memref<26x128xi32, #tpu.memory_space<vmem>>, vector<1x16xi32>,
    %get3A_1309 = vector.shape_cast %get3A_1308 : vector<1x16xi32> to vector<16xi32>
    %add3A_1310 = arith.constant 1000000 : i32
    %add3A_1311 = vector.broadcast %add3A_1310 : i32 to vector<16xi32>
    %add3A_1312 = arith.addi %get3A_1309, %add3A_1311 : vector<16xi32>
    %swap3A_1313 = arith.constant 10 : i32
    %swap3A_1314 = arith.index_cast %swap3A_1313 : i32 to index
    %swap3A_1315 = arith.constant 112 : index
    %swap3A_1316 = tpu.vector_load %arg6[%swap3A_1314, %swap3A_1315] {strides = array<i32>} : memref<26x128xi32, #tpu.memory_space<vmem>>, vector<1x16xi32>,
    %swap3A_1317 = vector.shape_cast %swap3A_1316 : vector<1x16xi32> to vector<16xi32>
    %swap3A_1318 = vector.shape_cast %add3A_1312 : vector<16xi32> to vector<1x16xi32>
    tpu.vector_store %arg6[%swap3A_1314, %swap3A_1315], %swap3A_1318 {strides = array<i32>} : memref<26x128xi32, #tpu.memory_space<vmem>>, vector<1x16xi32>,
    %dma_start3A_1319 = arith.constant 10 : i32
    %dma_start3A_1320 = arith.constant 1280 : i32
    %dma_start3A_1321 = tpu.memref_slice %arg7[%dma_start3A_1320] : memref<3328xf32, #tpu.memory_space<vmem>> -> memref<128xf32, #tpu.memory_space<vmem>>
    %dma_start3A_1322 = arith.constant 0 : i32
    %dma_start3A_1323 = tpu.memref_slice %arg6[%dma_start3A_1319, %dma_start3A_1322] : memref<26x128xi32, #tpu.memory_space<vmem>> -> memref<1x128xi32, #tpu.memory_space<vmem>>
    %dma_start3A_1324 = tpu.memref_squeeze %dma_start3A_1323 : memref<1x128xi32, #tpu.memory_space<vmem>> -> memref<128xi32, #tpu.memory_space<vmem>>
    %dma_start3A_1325 = arith.constant 0 : i32
    %dma_start3A_1326 = tpu.memref_slice %arg3[%dma_start3A_1325] : memref<2600000xf32, #tpu.memory_space<hbm>> -> memref<2600000xf32, #tpu.memory_space<hbm>>
    tpu.enqueue_indirect_dma source(%dma_start3A_1326 : memref<2600000xf32, #tpu.memory_space<hbm>>) target(%dma_start3A_1321 : memref<128xf32, #tpu.memory_space<vmem>>) offsets(%dma_start3A_1324 : memref<128xi32, #tpu.memory_space<vmem>>) semaphore(%arg11 : memref<!tpu.dma_semaphore, #tpu.memory_space<semaphore_mem>>)
    %get3A_1327 = arith.constant 11 : i32
    %get3A_1328 = arith.index_cast %get3A_1327 : i32 to index
    %get3A_1329 = arith.constant 0 : index
    %get3A_1330 = tpu.vector_load %arg6[%get3A_1328, %get3A_1329] {strides = array<i32>} : memref<26x128xi32, #tpu.memory_space<vmem>>, vector<1x16xi32>,
    %get3A_1331 = vector.shape_cast %get3A_1330 : vector<1x16xi32> to vector<16xi32>
    %add3A_1332 = arith.constant 1100000 : i32
    %add3A_1333 = vector.broadcast %add3A_1332 : i32 to vector<16xi32>
    %add3A_1334 = arith.addi %get3A_1331, %add3A_1333 : vector<16xi32>
    %swap3A_1335 = arith.constant 11 : i32
    %swap3A_1336 = arith.index_cast %swap3A_1335 : i32 to index
    %swap3A_1337 = arith.constant 0 : index
    %swap3A_1338 = tpu.vector_load %arg6[%swap3A_1336, %swap3A_1337] {strides = array<i32>} : memref<26x128xi32, #tpu.memory_space<vmem>>, vector<1x16xi32>,
    %swap3A_1339 = vector.shape_cast %swap3A_1338 : vector<1x16xi32> to vector<16xi32>
    %swap3A_1340 = vector.shape_cast %add3A_1334 : vector<16xi32> to vector<1x16xi32>
    tpu.vector_store %arg6[%swap3A_1336, %swap3A_1337], %swap3A_1340 {strides = array<i32>} : memref<26x128xi32, #tpu.memory_space<vmem>>, vector<1x16xi32>,
    %get3A_1341 = arith.constant 11 : i32
    %get3A_1342 = arith.index_cast %get3A_1341 : i32 to index
    %get3A_1343 = arith.constant 16 : index
    %get3A_1344 = tpu.vector_load %arg6[%get3A_1342, %get3A_1343] {strides = array<i32>} : memref<26x128xi32, #tpu.memory_space<vmem>>, vector<1x16xi32>,
    %get3A_1345 = vector.shape_cast %get3A_1344 : vector<1x16xi32> to vector<16xi32>
    %add3A_1346 = arith.constant 1100000 : i32
    %add3A_1347 = vector.broadcast %add3A_1346 : i32 to vector<16xi32>
    %add3A_1348 = arith.addi %get3A_1345, %add3A_1347 : vector<16xi32>
    %swap3A_1349 = arith.constant 11 : i32
    %swap3A_1350 = arith.index_cast %swap3A_1349 : i32 to index
    %swap3A_1351 = arith.constant 16 : index
    %swap3A_1352 = tpu.vector_load %arg6[%swap3A_1350, %swap3A_1351] {strides = array<i32>} : memref<26x128xi32, #tpu.memory_space<vmem>>, vector<1x16xi32>,
    %swap3A_1353 = vector.shape_cast %swap3A_1352 : vector<1x16xi32> to vector<16xi32>
    %swap3A_1354 = vector.shape_cast %add3A_1348 : vector<16xi32> to vector<1x16xi32>
    tpu.vector_store %arg6[%swap3A_1350, %swap3A_1351], %swap3A_1354 {strides = array<i32>} : memref<26x128xi32, #tpu.memory_space<vmem>>, vector<1x16xi32>,
    %get3A_1355 = arith.constant 11 : i32
    %get3A_1356 = arith.index_cast %get3A_1355 : i32 to index
    %get3A_1357 = arith.constant 32 : index
    %get3A_1358 = tpu.vector_load %arg6[%get3A_1356, %get3A_1357] {strides = array<i32>} : memref<26x128xi32, #tpu.memory_space<vmem>>, vector<1x16xi32>,
    %get3A_1359 = vector.shape_cast %get3A_1358 : vector<1x16xi32> to vector<16xi32>
    %add3A_1360 = arith.constant 1100000 : i32
    %add3A_1361 = vector.broadcast %add3A_1360 : i32 to vector<16xi32>
    %add3A_1362 = arith.addi %get3A_1359, %add3A_1361 : vector<16xi32>
    %swap3A_1363 = arith.constant 11 : i32
    %swap3A_1364 = arith.index_cast %swap3A_1363 : i32 to index
    %swap3A_1365 = arith.constant 32 : index
    %swap3A_1366 = tpu.vector_load %arg6[%swap3A_1364, %swap3A_1365] {strides = array<i32>} : memref<26x128xi32, #tpu.memory_space<vmem>>, vector<1x16xi32>,
    %swap3A_1367 = vector.shape_cast %swap3A_1366 : vector<1x16xi32> to vector<16xi32>
    %swap3A_1368 = vector.shape_cast %add3A_1362 : vector<16xi32> to vector<1x16xi32>
    tpu.vector_store %arg6[%swap3A_1364, %swap3A_1365], %swap3A_1368 {strides = array<i32>} : memref<26x128xi32, #tpu.memory_space<vmem>>, vector<1x16xi32>,
    %get3A_1369 = arith.constant 11 : i32
    %get3A_1370 = arith.index_cast %get3A_1369 : i32 to index
    %get3A_1371 = arith.constant 48 : index
    %get3A_1372 = tpu.vector_load %arg6[%get3A_1370, %get3A_1371] {strides = array<i32>} : memref<26x128xi32, #tpu.memory_space<vmem>>, vector<1x16xi32>,
    %get3A_1373 = vector.shape_cast %get3A_1372 : vector<1x16xi32> to vector<16xi32>
    %add3A_1374 = arith.constant 1100000 : i32
    %add3A_1375 = vector.broadcast %add3A_1374 : i32 to vector<16xi32>
    %add3A_1376 = arith.addi %get3A_1373, %add3A_1375 : vector<16xi32>
    %swap3A_1377 = arith.constant 11 : i32
    %swap3A_1378 = arith.index_cast %swap3A_1377 : i32 to index
    %swap3A_1379 = arith.constant 48 : index
    %swap3A_1380 = tpu.vector_load %arg6[%swap3A_1378, %swap3A_1379] {strides = array<i32>} : memref<26x128xi32, #tpu.memory_space<vmem>>, vector<1x16xi32>,
    %swap3A_1381 = vector.shape_cast %swap3A_1380 : vector<1x16xi32> to vector<16xi32>
    %swap3A_1382 = vector.shape_cast %add3A_1376 : vector<16xi32> to vector<1x16xi32>
    tpu.vector_store %arg6[%swap3A_1378, %swap3A_1379], %swap3A_1382 {strides = array<i32>} : memref<26x128xi32, #tpu.memory_space<vmem>>, vector<1x16xi32>,
    %get3A_1383 = arith.constant 11 : i32
    %get3A_1384 = arith.index_cast %get3A_1383 : i32 to index
    %get3A_1385 = arith.constant 64 : index
    %get3A_1386 = tpu.vector_load %arg6[%get3A_1384, %get3A_1385] {strides = array<i32>} : memref<26x128xi32, #tpu.memory_space<vmem>>, vector<1x16xi32>,
    %get3A_1387 = vector.shape_cast %get3A_1386 : vector<1x16xi32> to vector<16xi32>
    %add3A_1388 = arith.constant 1100000 : i32
    %add3A_1389 = vector.broadcast %add3A_1388 : i32 to vector<16xi32>
    %add3A_1390 = arith.addi %get3A_1387, %add3A_1389 : vector<16xi32>
    %swap3A_1391 = arith.constant 11 : i32
    %swap3A_1392 = arith.index_cast %swap3A_1391 : i32 to index
    %swap3A_1393 = arith.constant 64 : index
    %swap3A_1394 = tpu.vector_load %arg6[%swap3A_1392, %swap3A_1393] {strides = array<i32>} : memref<26x128xi32, #tpu.memory_space<vmem>>, vector<1x16xi32>,
    %swap3A_1395 = vector.shape_cast %swap3A_1394 : vector<1x16xi32> to vector<16xi32>
    %swap3A_1396 = vector.shape_cast %add3A_1390 : vector<16xi32> to vector<1x16xi32>
    tpu.vector_store %arg6[%swap3A_1392, %swap3A_1393], %swap3A_1396 {strides = array<i32>} : memref<26x128xi32, #tpu.memory_space<vmem>>, vector<1x16xi32>,
    %get3A_1397 = arith.constant 11 : i32
    %get3A_1398 = arith.index_cast %get3A_1397 : i32 to index
    %get3A_1399 = arith.constant 80 : index
    %get3A_1400 = tpu.vector_load %arg6[%get3A_1398, %get3A_1399] {strides = array<i32>} : memref<26x128xi32, #tpu.memory_space<vmem>>, vector<1x16xi32>,
    %get3A_1401 = vector.shape_cast %get3A_1400 : vector<1x16xi32> to vector<16xi32>
    %add3A_1402 = arith.constant 1100000 : i32
    %add3A_1403 = vector.broadcast %add3A_1402 : i32 to vector<16xi32>
    %add3A_1404 = arith.addi %get3A_1401, %add3A_1403 : vector<16xi32>
    %swap3A_1405 = arith.constant 11 : i32
    %swap3A_1406 = arith.index_cast %swap3A_1405 : i32 to index
    %swap3A_1407 = arith.constant 80 : index
    %swap3A_1408 = tpu.vector_load %arg6[%swap3A_1406, %swap3A_1407] {strides = array<i32>} : memref<26x128xi32, #tpu.memory_space<vmem>>, vector<1x16xi32>,
    %swap3A_1409 = vector.shape_cast %swap3A_1408 : vector<1x16xi32> to vector<16xi32>
    %swap3A_1410 = vector.shape_cast %add3A_1404 : vector<16xi32> to vector<1x16xi32>
    tpu.vector_store %arg6[%swap3A_1406, %swap3A_1407], %swap3A_1410 {strides = array<i32>} : memref<26x128xi32, #tpu.memory_space<vmem>>, vector<1x16xi32>,
    %get3A_1411 = arith.constant 11 : i32
    %get3A_1412 = arith.index_cast %get3A_1411 : i32 to index
    %get3A_1413 = arith.constant 96 : index
    %get3A_1414 = tpu.vector_load %arg6[%get3A_1412, %get3A_1413] {strides = array<i32>} : memref<26x128xi32, #tpu.memory_space<vmem>>, vector<1x16xi32>,
    %get3A_1415 = vector.shape_cast %get3A_1414 : vector<1x16xi32> to vector<16xi32>
    %add3A_1416 = arith.constant 1100000 : i32
    %add3A_1417 = vector.broadcast %add3A_1416 : i32 to vector<16xi32>
    %add3A_1418 = arith.addi %get3A_1415, %add3A_1417 : vector<16xi32>
    %swap3A_1419 = arith.constant 11 : i32
    %swap3A_1420 = arith.index_cast %swap3A_1419 : i32 to index
    %swap3A_1421 = arith.constant 96 : index
    %swap3A_1422 = tpu.vector_load %arg6[%swap3A_1420, %swap3A_1421] {strides = array<i32>} : memref<26x128xi32, #tpu.memory_space<vmem>>, vector<1x16xi32>,
    %swap3A_1423 = vector.shape_cast %swap3A_1422 : vector<1x16xi32> to vector<16xi32>
    %swap3A_1424 = vector.shape_cast %add3A_1418 : vector<16xi32> to vector<1x16xi32>
    tpu.vector_store %arg6[%swap3A_1420, %swap3A_1421], %swap3A_1424 {strides = array<i32>} : memref<26x128xi32, #tpu.memory_space<vmem>>, vector<1x16xi32>,
    %get3A_1425 = arith.constant 11 : i32
    %get3A_1426 = arith.index_cast %get3A_1425 : i32 to index
    %get3A_1427 = arith.constant 112 : index
    %get3A_1428 = tpu.vector_load %arg6[%get3A_1426, %get3A_1427] {strides = array<i32>} : memref<26x128xi32, #tpu.memory_space<vmem>>, vector<1x16xi32>,
    %get3A_1429 = vector.shape_cast %get3A_1428 : vector<1x16xi32> to vector<16xi32>
    %add3A_1430 = arith.constant 1100000 : i32
    %add3A_1431 = vector.broadcast %add3A_1430 : i32 to vector<16xi32>
    %add3A_1432 = arith.addi %get3A_1429, %add3A_1431 : vector<16xi32>
    %swap3A_1433 = arith.constant 11 : i32
    %swap3A_1434 = arith.index_cast %swap3A_1433 : i32 to index
    %swap3A_1435 = arith.constant 112 : index
    %swap3A_1436 = tpu.vector_load %arg6[%swap3A_1434, %swap3A_1435] {strides = array<i32>} : memref<26x128xi32, #tpu.memory_space<vmem>>, vector<1x16xi32>,
    %swap3A_1437 = vector.shape_cast %swap3A_1436 : vector<1x16xi32> to vector<16xi32>
    %swap3A_1438 = vector.shape_cast %add3A_1432 : vector<16xi32> to vector<1x16xi32>
    tpu.vector_store %arg6[%swap3A_1434, %swap3A_1435], %swap3A_1438 {strides = array<i32>} : memref<26x128xi32, #tpu.memory_space<vmem>>, vector<1x16xi32>,
    %dma_start3A_1439 = arith.constant 11 : i32
    %dma_start3A_1440 = arith.constant 1408 : i32
    %dma_start3A_1441 = tpu.memref_slice %arg7[%dma_start3A_1440] : memref<3328xf32, #tpu.memory_space<vmem>> -> memref<128xf32, #tpu.memory_space<vmem>>
    %dma_start3A_1442 = arith.constant 0 : i32
    %dma_start3A_1443 = tpu.memref_slice %arg6[%dma_start3A_1439, %dma_start3A_1442] : memref<26x128xi32, #tpu.memory_space<vmem>> -> memref<1x128xi32, #tpu.memory_space<vmem>>
    %dma_start3A_1444 = tpu.memref_squeeze %dma_start3A_1443 : memref<1x128xi32, #tpu.memory_space<vmem>> -> memref<128xi32, #tpu.memory_space<vmem>>
    %dma_start3A_1445 = arith.constant 0 : i32
    %dma_start3A_1446 = tpu.memref_slice %arg3[%dma_start3A_1445] : memref<2600000xf32, #tpu.memory_space<hbm>> -> memref<2600000xf32, #tpu.memory_space<hbm>>
    tpu.enqueue_indirect_dma source(%dma_start3A_1446 : memref<2600000xf32, #tpu.memory_space<hbm>>) target(%dma_start3A_1441 : memref<128xf32, #tpu.memory_space<vmem>>) offsets(%dma_start3A_1444 : memref<128xi32, #tpu.memory_space<vmem>>) semaphore(%arg11 : memref<!tpu.dma_semaphore, #tpu.memory_space<semaphore_mem>>)
    %get3A_1447 = arith.constant 12 : i32
    %get3A_1448 = arith.index_cast %get3A_1447 : i32 to index
    %get3A_1449 = arith.constant 0 : index
    %get3A_1450 = tpu.vector_load %arg6[%get3A_1448, %get3A_1449] {strides = array<i32>} : memref<26x128xi32, #tpu.memory_space<vmem>>, vector<1x16xi32>,
    %get3A_1451 = vector.shape_cast %get3A_1450 : vector<1x16xi32> to vector<16xi32>
    %add3A_1452 = arith.constant 1200000 : i32
    %add3A_1453 = vector.broadcast %add3A_1452 : i32 to vector<16xi32>
    %add3A_1454 = arith.addi %get3A_1451, %add3A_1453 : vector<16xi32>
    %swap3A_1455 = arith.constant 12 : i32
    %swap3A_1456 = arith.index_cast %swap3A_1455 : i32 to index
    %swap3A_1457 = arith.constant 0 : index
    %swap3A_1458 = tpu.vector_load %arg6[%swap3A_1456, %swap3A_1457] {strides = array<i32>} : memref<26x128xi32, #tpu.memory_space<vmem>>, vector<1x16xi32>,
    %swap3A_1459 = vector.shape_cast %swap3A_1458 : vector<1x16xi32> to vector<16xi32>
    %swap3A_1460 = vector.shape_cast %add3A_1454 : vector<16xi32> to vector<1x16xi32>
    tpu.vector_store %arg6[%swap3A_1456, %swap3A_1457], %swap3A_1460 {strides = array<i32>} : memref<26x128xi32, #tpu.memory_space<vmem>>, vector<1x16xi32>,
    %get3A_1461 = arith.constant 12 : i32
    %get3A_1462 = arith.index_cast %get3A_1461 : i32 to index
    %get3A_1463 = arith.constant 16 : index
    %get3A_1464 = tpu.vector_load %arg6[%get3A_1462, %get3A_1463] {strides = array<i32>} : memref<26x128xi32, #tpu.memory_space<vmem>>, vector<1x16xi32>,
    %get3A_1465 = vector.shape_cast %get3A_1464 : vector<1x16xi32> to vector<16xi32>
    %add3A_1466 = arith.constant 1200000 : i32
    %add3A_1467 = vector.broadcast %add3A_1466 : i32 to vector<16xi32>
    %add3A_1468 = arith.addi %get3A_1465, %add3A_1467 : vector<16xi32>
    %swap3A_1469 = arith.constant 12 : i32
    %swap3A_1470 = arith.index_cast %swap3A_1469 : i32 to index
    %swap3A_1471 = arith.constant 16 : index
    %swap3A_1472 = tpu.vector_load %arg6[%swap3A_1470, %swap3A_1471] {strides = array<i32>} : memref<26x128xi32, #tpu.memory_space<vmem>>, vector<1x16xi32>,
    %swap3A_1473 = vector.shape_cast %swap3A_1472 : vector<1x16xi32> to vector<16xi32>
    %swap3A_1474 = vector.shape_cast %add3A_1468 : vector<16xi32> to vector<1x16xi32>
    tpu.vector_store %arg6[%swap3A_1470, %swap3A_1471], %swap3A_1474 {strides = array<i32>} : memref<26x128xi32, #tpu.memory_space<vmem>>, vector<1x16xi32>,
    %get3A_1475 = arith.constant 12 : i32
    %get3A_1476 = arith.index_cast %get3A_1475 : i32 to index
    %get3A_1477 = arith.constant 32 : index
    %get3A_1478 = tpu.vector_load %arg6[%get3A_1476, %get3A_1477] {strides = array<i32>} : memref<26x128xi32, #tpu.memory_space<vmem>>, vector<1x16xi32>,
    %get3A_1479 = vector.shape_cast %get3A_1478 : vector<1x16xi32> to vector<16xi32>
    %add3A_1480 = arith.constant 1200000 : i32
    %add3A_1481 = vector.broadcast %add3A_1480 : i32 to vector<16xi32>
    %add3A_1482 = arith.addi %get3A_1479, %add3A_1481 : vector<16xi32>
    %swap3A_1483 = arith.constant 12 : i32
    %swap3A_1484 = arith.index_cast %swap3A_1483 : i32 to index
    %swap3A_1485 = arith.constant 32 : index
    %swap3A_1486 = tpu.vector_load %arg6[%swap3A_1484, %swap3A_1485] {strides = array<i32>} : memref<26x128xi32, #tpu.memory_space<vmem>>, vector<1x16xi32>,
    %swap3A_1487 = vector.shape_cast %swap3A_1486 : vector<1x16xi32> to vector<16xi32>
    %swap3A_1488 = vector.shape_cast %add3A_1482 : vector<16xi32> to vector<1x16xi32>
    tpu.vector_store %arg6[%swap3A_1484, %swap3A_1485], %swap3A_1488 {strides = array<i32>} : memref<26x128xi32, #tpu.memory_space<vmem>>, vector<1x16xi32>,
    %get3A_1489 = arith.constant 12 : i32
    %get3A_1490 = arith.index_cast %get3A_1489 : i32 to index
    %get3A_1491 = arith.constant 48 : index
    %get3A_1492 = tpu.vector_load %arg6[%get3A_1490, %get3A_1491] {strides = array<i32>} : memref<26x128xi32, #tpu.memory_space<vmem>>, vector<1x16xi32>,
    %get3A_1493 = vector.shape_cast %get3A_1492 : vector<1x16xi32> to vector<16xi32>
    %add3A_1494 = arith.constant 1200000 : i32
    %add3A_1495 = vector.broadcast %add3A_1494 : i32 to vector<16xi32>
    %add3A_1496 = arith.addi %get3A_1493, %add3A_1495 : vector<16xi32>
    %swap3A_1497 = arith.constant 12 : i32
    %swap3A_1498 = arith.index_cast %swap3A_1497 : i32 to index
    %swap3A_1499 = arith.constant 48 : index
    %swap3A_1500 = tpu.vector_load %arg6[%swap3A_1498, %swap3A_1499] {strides = array<i32>} : memref<26x128xi32, #tpu.memory_space<vmem>>, vector<1x16xi32>,
    %swap3A_1501 = vector.shape_cast %swap3A_1500 : vector<1x16xi32> to vector<16xi32>
    %swap3A_1502 = vector.shape_cast %add3A_1496 : vector<16xi32> to vector<1x16xi32>
    tpu.vector_store %arg6[%swap3A_1498, %swap3A_1499], %swap3A_1502 {strides = array<i32>} : memref<26x128xi32, #tpu.memory_space<vmem>>, vector<1x16xi32>,
    %get3A_1503 = arith.constant 12 : i32
    %get3A_1504 = arith.index_cast %get3A_1503 : i32 to index
    %get3A_1505 = arith.constant 64 : index
    %get3A_1506 = tpu.vector_load %arg6[%get3A_1504, %get3A_1505] {strides = array<i32>} : memref<26x128xi32, #tpu.memory_space<vmem>>, vector<1x16xi32>,
    %get3A_1507 = vector.shape_cast %get3A_1506 : vector<1x16xi32> to vector<16xi32>
    %add3A_1508 = arith.constant 1200000 : i32
    %add3A_1509 = vector.broadcast %add3A_1508 : i32 to vector<16xi32>
    %add3A_1510 = arith.addi %get3A_1507, %add3A_1509 : vector<16xi32>
    %swap3A_1511 = arith.constant 12 : i32
    %swap3A_1512 = arith.index_cast %swap3A_1511 : i32 to index
    %swap3A_1513 = arith.constant 64 : index
    %swap3A_1514 = tpu.vector_load %arg6[%swap3A_1512, %swap3A_1513] {strides = array<i32>} : memref<26x128xi32, #tpu.memory_space<vmem>>, vector<1x16xi32>,
    %swap3A_1515 = vector.shape_cast %swap3A_1514 : vector<1x16xi32> to vector<16xi32>
    %swap3A_1516 = vector.shape_cast %add3A_1510 : vector<16xi32> to vector<1x16xi32>
    tpu.vector_store %arg6[%swap3A_1512, %swap3A_1513], %swap3A_1516 {strides = array<i32>} : memref<26x128xi32, #tpu.memory_space<vmem>>, vector<1x16xi32>,
    %get3A_1517 = arith.constant 12 : i32
    %get3A_1518 = arith.index_cast %get3A_1517 : i32 to index
    %get3A_1519 = arith.constant 80 : index
    %get3A_1520 = tpu.vector_load %arg6[%get3A_1518, %get3A_1519] {strides = array<i32>} : memref<26x128xi32, #tpu.memory_space<vmem>>, vector<1x16xi32>,
    %get3A_1521 = vector.shape_cast %get3A_1520 : vector<1x16xi32> to vector<16xi32>
    %add3A_1522 = arith.constant 1200000 : i32
    %add3A_1523 = vector.broadcast %add3A_1522 : i32 to vector<16xi32>
    %add3A_1524 = arith.addi %get3A_1521, %add3A_1523 : vector<16xi32>
    %swap3A_1525 = arith.constant 12 : i32
    %swap3A_1526 = arith.index_cast %swap3A_1525 : i32 to index
    %swap3A_1527 = arith.constant 80 : index
    %swap3A_1528 = tpu.vector_load %arg6[%swap3A_1526, %swap3A_1527] {strides = array<i32>} : memref<26x128xi32, #tpu.memory_space<vmem>>, vector<1x16xi32>,
    %swap3A_1529 = vector.shape_cast %swap3A_1528 : vector<1x16xi32> to vector<16xi32>
    %swap3A_1530 = vector.shape_cast %add3A_1524 : vector<16xi32> to vector<1x16xi32>
    tpu.vector_store %arg6[%swap3A_1526, %swap3A_1527], %swap3A_1530 {strides = array<i32>} : memref<26x128xi32, #tpu.memory_space<vmem>>, vector<1x16xi32>,
    %get3A_1531 = arith.constant 12 : i32
    %get3A_1532 = arith.index_cast %get3A_1531 : i32 to index
    %get3A_1533 = arith.constant 96 : index
    %get3A_1534 = tpu.vector_load %arg6[%get3A_1532, %get3A_1533] {strides = array<i32>} : memref<26x128xi32, #tpu.memory_space<vmem>>, vector<1x16xi32>,
    %get3A_1535 = vector.shape_cast %get3A_1534 : vector<1x16xi32> to vector<16xi32>
    %add3A_1536 = arith.constant 1200000 : i32
    %add3A_1537 = vector.broadcast %add3A_1536 : i32 to vector<16xi32>
    %add3A_1538 = arith.addi %get3A_1535, %add3A_1537 : vector<16xi32>
    %swap3A_1539 = arith.constant 12 : i32
    %swap3A_1540 = arith.index_cast %swap3A_1539 : i32 to index
    %swap3A_1541 = arith.constant 96 : index
    %swap3A_1542 = tpu.vector_load %arg6[%swap3A_1540, %swap3A_1541] {strides = array<i32>} : memref<26x128xi32, #tpu.memory_space<vmem>>, vector<1x16xi32>,
    %swap3A_1543 = vector.shape_cast %swap3A_1542 : vector<1x16xi32> to vector<16xi32>
    %swap3A_1544 = vector.shape_cast %add3A_1538 : vector<16xi32> to vector<1x16xi32>
    tpu.vector_store %arg6[%swap3A_1540, %swap3A_1541], %swap3A_1544 {strides = array<i32>} : memref<26x128xi32, #tpu.memory_space<vmem>>, vector<1x16xi32>,
    %get3A_1545 = arith.constant 12 : i32
    %get3A_1546 = arith.index_cast %get3A_1545 : i32 to index
    %get3A_1547 = arith.constant 112 : index
    %get3A_1548 = tpu.vector_load %arg6[%get3A_1546, %get3A_1547] {strides = array<i32>} : memref<26x128xi32, #tpu.memory_space<vmem>>, vector<1x16xi32>,
    %get3A_1549 = vector.shape_cast %get3A_1548 : vector<1x16xi32> to vector<16xi32>
    %add3A_1550 = arith.constant 1200000 : i32
    %add3A_1551 = vector.broadcast %add3A_1550 : i32 to vector<16xi32>
    %add3A_1552 = arith.addi %get3A_1549, %add3A_1551 : vector<16xi32>
    %swap3A_1553 = arith.constant 12 : i32
    %swap3A_1554 = arith.index_cast %swap3A_1553 : i32 to index
    %swap3A_1555 = arith.constant 112 : index
    %swap3A_1556 = tpu.vector_load %arg6[%swap3A_1554, %swap3A_1555] {strides = array<i32>} : memref<26x128xi32, #tpu.memory_space<vmem>>, vector<1x16xi32>,
    %swap3A_1557 = vector.shape_cast %swap3A_1556 : vector<1x16xi32> to vector<16xi32>
    %swap3A_1558 = vector.shape_cast %add3A_1552 : vector<16xi32> to vector<1x16xi32>
    tpu.vector_store %arg6[%swap3A_1554, %swap3A_1555], %swap3A_1558 {strides = array<i32>} : memref<26x128xi32, #tpu.memory_space<vmem>>, vector<1x16xi32>,
    %dma_start3A_1559 = arith.constant 12 : i32
    %dma_start3A_1560 = arith.constant 1536 : i32
    %dma_start3A_1561 = tpu.memref_slice %arg7[%dma_start3A_1560] : memref<3328xf32, #tpu.memory_space<vmem>> -> memref<128xf32, #tpu.memory_space<vmem>>
    %dma_start3A_1562 = arith.constant 0 : i32
    %dma_start3A_1563 = tpu.memref_slice %arg6[%dma_start3A_1559, %dma_start3A_1562] : memref<26x128xi32, #tpu.memory_space<vmem>> -> memref<1x128xi32, #tpu.memory_space<vmem>>
    %dma_start3A_1564 = tpu.memref_squeeze %dma_start3A_1563 : memref<1x128xi32, #tpu.memory_space<vmem>> -> memref<128xi32, #tpu.memory_space<vmem>>
    %dma_start3A_1565 = arith.constant 0 : i32
    %dma_start3A_1566 = tpu.memref_slice %arg3[%dma_start3A_1565] : memref<2600000xf32, #tpu.memory_space<hbm>> -> memref<2600000xf32, #tpu.memory_space<hbm>>
    tpu.enqueue_indirect_dma source(%dma_start3A_1566 : memref<2600000xf32, #tpu.memory_space<hbm>>) target(%dma_start3A_1561 : memref<128xf32, #tpu.memory_space<vmem>>) offsets(%dma_start3A_1564 : memref<128xi32, #tpu.memory_space<vmem>>) semaphore(%arg11 : memref<!tpu.dma_semaphore, #tpu.memory_space<semaphore_mem>>)
    %get3A_1567 = arith.constant 13 : i32
    %get3A_1568 = arith.index_cast %get3A_1567 : i32 to index
    %get3A_1569 = arith.constant 0 : index
    %get3A_1570 = tpu.vector_load %arg6[%get3A_1568, %get3A_1569] {strides = array<i32>} : memref<26x128xi32, #tpu.memory_space<vmem>>, vector<1x16xi32>,
    %get3A_1571 = vector.shape_cast %get3A_1570 : vector<1x16xi32> to vector<16xi32>
    %add3A_1572 = arith.constant 1300000 : i32
    %add3A_1573 = vector.broadcast %add3A_1572 : i32 to vector<16xi32>
    %add3A_1574 = arith.addi %get3A_1571, %add3A_1573 : vector<16xi32>
    %swap3A_1575 = arith.constant 13 : i32
    %swap3A_1576 = arith.index_cast %swap3A_1575 : i32 to index
    %swap3A_1577 = arith.constant 0 : index
    %swap3A_1578 = tpu.vector_load %arg6[%swap3A_1576, %swap3A_1577] {strides = array<i32>} : memref<26x128xi32, #tpu.memory_space<vmem>>, vector<1x16xi32>,
    %swap3A_1579 = vector.shape_cast %swap3A_1578 : vector<1x16xi32> to vector<16xi32>
    %swap3A_1580 = vector.shape_cast %add3A_1574 : vector<16xi32> to vector<1x16xi32>
    tpu.vector_store %arg6[%swap3A_1576, %swap3A_1577], %swap3A_1580 {strides = array<i32>} : memref<26x128xi32, #tpu.memory_space<vmem>>, vector<1x16xi32>,
    %get3A_1581 = arith.constant 13 : i32
    %get3A_1582 = arith.index_cast %get3A_1581 : i32 to index
    %get3A_1583 = arith.constant 16 : index
    %get3A_1584 = tpu.vector_load %arg6[%get3A_1582, %get3A_1583] {strides = array<i32>} : memref<26x128xi32, #tpu.memory_space<vmem>>, vector<1x16xi32>,
    %get3A_1585 = vector.shape_cast %get3A_1584 : vector<1x16xi32> to vector<16xi32>
    %add3A_1586 = arith.constant 1300000 : i32
    %add3A_1587 = vector.broadcast %add3A_1586 : i32 to vector<16xi32>
    %add3A_1588 = arith.addi %get3A_1585, %add3A_1587 : vector<16xi32>
    %swap3A_1589 = arith.constant 13 : i32
    %swap3A_1590 = arith.index_cast %swap3A_1589 : i32 to index
    %swap3A_1591 = arith.constant 16 : index
    %swap3A_1592 = tpu.vector_load %arg6[%swap3A_1590, %swap3A_1591] {strides = array<i32>} : memref<26x128xi32, #tpu.memory_space<vmem>>, vector<1x16xi32>,
    %swap3A_1593 = vector.shape_cast %swap3A_1592 : vector<1x16xi32> to vector<16xi32>
    %swap3A_1594 = vector.shape_cast %add3A_1588 : vector<16xi32> to vector<1x16xi32>
    tpu.vector_store %arg6[%swap3A_1590, %swap3A_1591], %swap3A_1594 {strides = array<i32>} : memref<26x128xi32, #tpu.memory_space<vmem>>, vector<1x16xi32>,
    %get3A_1595 = arith.constant 13 : i32
    %get3A_1596 = arith.index_cast %get3A_1595 : i32 to index
    %get3A_1597 = arith.constant 32 : index
    %get3A_1598 = tpu.vector_load %arg6[%get3A_1596, %get3A_1597] {strides = array<i32>} : memref<26x128xi32, #tpu.memory_space<vmem>>, vector<1x16xi32>,
    %get3A_1599 = vector.shape_cast %get3A_1598 : vector<1x16xi32> to vector<16xi32>
    %add3A_1600 = arith.constant 1300000 : i32
    %add3A_1601 = vector.broadcast %add3A_1600 : i32 to vector<16xi32>
    %add3A_1602 = arith.addi %get3A_1599, %add3A_1601 : vector<16xi32>
    %swap3A_1603 = arith.constant 13 : i32
    %swap3A_1604 = arith.index_cast %swap3A_1603 : i32 to index
    %swap3A_1605 = arith.constant 32 : index
    %swap3A_1606 = tpu.vector_load %arg6[%swap3A_1604, %swap3A_1605] {strides = array<i32>} : memref<26x128xi32, #tpu.memory_space<vmem>>, vector<1x16xi32>,
    %swap3A_1607 = vector.shape_cast %swap3A_1606 : vector<1x16xi32> to vector<16xi32>
    %swap3A_1608 = vector.shape_cast %add3A_1602 : vector<16xi32> to vector<1x16xi32>
    tpu.vector_store %arg6[%swap3A_1604, %swap3A_1605], %swap3A_1608 {strides = array<i32>} : memref<26x128xi32, #tpu.memory_space<vmem>>, vector<1x16xi32>,
    %get3A_1609 = arith.constant 13 : i32
    %get3A_1610 = arith.index_cast %get3A_1609 : i32 to index
    %get3A_1611 = arith.constant 48 : index
    %get3A_1612 = tpu.vector_load %arg6[%get3A_1610, %get3A_1611] {strides = array<i32>} : memref<26x128xi32, #tpu.memory_space<vmem>>, vector<1x16xi32>,
    %get3A_1613 = vector.shape_cast %get3A_1612 : vector<1x16xi32> to vector<16xi32>
    %add3A_1614 = arith.constant 1300000 : i32
    %add3A_1615 = vector.broadcast %add3A_1614 : i32 to vector<16xi32>
    %add3A_1616 = arith.addi %get3A_1613, %add3A_1615 : vector<16xi32>
    %swap3A_1617 = arith.constant 13 : i32
    %swap3A_1618 = arith.index_cast %swap3A_1617 : i32 to index
    %swap3A_1619 = arith.constant 48 : index
    %swap3A_1620 = tpu.vector_load %arg6[%swap3A_1618, %swap3A_1619] {strides = array<i32>} : memref<26x128xi32, #tpu.memory_space<vmem>>, vector<1x16xi32>,
    %swap3A_1621 = vector.shape_cast %swap3A_1620 : vector<1x16xi32> to vector<16xi32>
    %swap3A_1622 = vector.shape_cast %add3A_1616 : vector<16xi32> to vector<1x16xi32>
    tpu.vector_store %arg6[%swap3A_1618, %swap3A_1619], %swap3A_1622 {strides = array<i32>} : memref<26x128xi32, #tpu.memory_space<vmem>>, vector<1x16xi32>,
    %get3A_1623 = arith.constant 13 : i32
    %get3A_1624 = arith.index_cast %get3A_1623 : i32 to index
    %get3A_1625 = arith.constant 64 : index
    %get3A_1626 = tpu.vector_load %arg6[%get3A_1624, %get3A_1625] {strides = array<i32>} : memref<26x128xi32, #tpu.memory_space<vmem>>, vector<1x16xi32>,
    %get3A_1627 = vector.shape_cast %get3A_1626 : vector<1x16xi32> to vector<16xi32>
    %add3A_1628 = arith.constant 1300000 : i32
    %add3A_1629 = vector.broadcast %add3A_1628 : i32 to vector<16xi32>
    %add3A_1630 = arith.addi %get3A_1627, %add3A_1629 : vector<16xi32>
    %swap3A_1631 = arith.constant 13 : i32
    %swap3A_1632 = arith.index_cast %swap3A_1631 : i32 to index
    %swap3A_1633 = arith.constant 64 : index
    %swap3A_1634 = tpu.vector_load %arg6[%swap3A_1632, %swap3A_1633] {strides = array<i32>} : memref<26x128xi32, #tpu.memory_space<vmem>>, vector<1x16xi32>,
    %swap3A_1635 = vector.shape_cast %swap3A_1634 : vector<1x16xi32> to vector<16xi32>
    %swap3A_1636 = vector.shape_cast %add3A_1630 : vector<16xi32> to vector<1x16xi32>
    tpu.vector_store %arg6[%swap3A_1632, %swap3A_1633], %swap3A_1636 {strides = array<i32>} : memref<26x128xi32, #tpu.memory_space<vmem>>, vector<1x16xi32>,
    %get3A_1637 = arith.constant 13 : i32
    %get3A_1638 = arith.index_cast %get3A_1637 : i32 to index
    %get3A_1639 = arith.constant 80 : index
    %get3A_1640 = tpu.vector_load %arg6[%get3A_1638, %get3A_1639] {strides = array<i32>} : memref<26x128xi32, #tpu.memory_space<vmem>>, vector<1x16xi32>,
    %get3A_1641 = vector.shape_cast %get3A_1640 : vector<1x16xi32> to vector<16xi32>
    %add3A_1642 = arith.constant 1300000 : i32
    %add3A_1643 = vector.broadcast %add3A_1642 : i32 to vector<16xi32>
    %add3A_1644 = arith.addi %get3A_1641, %add3A_1643 : vector<16xi32>
    %swap3A_1645 = arith.constant 13 : i32
    %swap3A_1646 = arith.index_cast %swap3A_1645 : i32 to index
    %swap3A_1647 = arith.constant 80 : index
    %swap3A_1648 = tpu.vector_load %arg6[%swap3A_1646, %swap3A_1647] {strides = array<i32>} : memref<26x128xi32, #tpu.memory_space<vmem>>, vector<1x16xi32>,
    %swap3A_1649 = vector.shape_cast %swap3A_1648 : vector<1x16xi32> to vector<16xi32>
    %swap3A_1650 = vector.shape_cast %add3A_1644 : vector<16xi32> to vector<1x16xi32>
    tpu.vector_store %arg6[%swap3A_1646, %swap3A_1647], %swap3A_1650 {strides = array<i32>} : memref<26x128xi32, #tpu.memory_space<vmem>>, vector<1x16xi32>,
    %get3A_1651 = arith.constant 13 : i32
    %get3A_1652 = arith.index_cast %get3A_1651 : i32 to index
    %get3A_1653 = arith.constant 96 : index
    %get3A_1654 = tpu.vector_load %arg6[%get3A_1652, %get3A_1653] {strides = array<i32>} : memref<26x128xi32, #tpu.memory_space<vmem>>, vector<1x16xi32>,
    %get3A_1655 = vector.shape_cast %get3A_1654 : vector<1x16xi32> to vector<16xi32>
    %add3A_1656 = arith.constant 1300000 : i32
    %add3A_1657 = vector.broadcast %add3A_1656 : i32 to vector<16xi32>
    %add3A_1658 = arith.addi %get3A_1655, %add3A_1657 : vector<16xi32>
    %swap3A_1659 = arith.constant 13 : i32
    %swap3A_1660 = arith.index_cast %swap3A_1659 : i32 to index
    %swap3A_1661 = arith.constant 96 : index
    %swap3A_1662 = tpu.vector_load %arg6[%swap3A_1660, %swap3A_1661] {strides = array<i32>} : memref<26x128xi32, #tpu.memory_space<vmem>>, vector<1x16xi32>,
    %swap3A_1663 = vector.shape_cast %swap3A_1662 : vector<1x16xi32> to vector<16xi32>
    %swap3A_1664 = vector.shape_cast %add3A_1658 : vector<16xi32> to vector<1x16xi32>
    tpu.vector_store %arg6[%swap3A_1660, %swap3A_1661], %swap3A_1664 {strides = array<i32>} : memref<26x128xi32, #tpu.memory_space<vmem>>, vector<1x16xi32>,
    %get3A_1665 = arith.constant 13 : i32
    %get3A_1666 = arith.index_cast %get3A_1665 : i32 to index
    %get3A_1667 = arith.constant 112 : index
    %get3A_1668 = tpu.vector_load %arg6[%get3A_1666, %get3A_1667] {strides = array<i32>} : memref<26x128xi32, #tpu.memory_space<vmem>>, vector<1x16xi32>,
    %get3A_1669 = vector.shape_cast %get3A_1668 : vector<1x16xi32> to vector<16xi32>
    %add3A_1670 = arith.constant 1300000 : i32
    %add3A_1671 = vector.broadcast %add3A_1670 : i32 to vector<16xi32>
    %add3A_1672 = arith.addi %get3A_1669, %add3A_1671 : vector<16xi32>
    %swap3A_1673 = arith.constant 13 : i32
    %swap3A_1674 = arith.index_cast %swap3A_1673 : i32 to index
    %swap3A_1675 = arith.constant 112 : index
    %swap3A_1676 = tpu.vector_load %arg6[%swap3A_1674, %swap3A_1675] {strides = array<i32>} : memref<26x128xi32, #tpu.memory_space<vmem>>, vector<1x16xi32>,
    %swap3A_1677 = vector.shape_cast %swap3A_1676 : vector<1x16xi32> to vector<16xi32>
    %swap3A_1678 = vector.shape_cast %add3A_1672 : vector<16xi32> to vector<1x16xi32>
    tpu.vector_store %arg6[%swap3A_1674, %swap3A_1675], %swap3A_1678 {strides = array<i32>} : memref<26x128xi32, #tpu.memory_space<vmem>>, vector<1x16xi32>,
    %dma_start3A_1679 = arith.constant 13 : i32
    %dma_start3A_1680 = arith.constant 1664 : i32
    %dma_start3A_1681 = tpu.memref_slice %arg7[%dma_start3A_1680] : memref<3328xf32, #tpu.memory_space<vmem>> -> memref<128xf32, #tpu.memory_space<vmem>>
    %dma_start3A_1682 = arith.constant 0 : i32
    %dma_start3A_1683 = tpu.memref_slice %arg6[%dma_start3A_1679, %dma_start3A_1682] : memref<26x128xi32, #tpu.memory_space<vmem>> -> memref<1x128xi32, #tpu.memory_space<vmem>>
    %dma_start3A_1684 = tpu.memref_squeeze %dma_start3A_1683 : memref<1x128xi32, #tpu.memory_space<vmem>> -> memref<128xi32, #tpu.memory_space<vmem>>
    %dma_start3A_1685 = arith.constant 0 : i32
    %dma_start3A_1686 = tpu.memref_slice %arg3[%dma_start3A_1685] : memref<2600000xf32, #tpu.memory_space<hbm>> -> memref<2600000xf32, #tpu.memory_space<hbm>>
    tpu.enqueue_indirect_dma source(%dma_start3A_1686 : memref<2600000xf32, #tpu.memory_space<hbm>>) target(%dma_start3A_1681 : memref<128xf32, #tpu.memory_space<vmem>>) offsets(%dma_start3A_1684 : memref<128xi32, #tpu.memory_space<vmem>>) semaphore(%arg11 : memref<!tpu.dma_semaphore, #tpu.memory_space<semaphore_mem>>)
    %get3A_1687 = arith.constant 14 : i32
    %get3A_1688 = arith.index_cast %get3A_1687 : i32 to index
    %get3A_1689 = arith.constant 0 : index
    %get3A_1690 = tpu.vector_load %arg6[%get3A_1688, %get3A_1689] {strides = array<i32>} : memref<26x128xi32, #tpu.memory_space<vmem>>, vector<1x16xi32>,
    %get3A_1691 = vector.shape_cast %get3A_1690 : vector<1x16xi32> to vector<16xi32>
    %add3A_1692 = arith.constant 1400000 : i32
    %add3A_1693 = vector.broadcast %add3A_1692 : i32 to vector<16xi32>
    %add3A_1694 = arith.addi %get3A_1691, %add3A_1693 : vector<16xi32>
    %swap3A_1695 = arith.constant 14 : i32
    %swap3A_1696 = arith.index_cast %swap3A_1695 : i32 to index
    %swap3A_1697 = arith.constant 0 : index
    %swap3A_1698 = tpu.vector_load %arg6[%swap3A_1696, %swap3A_1697] {strides = array<i32>} : memref<26x128xi32, #tpu.memory_space<vmem>>, vector<1x16xi32>,
    %swap3A_1699 = vector.shape_cast %swap3A_1698 : vector<1x16xi32> to vector<16xi32>
    %swap3A_1700 = vector.shape_cast %add3A_1694 : vector<16xi32> to vector<1x16xi32>
    tpu.vector_store %arg6[%swap3A_1696, %swap3A_1697], %swap3A_1700 {strides = array<i32>} : memref<26x128xi32, #tpu.memory_space<vmem>>, vector<1x16xi32>,
    %get3A_1701 = arith.constant 14 : i32
    %get3A_1702 = arith.index_cast %get3A_1701 : i32 to index
    %get3A_1703 = arith.constant 16 : index
    %get3A_1704 = tpu.vector_load %arg6[%get3A_1702, %get3A_1703] {strides = array<i32>} : memref<26x128xi32, #tpu.memory_space<vmem>>, vector<1x16xi32>,
    %get3A_1705 = vector.shape_cast %get3A_1704 : vector<1x16xi32> to vector<16xi32>
    %add3A_1706 = arith.constant 1400000 : i32
    %add3A_1707 = vector.broadcast %add3A_1706 : i32 to vector<16xi32>
    %add3A_1708 = arith.addi %get3A_1705, %add3A_1707 : vector<16xi32>
    %swap3A_1709 = arith.constant 14 : i32
    %swap3A_1710 = arith.index_cast %swap3A_1709 : i32 to index
    %swap3A_1711 = arith.constant 16 : index
    %swap3A_1712 = tpu.vector_load %arg6[%swap3A_1710, %swap3A_1711] {strides = array<i32>} : memref<26x128xi32, #tpu.memory_space<vmem>>, vector<1x16xi32>,
    %swap3A_1713 = vector.shape_cast %swap3A_1712 : vector<1x16xi32> to vector<16xi32>
    %swap3A_1714 = vector.shape_cast %add3A_1708 : vector<16xi32> to vector<1x16xi32>
    tpu.vector_store %arg6[%swap3A_1710, %swap3A_1711], %swap3A_1714 {strides = array<i32>} : memref<26x128xi32, #tpu.memory_space<vmem>>, vector<1x16xi32>,
    %get3A_1715 = arith.constant 14 : i32
    %get3A_1716 = arith.index_cast %get3A_1715 : i32 to index
    %get3A_1717 = arith.constant 32 : index
    %get3A_1718 = tpu.vector_load %arg6[%get3A_1716, %get3A_1717] {strides = array<i32>} : memref<26x128xi32, #tpu.memory_space<vmem>>, vector<1x16xi32>,
    %get3A_1719 = vector.shape_cast %get3A_1718 : vector<1x16xi32> to vector<16xi32>
    %add3A_1720 = arith.constant 1400000 : i32
    %add3A_1721 = vector.broadcast %add3A_1720 : i32 to vector<16xi32>
    %add3A_1722 = arith.addi %get3A_1719, %add3A_1721 : vector<16xi32>
    %swap3A_1723 = arith.constant 14 : i32
    %swap3A_1724 = arith.index_cast %swap3A_1723 : i32 to index
    %swap3A_1725 = arith.constant 32 : index
    %swap3A_1726 = tpu.vector_load %arg6[%swap3A_1724, %swap3A_1725] {strides = array<i32>} : memref<26x128xi32, #tpu.memory_space<vmem>>, vector<1x16xi32>,
    %swap3A_1727 = vector.shape_cast %swap3A_1726 : vector<1x16xi32> to vector<16xi32>
    %swap3A_1728 = vector.shape_cast %add3A_1722 : vector<16xi32> to vector<1x16xi32>
    tpu.vector_store %arg6[%swap3A_1724, %swap3A_1725], %swap3A_1728 {strides = array<i32>} : memref<26x128xi32, #tpu.memory_space<vmem>>, vector<1x16xi32>,
    %get3A_1729 = arith.constant 14 : i32
    %get3A_1730 = arith.index_cast %get3A_1729 : i32 to index
    %get3A_1731 = arith.constant 48 : index
    %get3A_1732 = tpu.vector_load %arg6[%get3A_1730, %get3A_1731] {strides = array<i32>} : memref<26x128xi32, #tpu.memory_space<vmem>>, vector<1x16xi32>,
    %get3A_1733 = vector.shape_cast %get3A_1732 : vector<1x16xi32> to vector<16xi32>
    %add3A_1734 = arith.constant 1400000 : i32
    %add3A_1735 = vector.broadcast %add3A_1734 : i32 to vector<16xi32>
    %add3A_1736 = arith.addi %get3A_1733, %add3A_1735 : vector<16xi32>
    %swap3A_1737 = arith.constant 14 : i32
    %swap3A_1738 = arith.index_cast %swap3A_1737 : i32 to index
    %swap3A_1739 = arith.constant 48 : index
    %swap3A_1740 = tpu.vector_load %arg6[%swap3A_1738, %swap3A_1739] {strides = array<i32>} : memref<26x128xi32, #tpu.memory_space<vmem>>, vector<1x16xi32>,
    %swap3A_1741 = vector.shape_cast %swap3A_1740 : vector<1x16xi32> to vector<16xi32>
    %swap3A_1742 = vector.shape_cast %add3A_1736 : vector<16xi32> to vector<1x16xi32>
    tpu.vector_store %arg6[%swap3A_1738, %swap3A_1739], %swap3A_1742 {strides = array<i32>} : memref<26x128xi32, #tpu.memory_space<vmem>>, vector<1x16xi32>,
    %get3A_1743 = arith.constant 14 : i32
    %get3A_1744 = arith.index_cast %get3A_1743 : i32 to index
    %get3A_1745 = arith.constant 64 : index
    %get3A_1746 = tpu.vector_load %arg6[%get3A_1744, %get3A_1745] {strides = array<i32>} : memref<26x128xi32, #tpu.memory_space<vmem>>, vector<1x16xi32>,
    %get3A_1747 = vector.shape_cast %get3A_1746 : vector<1x16xi32> to vector<16xi32>
    %add3A_1748 = arith.constant 1400000 : i32
    %add3A_1749 = vector.broadcast %add3A_1748 : i32 to vector<16xi32>
    %add3A_1750 = arith.addi %get3A_1747, %add3A_1749 : vector<16xi32>
    %swap3A_1751 = arith.constant 14 : i32
    %swap3A_1752 = arith.index_cast %swap3A_1751 : i32 to index
    %swap3A_1753 = arith.constant 64 : index
    %swap3A_1754 = tpu.vector_load %arg6[%swap3A_1752, %swap3A_1753] {strides = array<i32>} : memref<26x128xi32, #tpu.memory_space<vmem>>, vector<1x16xi32>,
    %swap3A_1755 = vector.shape_cast %swap3A_1754 : vector<1x16xi32> to vector<16xi32>
    %swap3A_1756 = vector.shape_cast %add3A_1750 : vector<16xi32> to vector<1x16xi32>
    tpu.vector_store %arg6[%swap3A_1752, %swap3A_1753], %swap3A_1756 {strides = array<i32>} : memref<26x128xi32, #tpu.memory_space<vmem>>, vector<1x16xi32>,
    %get3A_1757 = arith.constant 14 : i32
    %get3A_1758 = arith.index_cast %get3A_1757 : i32 to index
    %get3A_1759 = arith.constant 80 : index
    %get3A_1760 = tpu.vector_load %arg6[%get3A_1758, %get3A_1759] {strides = array<i32>} : memref<26x128xi32, #tpu.memory_space<vmem>>, vector<1x16xi32>,
    %get3A_1761 = vector.shape_cast %get3A_1760 : vector<1x16xi32> to vector<16xi32>
    %add3A_1762 = arith.constant 1400000 : i32
    %add3A_1763 = vector.broadcast %add3A_1762 : i32 to vector<16xi32>
    %add3A_1764 = arith.addi %get3A_1761, %add3A_1763 : vector<16xi32>
    %swap3A_1765 = arith.constant 14 : i32
    %swap3A_1766 = arith.index_cast %swap3A_1765 : i32 to index
    %swap3A_1767 = arith.constant 80 : index
    %swap3A_1768 = tpu.vector_load %arg6[%swap3A_1766, %swap3A_1767] {strides = array<i32>} : memref<26x128xi32, #tpu.memory_space<vmem>>, vector<1x16xi32>,
    %swap3A_1769 = vector.shape_cast %swap3A_1768 : vector<1x16xi32> to vector<16xi32>
    %swap3A_1770 = vector.shape_cast %add3A_1764 : vector<16xi32> to vector<1x16xi32>
    tpu.vector_store %arg6[%swap3A_1766, %swap3A_1767], %swap3A_1770 {strides = array<i32>} : memref<26x128xi32, #tpu.memory_space<vmem>>, vector<1x16xi32>,
    %get3A_1771 = arith.constant 14 : i32
    %get3A_1772 = arith.index_cast %get3A_1771 : i32 to index
    %get3A_1773 = arith.constant 96 : index
    %get3A_1774 = tpu.vector_load %arg6[%get3A_1772, %get3A_1773] {strides = array<i32>} : memref<26x128xi32, #tpu.memory_space<vmem>>, vector<1x16xi32>,
    %get3A_1775 = vector.shape_cast %get3A_1774 : vector<1x16xi32> to vector<16xi32>
    %add3A_1776 = arith.constant 1400000 : i32
    %add3A_1777 = vector.broadcast %add3A_1776 : i32 to vector<16xi32>
    %add3A_1778 = arith.addi %get3A_1775, %add3A_1777 : vector<16xi32>
    %swap3A_1779 = arith.constant 14 : i32
    %swap3A_1780 = arith.index_cast %swap3A_1779 : i32 to index
    %swap3A_1781 = arith.constant 96 : index
    %swap3A_1782 = tpu.vector_load %arg6[%swap3A_1780, %swap3A_1781] {strides = array<i32>} : memref<26x128xi32, #tpu.memory_space<vmem>>, vector<1x16xi32>,
    %swap3A_1783 = vector.shape_cast %swap3A_1782 : vector<1x16xi32> to vector<16xi32>
    %swap3A_1784 = vector.shape_cast %add3A_1778 : vector<16xi32> to vector<1x16xi32>
    tpu.vector_store %arg6[%swap3A_1780, %swap3A_1781], %swap3A_1784 {strides = array<i32>} : memref<26x128xi32, #tpu.memory_space<vmem>>, vector<1x16xi32>,
    %get3A_1785 = arith.constant 14 : i32
    %get3A_1786 = arith.index_cast %get3A_1785 : i32 to index
    %get3A_1787 = arith.constant 112 : index
    %get3A_1788 = tpu.vector_load %arg6[%get3A_1786, %get3A_1787] {strides = array<i32>} : memref<26x128xi32, #tpu.memory_space<vmem>>, vector<1x16xi32>,
    %get3A_1789 = vector.shape_cast %get3A_1788 : vector<1x16xi32> to vector<16xi32>
    %add3A_1790 = arith.constant 1400000 : i32
    %add3A_1791 = vector.broadcast %add3A_1790 : i32 to vector<16xi32>
    %add3A_1792 = arith.addi %get3A_1789, %add3A_1791 : vector<16xi32>
    %swap3A_1793 = arith.constant 14 : i32
    %swap3A_1794 = arith.index_cast %swap3A_1793 : i32 to index
    %swap3A_1795 = arith.constant 112 : index
    %swap3A_1796 = tpu.vector_load %arg6[%swap3A_1794, %swap3A_1795] {strides = array<i32>} : memref<26x128xi32, #tpu.memory_space<vmem>>, vector<1x16xi32>,
    %swap3A_1797 = vector.shape_cast %swap3A_1796 : vector<1x16xi32> to vector<16xi32>
    %swap3A_1798 = vector.shape_cast %add3A_1792 : vector<16xi32> to vector<1x16xi32>
    tpu.vector_store %arg6[%swap3A_1794, %swap3A_1795], %swap3A_1798 {strides = array<i32>} : memref<26x128xi32, #tpu.memory_space<vmem>>, vector<1x16xi32>,
    %dma_start3A_1799 = arith.constant 14 : i32
    %dma_start3A_1800 = arith.constant 1792 : i32
    %dma_start3A_1801 = tpu.memref_slice %arg7[%dma_start3A_1800] : memref<3328xf32, #tpu.memory_space<vmem>> -> memref<128xf32, #tpu.memory_space<vmem>>
    %dma_start3A_1802 = arith.constant 0 : i32
    %dma_start3A_1803 = tpu.memref_slice %arg6[%dma_start3A_1799, %dma_start3A_1802] : memref<26x128xi32, #tpu.memory_space<vmem>> -> memref<1x128xi32, #tpu.memory_space<vmem>>
    %dma_start3A_1804 = tpu.memref_squeeze %dma_start3A_1803 : memref<1x128xi32, #tpu.memory_space<vmem>> -> memref<128xi32, #tpu.memory_space<vmem>>
    %dma_start3A_1805 = arith.constant 0 : i32
    %dma_start3A_1806 = tpu.memref_slice %arg3[%dma_start3A_1805] : memref<2600000xf32, #tpu.memory_space<hbm>> -> memref<2600000xf32, #tpu.memory_space<hbm>>
    tpu.enqueue_indirect_dma source(%dma_start3A_1806 : memref<2600000xf32, #tpu.memory_space<hbm>>) target(%dma_start3A_1801 : memref<128xf32, #tpu.memory_space<vmem>>) offsets(%dma_start3A_1804 : memref<128xi32, #tpu.memory_space<vmem>>) semaphore(%arg11 : memref<!tpu.dma_semaphore, #tpu.memory_space<semaphore_mem>>)
    %get3A_1807 = arith.constant 15 : i32
    %get3A_1808 = arith.index_cast %get3A_1807 : i32 to index
    %get3A_1809 = arith.constant 0 : index
    %get3A_1810 = tpu.vector_load %arg6[%get3A_1808, %get3A_1809] {strides = array<i32>} : memref<26x128xi32, #tpu.memory_space<vmem>>, vector<1x16xi32>,
    %get3A_1811 = vector.shape_cast %get3A_1810 : vector<1x16xi32> to vector<16xi32>
    %add3A_1812 = arith.constant 1500000 : i32
    %add3A_1813 = vector.broadcast %add3A_1812 : i32 to vector<16xi32>
    %add3A_1814 = arith.addi %get3A_1811, %add3A_1813 : vector<16xi32>
    %swap3A_1815 = arith.constant 15 : i32
    %swap3A_1816 = arith.index_cast %swap3A_1815 : i32 to index
    %swap3A_1817 = arith.constant 0 : index
    %swap3A_1818 = tpu.vector_load %arg6[%swap3A_1816, %swap3A_1817] {strides = array<i32>} : memref<26x128xi32, #tpu.memory_space<vmem>>, vector<1x16xi32>,
    %swap3A_1819 = vector.shape_cast %swap3A_1818 : vector<1x16xi32> to vector<16xi32>
    %swap3A_1820 = vector.shape_cast %add3A_1814 : vector<16xi32> to vector<1x16xi32>
    tpu.vector_store %arg6[%swap3A_1816, %swap3A_1817], %swap3A_1820 {strides = array<i32>} : memref<26x128xi32, #tpu.memory_space<vmem>>, vector<1x16xi32>,
    %get3A_1821 = arith.constant 15 : i32
    %get3A_1822 = arith.index_cast %get3A_1821 : i32 to index
    %get3A_1823 = arith.constant 16 : index
    %get3A_1824 = tpu.vector_load %arg6[%get3A_1822, %get3A_1823] {strides = array<i32>} : memref<26x128xi32, #tpu.memory_space<vmem>>, vector<1x16xi32>,
    %get3A_1825 = vector.shape_cast %get3A_1824 : vector<1x16xi32> to vector<16xi32>
    %add3A_1826 = arith.constant 1500000 : i32
    %add3A_1827 = vector.broadcast %add3A_1826 : i32 to vector<16xi32>
    %add3A_1828 = arith.addi %get3A_1825, %add3A_1827 : vector<16xi32>
    %swap3A_1829 = arith.constant 15 : i32
    %swap3A_1830 = arith.index_cast %swap3A_1829 : i32 to index
    %swap3A_1831 = arith.constant 16 : index
    %swap3A_1832 = tpu.vector_load %arg6[%swap3A_1830, %swap3A_1831] {strides = array<i32>} : memref<26x128xi32, #tpu.memory_space<vmem>>, vector<1x16xi32>,
    %swap3A_1833 = vector.shape_cast %swap3A_1832 : vector<1x16xi32> to vector<16xi32>
    %swap3A_1834 = vector.shape_cast %add3A_1828 : vector<16xi32> to vector<1x16xi32>
    tpu.vector_store %arg6[%swap3A_1830, %swap3A_1831], %swap3A_1834 {strides = array<i32>} : memref<26x128xi32, #tpu.memory_space<vmem>>, vector<1x16xi32>,
    %get3A_1835 = arith.constant 15 : i32
    %get3A_1836 = arith.index_cast %get3A_1835 : i32 to index
    %get3A_1837 = arith.constant 32 : index
    %get3A_1838 = tpu.vector_load %arg6[%get3A_1836, %get3A_1837] {strides = array<i32>} : memref<26x128xi32, #tpu.memory_space<vmem>>, vector<1x16xi32>,
    %get3A_1839 = vector.shape_cast %get3A_1838 : vector<1x16xi32> to vector<16xi32>
    %add3A_1840 = arith.constant 1500000 : i32
    %add3A_1841 = vector.broadcast %add3A_1840 : i32 to vector<16xi32>
    %add3A_1842 = arith.addi %get3A_1839, %add3A_1841 : vector<16xi32>
    %swap3A_1843 = arith.constant 15 : i32
    %swap3A_1844 = arith.index_cast %swap3A_1843 : i32 to index
    %swap3A_1845 = arith.constant 32 : index
    %swap3A_1846 = tpu.vector_load %arg6[%swap3A_1844, %swap3A_1845] {strides = array<i32>} : memref<26x128xi32, #tpu.memory_space<vmem>>, vector<1x16xi32>,
    %swap3A_1847 = vector.shape_cast %swap3A_1846 : vector<1x16xi32> to vector<16xi32>
    %swap3A_1848 = vector.shape_cast %add3A_1842 : vector<16xi32> to vector<1x16xi32>
    tpu.vector_store %arg6[%swap3A_1844, %swap3A_1845], %swap3A_1848 {strides = array<i32>} : memref<26x128xi32, #tpu.memory_space<vmem>>, vector<1x16xi32>,
    %get3A_1849 = arith.constant 15 : i32
    %get3A_1850 = arith.index_cast %get3A_1849 : i32 to index
    %get3A_1851 = arith.constant 48 : index
    %get3A_1852 = tpu.vector_load %arg6[%get3A_1850, %get3A_1851] {strides = array<i32>} : memref<26x128xi32, #tpu.memory_space<vmem>>, vector<1x16xi32>,
    %get3A_1853 = vector.shape_cast %get3A_1852 : vector<1x16xi32> to vector<16xi32>
    %add3A_1854 = arith.constant 1500000 : i32
    %add3A_1855 = vector.broadcast %add3A_1854 : i32 to vector<16xi32>
    %add3A_1856 = arith.addi %get3A_1853, %add3A_1855 : vector<16xi32>
    %swap3A_1857 = arith.constant 15 : i32
    %swap3A_1858 = arith.index_cast %swap3A_1857 : i32 to index
    %swap3A_1859 = arith.constant 48 : index
    %swap3A_1860 = tpu.vector_load %arg6[%swap3A_1858, %swap3A_1859] {strides = array<i32>} : memref<26x128xi32, #tpu.memory_space<vmem>>, vector<1x16xi32>,
    %swap3A_1861 = vector.shape_cast %swap3A_1860 : vector<1x16xi32> to vector<16xi32>
    %swap3A_1862 = vector.shape_cast %add3A_1856 : vector<16xi32> to vector<1x16xi32>
    tpu.vector_store %arg6[%swap3A_1858, %swap3A_1859], %swap3A_1862 {strides = array<i32>} : memref<26x128xi32, #tpu.memory_space<vmem>>, vector<1x16xi32>,
    %get3A_1863 = arith.constant 15 : i32
    %get3A_1864 = arith.index_cast %get3A_1863 : i32 to index
    %get3A_1865 = arith.constant 64 : index
    %get3A_1866 = tpu.vector_load %arg6[%get3A_1864, %get3A_1865] {strides = array<i32>} : memref<26x128xi32, #tpu.memory_space<vmem>>, vector<1x16xi32>,
    %get3A_1867 = vector.shape_cast %get3A_1866 : vector<1x16xi32> to vector<16xi32>
    %add3A_1868 = arith.constant 1500000 : i32
    %add3A_1869 = vector.broadcast %add3A_1868 : i32 to vector<16xi32>
    %add3A_1870 = arith.addi %get3A_1867, %add3A_1869 : vector<16xi32>
    %swap3A_1871 = arith.constant 15 : i32
    %swap3A_1872 = arith.index_cast %swap3A_1871 : i32 to index
    %swap3A_1873 = arith.constant 64 : index
    %swap3A_1874 = tpu.vector_load %arg6[%swap3A_1872, %swap3A_1873] {strides = array<i32>} : memref<26x128xi32, #tpu.memory_space<vmem>>, vector<1x16xi32>,
    %swap3A_1875 = vector.shape_cast %swap3A_1874 : vector<1x16xi32> to vector<16xi32>
    %swap3A_1876 = vector.shape_cast %add3A_1870 : vector<16xi32> to vector<1x16xi32>
    tpu.vector_store %arg6[%swap3A_1872, %swap3A_1873], %swap3A_1876 {strides = array<i32>} : memref<26x128xi32, #tpu.memory_space<vmem>>, vector<1x16xi32>,
    %get3A_1877 = arith.constant 15 : i32
    %get3A_1878 = arith.index_cast %get3A_1877 : i32 to index
    %get3A_1879 = arith.constant 80 : index
    %get3A_1880 = tpu.vector_load %arg6[%get3A_1878, %get3A_1879] {strides = array<i32>} : memref<26x128xi32, #tpu.memory_space<vmem>>, vector<1x16xi32>,
    %get3A_1881 = vector.shape_cast %get3A_1880 : vector<1x16xi32> to vector<16xi32>
    %add3A_1882 = arith.constant 1500000 : i32
    %add3A_1883 = vector.broadcast %add3A_1882 : i32 to vector<16xi32>
    %add3A_1884 = arith.addi %get3A_1881, %add3A_1883 : vector<16xi32>
    %swap3A_1885 = arith.constant 15 : i32
    %swap3A_1886 = arith.index_cast %swap3A_1885 : i32 to index
    %swap3A_1887 = arith.constant 80 : index
    %swap3A_1888 = tpu.vector_load %arg6[%swap3A_1886, %swap3A_1887] {strides = array<i32>} : memref<26x128xi32, #tpu.memory_space<vmem>>, vector<1x16xi32>,
    %swap3A_1889 = vector.shape_cast %swap3A_1888 : vector<1x16xi32> to vector<16xi32>
    %swap3A_1890 = vector.shape_cast %add3A_1884 : vector<16xi32> to vector<1x16xi32>
    tpu.vector_store %arg6[%swap3A_1886, %swap3A_1887], %swap3A_1890 {strides = array<i32>} : memref<26x128xi32, #tpu.memory_space<vmem>>, vector<1x16xi32>,
    %get3A_1891 = arith.constant 15 : i32
    %get3A_1892 = arith.index_cast %get3A_1891 : i32 to index
    %get3A_1893 = arith.constant 96 : index
    %get3A_1894 = tpu.vector_load %arg6[%get3A_1892, %get3A_1893] {strides = array<i32>} : memref<26x128xi32, #tpu.memory_space<vmem>>, vector<1x16xi32>,
    %get3A_1895 = vector.shape_cast %get3A_1894 : vector<1x16xi32> to vector<16xi32>
    %add3A_1896 = arith.constant 1500000 : i32
    %add3A_1897 = vector.broadcast %add3A_1896 : i32 to vector<16xi32>
    %add3A_1898 = arith.addi %get3A_1895, %add3A_1897 : vector<16xi32>
    %swap3A_1899 = arith.constant 15 : i32
    %swap3A_1900 = arith.index_cast %swap3A_1899 : i32 to index
    %swap3A_1901 = arith.constant 96 : index
    %swap3A_1902 = tpu.vector_load %arg6[%swap3A_1900, %swap3A_1901] {strides = array<i32>} : memref<26x128xi32, #tpu.memory_space<vmem>>, vector<1x16xi32>,
    %swap3A_1903 = vector.shape_cast %swap3A_1902 : vector<1x16xi32> to vector<16xi32>
    %swap3A_1904 = vector.shape_cast %add3A_1898 : vector<16xi32> to vector<1x16xi32>
    tpu.vector_store %arg6[%swap3A_1900, %swap3A_1901], %swap3A_1904 {strides = array<i32>} : memref<26x128xi32, #tpu.memory_space<vmem>>, vector<1x16xi32>,
    %get3A_1905 = arith.constant 15 : i32
    %get3A_1906 = arith.index_cast %get3A_1905 : i32 to index
    %get3A_1907 = arith.constant 112 : index
    %get3A_1908 = tpu.vector_load %arg6[%get3A_1906, %get3A_1907] {strides = array<i32>} : memref<26x128xi32, #tpu.memory_space<vmem>>, vector<1x16xi32>,
    %get3A_1909 = vector.shape_cast %get3A_1908 : vector<1x16xi32> to vector<16xi32>
    %add3A_1910 = arith.constant 1500000 : i32
    %add3A_1911 = vector.broadcast %add3A_1910 : i32 to vector<16xi32>
    %add3A_1912 = arith.addi %get3A_1909, %add3A_1911 : vector<16xi32>
    %swap3A_1913 = arith.constant 15 : i32
    %swap3A_1914 = arith.index_cast %swap3A_1913 : i32 to index
    %swap3A_1915 = arith.constant 112 : index
    %swap3A_1916 = tpu.vector_load %arg6[%swap3A_1914, %swap3A_1915] {strides = array<i32>} : memref<26x128xi32, #tpu.memory_space<vmem>>, vector<1x16xi32>,
    %swap3A_1917 = vector.shape_cast %swap3A_1916 : vector<1x16xi32> to vector<16xi32>
    %swap3A_1918 = vector.shape_cast %add3A_1912 : vector<16xi32> to vector<1x16xi32>
    tpu.vector_store %arg6[%swap3A_1914, %swap3A_1915], %swap3A_1918 {strides = array<i32>} : memref<26x128xi32, #tpu.memory_space<vmem>>, vector<1x16xi32>,
    %dma_start3A_1919 = arith.constant 15 : i32
    %dma_start3A_1920 = arith.constant 1920 : i32
    %dma_start3A_1921 = tpu.memref_slice %arg7[%dma_start3A_1920] : memref<3328xf32, #tpu.memory_space<vmem>> -> memref<128xf32, #tpu.memory_space<vmem>>
    %dma_start3A_1922 = arith.constant 0 : i32
    %dma_start3A_1923 = tpu.memref_slice %arg6[%dma_start3A_1919, %dma_start3A_1922] : memref<26x128xi32, #tpu.memory_space<vmem>> -> memref<1x128xi32, #tpu.memory_space<vmem>>
    %dma_start3A_1924 = tpu.memref_squeeze %dma_start3A_1923 : memref<1x128xi32, #tpu.memory_space<vmem>> -> memref<128xi32, #tpu.memory_space<vmem>>
    %dma_start3A_1925 = arith.constant 0 : i32
    %dma_start3A_1926 = tpu.memref_slice %arg3[%dma_start3A_1925] : memref<2600000xf32, #tpu.memory_space<hbm>> -> memref<2600000xf32, #tpu.memory_space<hbm>>
    tpu.enqueue_indirect_dma source(%dma_start3A_1926 : memref<2600000xf32, #tpu.memory_space<hbm>>) target(%dma_start3A_1921 : memref<128xf32, #tpu.memory_space<vmem>>) offsets(%dma_start3A_1924 : memref<128xi32, #tpu.memory_space<vmem>>) semaphore(%arg11 : memref<!tpu.dma_semaphore, #tpu.memory_space<semaphore_mem>>)
    %get3A_1927 = arith.constant 16 : i32
    %get3A_1928 = arith.index_cast %get3A_1927 : i32 to index
    %get3A_1929 = arith.constant 0 : index
    %get3A_1930 = tpu.vector_load %arg6[%get3A_1928, %get3A_1929] {strides = array<i32>} : memref<26x128xi32, #tpu.memory_space<vmem>>, vector<1x16xi32>,
    %get3A_1931 = vector.shape_cast %get3A_1930 : vector<1x16xi32> to vector<16xi32>
    %add3A_1932 = arith.constant 1600000 : i32
    %add3A_1933 = vector.broadcast %add3A_1932 : i32 to vector<16xi32>
    %add3A_1934 = arith.addi %get3A_1931, %add3A_1933 : vector<16xi32>
    %swap3A_1935 = arith.constant 16 : i32
    %swap3A_1936 = arith.index_cast %swap3A_1935 : i32 to index
    %swap3A_1937 = arith.constant 0 : index
    %swap3A_1938 = tpu.vector_load %arg6[%swap3A_1936, %swap3A_1937] {strides = array<i32>} : memref<26x128xi32, #tpu.memory_space<vmem>>, vector<1x16xi32>,
    %swap3A_1939 = vector.shape_cast %swap3A_1938 : vector<1x16xi32> to vector<16xi32>
    %swap3A_1940 = vector.shape_cast %add3A_1934 : vector<16xi32> to vector<1x16xi32>
    tpu.vector_store %arg6[%swap3A_1936, %swap3A_1937], %swap3A_1940 {strides = array<i32>} : memref<26x128xi32, #tpu.memory_space<vmem>>, vector<1x16xi32>,
    %get3A_1941 = arith.constant 16 : i32
    %get3A_1942 = arith.index_cast %get3A_1941 : i32 to index
    %get3A_1943 = arith.constant 16 : index
    %get3A_1944 = tpu.vector_load %arg6[%get3A_1942, %get3A_1943] {strides = array<i32>} : memref<26x128xi32, #tpu.memory_space<vmem>>, vector<1x16xi32>,
    %get3A_1945 = vector.shape_cast %get3A_1944 : vector<1x16xi32> to vector<16xi32>
    %add3A_1946 = arith.constant 1600000 : i32
    %add3A_1947 = vector.broadcast %add3A_1946 : i32 to vector<16xi32>
    %add3A_1948 = arith.addi %get3A_1945, %add3A_1947 : vector<16xi32>
    %swap3A_1949 = arith.constant 16 : i32
    %swap3A_1950 = arith.index_cast %swap3A_1949 : i32 to index
    %swap3A_1951 = arith.constant 16 : index
    %swap3A_1952 = tpu.vector_load %arg6[%swap3A_1950, %swap3A_1951] {strides = array<i32>} : memref<26x128xi32, #tpu.memory_space<vmem>>, vector<1x16xi32>,
    %swap3A_1953 = vector.shape_cast %swap3A_1952 : vector<1x16xi32> to vector<16xi32>
    %swap3A_1954 = vector.shape_cast %add3A_1948 : vector<16xi32> to vector<1x16xi32>
    tpu.vector_store %arg6[%swap3A_1950, %swap3A_1951], %swap3A_1954 {strides = array<i32>} : memref<26x128xi32, #tpu.memory_space<vmem>>, vector<1x16xi32>,
    %get3A_1955 = arith.constant 16 : i32
    %get3A_1956 = arith.index_cast %get3A_1955 : i32 to index
    %get3A_1957 = arith.constant 32 : index
    %get3A_1958 = tpu.vector_load %arg6[%get3A_1956, %get3A_1957] {strides = array<i32>} : memref<26x128xi32, #tpu.memory_space<vmem>>, vector<1x16xi32>,
    %get3A_1959 = vector.shape_cast %get3A_1958 : vector<1x16xi32> to vector<16xi32>
    %add3A_1960 = arith.constant 1600000 : i32
    %add3A_1961 = vector.broadcast %add3A_1960 : i32 to vector<16xi32>
    %add3A_1962 = arith.addi %get3A_1959, %add3A_1961 : vector<16xi32>
    %swap3A_1963 = arith.constant 16 : i32
    %swap3A_1964 = arith.index_cast %swap3A_1963 : i32 to index
    %swap3A_1965 = arith.constant 32 : index
    %swap3A_1966 = tpu.vector_load %arg6[%swap3A_1964, %swap3A_1965] {strides = array<i32>} : memref<26x128xi32, #tpu.memory_space<vmem>>, vector<1x16xi32>,
    %swap3A_1967 = vector.shape_cast %swap3A_1966 : vector<1x16xi32> to vector<16xi32>
    %swap3A_1968 = vector.shape_cast %add3A_1962 : vector<16xi32> to vector<1x16xi32>
    tpu.vector_store %arg6[%swap3A_1964, %swap3A_1965], %swap3A_1968 {strides = array<i32>} : memref<26x128xi32, #tpu.memory_space<vmem>>, vector<1x16xi32>,
    %get3A_1969 = arith.constant 16 : i32
    %get3A_1970 = arith.index_cast %get3A_1969 : i32 to index
    %get3A_1971 = arith.constant 48 : index
    %get3A_1972 = tpu.vector_load %arg6[%get3A_1970, %get3A_1971] {strides = array<i32>} : memref<26x128xi32, #tpu.memory_space<vmem>>, vector<1x16xi32>,
    %get3A_1973 = vector.shape_cast %get3A_1972 : vector<1x16xi32> to vector<16xi32>
    %add3A_1974 = arith.constant 1600000 : i32
    %add3A_1975 = vector.broadcast %add3A_1974 : i32 to vector<16xi32>
    %add3A_1976 = arith.addi %get3A_1973, %add3A_1975 : vector<16xi32>
    %swap3A_1977 = arith.constant 16 : i32
    %swap3A_1978 = arith.index_cast %swap3A_1977 : i32 to index
    %swap3A_1979 = arith.constant 48 : index
    %swap3A_1980 = tpu.vector_load %arg6[%swap3A_1978, %swap3A_1979] {strides = array<i32>} : memref<26x128xi32, #tpu.memory_space<vmem>>, vector<1x16xi32>,
    %swap3A_1981 = vector.shape_cast %swap3A_1980 : vector<1x16xi32> to vector<16xi32>
    %swap3A_1982 = vector.shape_cast %add3A_1976 : vector<16xi32> to vector<1x16xi32>
    tpu.vector_store %arg6[%swap3A_1978, %swap3A_1979], %swap3A_1982 {strides = array<i32>} : memref<26x128xi32, #tpu.memory_space<vmem>>, vector<1x16xi32>,
    %get3A_1983 = arith.constant 16 : i32
    %get3A_1984 = arith.index_cast %get3A_1983 : i32 to index
    %get3A_1985 = arith.constant 64 : index
    %get3A_1986 = tpu.vector_load %arg6[%get3A_1984, %get3A_1985] {strides = array<i32>} : memref<26x128xi32, #tpu.memory_space<vmem>>, vector<1x16xi32>,
    %get3A_1987 = vector.shape_cast %get3A_1986 : vector<1x16xi32> to vector<16xi32>
    %add3A_1988 = arith.constant 1600000 : i32
    %add3A_1989 = vector.broadcast %add3A_1988 : i32 to vector<16xi32>
    %add3A_1990 = arith.addi %get3A_1987, %add3A_1989 : vector<16xi32>
    %swap3A_1991 = arith.constant 16 : i32
    %swap3A_1992 = arith.index_cast %swap3A_1991 : i32 to index
    %swap3A_1993 = arith.constant 64 : index
    %swap3A_1994 = tpu.vector_load %arg6[%swap3A_1992, %swap3A_1993] {strides = array<i32>} : memref<26x128xi32, #tpu.memory_space<vmem>>, vector<1x16xi32>,
    %swap3A_1995 = vector.shape_cast %swap3A_1994 : vector<1x16xi32> to vector<16xi32>
    %swap3A_1996 = vector.shape_cast %add3A_1990 : vector<16xi32> to vector<1x16xi32>
    tpu.vector_store %arg6[%swap3A_1992, %swap3A_1993], %swap3A_1996 {strides = array<i32>} : memref<26x128xi32, #tpu.memory_space<vmem>>, vector<1x16xi32>,
    %get3A_1997 = arith.constant 16 : i32
    %get3A_1998 = arith.index_cast %get3A_1997 : i32 to index
    %get3A_1999 = arith.constant 80 : index
    %get3A_2000 = tpu.vector_load %arg6[%get3A_1998, %get3A_1999] {strides = array<i32>} : memref<26x128xi32, #tpu.memory_space<vmem>>, vector<1x16xi32>,
    %get3A_2001 = vector.shape_cast %get3A_2000 : vector<1x16xi32> to vector<16xi32>
    %add3A_2002 = arith.constant 1600000 : i32
    %add3A_2003 = vector.broadcast %add3A_2002 : i32 to vector<16xi32>
    %add3A_2004 = arith.addi %get3A_2001, %add3A_2003 : vector<16xi32>
    %swap3A_2005 = arith.constant 16 : i32
    %swap3A_2006 = arith.index_cast %swap3A_2005 : i32 to index
    %swap3A_2007 = arith.constant 80 : index
    %swap3A_2008 = tpu.vector_load %arg6[%swap3A_2006, %swap3A_2007] {strides = array<i32>} : memref<26x128xi32, #tpu.memory_space<vmem>>, vector<1x16xi32>,
    %swap3A_2009 = vector.shape_cast %swap3A_2008 : vector<1x16xi32> to vector<16xi32>
    %swap3A_2010 = vector.shape_cast %add3A_2004 : vector<16xi32> to vector<1x16xi32>
    tpu.vector_store %arg6[%swap3A_2006, %swap3A_2007], %swap3A_2010 {strides = array<i32>} : memref<26x128xi32, #tpu.memory_space<vmem>>, vector<1x16xi32>,
    %get3A_2011 = arith.constant 16 : i32
    %get3A_2012 = arith.index_cast %get3A_2011 : i32 to index
    %get3A_2013 = arith.constant 96 : index
    %get3A_2014 = tpu.vector_load %arg6[%get3A_2012, %get3A_2013] {strides = array<i32>} : memref<26x128xi32, #tpu.memory_space<vmem>>, vector<1x16xi32>,
    %get3A_2015 = vector.shape_cast %get3A_2014 : vector<1x16xi32> to vector<16xi32>
    %add3A_2016 = arith.constant 1600000 : i32
    %add3A_2017 = vector.broadcast %add3A_2016 : i32 to vector<16xi32>
    %add3A_2018 = arith.addi %get3A_2015, %add3A_2017 : vector<16xi32>
    %swap3A_2019 = arith.constant 16 : i32
    %swap3A_2020 = arith.index_cast %swap3A_2019 : i32 to index
    %swap3A_2021 = arith.constant 96 : index
    %swap3A_2022 = tpu.vector_load %arg6[%swap3A_2020, %swap3A_2021] {strides = array<i32>} : memref<26x128xi32, #tpu.memory_space<vmem>>, vector<1x16xi32>,
    %swap3A_2023 = vector.shape_cast %swap3A_2022 : vector<1x16xi32> to vector<16xi32>
    %swap3A_2024 = vector.shape_cast %add3A_2018 : vector<16xi32> to vector<1x16xi32>
    tpu.vector_store %arg6[%swap3A_2020, %swap3A_2021], %swap3A_2024 {strides = array<i32>} : memref<26x128xi32, #tpu.memory_space<vmem>>, vector<1x16xi32>,
    %get3A_2025 = arith.constant 16 : i32
    %get3A_2026 = arith.index_cast %get3A_2025 : i32 to index
    %get3A_2027 = arith.constant 112 : index
    %get3A_2028 = tpu.vector_load %arg6[%get3A_2026, %get3A_2027] {strides = array<i32>} : memref<26x128xi32, #tpu.memory_space<vmem>>, vector<1x16xi32>,
    %get3A_2029 = vector.shape_cast %get3A_2028 : vector<1x16xi32> to vector<16xi32>
    %add3A_2030 = arith.constant 1600000 : i32
    %add3A_2031 = vector.broadcast %add3A_2030 : i32 to vector<16xi32>
    %add3A_2032 = arith.addi %get3A_2029, %add3A_2031 : vector<16xi32>
    %swap3A_2033 = arith.constant 16 : i32
    %swap3A_2034 = arith.index_cast %swap3A_2033 : i32 to index
    %swap3A_2035 = arith.constant 112 : index
    %swap3A_2036 = tpu.vector_load %arg6[%swap3A_2034, %swap3A_2035] {strides = array<i32>} : memref<26x128xi32, #tpu.memory_space<vmem>>, vector<1x16xi32>,
    %swap3A_2037 = vector.shape_cast %swap3A_2036 : vector<1x16xi32> to vector<16xi32>
    %swap3A_2038 = vector.shape_cast %add3A_2032 : vector<16xi32> to vector<1x16xi32>
    tpu.vector_store %arg6[%swap3A_2034, %swap3A_2035], %swap3A_2038 {strides = array<i32>} : memref<26x128xi32, #tpu.memory_space<vmem>>, vector<1x16xi32>,
    %dma_start3A_2039 = arith.constant 16 : i32
    %dma_start3A_2040 = arith.constant 2048 : i32
    %dma_start3A_2041 = tpu.memref_slice %arg7[%dma_start3A_2040] : memref<3328xf32, #tpu.memory_space<vmem>> -> memref<128xf32, #tpu.memory_space<vmem>>
    %dma_start3A_2042 = arith.constant 0 : i32
    %dma_start3A_2043 = tpu.memref_slice %arg6[%dma_start3A_2039, %dma_start3A_2042] : memref<26x128xi32, #tpu.memory_space<vmem>> -> memref<1x128xi32, #tpu.memory_space<vmem>>
    %dma_start3A_2044 = tpu.memref_squeeze %dma_start3A_2043 : memref<1x128xi32, #tpu.memory_space<vmem>> -> memref<128xi32, #tpu.memory_space<vmem>>
    %dma_start3A_2045 = arith.constant 0 : i32
    %dma_start3A_2046 = tpu.memref_slice %arg3[%dma_start3A_2045] : memref<2600000xf32, #tpu.memory_space<hbm>> -> memref<2600000xf32, #tpu.memory_space<hbm>>
    tpu.enqueue_indirect_dma source(%dma_start3A_2046 : memref<2600000xf32, #tpu.memory_space<hbm>>) target(%dma_start3A_2041 : memref<128xf32, #tpu.memory_space<vmem>>) offsets(%dma_start3A_2044 : memref<128xi32, #tpu.memory_space<vmem>>) semaphore(%arg11 : memref<!tpu.dma_semaphore, #tpu.memory_space<semaphore_mem>>)
    %get3A_2047 = arith.constant 17 : i32
    %get3A_2048 = arith.index_cast %get3A_2047 : i32 to index
    %get3A_2049 = arith.constant 0 : index
    %get3A_2050 = tpu.vector_load %arg6[%get3A_2048, %get3A_2049] {strides = array<i32>} : memref<26x128xi32, #tpu.memory_space<vmem>>, vector<1x16xi32>,
    %get3A_2051 = vector.shape_cast %get3A_2050 : vector<1x16xi32> to vector<16xi32>
    %add3A_2052 = arith.constant 1700000 : i32
    %add3A_2053 = vector.broadcast %add3A_2052 : i32 to vector<16xi32>
    %add3A_2054 = arith.addi %get3A_2051, %add3A_2053 : vector<16xi32>
    %swap3A_2055 = arith.constant 17 : i32
    %swap3A_2056 = arith.index_cast %swap3A_2055 : i32 to index
    %swap3A_2057 = arith.constant 0 : index
    %swap3A_2058 = tpu.vector_load %arg6[%swap3A_2056, %swap3A_2057] {strides = array<i32>} : memref<26x128xi32, #tpu.memory_space<vmem>>, vector<1x16xi32>,
    %swap3A_2059 = vector.shape_cast %swap3A_2058 : vector<1x16xi32> to vector<16xi32>
    %swap3A_2060 = vector.shape_cast %add3A_2054 : vector<16xi32> to vector<1x16xi32>
    tpu.vector_store %arg6[%swap3A_2056, %swap3A_2057], %swap3A_2060 {strides = array<i32>} : memref<26x128xi32, #tpu.memory_space<vmem>>, vector<1x16xi32>,
    %get3A_2061 = arith.constant 17 : i32
    %get3A_2062 = arith.index_cast %get3A_2061 : i32 to index
    %get3A_2063 = arith.constant 16 : index
    %get3A_2064 = tpu.vector_load %arg6[%get3A_2062, %get3A_2063] {strides = array<i32>} : memref<26x128xi32, #tpu.memory_space<vmem>>, vector<1x16xi32>,
    %get3A_2065 = vector.shape_cast %get3A_2064 : vector<1x16xi32> to vector<16xi32>
    %add3A_2066 = arith.constant 1700000 : i32
    %add3A_2067 = vector.broadcast %add3A_2066 : i32 to vector<16xi32>
    %add3A_2068 = arith.addi %get3A_2065, %add3A_2067 : vector<16xi32>
    %swap3A_2069 = arith.constant 17 : i32
    %swap3A_2070 = arith.index_cast %swap3A_2069 : i32 to index
    %swap3A_2071 = arith.constant 16 : index
    %swap3A_2072 = tpu.vector_load %arg6[%swap3A_2070, %swap3A_2071] {strides = array<i32>} : memref<26x128xi32, #tpu.memory_space<vmem>>, vector<1x16xi32>,
    %swap3A_2073 = vector.shape_cast %swap3A_2072 : vector<1x16xi32> to vector<16xi32>
    %swap3A_2074 = vector.shape_cast %add3A_2068 : vector<16xi32> to vector<1x16xi32>
    tpu.vector_store %arg6[%swap3A_2070, %swap3A_2071], %swap3A_2074 {strides = array<i32>} : memref<26x128xi32, #tpu.memory_space<vmem>>, vector<1x16xi32>,
    %get3A_2075 = arith.constant 17 : i32
    %get3A_2076 = arith.index_cast %get3A_2075 : i32 to index
    %get3A_2077 = arith.constant 32 : index
    %get3A_2078 = tpu.vector_load %arg6[%get3A_2076, %get3A_2077] {strides = array<i32>} : memref<26x128xi32, #tpu.memory_space<vmem>>, vector<1x16xi32>,
    %get3A_2079 = vector.shape_cast %get3A_2078 : vector<1x16xi32> to vector<16xi32>
    %add3A_2080 = arith.constant 1700000 : i32
    %add3A_2081 = vector.broadcast %add3A_2080 : i32 to vector<16xi32>
    %add3A_2082 = arith.addi %get3A_2079, %add3A_2081 : vector<16xi32>
    %swap3A_2083 = arith.constant 17 : i32
    %swap3A_2084 = arith.index_cast %swap3A_2083 : i32 to index
    %swap3A_2085 = arith.constant 32 : index
    %swap3A_2086 = tpu.vector_load %arg6[%swap3A_2084, %swap3A_2085] {strides = array<i32>} : memref<26x128xi32, #tpu.memory_space<vmem>>, vector<1x16xi32>,
    %swap3A_2087 = vector.shape_cast %swap3A_2086 : vector<1x16xi32> to vector<16xi32>
    %swap3A_2088 = vector.shape_cast %add3A_2082 : vector<16xi32> to vector<1x16xi32>
    tpu.vector_store %arg6[%swap3A_2084, %swap3A_2085], %swap3A_2088 {strides = array<i32>} : memref<26x128xi32, #tpu.memory_space<vmem>>, vector<1x16xi32>,
    %get3A_2089 = arith.constant 17 : i32
    %get3A_2090 = arith.index_cast %get3A_2089 : i32 to index
    %get3A_2091 = arith.constant 48 : index
    %get3A_2092 = tpu.vector_load %arg6[%get3A_2090, %get3A_2091] {strides = array<i32>} : memref<26x128xi32, #tpu.memory_space<vmem>>, vector<1x16xi32>,
    %get3A_2093 = vector.shape_cast %get3A_2092 : vector<1x16xi32> to vector<16xi32>
    %add3A_2094 = arith.constant 1700000 : i32
    %add3A_2095 = vector.broadcast %add3A_2094 : i32 to vector<16xi32>
    %add3A_2096 = arith.addi %get3A_2093, %add3A_2095 : vector<16xi32>
    %swap3A_2097 = arith.constant 17 : i32
    %swap3A_2098 = arith.index_cast %swap3A_2097 : i32 to index
    %swap3A_2099 = arith.constant 48 : index
    %swap3A_2100 = tpu.vector_load %arg6[%swap3A_2098, %swap3A_2099] {strides = array<i32>} : memref<26x128xi32, #tpu.memory_space<vmem>>, vector<1x16xi32>,
    %swap3A_2101 = vector.shape_cast %swap3A_2100 : vector<1x16xi32> to vector<16xi32>
    %swap3A_2102 = vector.shape_cast %add3A_2096 : vector<16xi32> to vector<1x16xi32>
    tpu.vector_store %arg6[%swap3A_2098, %swap3A_2099], %swap3A_2102 {strides = array<i32>} : memref<26x128xi32, #tpu.memory_space<vmem>>, vector<1x16xi32>,
    %get3A_2103 = arith.constant 17 : i32
    %get3A_2104 = arith.index_cast %get3A_2103 : i32 to index
    %get3A_2105 = arith.constant 64 : index
    %get3A_2106 = tpu.vector_load %arg6[%get3A_2104, %get3A_2105] {strides = array<i32>} : memref<26x128xi32, #tpu.memory_space<vmem>>, vector<1x16xi32>,
    %get3A_2107 = vector.shape_cast %get3A_2106 : vector<1x16xi32> to vector<16xi32>
    %add3A_2108 = arith.constant 1700000 : i32
    %add3A_2109 = vector.broadcast %add3A_2108 : i32 to vector<16xi32>
    %add3A_2110 = arith.addi %get3A_2107, %add3A_2109 : vector<16xi32>
    %swap3A_2111 = arith.constant 17 : i32
    %swap3A_2112 = arith.index_cast %swap3A_2111 : i32 to index
    %swap3A_2113 = arith.constant 64 : index
    %swap3A_2114 = tpu.vector_load %arg6[%swap3A_2112, %swap3A_2113] {strides = array<i32>} : memref<26x128xi32, #tpu.memory_space<vmem>>, vector<1x16xi32>,
    %swap3A_2115 = vector.shape_cast %swap3A_2114 : vector<1x16xi32> to vector<16xi32>
    %swap3A_2116 = vector.shape_cast %add3A_2110 : vector<16xi32> to vector<1x16xi32>
    tpu.vector_store %arg6[%swap3A_2112, %swap3A_2113], %swap3A_2116 {strides = array<i32>} : memref<26x128xi32, #tpu.memory_space<vmem>>, vector<1x16xi32>,
    %get3A_2117 = arith.constant 17 : i32
    %get3A_2118 = arith.index_cast %get3A_2117 : i32 to index
    %get3A_2119 = arith.constant 80 : index
    %get3A_2120 = tpu.vector_load %arg6[%get3A_2118, %get3A_2119] {strides = array<i32>} : memref<26x128xi32, #tpu.memory_space<vmem>>, vector<1x16xi32>,
    %get3A_2121 = vector.shape_cast %get3A_2120 : vector<1x16xi32> to vector<16xi32>
    %add3A_2122 = arith.constant 1700000 : i32
    %add3A_2123 = vector.broadcast %add3A_2122 : i32 to vector<16xi32>
    %add3A_2124 = arith.addi %get3A_2121, %add3A_2123 : vector<16xi32>
    %swap3A_2125 = arith.constant 17 : i32
    %swap3A_2126 = arith.index_cast %swap3A_2125 : i32 to index
    %swap3A_2127 = arith.constant 80 : index
    %swap3A_2128 = tpu.vector_load %arg6[%swap3A_2126, %swap3A_2127] {strides = array<i32>} : memref<26x128xi32, #tpu.memory_space<vmem>>, vector<1x16xi32>,
    %swap3A_2129 = vector.shape_cast %swap3A_2128 : vector<1x16xi32> to vector<16xi32>
    %swap3A_2130 = vector.shape_cast %add3A_2124 : vector<16xi32> to vector<1x16xi32>
    tpu.vector_store %arg6[%swap3A_2126, %swap3A_2127], %swap3A_2130 {strides = array<i32>} : memref<26x128xi32, #tpu.memory_space<vmem>>, vector<1x16xi32>,
    %get3A_2131 = arith.constant 17 : i32
    %get3A_2132 = arith.index_cast %get3A_2131 : i32 to index
    %get3A_2133 = arith.constant 96 : index
    %get3A_2134 = tpu.vector_load %arg6[%get3A_2132, %get3A_2133] {strides = array<i32>} : memref<26x128xi32, #tpu.memory_space<vmem>>, vector<1x16xi32>,
    %get3A_2135 = vector.shape_cast %get3A_2134 : vector<1x16xi32> to vector<16xi32>
    %add3A_2136 = arith.constant 1700000 : i32
    %add3A_2137 = vector.broadcast %add3A_2136 : i32 to vector<16xi32>
    %add3A_2138 = arith.addi %get3A_2135, %add3A_2137 : vector<16xi32>
    %swap3A_2139 = arith.constant 17 : i32
    %swap3A_2140 = arith.index_cast %swap3A_2139 : i32 to index
    %swap3A_2141 = arith.constant 96 : index
    %swap3A_2142 = tpu.vector_load %arg6[%swap3A_2140, %swap3A_2141] {strides = array<i32>} : memref<26x128xi32, #tpu.memory_space<vmem>>, vector<1x16xi32>,
    %swap3A_2143 = vector.shape_cast %swap3A_2142 : vector<1x16xi32> to vector<16xi32>
    %swap3A_2144 = vector.shape_cast %add3A_2138 : vector<16xi32> to vector<1x16xi32>
    tpu.vector_store %arg6[%swap3A_2140, %swap3A_2141], %swap3A_2144 {strides = array<i32>} : memref<26x128xi32, #tpu.memory_space<vmem>>, vector<1x16xi32>,
    %get3A_2145 = arith.constant 17 : i32
    %get3A_2146 = arith.index_cast %get3A_2145 : i32 to index
    %get3A_2147 = arith.constant 112 : index
    %get3A_2148 = tpu.vector_load %arg6[%get3A_2146, %get3A_2147] {strides = array<i32>} : memref<26x128xi32, #tpu.memory_space<vmem>>, vector<1x16xi32>,
    %get3A_2149 = vector.shape_cast %get3A_2148 : vector<1x16xi32> to vector<16xi32>
    %add3A_2150 = arith.constant 1700000 : i32
    %add3A_2151 = vector.broadcast %add3A_2150 : i32 to vector<16xi32>
    %add3A_2152 = arith.addi %get3A_2149, %add3A_2151 : vector<16xi32>
    %swap3A_2153 = arith.constant 17 : i32
    %swap3A_2154 = arith.index_cast %swap3A_2153 : i32 to index
    %swap3A_2155 = arith.constant 112 : index
    %swap3A_2156 = tpu.vector_load %arg6[%swap3A_2154, %swap3A_2155] {strides = array<i32>} : memref<26x128xi32, #tpu.memory_space<vmem>>, vector<1x16xi32>,
    %swap3A_2157 = vector.shape_cast %swap3A_2156 : vector<1x16xi32> to vector<16xi32>
    %swap3A_2158 = vector.shape_cast %add3A_2152 : vector<16xi32> to vector<1x16xi32>
    tpu.vector_store %arg6[%swap3A_2154, %swap3A_2155], %swap3A_2158 {strides = array<i32>} : memref<26x128xi32, #tpu.memory_space<vmem>>, vector<1x16xi32>,
    %dma_start3A_2159 = arith.constant 17 : i32
    %dma_start3A_2160 = arith.constant 2176 : i32
    %dma_start3A_2161 = tpu.memref_slice %arg7[%dma_start3A_2160] : memref<3328xf32, #tpu.memory_space<vmem>> -> memref<128xf32, #tpu.memory_space<vmem>>
    %dma_start3A_2162 = arith.constant 0 : i32
    %dma_start3A_2163 = tpu.memref_slice %arg6[%dma_start3A_2159, %dma_start3A_2162] : memref<26x128xi32, #tpu.memory_space<vmem>> -> memref<1x128xi32, #tpu.memory_space<vmem>>
    %dma_start3A_2164 = tpu.memref_squeeze %dma_start3A_2163 : memref<1x128xi32, #tpu.memory_space<vmem>> -> memref<128xi32, #tpu.memory_space<vmem>>
    %dma_start3A_2165 = arith.constant 0 : i32
    %dma_start3A_2166 = tpu.memref_slice %arg3[%dma_start3A_2165] : memref<2600000xf32, #tpu.memory_space<hbm>> -> memref<2600000xf32, #tpu.memory_space<hbm>>
    tpu.enqueue_indirect_dma source(%dma_start3A_2166 : memref<2600000xf32, #tpu.memory_space<hbm>>) target(%dma_start3A_2161 : memref<128xf32, #tpu.memory_space<vmem>>) offsets(%dma_start3A_2164 : memref<128xi32, #tpu.memory_space<vmem>>) semaphore(%arg11 : memref<!tpu.dma_semaphore, #tpu.memory_space<semaphore_mem>>)
    %get3A_2167 = arith.constant 18 : i32
    %get3A_2168 = arith.index_cast %get3A_2167 : i32 to index
    %get3A_2169 = arith.constant 0 : index
    %get3A_2170 = tpu.vector_load %arg6[%get3A_2168, %get3A_2169] {strides = array<i32>} : memref<26x128xi32, #tpu.memory_space<vmem>>, vector<1x16xi32>,
    %get3A_2171 = vector.shape_cast %get3A_2170 : vector<1x16xi32> to vector<16xi32>
    %add3A_2172 = arith.constant 1800000 : i32
    %add3A_2173 = vector.broadcast %add3A_2172 : i32 to vector<16xi32>
    %add3A_2174 = arith.addi %get3A_2171, %add3A_2173 : vector<16xi32>
    %swap3A_2175 = arith.constant 18 : i32
    %swap3A_2176 = arith.index_cast %swap3A_2175 : i32 to index
    %swap3A_2177 = arith.constant 0 : index
    %swap3A_2178 = tpu.vector_load %arg6[%swap3A_2176, %swap3A_2177] {strides = array<i32>} : memref<26x128xi32, #tpu.memory_space<vmem>>, vector<1x16xi32>,
    %swap3A_2179 = vector.shape_cast %swap3A_2178 : vector<1x16xi32> to vector<16xi32>
    %swap3A_2180 = vector.shape_cast %add3A_2174 : vector<16xi32> to vector<1x16xi32>
    tpu.vector_store %arg6[%swap3A_2176, %swap3A_2177], %swap3A_2180 {strides = array<i32>} : memref<26x128xi32, #tpu.memory_space<vmem>>, vector<1x16xi32>,
    %get3A_2181 = arith.constant 18 : i32
    %get3A_2182 = arith.index_cast %get3A_2181 : i32 to index
    %get3A_2183 = arith.constant 16 : index
    %get3A_2184 = tpu.vector_load %arg6[%get3A_2182, %get3A_2183] {strides = array<i32>} : memref<26x128xi32, #tpu.memory_space<vmem>>, vector<1x16xi32>,
    %get3A_2185 = vector.shape_cast %get3A_2184 : vector<1x16xi32> to vector<16xi32>
    %add3A_2186 = arith.constant 1800000 : i32
    %add3A_2187 = vector.broadcast %add3A_2186 : i32 to vector<16xi32>
    %add3A_2188 = arith.addi %get3A_2185, %add3A_2187 : vector<16xi32>
    %swap3A_2189 = arith.constant 18 : i32
    %swap3A_2190 = arith.index_cast %swap3A_2189 : i32 to index
    %swap3A_2191 = arith.constant 16 : index
    %swap3A_2192 = tpu.vector_load %arg6[%swap3A_2190, %swap3A_2191] {strides = array<i32>} : memref<26x128xi32, #tpu.memory_space<vmem>>, vector<1x16xi32>,
    %swap3A_2193 = vector.shape_cast %swap3A_2192 : vector<1x16xi32> to vector<16xi32>
    %swap3A_2194 = vector.shape_cast %add3A_2188 : vector<16xi32> to vector<1x16xi32>
    tpu.vector_store %arg6[%swap3A_2190, %swap3A_2191], %swap3A_2194 {strides = array<i32>} : memref<26x128xi32, #tpu.memory_space<vmem>>, vector<1x16xi32>,
    %get3A_2195 = arith.constant 18 : i32
    %get3A_2196 = arith.index_cast %get3A_2195 : i32 to index
    %get3A_2197 = arith.constant 32 : index
    %get3A_2198 = tpu.vector_load %arg6[%get3A_2196, %get3A_2197] {strides = array<i32>} : memref<26x128xi32, #tpu.memory_space<vmem>>, vector<1x16xi32>,
    %get3A_2199 = vector.shape_cast %get3A_2198 : vector<1x16xi32> to vector<16xi32>
    %add3A_2200 = arith.constant 1800000 : i32
    %add3A_2201 = vector.broadcast %add3A_2200 : i32 to vector<16xi32>
    %add3A_2202 = arith.addi %get3A_2199, %add3A_2201 : vector<16xi32>
    %swap3A_2203 = arith.constant 18 : i32
    %swap3A_2204 = arith.index_cast %swap3A_2203 : i32 to index
    %swap3A_2205 = arith.constant 32 : index
    %swap3A_2206 = tpu.vector_load %arg6[%swap3A_2204, %swap3A_2205] {strides = array<i32>} : memref<26x128xi32, #tpu.memory_space<vmem>>, vector<1x16xi32>,
    %swap3A_2207 = vector.shape_cast %swap3A_2206 : vector<1x16xi32> to vector<16xi32>
    %swap3A_2208 = vector.shape_cast %add3A_2202 : vector<16xi32> to vector<1x16xi32>
    tpu.vector_store %arg6[%swap3A_2204, %swap3A_2205], %swap3A_2208 {strides = array<i32>} : memref<26x128xi32, #tpu.memory_space<vmem>>, vector<1x16xi32>,
    %get3A_2209 = arith.constant 18 : i32
    %get3A_2210 = arith.index_cast %get3A_2209 : i32 to index
    %get3A_2211 = arith.constant 48 : index
    %get3A_2212 = tpu.vector_load %arg6[%get3A_2210, %get3A_2211] {strides = array<i32>} : memref<26x128xi32, #tpu.memory_space<vmem>>, vector<1x16xi32>,
    %get3A_2213 = vector.shape_cast %get3A_2212 : vector<1x16xi32> to vector<16xi32>
    %add3A_2214 = arith.constant 1800000 : i32
    %add3A_2215 = vector.broadcast %add3A_2214 : i32 to vector<16xi32>
    %add3A_2216 = arith.addi %get3A_2213, %add3A_2215 : vector<16xi32>
    %swap3A_2217 = arith.constant 18 : i32
    %swap3A_2218 = arith.index_cast %swap3A_2217 : i32 to index
    %swap3A_2219 = arith.constant 48 : index
    %swap3A_2220 = tpu.vector_load %arg6[%swap3A_2218, %swap3A_2219] {strides = array<i32>} : memref<26x128xi32, #tpu.memory_space<vmem>>, vector<1x16xi32>,
    %swap3A_2221 = vector.shape_cast %swap3A_2220 : vector<1x16xi32> to vector<16xi32>
    %swap3A_2222 = vector.shape_cast %add3A_2216 : vector<16xi32> to vector<1x16xi32>
    tpu.vector_store %arg6[%swap3A_2218, %swap3A_2219], %swap3A_2222 {strides = array<i32>} : memref<26x128xi32, #tpu.memory_space<vmem>>, vector<1x16xi32>,
    %get3A_2223 = arith.constant 18 : i32
    %get3A_2224 = arith.index_cast %get3A_2223 : i32 to index
    %get3A_2225 = arith.constant 64 : index
    %get3A_2226 = tpu.vector_load %arg6[%get3A_2224, %get3A_2225] {strides = array<i32>} : memref<26x128xi32, #tpu.memory_space<vmem>>, vector<1x16xi32>,
    %get3A_2227 = vector.shape_cast %get3A_2226 : vector<1x16xi32> to vector<16xi32>
    %add3A_2228 = arith.constant 1800000 : i32
    %add3A_2229 = vector.broadcast %add3A_2228 : i32 to vector<16xi32>
    %add3A_2230 = arith.addi %get3A_2227, %add3A_2229 : vector<16xi32>
    %swap3A_2231 = arith.constant 18 : i32
    %swap3A_2232 = arith.index_cast %swap3A_2231 : i32 to index
    %swap3A_2233 = arith.constant 64 : index
    %swap3A_2234 = tpu.vector_load %arg6[%swap3A_2232, %swap3A_2233] {strides = array<i32>} : memref<26x128xi32, #tpu.memory_space<vmem>>, vector<1x16xi32>,
    %swap3A_2235 = vector.shape_cast %swap3A_2234 : vector<1x16xi32> to vector<16xi32>
    %swap3A_2236 = vector.shape_cast %add3A_2230 : vector<16xi32> to vector<1x16xi32>
    tpu.vector_store %arg6[%swap3A_2232, %swap3A_2233], %swap3A_2236 {strides = array<i32>} : memref<26x128xi32, #tpu.memory_space<vmem>>, vector<1x16xi32>,
    %get3A_2237 = arith.constant 18 : i32
    %get3A_2238 = arith.index_cast %get3A_2237 : i32 to index
    %get3A_2239 = arith.constant 80 : index
    %get3A_2240 = tpu.vector_load %arg6[%get3A_2238, %get3A_2239] {strides = array<i32>} : memref<26x128xi32, #tpu.memory_space<vmem>>, vector<1x16xi32>,
    %get3A_2241 = vector.shape_cast %get3A_2240 : vector<1x16xi32> to vector<16xi32>
    %add3A_2242 = arith.constant 1800000 : i32
    %add3A_2243 = vector.broadcast %add3A_2242 : i32 to vector<16xi32>
    %add3A_2244 = arith.addi %get3A_2241, %add3A_2243 : vector<16xi32>
    %swap3A_2245 = arith.constant 18 : i32
    %swap3A_2246 = arith.index_cast %swap3A_2245 : i32 to index
    %swap3A_2247 = arith.constant 80 : index
    %swap3A_2248 = tpu.vector_load %arg6[%swap3A_2246, %swap3A_2247] {strides = array<i32>} : memref<26x128xi32, #tpu.memory_space<vmem>>, vector<1x16xi32>,
    %swap3A_2249 = vector.shape_cast %swap3A_2248 : vector<1x16xi32> to vector<16xi32>
    %swap3A_2250 = vector.shape_cast %add3A_2244 : vector<16xi32> to vector<1x16xi32>
    tpu.vector_store %arg6[%swap3A_2246, %swap3A_2247], %swap3A_2250 {strides = array<i32>} : memref<26x128xi32, #tpu.memory_space<vmem>>, vector<1x16xi32>,
    %get3A_2251 = arith.constant 18 : i32
    %get3A_2252 = arith.index_cast %get3A_2251 : i32 to index
    %get3A_2253 = arith.constant 96 : index
    %get3A_2254 = tpu.vector_load %arg6[%get3A_2252, %get3A_2253] {strides = array<i32>} : memref<26x128xi32, #tpu.memory_space<vmem>>, vector<1x16xi32>,
    %get3A_2255 = vector.shape_cast %get3A_2254 : vector<1x16xi32> to vector<16xi32>
    %add3A_2256 = arith.constant 1800000 : i32
    %add3A_2257 = vector.broadcast %add3A_2256 : i32 to vector<16xi32>
    %add3A_2258 = arith.addi %get3A_2255, %add3A_2257 : vector<16xi32>
    %swap3A_2259 = arith.constant 18 : i32
    %swap3A_2260 = arith.index_cast %swap3A_2259 : i32 to index
    %swap3A_2261 = arith.constant 96 : index
    %swap3A_2262 = tpu.vector_load %arg6[%swap3A_2260, %swap3A_2261] {strides = array<i32>} : memref<26x128xi32, #tpu.memory_space<vmem>>, vector<1x16xi32>,
    %swap3A_2263 = vector.shape_cast %swap3A_2262 : vector<1x16xi32> to vector<16xi32>
    %swap3A_2264 = vector.shape_cast %add3A_2258 : vector<16xi32> to vector<1x16xi32>
    tpu.vector_store %arg6[%swap3A_2260, %swap3A_2261], %swap3A_2264 {strides = array<i32>} : memref<26x128xi32, #tpu.memory_space<vmem>>, vector<1x16xi32>,
    %get3A_2265 = arith.constant 18 : i32
    %get3A_2266 = arith.index_cast %get3A_2265 : i32 to index
    %get3A_2267 = arith.constant 112 : index
    %get3A_2268 = tpu.vector_load %arg6[%get3A_2266, %get3A_2267] {strides = array<i32>} : memref<26x128xi32, #tpu.memory_space<vmem>>, vector<1x16xi32>,
    %get3A_2269 = vector.shape_cast %get3A_2268 : vector<1x16xi32> to vector<16xi32>
    %add3A_2270 = arith.constant 1800000 : i32
    %add3A_2271 = vector.broadcast %add3A_2270 : i32 to vector<16xi32>
    %add3A_2272 = arith.addi %get3A_2269, %add3A_2271 : vector<16xi32>
    %swap3A_2273 = arith.constant 18 : i32
    %swap3A_2274 = arith.index_cast %swap3A_2273 : i32 to index
    %swap3A_2275 = arith.constant 112 : index
    %swap3A_2276 = tpu.vector_load %arg6[%swap3A_2274, %swap3A_2275] {strides = array<i32>} : memref<26x128xi32, #tpu.memory_space<vmem>>, vector<1x16xi32>,
    %swap3A_2277 = vector.shape_cast %swap3A_2276 : vector<1x16xi32> to vector<16xi32>
    %swap3A_2278 = vector.shape_cast %add3A_2272 : vector<16xi32> to vector<1x16xi32>
    tpu.vector_store %arg6[%swap3A_2274, %swap3A_2275], %swap3A_2278 {strides = array<i32>} : memref<26x128xi32, #tpu.memory_space<vmem>>, vector<1x16xi32>,
    %dma_start3A_2279 = arith.constant 18 : i32
    %dma_start3A_2280 = arith.constant 2304 : i32
    %dma_start3A_2281 = tpu.memref_slice %arg7[%dma_start3A_2280] : memref<3328xf32, #tpu.memory_space<vmem>> -> memref<128xf32, #tpu.memory_space<vmem>>
    %dma_start3A_2282 = arith.constant 0 : i32
    %dma_start3A_2283 = tpu.memref_slice %arg6[%dma_start3A_2279, %dma_start3A_2282] : memref<26x128xi32, #tpu.memory_space<vmem>> -> memref<1x128xi32, #tpu.memory_space<vmem>>
    %dma_start3A_2284 = tpu.memref_squeeze %dma_start3A_2283 : memref<1x128xi32, #tpu.memory_space<vmem>> -> memref<128xi32, #tpu.memory_space<vmem>>
    %dma_start3A_2285 = arith.constant 0 : i32
    %dma_start3A_2286 = tpu.memref_slice %arg3[%dma_start3A_2285] : memref<2600000xf32, #tpu.memory_space<hbm>> -> memref<2600000xf32, #tpu.memory_space<hbm>>
    tpu.enqueue_indirect_dma source(%dma_start3A_2286 : memref<2600000xf32, #tpu.memory_space<hbm>>) target(%dma_start3A_2281 : memref<128xf32, #tpu.memory_space<vmem>>) offsets(%dma_start3A_2284 : memref<128xi32, #tpu.memory_space<vmem>>) semaphore(%arg11 : memref<!tpu.dma_semaphore, #tpu.memory_space<semaphore_mem>>)
    %get3A_2287 = arith.constant 19 : i32
    %get3A_2288 = arith.index_cast %get3A_2287 : i32 to index
    %get3A_2289 = arith.constant 0 : index
    %get3A_2290 = tpu.vector_load %arg6[%get3A_2288, %get3A_2289] {strides = array<i32>} : memref<26x128xi32, #tpu.memory_space<vmem>>, vector<1x16xi32>,
    %get3A_2291 = vector.shape_cast %get3A_2290 : vector<1x16xi32> to vector<16xi32>
    %add3A_2292 = arith.constant 1900000 : i32
    %add3A_2293 = vector.broadcast %add3A_2292 : i32 to vector<16xi32>
    %add3A_2294 = arith.addi %get3A_2291, %add3A_2293 : vector<16xi32>
    %swap3A_2295 = arith.constant 19 : i32
    %swap3A_2296 = arith.index_cast %swap3A_2295 : i32 to index
    %swap3A_2297 = arith.constant 0 : index
    %swap3A_2298 = tpu.vector_load %arg6[%swap3A_2296, %swap3A_2297] {strides = array<i32>} : memref<26x128xi32, #tpu.memory_space<vmem>>, vector<1x16xi32>,
    %swap3A_2299 = vector.shape_cast %swap3A_2298 : vector<1x16xi32> to vector<16xi32>
    %swap3A_2300 = vector.shape_cast %add3A_2294 : vector<16xi32> to vector<1x16xi32>
    tpu.vector_store %arg6[%swap3A_2296, %swap3A_2297], %swap3A_2300 {strides = array<i32>} : memref<26x128xi32, #tpu.memory_space<vmem>>, vector<1x16xi32>,
    %get3A_2301 = arith.constant 19 : i32
    %get3A_2302 = arith.index_cast %get3A_2301 : i32 to index
    %get3A_2303 = arith.constant 16 : index
    %get3A_2304 = tpu.vector_load %arg6[%get3A_2302, %get3A_2303] {strides = array<i32>} : memref<26x128xi32, #tpu.memory_space<vmem>>, vector<1x16xi32>,
    %get3A_2305 = vector.shape_cast %get3A_2304 : vector<1x16xi32> to vector<16xi32>
    %add3A_2306 = arith.constant 1900000 : i32
    %add3A_2307 = vector.broadcast %add3A_2306 : i32 to vector<16xi32>
    %add3A_2308 = arith.addi %get3A_2305, %add3A_2307 : vector<16xi32>
    %swap3A_2309 = arith.constant 19 : i32
    %swap3A_2310 = arith.index_cast %swap3A_2309 : i32 to index
    %swap3A_2311 = arith.constant 16 : index
    %swap3A_2312 = tpu.vector_load %arg6[%swap3A_2310, %swap3A_2311] {strides = array<i32>} : memref<26x128xi32, #tpu.memory_space<vmem>>, vector<1x16xi32>,
    %swap3A_2313 = vector.shape_cast %swap3A_2312 : vector<1x16xi32> to vector<16xi32>
    %swap3A_2314 = vector.shape_cast %add3A_2308 : vector<16xi32> to vector<1x16xi32>
    tpu.vector_store %arg6[%swap3A_2310, %swap3A_2311], %swap3A_2314 {strides = array<i32>} : memref<26x128xi32, #tpu.memory_space<vmem>>, vector<1x16xi32>,
    %get3A_2315 = arith.constant 19 : i32
    %get3A_2316 = arith.index_cast %get3A_2315 : i32 to index
    %get3A_2317 = arith.constant 32 : index
    %get3A_2318 = tpu.vector_load %arg6[%get3A_2316, %get3A_2317] {strides = array<i32>} : memref<26x128xi32, #tpu.memory_space<vmem>>, vector<1x16xi32>,
    %get3A_2319 = vector.shape_cast %get3A_2318 : vector<1x16xi32> to vector<16xi32>
    %add3A_2320 = arith.constant 1900000 : i32
    %add3A_2321 = vector.broadcast %add3A_2320 : i32 to vector<16xi32>
    %add3A_2322 = arith.addi %get3A_2319, %add3A_2321 : vector<16xi32>
    %swap3A_2323 = arith.constant 19 : i32
    %swap3A_2324 = arith.index_cast %swap3A_2323 : i32 to index
    %swap3A_2325 = arith.constant 32 : index
    %swap3A_2326 = tpu.vector_load %arg6[%swap3A_2324, %swap3A_2325] {strides = array<i32>} : memref<26x128xi32, #tpu.memory_space<vmem>>, vector<1x16xi32>,
    %swap3A_2327 = vector.shape_cast %swap3A_2326 : vector<1x16xi32> to vector<16xi32>
    %swap3A_2328 = vector.shape_cast %add3A_2322 : vector<16xi32> to vector<1x16xi32>
    tpu.vector_store %arg6[%swap3A_2324, %swap3A_2325], %swap3A_2328 {strides = array<i32>} : memref<26x128xi32, #tpu.memory_space<vmem>>, vector<1x16xi32>,
    %get3A_2329 = arith.constant 19 : i32
    %get3A_2330 = arith.index_cast %get3A_2329 : i32 to index
    %get3A_2331 = arith.constant 48 : index
    %get3A_2332 = tpu.vector_load %arg6[%get3A_2330, %get3A_2331] {strides = array<i32>} : memref<26x128xi32, #tpu.memory_space<vmem>>, vector<1x16xi32>,
    %get3A_2333 = vector.shape_cast %get3A_2332 : vector<1x16xi32> to vector<16xi32>
    %add3A_2334 = arith.constant 1900000 : i32
    %add3A_2335 = vector.broadcast %add3A_2334 : i32 to vector<16xi32>
    %add3A_2336 = arith.addi %get3A_2333, %add3A_2335 : vector<16xi32>
    %swap3A_2337 = arith.constant 19 : i32
    %swap3A_2338 = arith.index_cast %swap3A_2337 : i32 to index
    %swap3A_2339 = arith.constant 48 : index
    %swap3A_2340 = tpu.vector_load %arg6[%swap3A_2338, %swap3A_2339] {strides = array<i32>} : memref<26x128xi32, #tpu.memory_space<vmem>>, vector<1x16xi32>,
    %swap3A_2341 = vector.shape_cast %swap3A_2340 : vector<1x16xi32> to vector<16xi32>
    %swap3A_2342 = vector.shape_cast %add3A_2336 : vector<16xi32> to vector<1x16xi32>
    tpu.vector_store %arg6[%swap3A_2338, %swap3A_2339], %swap3A_2342 {strides = array<i32>} : memref<26x128xi32, #tpu.memory_space<vmem>>, vector<1x16xi32>,
    %get3A_2343 = arith.constant 19 : i32
    %get3A_2344 = arith.index_cast %get3A_2343 : i32 to index
    %get3A_2345 = arith.constant 64 : index
    %get3A_2346 = tpu.vector_load %arg6[%get3A_2344, %get3A_2345] {strides = array<i32>} : memref<26x128xi32, #tpu.memory_space<vmem>>, vector<1x16xi32>,
    %get3A_2347 = vector.shape_cast %get3A_2346 : vector<1x16xi32> to vector<16xi32>
    %add3A_2348 = arith.constant 1900000 : i32
    %add3A_2349 = vector.broadcast %add3A_2348 : i32 to vector<16xi32>
    %add3A_2350 = arith.addi %get3A_2347, %add3A_2349 : vector<16xi32>
    %swap3A_2351 = arith.constant 19 : i32
    %swap3A_2352 = arith.index_cast %swap3A_2351 : i32 to index
    %swap3A_2353 = arith.constant 64 : index
    %swap3A_2354 = tpu.vector_load %arg6[%swap3A_2352, %swap3A_2353] {strides = array<i32>} : memref<26x128xi32, #tpu.memory_space<vmem>>, vector<1x16xi32>,
    %swap3A_2355 = vector.shape_cast %swap3A_2354 : vector<1x16xi32> to vector<16xi32>
    %swap3A_2356 = vector.shape_cast %add3A_2350 : vector<16xi32> to vector<1x16xi32>
    tpu.vector_store %arg6[%swap3A_2352, %swap3A_2353], %swap3A_2356 {strides = array<i32>} : memref<26x128xi32, #tpu.memory_space<vmem>>, vector<1x16xi32>,
    %get3A_2357 = arith.constant 19 : i32
    %get3A_2358 = arith.index_cast %get3A_2357 : i32 to index
    %get3A_2359 = arith.constant 80 : index
    %get3A_2360 = tpu.vector_load %arg6[%get3A_2358, %get3A_2359] {strides = array<i32>} : memref<26x128xi32, #tpu.memory_space<vmem>>, vector<1x16xi32>,
    %get3A_2361 = vector.shape_cast %get3A_2360 : vector<1x16xi32> to vector<16xi32>
    %add3A_2362 = arith.constant 1900000 : i32
    %add3A_2363 = vector.broadcast %add3A_2362 : i32 to vector<16xi32>
    %add3A_2364 = arith.addi %get3A_2361, %add3A_2363 : vector<16xi32>
    %swap3A_2365 = arith.constant 19 : i32
    %swap3A_2366 = arith.index_cast %swap3A_2365 : i32 to index
    %swap3A_2367 = arith.constant 80 : index
    %swap3A_2368 = tpu.vector_load %arg6[%swap3A_2366, %swap3A_2367] {strides = array<i32>} : memref<26x128xi32, #tpu.memory_space<vmem>>, vector<1x16xi32>,
    %swap3A_2369 = vector.shape_cast %swap3A_2368 : vector<1x16xi32> to vector<16xi32>
    %swap3A_2370 = vector.shape_cast %add3A_2364 : vector<16xi32> to vector<1x16xi32>
    tpu.vector_store %arg6[%swap3A_2366, %swap3A_2367], %swap3A_2370 {strides = array<i32>} : memref<26x128xi32, #tpu.memory_space<vmem>>, vector<1x16xi32>,
    %get3A_2371 = arith.constant 19 : i32
    %get3A_2372 = arith.index_cast %get3A_2371 : i32 to index
    %get3A_2373 = arith.constant 96 : index
    %get3A_2374 = tpu.vector_load %arg6[%get3A_2372, %get3A_2373] {strides = array<i32>} : memref<26x128xi32, #tpu.memory_space<vmem>>, vector<1x16xi32>,
    %get3A_2375 = vector.shape_cast %get3A_2374 : vector<1x16xi32> to vector<16xi32>
    %add3A_2376 = arith.constant 1900000 : i32
    %add3A_2377 = vector.broadcast %add3A_2376 : i32 to vector<16xi32>
    %add3A_2378 = arith.addi %get3A_2375, %add3A_2377 : vector<16xi32>
    %swap3A_2379 = arith.constant 19 : i32
    %swap3A_2380 = arith.index_cast %swap3A_2379 : i32 to index
    %swap3A_2381 = arith.constant 96 : index
    %swap3A_2382 = tpu.vector_load %arg6[%swap3A_2380, %swap3A_2381] {strides = array<i32>} : memref<26x128xi32, #tpu.memory_space<vmem>>, vector<1x16xi32>,
    %swap3A_2383 = vector.shape_cast %swap3A_2382 : vector<1x16xi32> to vector<16xi32>
    %swap3A_2384 = vector.shape_cast %add3A_2378 : vector<16xi32> to vector<1x16xi32>
    tpu.vector_store %arg6[%swap3A_2380, %swap3A_2381], %swap3A_2384 {strides = array<i32>} : memref<26x128xi32, #tpu.memory_space<vmem>>, vector<1x16xi32>,
    %get3A_2385 = arith.constant 19 : i32
    %get3A_2386 = arith.index_cast %get3A_2385 : i32 to index
    %get3A_2387 = arith.constant 112 : index
    %get3A_2388 = tpu.vector_load %arg6[%get3A_2386, %get3A_2387] {strides = array<i32>} : memref<26x128xi32, #tpu.memory_space<vmem>>, vector<1x16xi32>,
    %get3A_2389 = vector.shape_cast %get3A_2388 : vector<1x16xi32> to vector<16xi32>
    %add3A_2390 = arith.constant 1900000 : i32
    %add3A_2391 = vector.broadcast %add3A_2390 : i32 to vector<16xi32>
    %add3A_2392 = arith.addi %get3A_2389, %add3A_2391 : vector<16xi32>
    %swap3A_2393 = arith.constant 19 : i32
    %swap3A_2394 = arith.index_cast %swap3A_2393 : i32 to index
    %swap3A_2395 = arith.constant 112 : index
    %swap3A_2396 = tpu.vector_load %arg6[%swap3A_2394, %swap3A_2395] {strides = array<i32>} : memref<26x128xi32, #tpu.memory_space<vmem>>, vector<1x16xi32>,
    %swap3A_2397 = vector.shape_cast %swap3A_2396 : vector<1x16xi32> to vector<16xi32>
    %swap3A_2398 = vector.shape_cast %add3A_2392 : vector<16xi32> to vector<1x16xi32>
    tpu.vector_store %arg6[%swap3A_2394, %swap3A_2395], %swap3A_2398 {strides = array<i32>} : memref<26x128xi32, #tpu.memory_space<vmem>>, vector<1x16xi32>,
    %dma_start3A_2399 = arith.constant 19 : i32
    %dma_start3A_2400 = arith.constant 2432 : i32
    %dma_start3A_2401 = tpu.memref_slice %arg7[%dma_start3A_2400] : memref<3328xf32, #tpu.memory_space<vmem>> -> memref<128xf32, #tpu.memory_space<vmem>>
    %dma_start3A_2402 = arith.constant 0 : i32
    %dma_start3A_2403 = tpu.memref_slice %arg6[%dma_start3A_2399, %dma_start3A_2402] : memref<26x128xi32, #tpu.memory_space<vmem>> -> memref<1x128xi32, #tpu.memory_space<vmem>>
    %dma_start3A_2404 = tpu.memref_squeeze %dma_start3A_2403 : memref<1x128xi32, #tpu.memory_space<vmem>> -> memref<128xi32, #tpu.memory_space<vmem>>
    %dma_start3A_2405 = arith.constant 0 : i32
    %dma_start3A_2406 = tpu.memref_slice %arg3[%dma_start3A_2405] : memref<2600000xf32, #tpu.memory_space<hbm>> -> memref<2600000xf32, #tpu.memory_space<hbm>>
    tpu.enqueue_indirect_dma source(%dma_start3A_2406 : memref<2600000xf32, #tpu.memory_space<hbm>>) target(%dma_start3A_2401 : memref<128xf32, #tpu.memory_space<vmem>>) offsets(%dma_start3A_2404 : memref<128xi32, #tpu.memory_space<vmem>>) semaphore(%arg11 : memref<!tpu.dma_semaphore, #tpu.memory_space<semaphore_mem>>)
    %get3A_2407 = arith.constant 20 : i32
    %get3A_2408 = arith.index_cast %get3A_2407 : i32 to index
    %get3A_2409 = arith.constant 0 : index
    %get3A_2410 = tpu.vector_load %arg6[%get3A_2408, %get3A_2409] {strides = array<i32>} : memref<26x128xi32, #tpu.memory_space<vmem>>, vector<1x16xi32>,
    %get3A_2411 = vector.shape_cast %get3A_2410 : vector<1x16xi32> to vector<16xi32>
    %add3A_2412 = arith.constant 2000000 : i32
    %add3A_2413 = vector.broadcast %add3A_2412 : i32 to vector<16xi32>
    %add3A_2414 = arith.addi %get3A_2411, %add3A_2413 : vector<16xi32>
    %swap3A_2415 = arith.constant 20 : i32
    %swap3A_2416 = arith.index_cast %swap3A_2415 : i32 to index
    %swap3A_2417 = arith.constant 0 : index
    %swap3A_2418 = tpu.vector_load %arg6[%swap3A_2416, %swap3A_2417] {strides = array<i32>} : memref<26x128xi32, #tpu.memory_space<vmem>>, vector<1x16xi32>,
    %swap3A_2419 = vector.shape_cast %swap3A_2418 : vector<1x16xi32> to vector<16xi32>
    %swap3A_2420 = vector.shape_cast %add3A_2414 : vector<16xi32> to vector<1x16xi32>
    tpu.vector_store %arg6[%swap3A_2416, %swap3A_2417], %swap3A_2420 {strides = array<i32>} : memref<26x128xi32, #tpu.memory_space<vmem>>, vector<1x16xi32>,
    %get3A_2421 = arith.constant 20 : i32
    %get3A_2422 = arith.index_cast %get3A_2421 : i32 to index
    %get3A_2423 = arith.constant 16 : index
    %get3A_2424 = tpu.vector_load %arg6[%get3A_2422, %get3A_2423] {strides = array<i32>} : memref<26x128xi32, #tpu.memory_space<vmem>>, vector<1x16xi32>,
    %get3A_2425 = vector.shape_cast %get3A_2424 : vector<1x16xi32> to vector<16xi32>
    %add3A_2426 = arith.constant 2000000 : i32
    %add3A_2427 = vector.broadcast %add3A_2426 : i32 to vector<16xi32>
    %add3A_2428 = arith.addi %get3A_2425, %add3A_2427 : vector<16xi32>
    %swap3A_2429 = arith.constant 20 : i32
    %swap3A_2430 = arith.index_cast %swap3A_2429 : i32 to index
    %swap3A_2431 = arith.constant 16 : index
    %swap3A_2432 = tpu.vector_load %arg6[%swap3A_2430, %swap3A_2431] {strides = array<i32>} : memref<26x128xi32, #tpu.memory_space<vmem>>, vector<1x16xi32>,
    %swap3A_2433 = vector.shape_cast %swap3A_2432 : vector<1x16xi32> to vector<16xi32>
    %swap3A_2434 = vector.shape_cast %add3A_2428 : vector<16xi32> to vector<1x16xi32>
    tpu.vector_store %arg6[%swap3A_2430, %swap3A_2431], %swap3A_2434 {strides = array<i32>} : memref<26x128xi32, #tpu.memory_space<vmem>>, vector<1x16xi32>,
    %get3A_2435 = arith.constant 20 : i32
    %get3A_2436 = arith.index_cast %get3A_2435 : i32 to index
    %get3A_2437 = arith.constant 32 : index
    %get3A_2438 = tpu.vector_load %arg6[%get3A_2436, %get3A_2437] {strides = array<i32>} : memref<26x128xi32, #tpu.memory_space<vmem>>, vector<1x16xi32>,
    %get3A_2439 = vector.shape_cast %get3A_2438 : vector<1x16xi32> to vector<16xi32>
    %add3A_2440 = arith.constant 2000000 : i32
    %add3A_2441 = vector.broadcast %add3A_2440 : i32 to vector<16xi32>
    %add3A_2442 = arith.addi %get3A_2439, %add3A_2441 : vector<16xi32>
    %swap3A_2443 = arith.constant 20 : i32
    %swap3A_2444 = arith.index_cast %swap3A_2443 : i32 to index
    %swap3A_2445 = arith.constant 32 : index
    %swap3A_2446 = tpu.vector_load %arg6[%swap3A_2444, %swap3A_2445] {strides = array<i32>} : memref<26x128xi32, #tpu.memory_space<vmem>>, vector<1x16xi32>,
    %swap3A_2447 = vector.shape_cast %swap3A_2446 : vector<1x16xi32> to vector<16xi32>
    %swap3A_2448 = vector.shape_cast %add3A_2442 : vector<16xi32> to vector<1x16xi32>
    tpu.vector_store %arg6[%swap3A_2444, %swap3A_2445], %swap3A_2448 {strides = array<i32>} : memref<26x128xi32, #tpu.memory_space<vmem>>, vector<1x16xi32>,
    %get3A_2449 = arith.constant 20 : i32
    %get3A_2450 = arith.index_cast %get3A_2449 : i32 to index
    %get3A_2451 = arith.constant 48 : index
    %get3A_2452 = tpu.vector_load %arg6[%get3A_2450, %get3A_2451] {strides = array<i32>} : memref<26x128xi32, #tpu.memory_space<vmem>>, vector<1x16xi32>,
    %get3A_2453 = vector.shape_cast %get3A_2452 : vector<1x16xi32> to vector<16xi32>
    %add3A_2454 = arith.constant 2000000 : i32
    %add3A_2455 = vector.broadcast %add3A_2454 : i32 to vector<16xi32>
    %add3A_2456 = arith.addi %get3A_2453, %add3A_2455 : vector<16xi32>
    %swap3A_2457 = arith.constant 20 : i32
    %swap3A_2458 = arith.index_cast %swap3A_2457 : i32 to index
    %swap3A_2459 = arith.constant 48 : index
    %swap3A_2460 = tpu.vector_load %arg6[%swap3A_2458, %swap3A_2459] {strides = array<i32>} : memref<26x128xi32, #tpu.memory_space<vmem>>, vector<1x16xi32>,
    %swap3A_2461 = vector.shape_cast %swap3A_2460 : vector<1x16xi32> to vector<16xi32>
    %swap3A_2462 = vector.shape_cast %add3A_2456 : vector<16xi32> to vector<1x16xi32>
    tpu.vector_store %arg6[%swap3A_2458, %swap3A_2459], %swap3A_2462 {strides = array<i32>} : memref<26x128xi32, #tpu.memory_space<vmem>>, vector<1x16xi32>,
    %get3A_2463 = arith.constant 20 : i32
    %get3A_2464 = arith.index_cast %get3A_2463 : i32 to index
    %get3A_2465 = arith.constant 64 : index
    %get3A_2466 = tpu.vector_load %arg6[%get3A_2464, %get3A_2465] {strides = array<i32>} : memref<26x128xi32, #tpu.memory_space<vmem>>, vector<1x16xi32>,
    %get3A_2467 = vector.shape_cast %get3A_2466 : vector<1x16xi32> to vector<16xi32>
    %add3A_2468 = arith.constant 2000000 : i32
    %add3A_2469 = vector.broadcast %add3A_2468 : i32 to vector<16xi32>
    %add3A_2470 = arith.addi %get3A_2467, %add3A_2469 : vector<16xi32>
    %swap3A_2471 = arith.constant 20 : i32
    %swap3A_2472 = arith.index_cast %swap3A_2471 : i32 to index
    %swap3A_2473 = arith.constant 64 : index
    %swap3A_2474 = tpu.vector_load %arg6[%swap3A_2472, %swap3A_2473] {strides = array<i32>} : memref<26x128xi32, #tpu.memory_space<vmem>>, vector<1x16xi32>,
    %swap3A_2475 = vector.shape_cast %swap3A_2474 : vector<1x16xi32> to vector<16xi32>
    %swap3A_2476 = vector.shape_cast %add3A_2470 : vector<16xi32> to vector<1x16xi32>
    tpu.vector_store %arg6[%swap3A_2472, %swap3A_2473], %swap3A_2476 {strides = array<i32>} : memref<26x128xi32, #tpu.memory_space<vmem>>, vector<1x16xi32>,
    %get3A_2477 = arith.constant 20 : i32
    %get3A_2478 = arith.index_cast %get3A_2477 : i32 to index
    %get3A_2479 = arith.constant 80 : index
    %get3A_2480 = tpu.vector_load %arg6[%get3A_2478, %get3A_2479] {strides = array<i32>} : memref<26x128xi32, #tpu.memory_space<vmem>>, vector<1x16xi32>,
    %get3A_2481 = vector.shape_cast %get3A_2480 : vector<1x16xi32> to vector<16xi32>
    %add3A_2482 = arith.constant 2000000 : i32
    %add3A_2483 = vector.broadcast %add3A_2482 : i32 to vector<16xi32>
    %add3A_2484 = arith.addi %get3A_2481, %add3A_2483 : vector<16xi32>
    %swap3A_2485 = arith.constant 20 : i32
    %swap3A_2486 = arith.index_cast %swap3A_2485 : i32 to index
    %swap3A_2487 = arith.constant 80 : index
    %swap3A_2488 = tpu.vector_load %arg6[%swap3A_2486, %swap3A_2487] {strides = array<i32>} : memref<26x128xi32, #tpu.memory_space<vmem>>, vector<1x16xi32>,
    %swap3A_2489 = vector.shape_cast %swap3A_2488 : vector<1x16xi32> to vector<16xi32>
    %swap3A_2490 = vector.shape_cast %add3A_2484 : vector<16xi32> to vector<1x16xi32>
    tpu.vector_store %arg6[%swap3A_2486, %swap3A_2487], %swap3A_2490 {strides = array<i32>} : memref<26x128xi32, #tpu.memory_space<vmem>>, vector<1x16xi32>,
    %get3A_2491 = arith.constant 20 : i32
    %get3A_2492 = arith.index_cast %get3A_2491 : i32 to index
    %get3A_2493 = arith.constant 96 : index
    %get3A_2494 = tpu.vector_load %arg6[%get3A_2492, %get3A_2493] {strides = array<i32>} : memref<26x128xi32, #tpu.memory_space<vmem>>, vector<1x16xi32>,
    %get3A_2495 = vector.shape_cast %get3A_2494 : vector<1x16xi32> to vector<16xi32>
    %add3A_2496 = arith.constant 2000000 : i32
    %add3A_2497 = vector.broadcast %add3A_2496 : i32 to vector<16xi32>
    %add3A_2498 = arith.addi %get3A_2495, %add3A_2497 : vector<16xi32>
    %swap3A_2499 = arith.constant 20 : i32
    %swap3A_2500 = arith.index_cast %swap3A_2499 : i32 to index
    %swap3A_2501 = arith.constant 96 : index
    %swap3A_2502 = tpu.vector_load %arg6[%swap3A_2500, %swap3A_2501] {strides = array<i32>} : memref<26x128xi32, #tpu.memory_space<vmem>>, vector<1x16xi32>,
    %swap3A_2503 = vector.shape_cast %swap3A_2502 : vector<1x16xi32> to vector<16xi32>
    %swap3A_2504 = vector.shape_cast %add3A_2498 : vector<16xi32> to vector<1x16xi32>
    tpu.vector_store %arg6[%swap3A_2500, %swap3A_2501], %swap3A_2504 {strides = array<i32>} : memref<26x128xi32, #tpu.memory_space<vmem>>, vector<1x16xi32>,
    %get3A_2505 = arith.constant 20 : i32
    %get3A_2506 = arith.index_cast %get3A_2505 : i32 to index
    %get3A_2507 = arith.constant 112 : index
    %get3A_2508 = tpu.vector_load %arg6[%get3A_2506, %get3A_2507] {strides = array<i32>} : memref<26x128xi32, #tpu.memory_space<vmem>>, vector<1x16xi32>,
    %get3A_2509 = vector.shape_cast %get3A_2508 : vector<1x16xi32> to vector<16xi32>
    %add3A_2510 = arith.constant 2000000 : i32
    %add3A_2511 = vector.broadcast %add3A_2510 : i32 to vector<16xi32>
    %add3A_2512 = arith.addi %get3A_2509, %add3A_2511 : vector<16xi32>
    %swap3A_2513 = arith.constant 20 : i32
    %swap3A_2514 = arith.index_cast %swap3A_2513 : i32 to index
    %swap3A_2515 = arith.constant 112 : index
    %swap3A_2516 = tpu.vector_load %arg6[%swap3A_2514, %swap3A_2515] {strides = array<i32>} : memref<26x128xi32, #tpu.memory_space<vmem>>, vector<1x16xi32>,
    %swap3A_2517 = vector.shape_cast %swap3A_2516 : vector<1x16xi32> to vector<16xi32>
    %swap3A_2518 = vector.shape_cast %add3A_2512 : vector<16xi32> to vector<1x16xi32>
    tpu.vector_store %arg6[%swap3A_2514, %swap3A_2515], %swap3A_2518 {strides = array<i32>} : memref<26x128xi32, #tpu.memory_space<vmem>>, vector<1x16xi32>,
    %dma_start3A_2519 = arith.constant 20 : i32
    %dma_start3A_2520 = arith.constant 2560 : i32
    %dma_start3A_2521 = tpu.memref_slice %arg7[%dma_start3A_2520] : memref<3328xf32, #tpu.memory_space<vmem>> -> memref<128xf32, #tpu.memory_space<vmem>>
    %dma_start3A_2522 = arith.constant 0 : i32
    %dma_start3A_2523 = tpu.memref_slice %arg6[%dma_start3A_2519, %dma_start3A_2522] : memref<26x128xi32, #tpu.memory_space<vmem>> -> memref<1x128xi32, #tpu.memory_space<vmem>>
    %dma_start3A_2524 = tpu.memref_squeeze %dma_start3A_2523 : memref<1x128xi32, #tpu.memory_space<vmem>> -> memref<128xi32, #tpu.memory_space<vmem>>
    %dma_start3A_2525 = arith.constant 0 : i32
    %dma_start3A_2526 = tpu.memref_slice %arg3[%dma_start3A_2525] : memref<2600000xf32, #tpu.memory_space<hbm>> -> memref<2600000xf32, #tpu.memory_space<hbm>>
    tpu.enqueue_indirect_dma source(%dma_start3A_2526 : memref<2600000xf32, #tpu.memory_space<hbm>>) target(%dma_start3A_2521 : memref<128xf32, #tpu.memory_space<vmem>>) offsets(%dma_start3A_2524 : memref<128xi32, #tpu.memory_space<vmem>>) semaphore(%arg11 : memref<!tpu.dma_semaphore, #tpu.memory_space<semaphore_mem>>)
    %get3A_2527 = arith.constant 21 : i32
    %get3A_2528 = arith.index_cast %get3A_2527 : i32 to index
    %get3A_2529 = arith.constant 0 : index
    %get3A_2530 = tpu.vector_load %arg6[%get3A_2528, %get3A_2529] {strides = array<i32>} : memref<26x128xi32, #tpu.memory_space<vmem>>, vector<1x16xi32>,
    %get3A_2531 = vector.shape_cast %get3A_2530 : vector<1x16xi32> to vector<16xi32>
    %add3A_2532 = arith.constant 2100000 : i32
    %add3A_2533 = vector.broadcast %add3A_2532 : i32 to vector<16xi32>
    %add3A_2534 = arith.addi %get3A_2531, %add3A_2533 : vector<16xi32>
    %swap3A_2535 = arith.constant 21 : i32
    %swap3A_2536 = arith.index_cast %swap3A_2535 : i32 to index
    %swap3A_2537 = arith.constant 0 : index
    %swap3A_2538 = tpu.vector_load %arg6[%swap3A_2536, %swap3A_2537] {strides = array<i32>} : memref<26x128xi32, #tpu.memory_space<vmem>>, vector<1x16xi32>,
    %swap3A_2539 = vector.shape_cast %swap3A_2538 : vector<1x16xi32> to vector<16xi32>
    %swap3A_2540 = vector.shape_cast %add3A_2534 : vector<16xi32> to vector<1x16xi32>
    tpu.vector_store %arg6[%swap3A_2536, %swap3A_2537], %swap3A_2540 {strides = array<i32>} : memref<26x128xi32, #tpu.memory_space<vmem>>, vector<1x16xi32>,
    %get3A_2541 = arith.constant 21 : i32
    %get3A_2542 = arith.index_cast %get3A_2541 : i32 to index
    %get3A_2543 = arith.constant 16 : index
    %get3A_2544 = tpu.vector_load %arg6[%get3A_2542, %get3A_2543] {strides = array<i32>} : memref<26x128xi32, #tpu.memory_space<vmem>>, vector<1x16xi32>,
    %get3A_2545 = vector.shape_cast %get3A_2544 : vector<1x16xi32> to vector<16xi32>
    %add3A_2546 = arith.constant 2100000 : i32
    %add3A_2547 = vector.broadcast %add3A_2546 : i32 to vector<16xi32>
    %add3A_2548 = arith.addi %get3A_2545, %add3A_2547 : vector<16xi32>
    %swap3A_2549 = arith.constant 21 : i32
    %swap3A_2550 = arith.index_cast %swap3A_2549 : i32 to index
    %swap3A_2551 = arith.constant 16 : index
    %swap3A_2552 = tpu.vector_load %arg6[%swap3A_2550, %swap3A_2551] {strides = array<i32>} : memref<26x128xi32, #tpu.memory_space<vmem>>, vector<1x16xi32>,
    %swap3A_2553 = vector.shape_cast %swap3A_2552 : vector<1x16xi32> to vector<16xi32>
    %swap3A_2554 = vector.shape_cast %add3A_2548 : vector<16xi32> to vector<1x16xi32>
    tpu.vector_store %arg6[%swap3A_2550, %swap3A_2551], %swap3A_2554 {strides = array<i32>} : memref<26x128xi32, #tpu.memory_space<vmem>>, vector<1x16xi32>,
    %get3A_2555 = arith.constant 21 : i32
    %get3A_2556 = arith.index_cast %get3A_2555 : i32 to index
    %get3A_2557 = arith.constant 32 : index
    %get3A_2558 = tpu.vector_load %arg6[%get3A_2556, %get3A_2557] {strides = array<i32>} : memref<26x128xi32, #tpu.memory_space<vmem>>, vector<1x16xi32>,
    %get3A_2559 = vector.shape_cast %get3A_2558 : vector<1x16xi32> to vector<16xi32>
    %add3A_2560 = arith.constant 2100000 : i32
    %add3A_2561 = vector.broadcast %add3A_2560 : i32 to vector<16xi32>
    %add3A_2562 = arith.addi %get3A_2559, %add3A_2561 : vector<16xi32>
    %swap3A_2563 = arith.constant 21 : i32
    %swap3A_2564 = arith.index_cast %swap3A_2563 : i32 to index
    %swap3A_2565 = arith.constant 32 : index
    %swap3A_2566 = tpu.vector_load %arg6[%swap3A_2564, %swap3A_2565] {strides = array<i32>} : memref<26x128xi32, #tpu.memory_space<vmem>>, vector<1x16xi32>,
    %swap3A_2567 = vector.shape_cast %swap3A_2566 : vector<1x16xi32> to vector<16xi32>
    %swap3A_2568 = vector.shape_cast %add3A_2562 : vector<16xi32> to vector<1x16xi32>
    tpu.vector_store %arg6[%swap3A_2564, %swap3A_2565], %swap3A_2568 {strides = array<i32>} : memref<26x128xi32, #tpu.memory_space<vmem>>, vector<1x16xi32>,
    %get3A_2569 = arith.constant 21 : i32
    %get3A_2570 = arith.index_cast %get3A_2569 : i32 to index
    %get3A_2571 = arith.constant 48 : index
    %get3A_2572 = tpu.vector_load %arg6[%get3A_2570, %get3A_2571] {strides = array<i32>} : memref<26x128xi32, #tpu.memory_space<vmem>>, vector<1x16xi32>,
    %get3A_2573 = vector.shape_cast %get3A_2572 : vector<1x16xi32> to vector<16xi32>
    %add3A_2574 = arith.constant 2100000 : i32
    %add3A_2575 = vector.broadcast %add3A_2574 : i32 to vector<16xi32>
    %add3A_2576 = arith.addi %get3A_2573, %add3A_2575 : vector<16xi32>
    %swap3A_2577 = arith.constant 21 : i32
    %swap3A_2578 = arith.index_cast %swap3A_2577 : i32 to index
    %swap3A_2579 = arith.constant 48 : index
    %swap3A_2580 = tpu.vector_load %arg6[%swap3A_2578, %swap3A_2579] {strides = array<i32>} : memref<26x128xi32, #tpu.memory_space<vmem>>, vector<1x16xi32>,
    %swap3A_2581 = vector.shape_cast %swap3A_2580 : vector<1x16xi32> to vector<16xi32>
    %swap3A_2582 = vector.shape_cast %add3A_2576 : vector<16xi32> to vector<1x16xi32>
    tpu.vector_store %arg6[%swap3A_2578, %swap3A_2579], %swap3A_2582 {strides = array<i32>} : memref<26x128xi32, #tpu.memory_space<vmem>>, vector<1x16xi32>,
    %get3A_2583 = arith.constant 21 : i32
    %get3A_2584 = arith.index_cast %get3A_2583 : i32 to index
    %get3A_2585 = arith.constant 64 : index
    %get3A_2586 = tpu.vector_load %arg6[%get3A_2584, %get3A_2585] {strides = array<i32>} : memref<26x128xi32, #tpu.memory_space<vmem>>, vector<1x16xi32>,
    %get3A_2587 = vector.shape_cast %get3A_2586 : vector<1x16xi32> to vector<16xi32>
    %add3A_2588 = arith.constant 2100000 : i32
    %add3A_2589 = vector.broadcast %add3A_2588 : i32 to vector<16xi32>
    %add3A_2590 = arith.addi %get3A_2587, %add3A_2589 : vector<16xi32>
    %swap3A_2591 = arith.constant 21 : i32
    %swap3A_2592 = arith.index_cast %swap3A_2591 : i32 to index
    %swap3A_2593 = arith.constant 64 : index
    %swap3A_2594 = tpu.vector_load %arg6[%swap3A_2592, %swap3A_2593] {strides = array<i32>} : memref<26x128xi32, #tpu.memory_space<vmem>>, vector<1x16xi32>,
    %swap3A_2595 = vector.shape_cast %swap3A_2594 : vector<1x16xi32> to vector<16xi32>
    %swap3A_2596 = vector.shape_cast %add3A_2590 : vector<16xi32> to vector<1x16xi32>
    tpu.vector_store %arg6[%swap3A_2592, %swap3A_2593], %swap3A_2596 {strides = array<i32>} : memref<26x128xi32, #tpu.memory_space<vmem>>, vector<1x16xi32>,
    %get3A_2597 = arith.constant 21 : i32
    %get3A_2598 = arith.index_cast %get3A_2597 : i32 to index
    %get3A_2599 = arith.constant 80 : index
    %get3A_2600 = tpu.vector_load %arg6[%get3A_2598, %get3A_2599] {strides = array<i32>} : memref<26x128xi32, #tpu.memory_space<vmem>>, vector<1x16xi32>,
    %get3A_2601 = vector.shape_cast %get3A_2600 : vector<1x16xi32> to vector<16xi32>
    %add3A_2602 = arith.constant 2100000 : i32
    %add3A_2603 = vector.broadcast %add3A_2602 : i32 to vector<16xi32>
    %add3A_2604 = arith.addi %get3A_2601, %add3A_2603 : vector<16xi32>
    %swap3A_2605 = arith.constant 21 : i32
    %swap3A_2606 = arith.index_cast %swap3A_2605 : i32 to index
    %swap3A_2607 = arith.constant 80 : index
    %swap3A_2608 = tpu.vector_load %arg6[%swap3A_2606, %swap3A_2607] {strides = array<i32>} : memref<26x128xi32, #tpu.memory_space<vmem>>, vector<1x16xi32>,
    %swap3A_2609 = vector.shape_cast %swap3A_2608 : vector<1x16xi32> to vector<16xi32>
    %swap3A_2610 = vector.shape_cast %add3A_2604 : vector<16xi32> to vector<1x16xi32>
    tpu.vector_store %arg6[%swap3A_2606, %swap3A_2607], %swap3A_2610 {strides = array<i32>} : memref<26x128xi32, #tpu.memory_space<vmem>>, vector<1x16xi32>,
    %get3A_2611 = arith.constant 21 : i32
    %get3A_2612 = arith.index_cast %get3A_2611 : i32 to index
    %get3A_2613 = arith.constant 96 : index
    %get3A_2614 = tpu.vector_load %arg6[%get3A_2612, %get3A_2613] {strides = array<i32>} : memref<26x128xi32, #tpu.memory_space<vmem>>, vector<1x16xi32>,
    %get3A_2615 = vector.shape_cast %get3A_2614 : vector<1x16xi32> to vector<16xi32>
    %add3A_2616 = arith.constant 2100000 : i32
    %add3A_2617 = vector.broadcast %add3A_2616 : i32 to vector<16xi32>
    %add3A_2618 = arith.addi %get3A_2615, %add3A_2617 : vector<16xi32>
    %swap3A_2619 = arith.constant 21 : i32
    %swap3A_2620 = arith.index_cast %swap3A_2619 : i32 to index
    %swap3A_2621 = arith.constant 96 : index
    %swap3A_2622 = tpu.vector_load %arg6[%swap3A_2620, %swap3A_2621] {strides = array<i32>} : memref<26x128xi32, #tpu.memory_space<vmem>>, vector<1x16xi32>,
    %swap3A_2623 = vector.shape_cast %swap3A_2622 : vector<1x16xi32> to vector<16xi32>
    %swap3A_2624 = vector.shape_cast %add3A_2618 : vector<16xi32> to vector<1x16xi32>
    tpu.vector_store %arg6[%swap3A_2620, %swap3A_2621], %swap3A_2624 {strides = array<i32>} : memref<26x128xi32, #tpu.memory_space<vmem>>, vector<1x16xi32>,
    %get3A_2625 = arith.constant 21 : i32
    %get3A_2626 = arith.index_cast %get3A_2625 : i32 to index
    %get3A_2627 = arith.constant 112 : index
    %get3A_2628 = tpu.vector_load %arg6[%get3A_2626, %get3A_2627] {strides = array<i32>} : memref<26x128xi32, #tpu.memory_space<vmem>>, vector<1x16xi32>,
    %get3A_2629 = vector.shape_cast %get3A_2628 : vector<1x16xi32> to vector<16xi32>
    %add3A_2630 = arith.constant 2100000 : i32
    %add3A_2631 = vector.broadcast %add3A_2630 : i32 to vector<16xi32>
    %add3A_2632 = arith.addi %get3A_2629, %add3A_2631 : vector<16xi32>
    %swap3A_2633 = arith.constant 21 : i32
    %swap3A_2634 = arith.index_cast %swap3A_2633 : i32 to index
    %swap3A_2635 = arith.constant 112 : index
    %swap3A_2636 = tpu.vector_load %arg6[%swap3A_2634, %swap3A_2635] {strides = array<i32>} : memref<26x128xi32, #tpu.memory_space<vmem>>, vector<1x16xi32>,
    %swap3A_2637 = vector.shape_cast %swap3A_2636 : vector<1x16xi32> to vector<16xi32>
    %swap3A_2638 = vector.shape_cast %add3A_2632 : vector<16xi32> to vector<1x16xi32>
    tpu.vector_store %arg6[%swap3A_2634, %swap3A_2635], %swap3A_2638 {strides = array<i32>} : memref<26x128xi32, #tpu.memory_space<vmem>>, vector<1x16xi32>,
    %dma_start3A_2639 = arith.constant 21 : i32
    %dma_start3A_2640 = arith.constant 2688 : i32
    %dma_start3A_2641 = tpu.memref_slice %arg7[%dma_start3A_2640] : memref<3328xf32, #tpu.memory_space<vmem>> -> memref<128xf32, #tpu.memory_space<vmem>>
    %dma_start3A_2642 = arith.constant 0 : i32
    %dma_start3A_2643 = tpu.memref_slice %arg6[%dma_start3A_2639, %dma_start3A_2642] : memref<26x128xi32, #tpu.memory_space<vmem>> -> memref<1x128xi32, #tpu.memory_space<vmem>>
    %dma_start3A_2644 = tpu.memref_squeeze %dma_start3A_2643 : memref<1x128xi32, #tpu.memory_space<vmem>> -> memref<128xi32, #tpu.memory_space<vmem>>
    %dma_start3A_2645 = arith.constant 0 : i32
    %dma_start3A_2646 = tpu.memref_slice %arg3[%dma_start3A_2645] : memref<2600000xf32, #tpu.memory_space<hbm>> -> memref<2600000xf32, #tpu.memory_space<hbm>>
    tpu.enqueue_indirect_dma source(%dma_start3A_2646 : memref<2600000xf32, #tpu.memory_space<hbm>>) target(%dma_start3A_2641 : memref<128xf32, #tpu.memory_space<vmem>>) offsets(%dma_start3A_2644 : memref<128xi32, #tpu.memory_space<vmem>>) semaphore(%arg11 : memref<!tpu.dma_semaphore, #tpu.memory_space<semaphore_mem>>)
    %get3A_2647 = arith.constant 22 : i32
    %get3A_2648 = arith.index_cast %get3A_2647 : i32 to index
    %get3A_2649 = arith.constant 0 : index
    %get3A_2650 = tpu.vector_load %arg6[%get3A_2648, %get3A_2649] {strides = array<i32>} : memref<26x128xi32, #tpu.memory_space<vmem>>, vector<1x16xi32>,
    %get3A_2651 = vector.shape_cast %get3A_2650 : vector<1x16xi32> to vector<16xi32>
    %add3A_2652 = arith.constant 2200000 : i32
    %add3A_2653 = vector.broadcast %add3A_2652 : i32 to vector<16xi32>
    %add3A_2654 = arith.addi %get3A_2651, %add3A_2653 : vector<16xi32>
    %swap3A_2655 = arith.constant 22 : i32
    %swap3A_2656 = arith.index_cast %swap3A_2655 : i32 to index
    %swap3A_2657 = arith.constant 0 : index
    %swap3A_2658 = tpu.vector_load %arg6[%swap3A_2656, %swap3A_2657] {strides = array<i32>} : memref<26x128xi32, #tpu.memory_space<vmem>>, vector<1x16xi32>,
    %swap3A_2659 = vector.shape_cast %swap3A_2658 : vector<1x16xi32> to vector<16xi32>
    %swap3A_2660 = vector.shape_cast %add3A_2654 : vector<16xi32> to vector<1x16xi32>
    tpu.vector_store %arg6[%swap3A_2656, %swap3A_2657], %swap3A_2660 {strides = array<i32>} : memref<26x128xi32, #tpu.memory_space<vmem>>, vector<1x16xi32>,
    %get3A_2661 = arith.constant 22 : i32
    %get3A_2662 = arith.index_cast %get3A_2661 : i32 to index
    %get3A_2663 = arith.constant 16 : index
    %get3A_2664 = tpu.vector_load %arg6[%get3A_2662, %get3A_2663] {strides = array<i32>} : memref<26x128xi32, #tpu.memory_space<vmem>>, vector<1x16xi32>,
    %get3A_2665 = vector.shape_cast %get3A_2664 : vector<1x16xi32> to vector<16xi32>
    %add3A_2666 = arith.constant 2200000 : i32
    %add3A_2667 = vector.broadcast %add3A_2666 : i32 to vector<16xi32>
    %add3A_2668 = arith.addi %get3A_2665, %add3A_2667 : vector<16xi32>
    %swap3A_2669 = arith.constant 22 : i32
    %swap3A_2670 = arith.index_cast %swap3A_2669 : i32 to index
    %swap3A_2671 = arith.constant 16 : index
    %swap3A_2672 = tpu.vector_load %arg6[%swap3A_2670, %swap3A_2671] {strides = array<i32>} : memref<26x128xi32, #tpu.memory_space<vmem>>, vector<1x16xi32>,
    %swap3A_2673 = vector.shape_cast %swap3A_2672 : vector<1x16xi32> to vector<16xi32>
    %swap3A_2674 = vector.shape_cast %add3A_2668 : vector<16xi32> to vector<1x16xi32>
    tpu.vector_store %arg6[%swap3A_2670, %swap3A_2671], %swap3A_2674 {strides = array<i32>} : memref<26x128xi32, #tpu.memory_space<vmem>>, vector<1x16xi32>,
    %get3A_2675 = arith.constant 22 : i32
    %get3A_2676 = arith.index_cast %get3A_2675 : i32 to index
    %get3A_2677 = arith.constant 32 : index
    %get3A_2678 = tpu.vector_load %arg6[%get3A_2676, %get3A_2677] {strides = array<i32>} : memref<26x128xi32, #tpu.memory_space<vmem>>, vector<1x16xi32>,
    %get3A_2679 = vector.shape_cast %get3A_2678 : vector<1x16xi32> to vector<16xi32>
    %add3A_2680 = arith.constant 2200000 : i32
    %add3A_2681 = vector.broadcast %add3A_2680 : i32 to vector<16xi32>
    %add3A_2682 = arith.addi %get3A_2679, %add3A_2681 : vector<16xi32>
    %swap3A_2683 = arith.constant 22 : i32
    %swap3A_2684 = arith.index_cast %swap3A_2683 : i32 to index
    %swap3A_2685 = arith.constant 32 : index
    %swap3A_2686 = tpu.vector_load %arg6[%swap3A_2684, %swap3A_2685] {strides = array<i32>} : memref<26x128xi32, #tpu.memory_space<vmem>>, vector<1x16xi32>,
    %swap3A_2687 = vector.shape_cast %swap3A_2686 : vector<1x16xi32> to vector<16xi32>
    %swap3A_2688 = vector.shape_cast %add3A_2682 : vector<16xi32> to vector<1x16xi32>
    tpu.vector_store %arg6[%swap3A_2684, %swap3A_2685], %swap3A_2688 {strides = array<i32>} : memref<26x128xi32, #tpu.memory_space<vmem>>, vector<1x16xi32>,
    %get3A_2689 = arith.constant 22 : i32
    %get3A_2690 = arith.index_cast %get3A_2689 : i32 to index
    %get3A_2691 = arith.constant 48 : index
    %get3A_2692 = tpu.vector_load %arg6[%get3A_2690, %get3A_2691] {strides = array<i32>} : memref<26x128xi32, #tpu.memory_space<vmem>>, vector<1x16xi32>,
    %get3A_2693 = vector.shape_cast %get3A_2692 : vector<1x16xi32> to vector<16xi32>
    %add3A_2694 = arith.constant 2200000 : i32
    %add3A_2695 = vector.broadcast %add3A_2694 : i32 to vector<16xi32>
    %add3A_2696 = arith.addi %get3A_2693, %add3A_2695 : vector<16xi32>
    %swap3A_2697 = arith.constant 22 : i32
    %swap3A_2698 = arith.index_cast %swap3A_2697 : i32 to index
    %swap3A_2699 = arith.constant 48 : index
    %swap3A_2700 = tpu.vector_load %arg6[%swap3A_2698, %swap3A_2699] {strides = array<i32>} : memref<26x128xi32, #tpu.memory_space<vmem>>, vector<1x16xi32>,
    %swap3A_2701 = vector.shape_cast %swap3A_2700 : vector<1x16xi32> to vector<16xi32>
    %swap3A_2702 = vector.shape_cast %add3A_2696 : vector<16xi32> to vector<1x16xi32>
    tpu.vector_store %arg6[%swap3A_2698, %swap3A_2699], %swap3A_2702 {strides = array<i32>} : memref<26x128xi32, #tpu.memory_space<vmem>>, vector<1x16xi32>,
    %get3A_2703 = arith.constant 22 : i32
    %get3A_2704 = arith.index_cast %get3A_2703 : i32 to index
    %get3A_2705 = arith.constant 64 : index
    %get3A_2706 = tpu.vector_load %arg6[%get3A_2704, %get3A_2705] {strides = array<i32>} : memref<26x128xi32, #tpu.memory_space<vmem>>, vector<1x16xi32>,
    %get3A_2707 = vector.shape_cast %get3A_2706 : vector<1x16xi32> to vector<16xi32>
    %add3A_2708 = arith.constant 2200000 : i32
    %add3A_2709 = vector.broadcast %add3A_2708 : i32 to vector<16xi32>
    %add3A_2710 = arith.addi %get3A_2707, %add3A_2709 : vector<16xi32>
    %swap3A_2711 = arith.constant 22 : i32
    %swap3A_2712 = arith.index_cast %swap3A_2711 : i32 to index
    %swap3A_2713 = arith.constant 64 : index
    %swap3A_2714 = tpu.vector_load %arg6[%swap3A_2712, %swap3A_2713] {strides = array<i32>} : memref<26x128xi32, #tpu.memory_space<vmem>>, vector<1x16xi32>,
    %swap3A_2715 = vector.shape_cast %swap3A_2714 : vector<1x16xi32> to vector<16xi32>
    %swap3A_2716 = vector.shape_cast %add3A_2710 : vector<16xi32> to vector<1x16xi32>
    tpu.vector_store %arg6[%swap3A_2712, %swap3A_2713], %swap3A_2716 {strides = array<i32>} : memref<26x128xi32, #tpu.memory_space<vmem>>, vector<1x16xi32>,
    %get3A_2717 = arith.constant 22 : i32
    %get3A_2718 = arith.index_cast %get3A_2717 : i32 to index
    %get3A_2719 = arith.constant 80 : index
    %get3A_2720 = tpu.vector_load %arg6[%get3A_2718, %get3A_2719] {strides = array<i32>} : memref<26x128xi32, #tpu.memory_space<vmem>>, vector<1x16xi32>,
    %get3A_2721 = vector.shape_cast %get3A_2720 : vector<1x16xi32> to vector<16xi32>
    %add3A_2722 = arith.constant 2200000 : i32
    %add3A_2723 = vector.broadcast %add3A_2722 : i32 to vector<16xi32>
    %add3A_2724 = arith.addi %get3A_2721, %add3A_2723 : vector<16xi32>
    %swap3A_2725 = arith.constant 22 : i32
    %swap3A_2726 = arith.index_cast %swap3A_2725 : i32 to index
    %swap3A_2727 = arith.constant 80 : index
    %swap3A_2728 = tpu.vector_load %arg6[%swap3A_2726, %swap3A_2727] {strides = array<i32>} : memref<26x128xi32, #tpu.memory_space<vmem>>, vector<1x16xi32>,
    %swap3A_2729 = vector.shape_cast %swap3A_2728 : vector<1x16xi32> to vector<16xi32>
    %swap3A_2730 = vector.shape_cast %add3A_2724 : vector<16xi32> to vector<1x16xi32>
    tpu.vector_store %arg6[%swap3A_2726, %swap3A_2727], %swap3A_2730 {strides = array<i32>} : memref<26x128xi32, #tpu.memory_space<vmem>>, vector<1x16xi32>,
    %get3A_2731 = arith.constant 22 : i32
    %get3A_2732 = arith.index_cast %get3A_2731 : i32 to index
    %get3A_2733 = arith.constant 96 : index
    %get3A_2734 = tpu.vector_load %arg6[%get3A_2732, %get3A_2733] {strides = array<i32>} : memref<26x128xi32, #tpu.memory_space<vmem>>, vector<1x16xi32>,
    %get3A_2735 = vector.shape_cast %get3A_2734 : vector<1x16xi32> to vector<16xi32>
    %add3A_2736 = arith.constant 2200000 : i32
    %add3A_2737 = vector.broadcast %add3A_2736 : i32 to vector<16xi32>
    %add3A_2738 = arith.addi %get3A_2735, %add3A_2737 : vector<16xi32>
    %swap3A_2739 = arith.constant 22 : i32
    %swap3A_2740 = arith.index_cast %swap3A_2739 : i32 to index
    %swap3A_2741 = arith.constant 96 : index
    %swap3A_2742 = tpu.vector_load %arg6[%swap3A_2740, %swap3A_2741] {strides = array<i32>} : memref<26x128xi32, #tpu.memory_space<vmem>>, vector<1x16xi32>,
    %swap3A_2743 = vector.shape_cast %swap3A_2742 : vector<1x16xi32> to vector<16xi32>
    %swap3A_2744 = vector.shape_cast %add3A_2738 : vector<16xi32> to vector<1x16xi32>
    tpu.vector_store %arg6[%swap3A_2740, %swap3A_2741], %swap3A_2744 {strides = array<i32>} : memref<26x128xi32, #tpu.memory_space<vmem>>, vector<1x16xi32>,
    %get3A_2745 = arith.constant 22 : i32
    %get3A_2746 = arith.index_cast %get3A_2745 : i32 to index
    %get3A_2747 = arith.constant 112 : index
    %get3A_2748 = tpu.vector_load %arg6[%get3A_2746, %get3A_2747] {strides = array<i32>} : memref<26x128xi32, #tpu.memory_space<vmem>>, vector<1x16xi32>,
    %get3A_2749 = vector.shape_cast %get3A_2748 : vector<1x16xi32> to vector<16xi32>
    %add3A_2750 = arith.constant 2200000 : i32
    %add3A_2751 = vector.broadcast %add3A_2750 : i32 to vector<16xi32>
    %add3A_2752 = arith.addi %get3A_2749, %add3A_2751 : vector<16xi32>
    %swap3A_2753 = arith.constant 22 : i32
    %swap3A_2754 = arith.index_cast %swap3A_2753 : i32 to index
    %swap3A_2755 = arith.constant 112 : index
    %swap3A_2756 = tpu.vector_load %arg6[%swap3A_2754, %swap3A_2755] {strides = array<i32>} : memref<26x128xi32, #tpu.memory_space<vmem>>, vector<1x16xi32>,
    %swap3A_2757 = vector.shape_cast %swap3A_2756 : vector<1x16xi32> to vector<16xi32>
    %swap3A_2758 = vector.shape_cast %add3A_2752 : vector<16xi32> to vector<1x16xi32>
    tpu.vector_store %arg6[%swap3A_2754, %swap3A_2755], %swap3A_2758 {strides = array<i32>} : memref<26x128xi32, #tpu.memory_space<vmem>>, vector<1x16xi32>,
    %dma_start3A_2759 = arith.constant 22 : i32
    %dma_start3A_2760 = arith.constant 2816 : i32
    %dma_start3A_2761 = tpu.memref_slice %arg7[%dma_start3A_2760] : memref<3328xf32, #tpu.memory_space<vmem>> -> memref<128xf32, #tpu.memory_space<vmem>>
    %dma_start3A_2762 = arith.constant 0 : i32
    %dma_start3A_2763 = tpu.memref_slice %arg6[%dma_start3A_2759, %dma_start3A_2762] : memref<26x128xi32, #tpu.memory_space<vmem>> -> memref<1x128xi32, #tpu.memory_space<vmem>>
    %dma_start3A_2764 = tpu.memref_squeeze %dma_start3A_2763 : memref<1x128xi32, #tpu.memory_space<vmem>> -> memref<128xi32, #tpu.memory_space<vmem>>
    %dma_start3A_2765 = arith.constant 0 : i32
    %dma_start3A_2766 = tpu.memref_slice %arg3[%dma_start3A_2765] : memref<2600000xf32, #tpu.memory_space<hbm>> -> memref<2600000xf32, #tpu.memory_space<hbm>>
    tpu.enqueue_indirect_dma source(%dma_start3A_2766 : memref<2600000xf32, #tpu.memory_space<hbm>>) target(%dma_start3A_2761 : memref<128xf32, #tpu.memory_space<vmem>>) offsets(%dma_start3A_2764 : memref<128xi32, #tpu.memory_space<vmem>>) semaphore(%arg11 : memref<!tpu.dma_semaphore, #tpu.memory_space<semaphore_mem>>)
    %get3A_2767 = arith.constant 23 : i32
    %get3A_2768 = arith.index_cast %get3A_2767 : i32 to index
    %get3A_2769 = arith.constant 0 : index
    %get3A_2770 = tpu.vector_load %arg6[%get3A_2768, %get3A_2769] {strides = array<i32>} : memref<26x128xi32, #tpu.memory_space<vmem>>, vector<1x16xi32>,
    %get3A_2771 = vector.shape_cast %get3A_2770 : vector<1x16xi32> to vector<16xi32>
    %add3A_2772 = arith.constant 2300000 : i32
    %add3A_2773 = vector.broadcast %add3A_2772 : i32 to vector<16xi32>
    %add3A_2774 = arith.addi %get3A_2771, %add3A_2773 : vector<16xi32>
    %swap3A_2775 = arith.constant 23 : i32
    %swap3A_2776 = arith.index_cast %swap3A_2775 : i32 to index
    %swap3A_2777 = arith.constant 0 : index
    %swap3A_2778 = tpu.vector_load %arg6[%swap3A_2776, %swap3A_2777] {strides = array<i32>} : memref<26x128xi32, #tpu.memory_space<vmem>>, vector<1x16xi32>,
    %swap3A_2779 = vector.shape_cast %swap3A_2778 : vector<1x16xi32> to vector<16xi32>
    %swap3A_2780 = vector.shape_cast %add3A_2774 : vector<16xi32> to vector<1x16xi32>
    tpu.vector_store %arg6[%swap3A_2776, %swap3A_2777], %swap3A_2780 {strides = array<i32>} : memref<26x128xi32, #tpu.memory_space<vmem>>, vector<1x16xi32>,
    %get3A_2781 = arith.constant 23 : i32
    %get3A_2782 = arith.index_cast %get3A_2781 : i32 to index
    %get3A_2783 = arith.constant 16 : index
    %get3A_2784 = tpu.vector_load %arg6[%get3A_2782, %get3A_2783] {strides = array<i32>} : memref<26x128xi32, #tpu.memory_space<vmem>>, vector<1x16xi32>,
    %get3A_2785 = vector.shape_cast %get3A_2784 : vector<1x16xi32> to vector<16xi32>
    %add3A_2786 = arith.constant 2300000 : i32
    %add3A_2787 = vector.broadcast %add3A_2786 : i32 to vector<16xi32>
    %add3A_2788 = arith.addi %get3A_2785, %add3A_2787 : vector<16xi32>
    %swap3A_2789 = arith.constant 23 : i32
    %swap3A_2790 = arith.index_cast %swap3A_2789 : i32 to index
    %swap3A_2791 = arith.constant 16 : index
    %swap3A_2792 = tpu.vector_load %arg6[%swap3A_2790, %swap3A_2791] {strides = array<i32>} : memref<26x128xi32, #tpu.memory_space<vmem>>, vector<1x16xi32>,
    %swap3A_2793 = vector.shape_cast %swap3A_2792 : vector<1x16xi32> to vector<16xi32>
    %swap3A_2794 = vector.shape_cast %add3A_2788 : vector<16xi32> to vector<1x16xi32>
    tpu.vector_store %arg6[%swap3A_2790, %swap3A_2791], %swap3A_2794 {strides = array<i32>} : memref<26x128xi32, #tpu.memory_space<vmem>>, vector<1x16xi32>,
    %get3A_2795 = arith.constant 23 : i32
    %get3A_2796 = arith.index_cast %get3A_2795 : i32 to index
    %get3A_2797 = arith.constant 32 : index
    %get3A_2798 = tpu.vector_load %arg6[%get3A_2796, %get3A_2797] {strides = array<i32>} : memref<26x128xi32, #tpu.memory_space<vmem>>, vector<1x16xi32>,
    %get3A_2799 = vector.shape_cast %get3A_2798 : vector<1x16xi32> to vector<16xi32>
    %add3A_2800 = arith.constant 2300000 : i32
    %add3A_2801 = vector.broadcast %add3A_2800 : i32 to vector<16xi32>
    %add3A_2802 = arith.addi %get3A_2799, %add3A_2801 : vector<16xi32>
    %swap3A_2803 = arith.constant 23 : i32
    %swap3A_2804 = arith.index_cast %swap3A_2803 : i32 to index
    %swap3A_2805 = arith.constant 32 : index
    %swap3A_2806 = tpu.vector_load %arg6[%swap3A_2804, %swap3A_2805] {strides = array<i32>} : memref<26x128xi32, #tpu.memory_space<vmem>>, vector<1x16xi32>,
    %swap3A_2807 = vector.shape_cast %swap3A_2806 : vector<1x16xi32> to vector<16xi32>
    %swap3A_2808 = vector.shape_cast %add3A_2802 : vector<16xi32> to vector<1x16xi32>
    tpu.vector_store %arg6[%swap3A_2804, %swap3A_2805], %swap3A_2808 {strides = array<i32>} : memref<26x128xi32, #tpu.memory_space<vmem>>, vector<1x16xi32>,
    %get3A_2809 = arith.constant 23 : i32
    %get3A_2810 = arith.index_cast %get3A_2809 : i32 to index
    %get3A_2811 = arith.constant 48 : index
    %get3A_2812 = tpu.vector_load %arg6[%get3A_2810, %get3A_2811] {strides = array<i32>} : memref<26x128xi32, #tpu.memory_space<vmem>>, vector<1x16xi32>,
    %get3A_2813 = vector.shape_cast %get3A_2812 : vector<1x16xi32> to vector<16xi32>
    %add3A_2814 = arith.constant 2300000 : i32
    %add3A_2815 = vector.broadcast %add3A_2814 : i32 to vector<16xi32>
    %add3A_2816 = arith.addi %get3A_2813, %add3A_2815 : vector<16xi32>
    %swap3A_2817 = arith.constant 23 : i32
    %swap3A_2818 = arith.index_cast %swap3A_2817 : i32 to index
    %swap3A_2819 = arith.constant 48 : index
    %swap3A_2820 = tpu.vector_load %arg6[%swap3A_2818, %swap3A_2819] {strides = array<i32>} : memref<26x128xi32, #tpu.memory_space<vmem>>, vector<1x16xi32>,
    %swap3A_2821 = vector.shape_cast %swap3A_2820 : vector<1x16xi32> to vector<16xi32>
    %swap3A_2822 = vector.shape_cast %add3A_2816 : vector<16xi32> to vector<1x16xi32>
    tpu.vector_store %arg6[%swap3A_2818, %swap3A_2819], %swap3A_2822 {strides = array<i32>} : memref<26x128xi32, #tpu.memory_space<vmem>>, vector<1x16xi32>,
    %get3A_2823 = arith.constant 23 : i32
    %get3A_2824 = arith.index_cast %get3A_2823 : i32 to index
    %get3A_2825 = arith.constant 64 : index
    %get3A_2826 = tpu.vector_load %arg6[%get3A_2824, %get3A_2825] {strides = array<i32>} : memref<26x128xi32, #tpu.memory_space<vmem>>, vector<1x16xi32>,
    %get3A_2827 = vector.shape_cast %get3A_2826 : vector<1x16xi32> to vector<16xi32>
    %add3A_2828 = arith.constant 2300000 : i32
    %add3A_2829 = vector.broadcast %add3A_2828 : i32 to vector<16xi32>
    %add3A_2830 = arith.addi %get3A_2827, %add3A_2829 : vector<16xi32>
    %swap3A_2831 = arith.constant 23 : i32
    %swap3A_2832 = arith.index_cast %swap3A_2831 : i32 to index
    %swap3A_2833 = arith.constant 64 : index
    %swap3A_2834 = tpu.vector_load %arg6[%swap3A_2832, %swap3A_2833] {strides = array<i32>} : memref<26x128xi32, #tpu.memory_space<vmem>>, vector<1x16xi32>,
    %swap3A_2835 = vector.shape_cast %swap3A_2834 : vector<1x16xi32> to vector<16xi32>
    %swap3A_2836 = vector.shape_cast %add3A_2830 : vector<16xi32> to vector<1x16xi32>
    tpu.vector_store %arg6[%swap3A_2832, %swap3A_2833], %swap3A_2836 {strides = array<i32>} : memref<26x128xi32, #tpu.memory_space<vmem>>, vector<1x16xi32>,
    %get3A_2837 = arith.constant 23 : i32
    %get3A_2838 = arith.index_cast %get3A_2837 : i32 to index
    %get3A_2839 = arith.constant 80 : index
    %get3A_2840 = tpu.vector_load %arg6[%get3A_2838, %get3A_2839] {strides = array<i32>} : memref<26x128xi32, #tpu.memory_space<vmem>>, vector<1x16xi32>,
    %get3A_2841 = vector.shape_cast %get3A_2840 : vector<1x16xi32> to vector<16xi32>
    %add3A_2842 = arith.constant 2300000 : i32
    %add3A_2843 = vector.broadcast %add3A_2842 : i32 to vector<16xi32>
    %add3A_2844 = arith.addi %get3A_2841, %add3A_2843 : vector<16xi32>
    %swap3A_2845 = arith.constant 23 : i32
    %swap3A_2846 = arith.index_cast %swap3A_2845 : i32 to index
    %swap3A_2847 = arith.constant 80 : index
    %swap3A_2848 = tpu.vector_load %arg6[%swap3A_2846, %swap3A_2847] {strides = array<i32>} : memref<26x128xi32, #tpu.memory_space<vmem>>, vector<1x16xi32>,
    %swap3A_2849 = vector.shape_cast %swap3A_2848 : vector<1x16xi32> to vector<16xi32>
    %swap3A_2850 = vector.shape_cast %add3A_2844 : vector<16xi32> to vector<1x16xi32>
    tpu.vector_store %arg6[%swap3A_2846, %swap3A_2847], %swap3A_2850 {strides = array<i32>} : memref<26x128xi32, #tpu.memory_space<vmem>>, vector<1x16xi32>,
    %get3A_2851 = arith.constant 23 : i32
    %get3A_2852 = arith.index_cast %get3A_2851 : i32 to index
    %get3A_2853 = arith.constant 96 : index
    %get3A_2854 = tpu.vector_load %arg6[%get3A_2852, %get3A_2853] {strides = array<i32>} : memref<26x128xi32, #tpu.memory_space<vmem>>, vector<1x16xi32>,
    %get3A_2855 = vector.shape_cast %get3A_2854 : vector<1x16xi32> to vector<16xi32>
    %add3A_2856 = arith.constant 2300000 : i32
    %add3A_2857 = vector.broadcast %add3A_2856 : i32 to vector<16xi32>
    %add3A_2858 = arith.addi %get3A_2855, %add3A_2857 : vector<16xi32>
    %swap3A_2859 = arith.constant 23 : i32
    %swap3A_2860 = arith.index_cast %swap3A_2859 : i32 to index
    %swap3A_2861 = arith.constant 96 : index
    %swap3A_2862 = tpu.vector_load %arg6[%swap3A_2860, %swap3A_2861] {strides = array<i32>} : memref<26x128xi32, #tpu.memory_space<vmem>>, vector<1x16xi32>,
    %swap3A_2863 = vector.shape_cast %swap3A_2862 : vector<1x16xi32> to vector<16xi32>
    %swap3A_2864 = vector.shape_cast %add3A_2858 : vector<16xi32> to vector<1x16xi32>
    tpu.vector_store %arg6[%swap3A_2860, %swap3A_2861], %swap3A_2864 {strides = array<i32>} : memref<26x128xi32, #tpu.memory_space<vmem>>, vector<1x16xi32>,
    %get3A_2865 = arith.constant 23 : i32
    %get3A_2866 = arith.index_cast %get3A_2865 : i32 to index
    %get3A_2867 = arith.constant 112 : index
    %get3A_2868 = tpu.vector_load %arg6[%get3A_2866, %get3A_2867] {strides = array<i32>} : memref<26x128xi32, #tpu.memory_space<vmem>>, vector<1x16xi32>,
    %get3A_2869 = vector.shape_cast %get3A_2868 : vector<1x16xi32> to vector<16xi32>
    %add3A_2870 = arith.constant 2300000 : i32
    %add3A_2871 = vector.broadcast %add3A_2870 : i32 to vector<16xi32>
    %add3A_2872 = arith.addi %get3A_2869, %add3A_2871 : vector<16xi32>
    %swap3A_2873 = arith.constant 23 : i32
    %swap3A_2874 = arith.index_cast %swap3A_2873 : i32 to index
    %swap3A_2875 = arith.constant 112 : index
    %swap3A_2876 = tpu.vector_load %arg6[%swap3A_2874, %swap3A_2875] {strides = array<i32>} : memref<26x128xi32, #tpu.memory_space<vmem>>, vector<1x16xi32>,
    %swap3A_2877 = vector.shape_cast %swap3A_2876 : vector<1x16xi32> to vector<16xi32>
    %swap3A_2878 = vector.shape_cast %add3A_2872 : vector<16xi32> to vector<1x16xi32>
    tpu.vector_store %arg6[%swap3A_2874, %swap3A_2875], %swap3A_2878 {strides = array<i32>} : memref<26x128xi32, #tpu.memory_space<vmem>>, vector<1x16xi32>,
    %dma_start3A_2879 = arith.constant 23 : i32
    %dma_start3A_2880 = arith.constant 2944 : i32
    %dma_start3A_2881 = tpu.memref_slice %arg7[%dma_start3A_2880] : memref<3328xf32, #tpu.memory_space<vmem>> -> memref<128xf32, #tpu.memory_space<vmem>>
    %dma_start3A_2882 = arith.constant 0 : i32
    %dma_start3A_2883 = tpu.memref_slice %arg6[%dma_start3A_2879, %dma_start3A_2882] : memref<26x128xi32, #tpu.memory_space<vmem>> -> memref<1x128xi32, #tpu.memory_space<vmem>>
    %dma_start3A_2884 = tpu.memref_squeeze %dma_start3A_2883 : memref<1x128xi32, #tpu.memory_space<vmem>> -> memref<128xi32, #tpu.memory_space<vmem>>
    %dma_start3A_2885 = arith.constant 0 : i32
    %dma_start3A_2886 = tpu.memref_slice %arg3[%dma_start3A_2885] : memref<2600000xf32, #tpu.memory_space<hbm>> -> memref<2600000xf32, #tpu.memory_space<hbm>>
    tpu.enqueue_indirect_dma source(%dma_start3A_2886 : memref<2600000xf32, #tpu.memory_space<hbm>>) target(%dma_start3A_2881 : memref<128xf32, #tpu.memory_space<vmem>>) offsets(%dma_start3A_2884 : memref<128xi32, #tpu.memory_space<vmem>>) semaphore(%arg11 : memref<!tpu.dma_semaphore, #tpu.memory_space<semaphore_mem>>)
    %get3A_2887 = arith.constant 24 : i32
    %get3A_2888 = arith.index_cast %get3A_2887 : i32 to index
    %get3A_2889 = arith.constant 0 : index
    %get3A_2890 = tpu.vector_load %arg6[%get3A_2888, %get3A_2889] {strides = array<i32>} : memref<26x128xi32, #tpu.memory_space<vmem>>, vector<1x16xi32>,
    %get3A_2891 = vector.shape_cast %get3A_2890 : vector<1x16xi32> to vector<16xi32>
    %add3A_2892 = arith.constant 2400000 : i32
    %add3A_2893 = vector.broadcast %add3A_2892 : i32 to vector<16xi32>
    %add3A_2894 = arith.addi %get3A_2891, %add3A_2893 : vector<16xi32>
    %swap3A_2895 = arith.constant 24 : i32
    %swap3A_2896 = arith.index_cast %swap3A_2895 : i32 to index
    %swap3A_2897 = arith.constant 0 : index
    %swap3A_2898 = tpu.vector_load %arg6[%swap3A_2896, %swap3A_2897] {strides = array<i32>} : memref<26x128xi32, #tpu.memory_space<vmem>>, vector<1x16xi32>,
    %swap3A_2899 = vector.shape_cast %swap3A_2898 : vector<1x16xi32> to vector<16xi32>
    %swap3A_2900 = vector.shape_cast %add3A_2894 : vector<16xi32> to vector<1x16xi32>
    tpu.vector_store %arg6[%swap3A_2896, %swap3A_2897], %swap3A_2900 {strides = array<i32>} : memref<26x128xi32, #tpu.memory_space<vmem>>, vector<1x16xi32>,
    %get3A_2901 = arith.constant 24 : i32
    %get3A_2902 = arith.index_cast %get3A_2901 : i32 to index
    %get3A_2903 = arith.constant 16 : index
    %get3A_2904 = tpu.vector_load %arg6[%get3A_2902, %get3A_2903] {strides = array<i32>} : memref<26x128xi32, #tpu.memory_space<vmem>>, vector<1x16xi32>,
    %get3A_2905 = vector.shape_cast %get3A_2904 : vector<1x16xi32> to vector<16xi32>
    %add3A_2906 = arith.constant 2400000 : i32
    %add3A_2907 = vector.broadcast %add3A_2906 : i32 to vector<16xi32>
    %add3A_2908 = arith.addi %get3A_2905, %add3A_2907 : vector<16xi32>
    %swap3A_2909 = arith.constant 24 : i32
    %swap3A_2910 = arith.index_cast %swap3A_2909 : i32 to index
    %swap3A_2911 = arith.constant 16 : index
    %swap3A_2912 = tpu.vector_load %arg6[%swap3A_2910, %swap3A_2911] {strides = array<i32>} : memref<26x128xi32, #tpu.memory_space<vmem>>, vector<1x16xi32>,
    %swap3A_2913 = vector.shape_cast %swap3A_2912 : vector<1x16xi32> to vector<16xi32>
    %swap3A_2914 = vector.shape_cast %add3A_2908 : vector<16xi32> to vector<1x16xi32>
    tpu.vector_store %arg6[%swap3A_2910, %swap3A_2911], %swap3A_2914 {strides = array<i32>} : memref<26x128xi32, #tpu.memory_space<vmem>>, vector<1x16xi32>,
    %get3A_2915 = arith.constant 24 : i32
    %get3A_2916 = arith.index_cast %get3A_2915 : i32 to index
    %get3A_2917 = arith.constant 32 : index
    %get3A_2918 = tpu.vector_load %arg6[%get3A_2916, %get3A_2917] {strides = array<i32>} : memref<26x128xi32, #tpu.memory_space<vmem>>, vector<1x16xi32>,
    %get3A_2919 = vector.shape_cast %get3A_2918 : vector<1x16xi32> to vector<16xi32>
    %add3A_2920 = arith.constant 2400000 : i32
    %add3A_2921 = vector.broadcast %add3A_2920 : i32 to vector<16xi32>
    %add3A_2922 = arith.addi %get3A_2919, %add3A_2921 : vector<16xi32>
    %swap3A_2923 = arith.constant 24 : i32
    %swap3A_2924 = arith.index_cast %swap3A_2923 : i32 to index
    %swap3A_2925 = arith.constant 32 : index
    %swap3A_2926 = tpu.vector_load %arg6[%swap3A_2924, %swap3A_2925] {strides = array<i32>} : memref<26x128xi32, #tpu.memory_space<vmem>>, vector<1x16xi32>,
    %swap3A_2927 = vector.shape_cast %swap3A_2926 : vector<1x16xi32> to vector<16xi32>
    %swap3A_2928 = vector.shape_cast %add3A_2922 : vector<16xi32> to vector<1x16xi32>
    tpu.vector_store %arg6[%swap3A_2924, %swap3A_2925], %swap3A_2928 {strides = array<i32>} : memref<26x128xi32, #tpu.memory_space<vmem>>, vector<1x16xi32>,
    %get3A_2929 = arith.constant 24 : i32
    %get3A_2930 = arith.index_cast %get3A_2929 : i32 to index
    %get3A_2931 = arith.constant 48 : index
    %get3A_2932 = tpu.vector_load %arg6[%get3A_2930, %get3A_2931] {strides = array<i32>} : memref<26x128xi32, #tpu.memory_space<vmem>>, vector<1x16xi32>,
    %get3A_2933 = vector.shape_cast %get3A_2932 : vector<1x16xi32> to vector<16xi32>
    %add3A_2934 = arith.constant 2400000 : i32
    %add3A_2935 = vector.broadcast %add3A_2934 : i32 to vector<16xi32>
    %add3A_2936 = arith.addi %get3A_2933, %add3A_2935 : vector<16xi32>
    %swap3A_2937 = arith.constant 24 : i32
    %swap3A_2938 = arith.index_cast %swap3A_2937 : i32 to index
    %swap3A_2939 = arith.constant 48 : index
    %swap3A_2940 = tpu.vector_load %arg6[%swap3A_2938, %swap3A_2939] {strides = array<i32>} : memref<26x128xi32, #tpu.memory_space<vmem>>, vector<1x16xi32>,
    %swap3A_2941 = vector.shape_cast %swap3A_2940 : vector<1x16xi32> to vector<16xi32>
    %swap3A_2942 = vector.shape_cast %add3A_2936 : vector<16xi32> to vector<1x16xi32>
    tpu.vector_store %arg6[%swap3A_2938, %swap3A_2939], %swap3A_2942 {strides = array<i32>} : memref<26x128xi32, #tpu.memory_space<vmem>>, vector<1x16xi32>,
    %get3A_2943 = arith.constant 24 : i32
    %get3A_2944 = arith.index_cast %get3A_2943 : i32 to index
    %get3A_2945 = arith.constant 64 : index
    %get3A_2946 = tpu.vector_load %arg6[%get3A_2944, %get3A_2945] {strides = array<i32>} : memref<26x128xi32, #tpu.memory_space<vmem>>, vector<1x16xi32>,
    %get3A_2947 = vector.shape_cast %get3A_2946 : vector<1x16xi32> to vector<16xi32>
    %add3A_2948 = arith.constant 2400000 : i32
    %add3A_2949 = vector.broadcast %add3A_2948 : i32 to vector<16xi32>
    %add3A_2950 = arith.addi %get3A_2947, %add3A_2949 : vector<16xi32>
    %swap3A_2951 = arith.constant 24 : i32
    %swap3A_2952 = arith.index_cast %swap3A_2951 : i32 to index
    %swap3A_2953 = arith.constant 64 : index
    %swap3A_2954 = tpu.vector_load %arg6[%swap3A_2952, %swap3A_2953] {strides = array<i32>} : memref<26x128xi32, #tpu.memory_space<vmem>>, vector<1x16xi32>,
    %swap3A_2955 = vector.shape_cast %swap3A_2954 : vector<1x16xi32> to vector<16xi32>
    %swap3A_2956 = vector.shape_cast %add3A_2950 : vector<16xi32> to vector<1x16xi32>
    tpu.vector_store %arg6[%swap3A_2952, %swap3A_2953], %swap3A_2956 {strides = array<i32>} : memref<26x128xi32, #tpu.memory_space<vmem>>, vector<1x16xi32>,
    %get3A_2957 = arith.constant 24 : i32
    %get3A_2958 = arith.index_cast %get3A_2957 : i32 to index
    %get3A_2959 = arith.constant 80 : index
    %get3A_2960 = tpu.vector_load %arg6[%get3A_2958, %get3A_2959] {strides = array<i32>} : memref<26x128xi32, #tpu.memory_space<vmem>>, vector<1x16xi32>,
    %get3A_2961 = vector.shape_cast %get3A_2960 : vector<1x16xi32> to vector<16xi32>
    %add3A_2962 = arith.constant 2400000 : i32
    %add3A_2963 = vector.broadcast %add3A_2962 : i32 to vector<16xi32>
    %add3A_2964 = arith.addi %get3A_2961, %add3A_2963 : vector<16xi32>
    %swap3A_2965 = arith.constant 24 : i32
    %swap3A_2966 = arith.index_cast %swap3A_2965 : i32 to index
    %swap3A_2967 = arith.constant 80 : index
    %swap3A_2968 = tpu.vector_load %arg6[%swap3A_2966, %swap3A_2967] {strides = array<i32>} : memref<26x128xi32, #tpu.memory_space<vmem>>, vector<1x16xi32>,
    %swap3A_2969 = vector.shape_cast %swap3A_2968 : vector<1x16xi32> to vector<16xi32>
    %swap3A_2970 = vector.shape_cast %add3A_2964 : vector<16xi32> to vector<1x16xi32>
    tpu.vector_store %arg6[%swap3A_2966, %swap3A_2967], %swap3A_2970 {strides = array<i32>} : memref<26x128xi32, #tpu.memory_space<vmem>>, vector<1x16xi32>,
    %get3A_2971 = arith.constant 24 : i32
    %get3A_2972 = arith.index_cast %get3A_2971 : i32 to index
    %get3A_2973 = arith.constant 96 : index
    %get3A_2974 = tpu.vector_load %arg6[%get3A_2972, %get3A_2973] {strides = array<i32>} : memref<26x128xi32, #tpu.memory_space<vmem>>, vector<1x16xi32>,
    %get3A_2975 = vector.shape_cast %get3A_2974 : vector<1x16xi32> to vector<16xi32>
    %add3A_2976 = arith.constant 2400000 : i32
    %add3A_2977 = vector.broadcast %add3A_2976 : i32 to vector<16xi32>
    %add3A_2978 = arith.addi %get3A_2975, %add3A_2977 : vector<16xi32>
    %swap3A_2979 = arith.constant 24 : i32
    %swap3A_2980 = arith.index_cast %swap3A_2979 : i32 to index
    %swap3A_2981 = arith.constant 96 : index
    %swap3A_2982 = tpu.vector_load %arg6[%swap3A_2980, %swap3A_2981] {strides = array<i32>} : memref<26x128xi32, #tpu.memory_space<vmem>>, vector<1x16xi32>,
    %swap3A_2983 = vector.shape_cast %swap3A_2982 : vector<1x16xi32> to vector<16xi32>
    %swap3A_2984 = vector.shape_cast %add3A_2978 : vector<16xi32> to vector<1x16xi32>
    tpu.vector_store %arg6[%swap3A_2980, %swap3A_2981], %swap3A_2984 {strides = array<i32>} : memref<26x128xi32, #tpu.memory_space<vmem>>, vector<1x16xi32>,
    %get3A_2985 = arith.constant 24 : i32
    %get3A_2986 = arith.index_cast %get3A_2985 : i32 to index
    %get3A_2987 = arith.constant 112 : index
    %get3A_2988 = tpu.vector_load %arg6[%get3A_2986, %get3A_2987] {strides = array<i32>} : memref<26x128xi32, #tpu.memory_space<vmem>>, vector<1x16xi32>,
    %get3A_2989 = vector.shape_cast %get3A_2988 : vector<1x16xi32> to vector<16xi32>
    %add3A_2990 = arith.constant 2400000 : i32
    %add3A_2991 = vector.broadcast %add3A_2990 : i32 to vector<16xi32>
    %add3A_2992 = arith.addi %get3A_2989, %add3A_2991 : vector<16xi32>
    %swap3A_2993 = arith.constant 24 : i32
    %swap3A_2994 = arith.index_cast %swap3A_2993 : i32 to index
    %swap3A_2995 = arith.constant 112 : index
    %swap3A_2996 = tpu.vector_load %arg6[%swap3A_2994, %swap3A_2995] {strides = array<i32>} : memref<26x128xi32, #tpu.memory_space<vmem>>, vector<1x16xi32>,
    %swap3A_2997 = vector.shape_cast %swap3A_2996 : vector<1x16xi32> to vector<16xi32>
    %swap3A_2998 = vector.shape_cast %add3A_2992 : vector<16xi32> to vector<1x16xi32>
    tpu.vector_store %arg6[%swap3A_2994, %swap3A_2995], %swap3A_2998 {strides = array<i32>} : memref<26x128xi32, #tpu.memory_space<vmem>>, vector<1x16xi32>,
    %dma_start3A_2999 = arith.constant 24 : i32
    %dma_start3A_3000 = arith.constant 3072 : i32
    %dma_start3A_3001 = tpu.memref_slice %arg7[%dma_start3A_3000] : memref<3328xf32, #tpu.memory_space<vmem>> -> memref<128xf32, #tpu.memory_space<vmem>>
    %dma_start3A_3002 = arith.constant 0 : i32
    %dma_start3A_3003 = tpu.memref_slice %arg6[%dma_start3A_2999, %dma_start3A_3002] : memref<26x128xi32, #tpu.memory_space<vmem>> -> memref<1x128xi32, #tpu.memory_space<vmem>>
    %dma_start3A_3004 = tpu.memref_squeeze %dma_start3A_3003 : memref<1x128xi32, #tpu.memory_space<vmem>> -> memref<128xi32, #tpu.memory_space<vmem>>
    %dma_start3A_3005 = arith.constant 0 : i32
    %dma_start3A_3006 = tpu.memref_slice %arg3[%dma_start3A_3005] : memref<2600000xf32, #tpu.memory_space<hbm>> -> memref<2600000xf32, #tpu.memory_space<hbm>>
    tpu.enqueue_indirect_dma source(%dma_start3A_3006 : memref<2600000xf32, #tpu.memory_space<hbm>>) target(%dma_start3A_3001 : memref<128xf32, #tpu.memory_space<vmem>>) offsets(%dma_start3A_3004 : memref<128xi32, #tpu.memory_space<vmem>>) semaphore(%arg11 : memref<!tpu.dma_semaphore, #tpu.memory_space<semaphore_mem>>)
    %get3A_3007 = arith.constant 25 : i32
    %get3A_3008 = arith.index_cast %get3A_3007 : i32 to index
    %get3A_3009 = arith.constant 0 : index
    %get3A_3010 = tpu.vector_load %arg6[%get3A_3008, %get3A_3009] {strides = array<i32>} : memref<26x128xi32, #tpu.memory_space<vmem>>, vector<1x16xi32>,
    %get3A_3011 = vector.shape_cast %get3A_3010 : vector<1x16xi32> to vector<16xi32>
    %add3A_3012 = arith.constant 2500000 : i32
    %add3A_3013 = vector.broadcast %add3A_3012 : i32 to vector<16xi32>
    %add3A_3014 = arith.addi %get3A_3011, %add3A_3013 : vector<16xi32>
    %swap3A_3015 = arith.constant 25 : i32
    %swap3A_3016 = arith.index_cast %swap3A_3015 : i32 to index
    %swap3A_3017 = arith.constant 0 : index
    %swap3A_3018 = tpu.vector_load %arg6[%swap3A_3016, %swap3A_3017] {strides = array<i32>} : memref<26x128xi32, #tpu.memory_space<vmem>>, vector<1x16xi32>,
    %swap3A_3019 = vector.shape_cast %swap3A_3018 : vector<1x16xi32> to vector<16xi32>
    %swap3A_3020 = vector.shape_cast %add3A_3014 : vector<16xi32> to vector<1x16xi32>
    tpu.vector_store %arg6[%swap3A_3016, %swap3A_3017], %swap3A_3020 {strides = array<i32>} : memref<26x128xi32, #tpu.memory_space<vmem>>, vector<1x16xi32>,
    %get3A_3021 = arith.constant 25 : i32
    %get3A_3022 = arith.index_cast %get3A_3021 : i32 to index
    %get3A_3023 = arith.constant 16 : index
    %get3A_3024 = tpu.vector_load %arg6[%get3A_3022, %get3A_3023] {strides = array<i32>} : memref<26x128xi32, #tpu.memory_space<vmem>>, vector<1x16xi32>,
    %get3A_3025 = vector.shape_cast %get3A_3024 : vector<1x16xi32> to vector<16xi32>
    %add3A_3026 = arith.constant 2500000 : i32
    %add3A_3027 = vector.broadcast %add3A_3026 : i32 to vector<16xi32>
    %add3A_3028 = arith.addi %get3A_3025, %add3A_3027 : vector<16xi32>
    %swap3A_3029 = arith.constant 25 : i32
    %swap3A_3030 = arith.index_cast %swap3A_3029 : i32 to index
    %swap3A_3031 = arith.constant 16 : index
    %swap3A_3032 = tpu.vector_load %arg6[%swap3A_3030, %swap3A_3031] {strides = array<i32>} : memref<26x128xi32, #tpu.memory_space<vmem>>, vector<1x16xi32>,
    %swap3A_3033 = vector.shape_cast %swap3A_3032 : vector<1x16xi32> to vector<16xi32>
    %swap3A_3034 = vector.shape_cast %add3A_3028 : vector<16xi32> to vector<1x16xi32>
    tpu.vector_store %arg6[%swap3A_3030, %swap3A_3031], %swap3A_3034 {strides = array<i32>} : memref<26x128xi32, #tpu.memory_space<vmem>>, vector<1x16xi32>,
    %get3A_3035 = arith.constant 25 : i32
    %get3A_3036 = arith.index_cast %get3A_3035 : i32 to index
    %get3A_3037 = arith.constant 32 : index
    %get3A_3038 = tpu.vector_load %arg6[%get3A_3036, %get3A_3037] {strides = array<i32>} : memref<26x128xi32, #tpu.memory_space<vmem>>, vector<1x16xi32>,
    %get3A_3039 = vector.shape_cast %get3A_3038 : vector<1x16xi32> to vector<16xi32>
    %add3A_3040 = arith.constant 2500000 : i32
    %add3A_3041 = vector.broadcast %add3A_3040 : i32 to vector<16xi32>
    %add3A_3042 = arith.addi %get3A_3039, %add3A_3041 : vector<16xi32>
    %swap3A_3043 = arith.constant 25 : i32
    %swap3A_3044 = arith.index_cast %swap3A_3043 : i32 to index
    %swap3A_3045 = arith.constant 32 : index
    %swap3A_3046 = tpu.vector_load %arg6[%swap3A_3044, %swap3A_3045] {strides = array<i32>} : memref<26x128xi32, #tpu.memory_space<vmem>>, vector<1x16xi32>,
    %swap3A_3047 = vector.shape_cast %swap3A_3046 : vector<1x16xi32> to vector<16xi32>
    %swap3A_3048 = vector.shape_cast %add3A_3042 : vector<16xi32> to vector<1x16xi32>
    tpu.vector_store %arg6[%swap3A_3044, %swap3A_3045], %swap3A_3048 {strides = array<i32>} : memref<26x128xi32, #tpu.memory_space<vmem>>, vector<1x16xi32>,
    %get3A_3049 = arith.constant 25 : i32
    %get3A_3050 = arith.index_cast %get3A_3049 : i32 to index
    %get3A_3051 = arith.constant 48 : index
    %get3A_3052 = tpu.vector_load %arg6[%get3A_3050, %get3A_3051] {strides = array<i32>} : memref<26x128xi32, #tpu.memory_space<vmem>>, vector<1x16xi32>,
    %get3A_3053 = vector.shape_cast %get3A_3052 : vector<1x16xi32> to vector<16xi32>
    %add3A_3054 = arith.constant 2500000 : i32
    %add3A_3055 = vector.broadcast %add3A_3054 : i32 to vector<16xi32>
    %add3A_3056 = arith.addi %get3A_3053, %add3A_3055 : vector<16xi32>
    %swap3A_3057 = arith.constant 25 : i32
    %swap3A_3058 = arith.index_cast %swap3A_3057 : i32 to index
    %swap3A_3059 = arith.constant 48 : index
    %swap3A_3060 = tpu.vector_load %arg6[%swap3A_3058, %swap3A_3059] {strides = array<i32>} : memref<26x128xi32, #tpu.memory_space<vmem>>, vector<1x16xi32>,
    %swap3A_3061 = vector.shape_cast %swap3A_3060 : vector<1x16xi32> to vector<16xi32>
    %swap3A_3062 = vector.shape_cast %add3A_3056 : vector<16xi32> to vector<1x16xi32>
    tpu.vector_store %arg6[%swap3A_3058, %swap3A_3059], %swap3A_3062 {strides = array<i32>} : memref<26x128xi32, #tpu.memory_space<vmem>>, vector<1x16xi32>,
    %get3A_3063 = arith.constant 25 : i32
    %get3A_3064 = arith.index_cast %get3A_3063 : i32 to index
    %get3A_3065 = arith.constant 64 : index
    %get3A_3066 = tpu.vector_load %arg6[%get3A_3064, %get3A_3065] {strides = array<i32>} : memref<26x128xi32, #tpu.memory_space<vmem>>, vector<1x16xi32>,
    %get3A_3067 = vector.shape_cast %get3A_3066 : vector<1x16xi32> to vector<16xi32>
    %add3A_3068 = arith.constant 2500000 : i32
    %add3A_3069 = vector.broadcast %add3A_3068 : i32 to vector<16xi32>
    %add3A_3070 = arith.addi %get3A_3067, %add3A_3069 : vector<16xi32>
    %swap3A_3071 = arith.constant 25 : i32
    %swap3A_3072 = arith.index_cast %swap3A_3071 : i32 to index
    %swap3A_3073 = arith.constant 64 : index
    %swap3A_3074 = tpu.vector_load %arg6[%swap3A_3072, %swap3A_3073] {strides = array<i32>} : memref<26x128xi32, #tpu.memory_space<vmem>>, vector<1x16xi32>,
    %swap3A_3075 = vector.shape_cast %swap3A_3074 : vector<1x16xi32> to vector<16xi32>
    %swap3A_3076 = vector.shape_cast %add3A_3070 : vector<16xi32> to vector<1x16xi32>
    tpu.vector_store %arg6[%swap3A_3072, %swap3A_3073], %swap3A_3076 {strides = array<i32>} : memref<26x128xi32, #tpu.memory_space<vmem>>, vector<1x16xi32>,
    %get3A_3077 = arith.constant 25 : i32
    %get3A_3078 = arith.index_cast %get3A_3077 : i32 to index
    %get3A_3079 = arith.constant 80 : index
    %get3A_3080 = tpu.vector_load %arg6[%get3A_3078, %get3A_3079] {strides = array<i32>} : memref<26x128xi32, #tpu.memory_space<vmem>>, vector<1x16xi32>,
    %get3A_3081 = vector.shape_cast %get3A_3080 : vector<1x16xi32> to vector<16xi32>
    %add3A_3082 = arith.constant 2500000 : i32
    %add3A_3083 = vector.broadcast %add3A_3082 : i32 to vector<16xi32>
    %add3A_3084 = arith.addi %get3A_3081, %add3A_3083 : vector<16xi32>
    %swap3A_3085 = arith.constant 25 : i32
    %swap3A_3086 = arith.index_cast %swap3A_3085 : i32 to index
    %swap3A_3087 = arith.constant 80 : index
    %swap3A_3088 = tpu.vector_load %arg6[%swap3A_3086, %swap3A_3087] {strides = array<i32>} : memref<26x128xi32, #tpu.memory_space<vmem>>, vector<1x16xi32>,
    %swap3A_3089 = vector.shape_cast %swap3A_3088 : vector<1x16xi32> to vector<16xi32>
    %swap3A_3090 = vector.shape_cast %add3A_3084 : vector<16xi32> to vector<1x16xi32>
    tpu.vector_store %arg6[%swap3A_3086, %swap3A_3087], %swap3A_3090 {strides = array<i32>} : memref<26x128xi32, #tpu.memory_space<vmem>>, vector<1x16xi32>,
    %get3A_3091 = arith.constant 25 : i32
    %get3A_3092 = arith.index_cast %get3A_3091 : i32 to index
    %get3A_3093 = arith.constant 96 : index
    %get3A_3094 = tpu.vector_load %arg6[%get3A_3092, %get3A_3093] {strides = array<i32>} : memref<26x128xi32, #tpu.memory_space<vmem>>, vector<1x16xi32>,
    %get3A_3095 = vector.shape_cast %get3A_3094 : vector<1x16xi32> to vector<16xi32>
    %add3A_3096 = arith.constant 2500000 : i32
    %add3A_3097 = vector.broadcast %add3A_3096 : i32 to vector<16xi32>
    %add3A_3098 = arith.addi %get3A_3095, %add3A_3097 : vector<16xi32>
    %swap3A_3099 = arith.constant 25 : i32
    %swap3A_3100 = arith.index_cast %swap3A_3099 : i32 to index
    %swap3A_3101 = arith.constant 96 : index
    %swap3A_3102 = tpu.vector_load %arg6[%swap3A_3100, %swap3A_3101] {strides = array<i32>} : memref<26x128xi32, #tpu.memory_space<vmem>>, vector<1x16xi32>,
    %swap3A_3103 = vector.shape_cast %swap3A_3102 : vector<1x16xi32> to vector<16xi32>
    %swap3A_3104 = vector.shape_cast %add3A_3098 : vector<16xi32> to vector<1x16xi32>
    tpu.vector_store %arg6[%swap3A_3100, %swap3A_3101], %swap3A_3104 {strides = array<i32>} : memref<26x128xi32, #tpu.memory_space<vmem>>, vector<1x16xi32>,
    %get3A_3105 = arith.constant 25 : i32
    %get3A_3106 = arith.index_cast %get3A_3105 : i32 to index
    %get3A_3107 = arith.constant 112 : index
    %get3A_3108 = tpu.vector_load %arg6[%get3A_3106, %get3A_3107] {strides = array<i32>} : memref<26x128xi32, #tpu.memory_space<vmem>>, vector<1x16xi32>,
    %get3A_3109 = vector.shape_cast %get3A_3108 : vector<1x16xi32> to vector<16xi32>
    %add3A_3110 = arith.constant 2500000 : i32
    %add3A_3111 = vector.broadcast %add3A_3110 : i32 to vector<16xi32>
    %add3A_3112 = arith.addi %get3A_3109, %add3A_3111 : vector<16xi32>
    %swap3A_3113 = arith.constant 25 : i32
    %swap3A_3114 = arith.index_cast %swap3A_3113 : i32 to index
    %swap3A_3115 = arith.constant 112 : index
    %swap3A_3116 = tpu.vector_load %arg6[%swap3A_3114, %swap3A_3115] {strides = array<i32>} : memref<26x128xi32, #tpu.memory_space<vmem>>, vector<1x16xi32>,
    %swap3A_3117 = vector.shape_cast %swap3A_3116 : vector<1x16xi32> to vector<16xi32>
    %swap3A_3118 = vector.shape_cast %add3A_3112 : vector<16xi32> to vector<1x16xi32>
    tpu.vector_store %arg6[%swap3A_3114, %swap3A_3115], %swap3A_3118 {strides = array<i32>} : memref<26x128xi32, #tpu.memory_space<vmem>>, vector<1x16xi32>,
    %dma_start3A_3119 = arith.constant 25 : i32
    %dma_start3A_3120 = arith.constant 3200 : i32
    %dma_start3A_3121 = tpu.memref_slice %arg7[%dma_start3A_3120] : memref<3328xf32, #tpu.memory_space<vmem>> -> memref<128xf32, #tpu.memory_space<vmem>>
    %dma_start3A_3122 = arith.constant 0 : i32
    %dma_start3A_3123 = tpu.memref_slice %arg6[%dma_start3A_3119, %dma_start3A_3122] : memref<26x128xi32, #tpu.memory_space<vmem>> -> memref<1x128xi32, #tpu.memory_space<vmem>>
    %dma_start3A_3124 = tpu.memref_squeeze %dma_start3A_3123 : memref<1x128xi32, #tpu.memory_space<vmem>> -> memref<128xi32, #tpu.memory_space<vmem>>
    %dma_start3A_3125 = arith.constant 0 : i32
    %dma_start3A_3126 = tpu.memref_slice %arg3[%dma_start3A_3125] : memref<2600000xf32, #tpu.memory_space<hbm>> -> memref<2600000xf32, #tpu.memory_space<hbm>>
    tpu.enqueue_indirect_dma source(%dma_start3A_3126 : memref<2600000xf32, #tpu.memory_space<hbm>>) target(%dma_start3A_3121 : memref<128xf32, #tpu.memory_space<vmem>>) offsets(%dma_start3A_3124 : memref<128xi32, #tpu.memory_space<vmem>>) semaphore(%arg11 : memref<!tpu.dma_semaphore, #tpu.memory_space<semaphore_mem>>)
    %dma_wait3A_3127 = arith.constant 0 : i32
    %dma_wait3A_3128 = arith.constant 0 : i32
    %dma_wait3A_3129 = tpu.memref_slice %arg7[%dma_wait3A_3128] : memref<3328xf32, #tpu.memory_space<vmem>> -> memref<128xf32, #tpu.memory_space<vmem>>
    %dma_wait3A_3130 = arith.constant 0 : i32
    %dma_wait3A_3131 = tpu.memref_slice %arg6[%dma_wait3A_3127, %dma_wait3A_3130] : memref<26x128xi32, #tpu.memory_space<vmem>> -> memref<1x128xi32, #tpu.memory_space<vmem>>
    %dma_wait3A_3132 = tpu.memref_squeeze %dma_wait3A_3131 : memref<1x128xi32, #tpu.memory_space<vmem>> -> memref<128xi32, #tpu.memory_space<vmem>>
    %dma_wait3A_3133 = arith.constant 0 : i32
    %dma_wait3A_3134 = tpu.memref_slice %arg3[%dma_wait3A_3133] : memref<2600000xf32, #tpu.memory_space<hbm>> -> memref<2600000xf32, #tpu.memory_space<hbm>>
    tpu.wait_indirect_dma semaphore(%arg11 : memref<!tpu.dma_semaphore, #tpu.memory_space<semaphore_mem>>) src(%dma_wait3A_3134 : memref<2600000xf32, #tpu.memory_space<hbm>>) dst(%dma_wait3A_3129 : memref<128xf32, #tpu.memory_space<vmem>>)
    %dma_wait3A_3135 = arith.constant 1 : i32
    %dma_wait3A_3136 = arith.constant 128 : i32
    %dma_wait3A_3137 = tpu.memref_slice %arg7[%dma_wait3A_3136] : memref<3328xf32, #tpu.memory_space<vmem>> -> memref<128xf32, #tpu.memory_space<vmem>>
    %dma_wait3A_3138 = arith.constant 0 : i32
    %dma_wait3A_3139 = tpu.memref_slice %arg6[%dma_wait3A_3135, %dma_wait3A_3138] : memref<26x128xi32, #tpu.memory_space<vmem>> -> memref<1x128xi32, #tpu.memory_space<vmem>>
    %dma_wait3A_3140 = tpu.memref_squeeze %dma_wait3A_3139 : memref<1x128xi32, #tpu.memory_space<vmem>> -> memref<128xi32, #tpu.memory_space<vmem>>
    %dma_wait3A_3141 = arith.constant 0 : i32
    %dma_wait3A_3142 = tpu.memref_slice %arg3[%dma_wait3A_3141] : memref<2600000xf32, #tpu.memory_space<hbm>> -> memref<2600000xf32, #tpu.memory_space<hbm>>
    tpu.wait_indirect_dma semaphore(%arg11 : memref<!tpu.dma_semaphore, #tpu.memory_space<semaphore_mem>>) src(%dma_wait3A_3142 : memref<2600000xf32, #tpu.memory_space<hbm>>) dst(%dma_wait3A_3137 : memref<128xf32, #tpu.memory_space<vmem>>)
    %dma_wait3A_3143 = arith.constant 2 : i32
    %dma_wait3A_3144 = arith.constant 256 : i32
    %dma_wait3A_3145 = tpu.memref_slice %arg7[%dma_wait3A_3144] : memref<3328xf32, #tpu.memory_space<vmem>> -> memref<128xf32, #tpu.memory_space<vmem>>
    %dma_wait3A_3146 = arith.constant 0 : i32
    %dma_wait3A_3147 = tpu.memref_slice %arg6[%dma_wait3A_3143, %dma_wait3A_3146] : memref<26x128xi32, #tpu.memory_space<vmem>> -> memref<1x128xi32, #tpu.memory_space<vmem>>
    %dma_wait3A_3148 = tpu.memref_squeeze %dma_wait3A_3147 : memref<1x128xi32, #tpu.memory_space<vmem>> -> memref<128xi32, #tpu.memory_space<vmem>>
    %dma_wait3A_3149 = arith.constant 0 : i32
    %dma_wait3A_3150 = tpu.memref_slice %arg3[%dma_wait3A_3149] : memref<2600000xf32, #tpu.memory_space<hbm>> -> memref<2600000xf32, #tpu.memory_space<hbm>>
    tpu.wait_indirect_dma semaphore(%arg11 : memref<!tpu.dma_semaphore, #tpu.memory_space<semaphore_mem>>) src(%dma_wait3A_3150 : memref<2600000xf32, #tpu.memory_space<hbm>>) dst(%dma_wait3A_3145 : memref<128xf32, #tpu.memory_space<vmem>>)
    %dma_wait3A_3151 = arith.constant 3 : i32
    %dma_wait3A_3152 = arith.constant 384 : i32
    %dma_wait3A_3153 = tpu.memref_slice %arg7[%dma_wait3A_3152] : memref<3328xf32, #tpu.memory_space<vmem>> -> memref<128xf32, #tpu.memory_space<vmem>>
    %dma_wait3A_3154 = arith.constant 0 : i32
    %dma_wait3A_3155 = tpu.memref_slice %arg6[%dma_wait3A_3151, %dma_wait3A_3154] : memref<26x128xi32, #tpu.memory_space<vmem>> -> memref<1x128xi32, #tpu.memory_space<vmem>>
    %dma_wait3A_3156 = tpu.memref_squeeze %dma_wait3A_3155 : memref<1x128xi32, #tpu.memory_space<vmem>> -> memref<128xi32, #tpu.memory_space<vmem>>
    %dma_wait3A_3157 = arith.constant 0 : i32
    %dma_wait3A_3158 = tpu.memref_slice %arg3[%dma_wait3A_3157] : memref<2600000xf32, #tpu.memory_space<hbm>> -> memref<2600000xf32, #tpu.memory_space<hbm>>
    tpu.wait_indirect_dma semaphore(%arg11 : memref<!tpu.dma_semaphore, #tpu.memory_space<semaphore_mem>>) src(%dma_wait3A_3158 : memref<2600000xf32, #tpu.memory_space<hbm>>) dst(%dma_wait3A_3153 : memref<128xf32, #tpu.memory_space<vmem>>)
    %dma_wait3A_3159 = arith.constant 4 : i32
    %dma_wait3A_3160 = arith.constant 512 : i32
    %dma_wait3A_3161 = tpu.memref_slice %arg7[%dma_wait3A_3160] : memref<3328xf32, #tpu.memory_space<vmem>> -> memref<128xf32, #tpu.memory_space<vmem>>
    %dma_wait3A_3162 = arith.constant 0 : i32
    %dma_wait3A_3163 = tpu.memref_slice %arg6[%dma_wait3A_3159, %dma_wait3A_3162] : memref<26x128xi32, #tpu.memory_space<vmem>> -> memref<1x128xi32, #tpu.memory_space<vmem>>
    %dma_wait3A_3164 = tpu.memref_squeeze %dma_wait3A_3163 : memref<1x128xi32, #tpu.memory_space<vmem>> -> memref<128xi32, #tpu.memory_space<vmem>>
    %dma_wait3A_3165 = arith.constant 0 : i32
    %dma_wait3A_3166 = tpu.memref_slice %arg3[%dma_wait3A_3165] : memref<2600000xf32, #tpu.memory_space<hbm>> -> memref<2600000xf32, #tpu.memory_space<hbm>>
    tpu.wait_indirect_dma semaphore(%arg11 : memref<!tpu.dma_semaphore, #tpu.memory_space<semaphore_mem>>) src(%dma_wait3A_3166 : memref<2600000xf32, #tpu.memory_space<hbm>>) dst(%dma_wait3A_3161 : memref<128xf32, #tpu.memory_space<vmem>>)
    %dma_wait3A_3167 = arith.constant 5 : i32
    %dma_wait3A_3168 = arith.constant 640 : i32
    %dma_wait3A_3169 = tpu.memref_slice %arg7[%dma_wait3A_3168] : memref<3328xf32, #tpu.memory_space<vmem>> -> memref<128xf32, #tpu.memory_space<vmem>>
    %dma_wait3A_3170 = arith.constant 0 : i32
    %dma_wait3A_3171 = tpu.memref_slice %arg6[%dma_wait3A_3167, %dma_wait3A_3170] : memref<26x128xi32, #tpu.memory_space<vmem>> -> memref<1x128xi32, #tpu.memory_space<vmem>>
    %dma_wait3A_3172 = tpu.memref_squeeze %dma_wait3A_3171 : memref<1x128xi32, #tpu.memory_space<vmem>> -> memref<128xi32, #tpu.memory_space<vmem>>
    %dma_wait3A_3173 = arith.constant 0 : i32
    %dma_wait3A_3174 = tpu.memref_slice %arg3[%dma_wait3A_3173] : memref<2600000xf32, #tpu.memory_space<hbm>> -> memref<2600000xf32, #tpu.memory_space<hbm>>
    tpu.wait_indirect_dma semaphore(%arg11 : memref<!tpu.dma_semaphore, #tpu.memory_space<semaphore_mem>>) src(%dma_wait3A_3174 : memref<2600000xf32, #tpu.memory_space<hbm>>) dst(%dma_wait3A_3169 : memref<128xf32, #tpu.memory_space<vmem>>)
    %dma_wait3A_3175 = arith.constant 6 : i32
    %dma_wait3A_3176 = arith.constant 768 : i32
    %dma_wait3A_3177 = tpu.memref_slice %arg7[%dma_wait3A_3176] : memref<3328xf32, #tpu.memory_space<vmem>> -> memref<128xf32, #tpu.memory_space<vmem>>
    %dma_wait3A_3178 = arith.constant 0 : i32
    %dma_wait3A_3179 = tpu.memref_slice %arg6[%dma_wait3A_3175, %dma_wait3A_3178] : memref<26x128xi32, #tpu.memory_space<vmem>> -> memref<1x128xi32, #tpu.memory_space<vmem>>
    %dma_wait3A_3180 = tpu.memref_squeeze %dma_wait3A_3179 : memref<1x128xi32, #tpu.memory_space<vmem>> -> memref<128xi32, #tpu.memory_space<vmem>>
    %dma_wait3A_3181 = arith.constant 0 : i32
    %dma_wait3A_3182 = tpu.memref_slice %arg3[%dma_wait3A_3181] : memref<2600000xf32, #tpu.memory_space<hbm>> -> memref<2600000xf32, #tpu.memory_space<hbm>>
    tpu.wait_indirect_dma semaphore(%arg11 : memref<!tpu.dma_semaphore, #tpu.memory_space<semaphore_mem>>) src(%dma_wait3A_3182 : memref<2600000xf32, #tpu.memory_space<hbm>>) dst(%dma_wait3A_3177 : memref<128xf32, #tpu.memory_space<vmem>>)
    %dma_wait3A_3183 = arith.constant 7 : i32
    %dma_wait3A_3184 = arith.constant 896 : i32
    %dma_wait3A_3185 = tpu.memref_slice %arg7[%dma_wait3A_3184] : memref<3328xf32, #tpu.memory_space<vmem>> -> memref<128xf32, #tpu.memory_space<vmem>>
    %dma_wait3A_3186 = arith.constant 0 : i32
    %dma_wait3A_3187 = tpu.memref_slice %arg6[%dma_wait3A_3183, %dma_wait3A_3186] : memref<26x128xi32, #tpu.memory_space<vmem>> -> memref<1x128xi32, #tpu.memory_space<vmem>>
    %dma_wait3A_3188 = tpu.memref_squeeze %dma_wait3A_3187 : memref<1x128xi32, #tpu.memory_space<vmem>> -> memref<128xi32, #tpu.memory_space<vmem>>
    %dma_wait3A_3189 = arith.constant 0 : i32
    %dma_wait3A_3190 = tpu.memref_slice %arg3[%dma_wait3A_3189] : memref<2600000xf32, #tpu.memory_space<hbm>> -> memref<2600000xf32, #tpu.memory_space<hbm>>
    tpu.wait_indirect_dma semaphore(%arg11 : memref<!tpu.dma_semaphore, #tpu.memory_space<semaphore_mem>>) src(%dma_wait3A_3190 : memref<2600000xf32, #tpu.memory_space<hbm>>) dst(%dma_wait3A_3185 : memref<128xf32, #tpu.memory_space<vmem>>)
    %dma_wait3A_3191 = arith.constant 8 : i32
    %dma_wait3A_3192 = arith.constant 1024 : i32
    %dma_wait3A_3193 = tpu.memref_slice %arg7[%dma_wait3A_3192] : memref<3328xf32, #tpu.memory_space<vmem>> -> memref<128xf32, #tpu.memory_space<vmem>>
    %dma_wait3A_3194 = arith.constant 0 : i32
    %dma_wait3A_3195 = tpu.memref_slice %arg6[%dma_wait3A_3191, %dma_wait3A_3194] : memref<26x128xi32, #tpu.memory_space<vmem>> -> memref<1x128xi32, #tpu.memory_space<vmem>>
    %dma_wait3A_3196 = tpu.memref_squeeze %dma_wait3A_3195 : memref<1x128xi32, #tpu.memory_space<vmem>> -> memref<128xi32, #tpu.memory_space<vmem>>
    %dma_wait3A_3197 = arith.constant 0 : i32
    %dma_wait3A_3198 = tpu.memref_slice %arg3[%dma_wait3A_3197] : memref<2600000xf32, #tpu.memory_space<hbm>> -> memref<2600000xf32, #tpu.memory_space<hbm>>
    tpu.wait_indirect_dma semaphore(%arg11 : memref<!tpu.dma_semaphore, #tpu.memory_space<semaphore_mem>>) src(%dma_wait3A_3198 : memref<2600000xf32, #tpu.memory_space<hbm>>) dst(%dma_wait3A_3193 : memref<128xf32, #tpu.memory_space<vmem>>)
    %dma_wait3A_3199 = arith.constant 9 : i32
    %dma_wait3A_3200 = arith.constant 1152 : i32
    %dma_wait3A_3201 = tpu.memref_slice %arg7[%dma_wait3A_3200] : memref<3328xf32, #tpu.memory_space<vmem>> -> memref<128xf32, #tpu.memory_space<vmem>>
    %dma_wait3A_3202 = arith.constant 0 : i32
    %dma_wait3A_3203 = tpu.memref_slice %arg6[%dma_wait3A_3199, %dma_wait3A_3202] : memref<26x128xi32, #tpu.memory_space<vmem>> -> memref<1x128xi32, #tpu.memory_space<vmem>>
    %dma_wait3A_3204 = tpu.memref_squeeze %dma_wait3A_3203 : memref<1x128xi32, #tpu.memory_space<vmem>> -> memref<128xi32, #tpu.memory_space<vmem>>
    %dma_wait3A_3205 = arith.constant 0 : i32
    %dma_wait3A_3206 = tpu.memref_slice %arg3[%dma_wait3A_3205] : memref<2600000xf32, #tpu.memory_space<hbm>> -> memref<2600000xf32, #tpu.memory_space<hbm>>
    tpu.wait_indirect_dma semaphore(%arg11 : memref<!tpu.dma_semaphore, #tpu.memory_space<semaphore_mem>>) src(%dma_wait3A_3206 : memref<2600000xf32, #tpu.memory_space<hbm>>) dst(%dma_wait3A_3201 : memref<128xf32, #tpu.memory_space<vmem>>)
    %dma_wait3A_3207 = arith.constant 10 : i32
    %dma_wait3A_3208 = arith.constant 1280 : i32
    %dma_wait3A_3209 = tpu.memref_slice %arg7[%dma_wait3A_3208] : memref<3328xf32, #tpu.memory_space<vmem>> -> memref<128xf32, #tpu.memory_space<vmem>>
    %dma_wait3A_3210 = arith.constant 0 : i32
    %dma_wait3A_3211 = tpu.memref_slice %arg6[%dma_wait3A_3207, %dma_wait3A_3210] : memref<26x128xi32, #tpu.memory_space<vmem>> -> memref<1x128xi32, #tpu.memory_space<vmem>>
    %dma_wait3A_3212 = tpu.memref_squeeze %dma_wait3A_3211 : memref<1x128xi32, #tpu.memory_space<vmem>> -> memref<128xi32, #tpu.memory_space<vmem>>
    %dma_wait3A_3213 = arith.constant 0 : i32
    %dma_wait3A_3214 = tpu.memref_slice %arg3[%dma_wait3A_3213] : memref<2600000xf32, #tpu.memory_space<hbm>> -> memref<2600000xf32, #tpu.memory_space<hbm>>
    tpu.wait_indirect_dma semaphore(%arg11 : memref<!tpu.dma_semaphore, #tpu.memory_space<semaphore_mem>>) src(%dma_wait3A_3214 : memref<2600000xf32, #tpu.memory_space<hbm>>) dst(%dma_wait3A_3209 : memref<128xf32, #tpu.memory_space<vmem>>)
    %dma_wait3A_3215 = arith.constant 11 : i32
    %dma_wait3A_3216 = arith.constant 1408 : i32
    %dma_wait3A_3217 = tpu.memref_slice %arg7[%dma_wait3A_3216] : memref<3328xf32, #tpu.memory_space<vmem>> -> memref<128xf32, #tpu.memory_space<vmem>>
    %dma_wait3A_3218 = arith.constant 0 : i32
    %dma_wait3A_3219 = tpu.memref_slice %arg6[%dma_wait3A_3215, %dma_wait3A_3218] : memref<26x128xi32, #tpu.memory_space<vmem>> -> memref<1x128xi32, #tpu.memory_space<vmem>>
    %dma_wait3A_3220 = tpu.memref_squeeze %dma_wait3A_3219 : memref<1x128xi32, #tpu.memory_space<vmem>> -> memref<128xi32, #tpu.memory_space<vmem>>
    %dma_wait3A_3221 = arith.constant 0 : i32
    %dma_wait3A_3222 = tpu.memref_slice %arg3[%dma_wait3A_3221] : memref<2600000xf32, #tpu.memory_space<hbm>> -> memref<2600000xf32, #tpu.memory_space<hbm>>
    tpu.wait_indirect_dma semaphore(%arg11 : memref<!tpu.dma_semaphore, #tpu.memory_space<semaphore_mem>>) src(%dma_wait3A_3222 : memref<2600000xf32, #tpu.memory_space<hbm>>) dst(%dma_wait3A_3217 : memref<128xf32, #tpu.memory_space<vmem>>)
    %dma_wait3A_3223 = arith.constant 12 : i32
    %dma_wait3A_3224 = arith.constant 1536 : i32
    %dma_wait3A_3225 = tpu.memref_slice %arg7[%dma_wait3A_3224] : memref<3328xf32, #tpu.memory_space<vmem>> -> memref<128xf32, #tpu.memory_space<vmem>>
    %dma_wait3A_3226 = arith.constant 0 : i32
    %dma_wait3A_3227 = tpu.memref_slice %arg6[%dma_wait3A_3223, %dma_wait3A_3226] : memref<26x128xi32, #tpu.memory_space<vmem>> -> memref<1x128xi32, #tpu.memory_space<vmem>>
    %dma_wait3A_3228 = tpu.memref_squeeze %dma_wait3A_3227 : memref<1x128xi32, #tpu.memory_space<vmem>> -> memref<128xi32, #tpu.memory_space<vmem>>
    %dma_wait3A_3229 = arith.constant 0 : i32
    %dma_wait3A_3230 = tpu.memref_slice %arg3[%dma_wait3A_3229] : memref<2600000xf32, #tpu.memory_space<hbm>> -> memref<2600000xf32, #tpu.memory_space<hbm>>
    tpu.wait_indirect_dma semaphore(%arg11 : memref<!tpu.dma_semaphore, #tpu.memory_space<semaphore_mem>>) src(%dma_wait3A_3230 : memref<2600000xf32, #tpu.memory_space<hbm>>) dst(%dma_wait3A_3225 : memref<128xf32, #tpu.memory_space<vmem>>)
    %dma_wait3A_3231 = arith.constant 13 : i32
    %dma_wait3A_3232 = arith.constant 1664 : i32
    %dma_wait3A_3233 = tpu.memref_slice %arg7[%dma_wait3A_3232] : memref<3328xf32, #tpu.memory_space<vmem>> -> memref<128xf32, #tpu.memory_space<vmem>>
    %dma_wait3A_3234 = arith.constant 0 : i32
    %dma_wait3A_3235 = tpu.memref_slice %arg6[%dma_wait3A_3231, %dma_wait3A_3234] : memref<26x128xi32, #tpu.memory_space<vmem>> -> memref<1x128xi32, #tpu.memory_space<vmem>>
    %dma_wait3A_3236 = tpu.memref_squeeze %dma_wait3A_3235 : memref<1x128xi32, #tpu.memory_space<vmem>> -> memref<128xi32, #tpu.memory_space<vmem>>
    %dma_wait3A_3237 = arith.constant 0 : i32
    %dma_wait3A_3238 = tpu.memref_slice %arg3[%dma_wait3A_3237] : memref<2600000xf32, #tpu.memory_space<hbm>> -> memref<2600000xf32, #tpu.memory_space<hbm>>
    tpu.wait_indirect_dma semaphore(%arg11 : memref<!tpu.dma_semaphore, #tpu.memory_space<semaphore_mem>>) src(%dma_wait3A_3238 : memref<2600000xf32, #tpu.memory_space<hbm>>) dst(%dma_wait3A_3233 : memref<128xf32, #tpu.memory_space<vmem>>)
    %dma_wait3A_3239 = arith.constant 14 : i32
    %dma_wait3A_3240 = arith.constant 1792 : i32
    %dma_wait3A_3241 = tpu.memref_slice %arg7[%dma_wait3A_3240] : memref<3328xf32, #tpu.memory_space<vmem>> -> memref<128xf32, #tpu.memory_space<vmem>>
    %dma_wait3A_3242 = arith.constant 0 : i32
    %dma_wait3A_3243 = tpu.memref_slice %arg6[%dma_wait3A_3239, %dma_wait3A_3242] : memref<26x128xi32, #tpu.memory_space<vmem>> -> memref<1x128xi32, #tpu.memory_space<vmem>>
    %dma_wait3A_3244 = tpu.memref_squeeze %dma_wait3A_3243 : memref<1x128xi32, #tpu.memory_space<vmem>> -> memref<128xi32, #tpu.memory_space<vmem>>
    %dma_wait3A_3245 = arith.constant 0 : i32
    %dma_wait3A_3246 = tpu.memref_slice %arg3[%dma_wait3A_3245] : memref<2600000xf32, #tpu.memory_space<hbm>> -> memref<2600000xf32, #tpu.memory_space<hbm>>
    tpu.wait_indirect_dma semaphore(%arg11 : memref<!tpu.dma_semaphore, #tpu.memory_space<semaphore_mem>>) src(%dma_wait3A_3246 : memref<2600000xf32, #tpu.memory_space<hbm>>) dst(%dma_wait3A_3241 : memref<128xf32, #tpu.memory_space<vmem>>)
    %dma_wait3A_3247 = arith.constant 15 : i32
    %dma_wait3A_3248 = arith.constant 1920 : i32
    %dma_wait3A_3249 = tpu.memref_slice %arg7[%dma_wait3A_3248] : memref<3328xf32, #tpu.memory_space<vmem>> -> memref<128xf32, #tpu.memory_space<vmem>>
    %dma_wait3A_3250 = arith.constant 0 : i32
    %dma_wait3A_3251 = tpu.memref_slice %arg6[%dma_wait3A_3247, %dma_wait3A_3250] : memref<26x128xi32, #tpu.memory_space<vmem>> -> memref<1x128xi32, #tpu.memory_space<vmem>>
    %dma_wait3A_3252 = tpu.memref_squeeze %dma_wait3A_3251 : memref<1x128xi32, #tpu.memory_space<vmem>> -> memref<128xi32, #tpu.memory_space<vmem>>
    %dma_wait3A_3253 = arith.constant 0 : i32
    %dma_wait3A_3254 = tpu.memref_slice %arg3[%dma_wait3A_3253] : memref<2600000xf32, #tpu.memory_space<hbm>> -> memref<2600000xf32, #tpu.memory_space<hbm>>
    tpu.wait_indirect_dma semaphore(%arg11 : memref<!tpu.dma_semaphore, #tpu.memory_space<semaphore_mem>>) src(%dma_wait3A_3254 : memref<2600000xf32, #tpu.memory_space<hbm>>) dst(%dma_wait3A_3249 : memref<128xf32, #tpu.memory_space<vmem>>)
    %dma_wait3A_3255 = arith.constant 16 : i32
    %dma_wait3A_3256 = arith.constant 2048 : i32
    %dma_wait3A_3257 = tpu.memref_slice %arg7[%dma_wait3A_3256] : memref<3328xf32, #tpu.memory_space<vmem>> -> memref<128xf32, #tpu.memory_space<vmem>>
    %dma_wait3A_3258 = arith.constant 0 : i32
    %dma_wait3A_3259 = tpu.memref_slice %arg6[%dma_wait3A_3255, %dma_wait3A_3258] : memref<26x128xi32, #tpu.memory_space<vmem>> -> memref<1x128xi32, #tpu.memory_space<vmem>>
    %dma_wait3A_3260 = tpu.memref_squeeze %dma_wait3A_3259 : memref<1x128xi32, #tpu.memory_space<vmem>> -> memref<128xi32, #tpu.memory_space<vmem>>
    %dma_wait3A_3261 = arith.constant 0 : i32
    %dma_wait3A_3262 = tpu.memref_slice %arg3[%dma_wait3A_3261] : memref<2600000xf32, #tpu.memory_space<hbm>> -> memref<2600000xf32, #tpu.memory_space<hbm>>
    tpu.wait_indirect_dma semaphore(%arg11 : memref<!tpu.dma_semaphore, #tpu.memory_space<semaphore_mem>>) src(%dma_wait3A_3262 : memref<2600000xf32, #tpu.memory_space<hbm>>) dst(%dma_wait3A_3257 : memref<128xf32, #tpu.memory_space<vmem>>)
    %dma_wait3A_3263 = arith.constant 17 : i32
    %dma_wait3A_3264 = arith.constant 2176 : i32
    %dma_wait3A_3265 = tpu.memref_slice %arg7[%dma_wait3A_3264] : memref<3328xf32, #tpu.memory_space<vmem>> -> memref<128xf32, #tpu.memory_space<vmem>>
    %dma_wait3A_3266 = arith.constant 0 : i32
    %dma_wait3A_3267 = tpu.memref_slice %arg6[%dma_wait3A_3263, %dma_wait3A_3266] : memref<26x128xi32, #tpu.memory_space<vmem>> -> memref<1x128xi32, #tpu.memory_space<vmem>>
    %dma_wait3A_3268 = tpu.memref_squeeze %dma_wait3A_3267 : memref<1x128xi32, #tpu.memory_space<vmem>> -> memref<128xi32, #tpu.memory_space<vmem>>
    %dma_wait3A_3269 = arith.constant 0 : i32
    %dma_wait3A_3270 = tpu.memref_slice %arg3[%dma_wait3A_3269] : memref<2600000xf32, #tpu.memory_space<hbm>> -> memref<2600000xf32, #tpu.memory_space<hbm>>
    tpu.wait_indirect_dma semaphore(%arg11 : memref<!tpu.dma_semaphore, #tpu.memory_space<semaphore_mem>>) src(%dma_wait3A_3270 : memref<2600000xf32, #tpu.memory_space<hbm>>) dst(%dma_wait3A_3265 : memref<128xf32, #tpu.memory_space<vmem>>)
    %dma_wait3A_3271 = arith.constant 18 : i32
    %dma_wait3A_3272 = arith.constant 2304 : i32
    %dma_wait3A_3273 = tpu.memref_slice %arg7[%dma_wait3A_3272] : memref<3328xf32, #tpu.memory_space<vmem>> -> memref<128xf32, #tpu.memory_space<vmem>>
    %dma_wait3A_3274 = arith.constant 0 : i32
    %dma_wait3A_3275 = tpu.memref_slice %arg6[%dma_wait3A_3271, %dma_wait3A_3274] : memref<26x128xi32, #tpu.memory_space<vmem>> -> memref<1x128xi32, #tpu.memory_space<vmem>>
    %dma_wait3A_3276 = tpu.memref_squeeze %dma_wait3A_3275 : memref<1x128xi32, #tpu.memory_space<vmem>> -> memref<128xi32, #tpu.memory_space<vmem>>
    %dma_wait3A_3277 = arith.constant 0 : i32
    %dma_wait3A_3278 = tpu.memref_slice %arg3[%dma_wait3A_3277] : memref<2600000xf32, #tpu.memory_space<hbm>> -> memref<2600000xf32, #tpu.memory_space<hbm>>
    tpu.wait_indirect_dma semaphore(%arg11 : memref<!tpu.dma_semaphore, #tpu.memory_space<semaphore_mem>>) src(%dma_wait3A_3278 : memref<2600000xf32, #tpu.memory_space<hbm>>) dst(%dma_wait3A_3273 : memref<128xf32, #tpu.memory_space<vmem>>)
    %dma_wait3A_3279 = arith.constant 19 : i32
    %dma_wait3A_3280 = arith.constant 2432 : i32
    %dma_wait3A_3281 = tpu.memref_slice %arg7[%dma_wait3A_3280] : memref<3328xf32, #tpu.memory_space<vmem>> -> memref<128xf32, #tpu.memory_space<vmem>>
    %dma_wait3A_3282 = arith.constant 0 : i32
    %dma_wait3A_3283 = tpu.memref_slice %arg6[%dma_wait3A_3279, %dma_wait3A_3282] : memref<26x128xi32, #tpu.memory_space<vmem>> -> memref<1x128xi32, #tpu.memory_space<vmem>>
    %dma_wait3A_3284 = tpu.memref_squeeze %dma_wait3A_3283 : memref<1x128xi32, #tpu.memory_space<vmem>> -> memref<128xi32, #tpu.memory_space<vmem>>
    %dma_wait3A_3285 = arith.constant 0 : i32
    %dma_wait3A_3286 = tpu.memref_slice %arg3[%dma_wait3A_3285] : memref<2600000xf32, #tpu.memory_space<hbm>> -> memref<2600000xf32, #tpu.memory_space<hbm>>
    tpu.wait_indirect_dma semaphore(%arg11 : memref<!tpu.dma_semaphore, #tpu.memory_space<semaphore_mem>>) src(%dma_wait3A_3286 : memref<2600000xf32, #tpu.memory_space<hbm>>) dst(%dma_wait3A_3281 : memref<128xf32, #tpu.memory_space<vmem>>)
    %dma_wait3A_3287 = arith.constant 20 : i32
    %dma_wait3A_3288 = arith.constant 2560 : i32
    %dma_wait3A_3289 = tpu.memref_slice %arg7[%dma_wait3A_3288] : memref<3328xf32, #tpu.memory_space<vmem>> -> memref<128xf32, #tpu.memory_space<vmem>>
    %dma_wait3A_3290 = arith.constant 0 : i32
    %dma_wait3A_3291 = tpu.memref_slice %arg6[%dma_wait3A_3287, %dma_wait3A_3290] : memref<26x128xi32, #tpu.memory_space<vmem>> -> memref<1x128xi32, #tpu.memory_space<vmem>>
    %dma_wait3A_3292 = tpu.memref_squeeze %dma_wait3A_3291 : memref<1x128xi32, #tpu.memory_space<vmem>> -> memref<128xi32, #tpu.memory_space<vmem>>
    %dma_wait3A_3293 = arith.constant 0 : i32
    %dma_wait3A_3294 = tpu.memref_slice %arg3[%dma_wait3A_3293] : memref<2600000xf32, #tpu.memory_space<hbm>> -> memref<2600000xf32, #tpu.memory_space<hbm>>
    tpu.wait_indirect_dma semaphore(%arg11 : memref<!tpu.dma_semaphore, #tpu.memory_space<semaphore_mem>>) src(%dma_wait3A_3294 : memref<2600000xf32, #tpu.memory_space<hbm>>) dst(%dma_wait3A_3289 : memref<128xf32, #tpu.memory_space<vmem>>)
    %dma_wait3A_3295 = arith.constant 21 : i32
    %dma_wait3A_3296 = arith.constant 2688 : i32
    %dma_wait3A_3297 = tpu.memref_slice %arg7[%dma_wait3A_3296] : memref<3328xf32, #tpu.memory_space<vmem>> -> memref<128xf32, #tpu.memory_space<vmem>>
    %dma_wait3A_3298 = arith.constant 0 : i32
    %dma_wait3A_3299 = tpu.memref_slice %arg6[%dma_wait3A_3295, %dma_wait3A_3298] : memref<26x128xi32, #tpu.memory_space<vmem>> -> memref<1x128xi32, #tpu.memory_space<vmem>>
    %dma_wait3A_3300 = tpu.memref_squeeze %dma_wait3A_3299 : memref<1x128xi32, #tpu.memory_space<vmem>> -> memref<128xi32, #tpu.memory_space<vmem>>
    %dma_wait3A_3301 = arith.constant 0 : i32
    %dma_wait3A_3302 = tpu.memref_slice %arg3[%dma_wait3A_3301] : memref<2600000xf32, #tpu.memory_space<hbm>> -> memref<2600000xf32, #tpu.memory_space<hbm>>
    tpu.wait_indirect_dma semaphore(%arg11 : memref<!tpu.dma_semaphore, #tpu.memory_space<semaphore_mem>>) src(%dma_wait3A_3302 : memref<2600000xf32, #tpu.memory_space<hbm>>) dst(%dma_wait3A_3297 : memref<128xf32, #tpu.memory_space<vmem>>)
    %dma_wait3A_3303 = arith.constant 22 : i32
    %dma_wait3A_3304 = arith.constant 2816 : i32
    %dma_wait3A_3305 = tpu.memref_slice %arg7[%dma_wait3A_3304] : memref<3328xf32, #tpu.memory_space<vmem>> -> memref<128xf32, #tpu.memory_space<vmem>>
    %dma_wait3A_3306 = arith.constant 0 : i32
    %dma_wait3A_3307 = tpu.memref_slice %arg6[%dma_wait3A_3303, %dma_wait3A_3306] : memref<26x128xi32, #tpu.memory_space<vmem>> -> memref<1x128xi32, #tpu.memory_space<vmem>>
    %dma_wait3A_3308 = tpu.memref_squeeze %dma_wait3A_3307 : memref<1x128xi32, #tpu.memory_space<vmem>> -> memref<128xi32, #tpu.memory_space<vmem>>
    %dma_wait3A_3309 = arith.constant 0 : i32
    %dma_wait3A_3310 = tpu.memref_slice %arg3[%dma_wait3A_3309] : memref<2600000xf32, #tpu.memory_space<hbm>> -> memref<2600000xf32, #tpu.memory_space<hbm>>
    tpu.wait_indirect_dma semaphore(%arg11 : memref<!tpu.dma_semaphore, #tpu.memory_space<semaphore_mem>>) src(%dma_wait3A_3310 : memref<2600000xf32, #tpu.memory_space<hbm>>) dst(%dma_wait3A_3305 : memref<128xf32, #tpu.memory_space<vmem>>)
    %dma_wait3A_3311 = arith.constant 23 : i32
    %dma_wait3A_3312 = arith.constant 2944 : i32
    %dma_wait3A_3313 = tpu.memref_slice %arg7[%dma_wait3A_3312] : memref<3328xf32, #tpu.memory_space<vmem>> -> memref<128xf32, #tpu.memory_space<vmem>>
    %dma_wait3A_3314 = arith.constant 0 : i32
    %dma_wait3A_3315 = tpu.memref_slice %arg6[%dma_wait3A_3311, %dma_wait3A_3314] : memref<26x128xi32, #tpu.memory_space<vmem>> -> memref<1x128xi32, #tpu.memory_space<vmem>>
    %dma_wait3A_3316 = tpu.memref_squeeze %dma_wait3A_3315 : memref<1x128xi32, #tpu.memory_space<vmem>> -> memref<128xi32, #tpu.memory_space<vmem>>
    %dma_wait3A_3317 = arith.constant 0 : i32
    %dma_wait3A_3318 = tpu.memref_slice %arg3[%dma_wait3A_3317] : memref<2600000xf32, #tpu.memory_space<hbm>> -> memref<2600000xf32, #tpu.memory_space<hbm>>
    tpu.wait_indirect_dma semaphore(%arg11 : memref<!tpu.dma_semaphore, #tpu.memory_space<semaphore_mem>>) src(%dma_wait3A_3318 : memref<2600000xf32, #tpu.memory_space<hbm>>) dst(%dma_wait3A_3313 : memref<128xf32, #tpu.memory_space<vmem>>)
    %dma_wait3A_3319 = arith.constant 24 : i32
    %dma_wait3A_3320 = arith.constant 3072 : i32
    %dma_wait3A_3321 = tpu.memref_slice %arg7[%dma_wait3A_3320] : memref<3328xf32, #tpu.memory_space<vmem>> -> memref<128xf32, #tpu.memory_space<vmem>>
    %dma_wait3A_3322 = arith.constant 0 : i32
    %dma_wait3A_3323 = tpu.memref_slice %arg6[%dma_wait3A_3319, %dma_wait3A_3322] : memref<26x128xi32, #tpu.memory_space<vmem>> -> memref<1x128xi32, #tpu.memory_space<vmem>>
    %dma_wait3A_3324 = tpu.memref_squeeze %dma_wait3A_3323 : memref<1x128xi32, #tpu.memory_space<vmem>> -> memref<128xi32, #tpu.memory_space<vmem>>
    %dma_wait3A_3325 = arith.constant 0 : i32
    %dma_wait3A_3326 = tpu.memref_slice %arg3[%dma_wait3A_3325] : memref<2600000xf32, #tpu.memory_space<hbm>> -> memref<2600000xf32, #tpu.memory_space<hbm>>
    tpu.wait_indirect_dma semaphore(%arg11 : memref<!tpu.dma_semaphore, #tpu.memory_space<semaphore_mem>>) src(%dma_wait3A_3326 : memref<2600000xf32, #tpu.memory_space<hbm>>) dst(%dma_wait3A_3321 : memref<128xf32, #tpu.memory_space<vmem>>)
    %dma_wait3A_3327 = arith.constant 25 : i32
    %dma_wait3A_3328 = arith.constant 3200 : i32
    %dma_wait3A_3329 = tpu.memref_slice %arg7[%dma_wait3A_3328] : memref<3328xf32, #tpu.memory_space<vmem>> -> memref<128xf32, #tpu.memory_space<vmem>>
    %dma_wait3A_3330 = arith.constant 0 : i32
    %dma_wait3A_3331 = tpu.memref_slice %arg6[%dma_wait3A_3327, %dma_wait3A_3330] : memref<26x128xi32, #tpu.memory_space<vmem>> -> memref<1x128xi32, #tpu.memory_space<vmem>>
    %dma_wait3A_3332 = tpu.memref_squeeze %dma_wait3A_3331 : memref<1x128xi32, #tpu.memory_space<vmem>> -> memref<128xi32, #tpu.memory_space<vmem>>
    %dma_wait3A_3333 = arith.constant 0 : i32
    %dma_wait3A_3334 = tpu.memref_slice %arg3[%dma_wait3A_3333] : memref<2600000xf32, #tpu.memory_space<hbm>> -> memref<2600000xf32, #tpu.memory_space<hbm>>
    tpu.wait_indirect_dma semaphore(%arg11 : memref<!tpu.dma_semaphore, #tpu.memory_space<semaphore_mem>>) src(%dma_wait3A_3334 : memref<2600000xf32, #tpu.memory_space<hbm>>) dst(%dma_wait3A_3329 : memref<128xf32, #tpu.memory_space<vmem>>)
    %get3A_3335 = arith.constant 0 : index
    %get3A_3336 = tpu.vector_load %arg9[%get3A_3335] {strides = array<i32>} : memref<16xf32, #tpu.memory_space<vmem>>, vector<16xf32>,
    %get3A_3337 = vector.shape_cast %get3A_3336 : vector<16xf32> to vector<16xf32>
    %get3A_3338 = arith.constant 0 : index
    %get3A_3339 = tpu.vector_load %arg7[%get3A_3338] {strides = array<i32>} : memref<3328xf32, #tpu.memory_space<vmem>>, vector<16xf32>,
    %get3A_3340 = vector.shape_cast %get3A_3339 : vector<16xf32> to vector<16xf32>
    %add3A_3341 = arith.addf %get3A_3337, %get3A_3340 : vector<16xf32>
    %get3A_3342 = arith.constant 128 : index
    %get3A_3343 = tpu.vector_load %arg7[%get3A_3342] {strides = array<i32>} : memref<3328xf32, #tpu.memory_space<vmem>>, vector<16xf32>,
    %get3A_3344 = vector.shape_cast %get3A_3343 : vector<16xf32> to vector<16xf32>
    %add3A_3345 = arith.addf %add3A_3341, %get3A_3344 : vector<16xf32>
    %get3A_3346 = arith.constant 256 : index
    %get3A_3347 = tpu.vector_load %arg7[%get3A_3346] {strides = array<i32>} : memref<3328xf32, #tpu.memory_space<vmem>>, vector<16xf32>,
    %get3A_3348 = vector.shape_cast %get3A_3347 : vector<16xf32> to vector<16xf32>
    %add3A_3349 = arith.addf %add3A_3345, %get3A_3348 : vector<16xf32>
    %get3A_3350 = arith.constant 384 : index
    %get3A_3351 = tpu.vector_load %arg7[%get3A_3350] {strides = array<i32>} : memref<3328xf32, #tpu.memory_space<vmem>>, vector<16xf32>,
    %get3A_3352 = vector.shape_cast %get3A_3351 : vector<16xf32> to vector<16xf32>
    %add3A_3353 = arith.addf %add3A_3349, %get3A_3352 : vector<16xf32>
    %get3A_3354 = arith.constant 512 : index
    %get3A_3355 = tpu.vector_load %arg7[%get3A_3354] {strides = array<i32>} : memref<3328xf32, #tpu.memory_space<vmem>>, vector<16xf32>,
    %get3A_3356 = vector.shape_cast %get3A_3355 : vector<16xf32> to vector<16xf32>
    %add3A_3357 = arith.addf %add3A_3353, %get3A_3356 : vector<16xf32>
    %get3A_3358 = arith.constant 640 : index
    %get3A_3359 = tpu.vector_load %arg7[%get3A_3358] {strides = array<i32>} : memref<3328xf32, #tpu.memory_space<vmem>>, vector<16xf32>,
    %get3A_3360 = vector.shape_cast %get3A_3359 : vector<16xf32> to vector<16xf32>
    %add3A_3361 = arith.addf %add3A_3357, %get3A_3360 : vector<16xf32>
    %get3A_3362 = arith.constant 768 : index
    %get3A_3363 = tpu.vector_load %arg7[%get3A_3362] {strides = array<i32>} : memref<3328xf32, #tpu.memory_space<vmem>>, vector<16xf32>,
    %get3A_3364 = vector.shape_cast %get3A_3363 : vector<16xf32> to vector<16xf32>
    %add3A_3365 = arith.addf %add3A_3361, %get3A_3364 : vector<16xf32>
    %get3A_3366 = arith.constant 896 : index
    %get3A_3367 = tpu.vector_load %arg7[%get3A_3366] {strides = array<i32>} : memref<3328xf32, #tpu.memory_space<vmem>>, vector<16xf32>,
    %get3A_3368 = vector.shape_cast %get3A_3367 : vector<16xf32> to vector<16xf32>
    %add3A_3369 = arith.addf %add3A_3365, %get3A_3368 : vector<16xf32>
    %get3A_3370 = arith.constant 1024 : index
    %get3A_3371 = tpu.vector_load %arg7[%get3A_3370] {strides = array<i32>} : memref<3328xf32, #tpu.memory_space<vmem>>, vector<16xf32>,
    %get3A_3372 = vector.shape_cast %get3A_3371 : vector<16xf32> to vector<16xf32>
    %add3A_3373 = arith.addf %add3A_3369, %get3A_3372 : vector<16xf32>
    %get3A_3374 = arith.constant 1152 : index
    %get3A_3375 = tpu.vector_load %arg7[%get3A_3374] {strides = array<i32>} : memref<3328xf32, #tpu.memory_space<vmem>>, vector<16xf32>,
    %get3A_3376 = vector.shape_cast %get3A_3375 : vector<16xf32> to vector<16xf32>
    %add3A_3377 = arith.addf %add3A_3373, %get3A_3376 : vector<16xf32>
    %get3A_3378 = arith.constant 1280 : index
    %get3A_3379 = tpu.vector_load %arg7[%get3A_3378] {strides = array<i32>} : memref<3328xf32, #tpu.memory_space<vmem>>, vector<16xf32>,
    %get3A_3380 = vector.shape_cast %get3A_3379 : vector<16xf32> to vector<16xf32>
    %add3A_3381 = arith.addf %add3A_3377, %get3A_3380 : vector<16xf32>
    %get3A_3382 = arith.constant 1408 : index
    %get3A_3383 = tpu.vector_load %arg7[%get3A_3382] {strides = array<i32>} : memref<3328xf32, #tpu.memory_space<vmem>>, vector<16xf32>,
    %get3A_3384 = vector.shape_cast %get3A_3383 : vector<16xf32> to vector<16xf32>
    %add3A_3385 = arith.addf %add3A_3381, %get3A_3384 : vector<16xf32>
    %get3A_3386 = arith.constant 1536 : index
    %get3A_3387 = tpu.vector_load %arg7[%get3A_3386] {strides = array<i32>} : memref<3328xf32, #tpu.memory_space<vmem>>, vector<16xf32>,
    %get3A_3388 = vector.shape_cast %get3A_3387 : vector<16xf32> to vector<16xf32>
    %add3A_3389 = arith.addf %add3A_3385, %get3A_3388 : vector<16xf32>
    %get3A_3390 = arith.constant 1664 : index
    %get3A_3391 = tpu.vector_load %arg7[%get3A_3390] {strides = array<i32>} : memref<3328xf32, #tpu.memory_space<vmem>>, vector<16xf32>,
    %get3A_3392 = vector.shape_cast %get3A_3391 : vector<16xf32> to vector<16xf32>
    %add3A_3393 = arith.addf %add3A_3389, %get3A_3392 : vector<16xf32>
    %get3A_3394 = arith.constant 1792 : index
    %get3A_3395 = tpu.vector_load %arg7[%get3A_3394] {strides = array<i32>} : memref<3328xf32, #tpu.memory_space<vmem>>, vector<16xf32>,
    %get3A_3396 = vector.shape_cast %get3A_3395 : vector<16xf32> to vector<16xf32>
    %add3A_3397 = arith.addf %add3A_3393, %get3A_3396 : vector<16xf32>
    %get3A_3398 = arith.constant 1920 : index
    %get3A_3399 = tpu.vector_load %arg7[%get3A_3398] {strides = array<i32>} : memref<3328xf32, #tpu.memory_space<vmem>>, vector<16xf32>,
    %get3A_3400 = vector.shape_cast %get3A_3399 : vector<16xf32> to vector<16xf32>
    %add3A_3401 = arith.addf %add3A_3397, %get3A_3400 : vector<16xf32>
    %get3A_3402 = arith.constant 2048 : index
    %get3A_3403 = tpu.vector_load %arg7[%get3A_3402] {strides = array<i32>} : memref<3328xf32, #tpu.memory_space<vmem>>, vector<16xf32>,
    %get3A_3404 = vector.shape_cast %get3A_3403 : vector<16xf32> to vector<16xf32>
    %add3A_3405 = arith.addf %add3A_3401, %get3A_3404 : vector<16xf32>
    %get3A_3406 = arith.constant 2176 : index
    %get3A_3407 = tpu.vector_load %arg7[%get3A_3406] {strides = array<i32>} : memref<3328xf32, #tpu.memory_space<vmem>>, vector<16xf32>,
    %get3A_3408 = vector.shape_cast %get3A_3407 : vector<16xf32> to vector<16xf32>
    %add3A_3409 = arith.addf %add3A_3405, %get3A_3408 : vector<16xf32>
    %get3A_3410 = arith.constant 2304 : index
    %get3A_3411 = tpu.vector_load %arg7[%get3A_3410] {strides = array<i32>} : memref<3328xf32, #tpu.memory_space<vmem>>, vector<16xf32>,
    %get3A_3412 = vector.shape_cast %get3A_3411 : vector<16xf32> to vector<16xf32>
    %add3A_3413 = arith.addf %add3A_3409, %get3A_3412 : vector<16xf32>
    %get3A_3414 = arith.constant 2432 : index
    %get3A_3415 = tpu.vector_load %arg7[%get3A_3414] {strides = array<i32>} : memref<3328xf32, #tpu.memory_space<vmem>>, vector<16xf32>,
    %get3A_3416 = vector.shape_cast %get3A_3415 : vector<16xf32> to vector<16xf32>
    %add3A_3417 = arith.addf %add3A_3413, %get3A_3416 : vector<16xf32>
    %get3A_3418 = arith.constant 2560 : index
    %get3A_3419 = tpu.vector_load %arg7[%get3A_3418] {strides = array<i32>} : memref<3328xf32, #tpu.memory_space<vmem>>, vector<16xf32>,
    %get3A_3420 = vector.shape_cast %get3A_3419 : vector<16xf32> to vector<16xf32>
    %add3A_3421 = arith.addf %add3A_3417, %get3A_3420 : vector<16xf32>
    %get3A_3422 = arith.constant 2688 : index
    %get3A_3423 = tpu.vector_load %arg7[%get3A_3422] {strides = array<i32>} : memref<3328xf32, #tpu.memory_space<vmem>>, vector<16xf32>,
    %get3A_3424 = vector.shape_cast %get3A_3423 : vector<16xf32> to vector<16xf32>
    %add3A_3425 = arith.addf %add3A_3421, %get3A_3424 : vector<16xf32>
    %get3A_3426 = arith.constant 2816 : index
    %get3A_3427 = tpu.vector_load %arg7[%get3A_3426] {strides = array<i32>} : memref<3328xf32, #tpu.memory_space<vmem>>, vector<16xf32>,
    %get3A_3428 = vector.shape_cast %get3A_3427 : vector<16xf32> to vector<16xf32>
    %add3A_3429 = arith.addf %add3A_3425, %get3A_3428 : vector<16xf32>
    %get3A_3430 = arith.constant 2944 : index
    %get3A_3431 = tpu.vector_load %arg7[%get3A_3430] {strides = array<i32>} : memref<3328xf32, #tpu.memory_space<vmem>>, vector<16xf32>,
    %get3A_3432 = vector.shape_cast %get3A_3431 : vector<16xf32> to vector<16xf32>
    %add3A_3433 = arith.addf %add3A_3429, %get3A_3432 : vector<16xf32>
    %get3A_3434 = arith.constant 3072 : index
    %get3A_3435 = tpu.vector_load %arg7[%get3A_3434] {strides = array<i32>} : memref<3328xf32, #tpu.memory_space<vmem>>, vector<16xf32>,
    %get3A_3436 = vector.shape_cast %get3A_3435 : vector<16xf32> to vector<16xf32>
    %add3A_3437 = arith.addf %add3A_3433, %get3A_3436 : vector<16xf32>
    %get3A_3438 = arith.constant 3200 : index
    %get3A_3439 = tpu.vector_load %arg7[%get3A_3438] {strides = array<i32>} : memref<3328xf32, #tpu.memory_space<vmem>>, vector<16xf32>,
    %get3A_3440 = vector.shape_cast %get3A_3439 : vector<16xf32> to vector<16xf32>
    %add3A_3441 = arith.addf %add3A_3437, %get3A_3440 : vector<16xf32>
    %swap3A_3442 = arith.constant 0 : index
    %swap3A_3443 = tpu.vector_load %arg8[%swap3A_3442] {strides = array<i32>} : memref<128xf32, #tpu.memory_space<vmem>>, vector<16xf32>,
    %swap3A_3444 = vector.shape_cast %swap3A_3443 : vector<16xf32> to vector<16xf32>
    %swap3A_3445 = vector.shape_cast %add3A_3441 : vector<16xf32> to vector<16xf32>
    tpu.vector_store %arg8[%swap3A_3442], %swap3A_3445 {strides = array<i32>} : memref<128xf32, #tpu.memory_space<vmem>>, vector<16xf32>,
    %get3A_3446 = arith.constant 16 : index
    %get3A_3447 = tpu.vector_load %arg7[%get3A_3446] {strides = array<i32>} : memref<3328xf32, #tpu.memory_space<vmem>>, vector<16xf32>,
    %get3A_3448 = vector.shape_cast %get3A_3447 : vector<16xf32> to vector<16xf32>
    %add3A_3449 = arith.addf %get3A_3337, %get3A_3448 : vector<16xf32>
    %get3A_3450 = arith.constant 144 : index
    %get3A_3451 = tpu.vector_load %arg7[%get3A_3450] {strides = array<i32>} : memref<3328xf32, #tpu.memory_space<vmem>>, vector<16xf32>,
    %get3A_3452 = vector.shape_cast %get3A_3451 : vector<16xf32> to vector<16xf32>
    %add3A_3453 = arith.addf %add3A_3449, %get3A_3452 : vector<16xf32>
    %get3A_3454 = arith.constant 272 : index
    %get3A_3455 = tpu.vector_load %arg7[%get3A_3454] {strides = array<i32>} : memref<3328xf32, #tpu.memory_space<vmem>>, vector<16xf32>,
    %get3A_3456 = vector.shape_cast %get3A_3455 : vector<16xf32> to vector<16xf32>
    %add3A_3457 = arith.addf %add3A_3453, %get3A_3456 : vector<16xf32>
    %get3A_3458 = arith.constant 400 : index
    %get3A_3459 = tpu.vector_load %arg7[%get3A_3458] {strides = array<i32>} : memref<3328xf32, #tpu.memory_space<vmem>>, vector<16xf32>,
    %get3A_3460 = vector.shape_cast %get3A_3459 : vector<16xf32> to vector<16xf32>
    %add3A_3461 = arith.addf %add3A_3457, %get3A_3460 : vector<16xf32>
    %get3A_3462 = arith.constant 528 : index
    %get3A_3463 = tpu.vector_load %arg7[%get3A_3462] {strides = array<i32>} : memref<3328xf32, #tpu.memory_space<vmem>>, vector<16xf32>,
    %get3A_3464 = vector.shape_cast %get3A_3463 : vector<16xf32> to vector<16xf32>
    %add3A_3465 = arith.addf %add3A_3461, %get3A_3464 : vector<16xf32>
    %get3A_3466 = arith.constant 656 : index
    %get3A_3467 = tpu.vector_load %arg7[%get3A_3466] {strides = array<i32>} : memref<3328xf32, #tpu.memory_space<vmem>>, vector<16xf32>,
    %get3A_3468 = vector.shape_cast %get3A_3467 : vector<16xf32> to vector<16xf32>
    %add3A_3469 = arith.addf %add3A_3465, %get3A_3468 : vector<16xf32>
    %get3A_3470 = arith.constant 784 : index
    %get3A_3471 = tpu.vector_load %arg7[%get3A_3470] {strides = array<i32>} : memref<3328xf32, #tpu.memory_space<vmem>>, vector<16xf32>,
    %get3A_3472 = vector.shape_cast %get3A_3471 : vector<16xf32> to vector<16xf32>
    %add3A_3473 = arith.addf %add3A_3469, %get3A_3472 : vector<16xf32>
    %get3A_3474 = arith.constant 912 : index
    %get3A_3475 = tpu.vector_load %arg7[%get3A_3474] {strides = array<i32>} : memref<3328xf32, #tpu.memory_space<vmem>>, vector<16xf32>,
    %get3A_3476 = vector.shape_cast %get3A_3475 : vector<16xf32> to vector<16xf32>
    %add3A_3477 = arith.addf %add3A_3473, %get3A_3476 : vector<16xf32>
    %get3A_3478 = arith.constant 1040 : index
    %get3A_3479 = tpu.vector_load %arg7[%get3A_3478] {strides = array<i32>} : memref<3328xf32, #tpu.memory_space<vmem>>, vector<16xf32>,
    %get3A_3480 = vector.shape_cast %get3A_3479 : vector<16xf32> to vector<16xf32>
    %add3A_3481 = arith.addf %add3A_3477, %get3A_3480 : vector<16xf32>
    %get3A_3482 = arith.constant 1168 : index
    %get3A_3483 = tpu.vector_load %arg7[%get3A_3482] {strides = array<i32>} : memref<3328xf32, #tpu.memory_space<vmem>>, vector<16xf32>,
    %get3A_3484 = vector.shape_cast %get3A_3483 : vector<16xf32> to vector<16xf32>
    %add3A_3485 = arith.addf %add3A_3481, %get3A_3484 : vector<16xf32>
    %get3A_3486 = arith.constant 1296 : index
    %get3A_3487 = tpu.vector_load %arg7[%get3A_3486] {strides = array<i32>} : memref<3328xf32, #tpu.memory_space<vmem>>, vector<16xf32>,
    %get3A_3488 = vector.shape_cast %get3A_3487 : vector<16xf32> to vector<16xf32>
    %add3A_3489 = arith.addf %add3A_3485, %get3A_3488 : vector<16xf32>
    %get3A_3490 = arith.constant 1424 : index
    %get3A_3491 = tpu.vector_load %arg7[%get3A_3490] {strides = array<i32>} : memref<3328xf32, #tpu.memory_space<vmem>>, vector<16xf32>,
    %get3A_3492 = vector.shape_cast %get3A_3491 : vector<16xf32> to vector<16xf32>
    %add3A_3493 = arith.addf %add3A_3489, %get3A_3492 : vector<16xf32>
    %get3A_3494 = arith.constant 1552 : index
    %get3A_3495 = tpu.vector_load %arg7[%get3A_3494] {strides = array<i32>} : memref<3328xf32, #tpu.memory_space<vmem>>, vector<16xf32>,
    %get3A_3496 = vector.shape_cast %get3A_3495 : vector<16xf32> to vector<16xf32>
    %add3A_3497 = arith.addf %add3A_3493, %get3A_3496 : vector<16xf32>
    %get3A_3498 = arith.constant 1680 : index
    %get3A_3499 = tpu.vector_load %arg7[%get3A_3498] {strides = array<i32>} : memref<3328xf32, #tpu.memory_space<vmem>>, vector<16xf32>,
    %get3A_3500 = vector.shape_cast %get3A_3499 : vector<16xf32> to vector<16xf32>
    %add3A_3501 = arith.addf %add3A_3497, %get3A_3500 : vector<16xf32>
    %get3A_3502 = arith.constant 1808 : index
    %get3A_3503 = tpu.vector_load %arg7[%get3A_3502] {strides = array<i32>} : memref<3328xf32, #tpu.memory_space<vmem>>, vector<16xf32>,
    %get3A_3504 = vector.shape_cast %get3A_3503 : vector<16xf32> to vector<16xf32>
    %add3A_3505 = arith.addf %add3A_3501, %get3A_3504 : vector<16xf32>
    %get3A_3506 = arith.constant 1936 : index
    %get3A_3507 = tpu.vector_load %arg7[%get3A_3506] {strides = array<i32>} : memref<3328xf32, #tpu.memory_space<vmem>>, vector<16xf32>,
    %get3A_3508 = vector.shape_cast %get3A_3507 : vector<16xf32> to vector<16xf32>
    %add3A_3509 = arith.addf %add3A_3505, %get3A_3508 : vector<16xf32>
    %get3A_3510 = arith.constant 2064 : index
    %get3A_3511 = tpu.vector_load %arg7[%get3A_3510] {strides = array<i32>} : memref<3328xf32, #tpu.memory_space<vmem>>, vector<16xf32>,
    %get3A_3512 = vector.shape_cast %get3A_3511 : vector<16xf32> to vector<16xf32>
    %add3A_3513 = arith.addf %add3A_3509, %get3A_3512 : vector<16xf32>
    %get3A_3514 = arith.constant 2192 : index
    %get3A_3515 = tpu.vector_load %arg7[%get3A_3514] {strides = array<i32>} : memref<3328xf32, #tpu.memory_space<vmem>>, vector<16xf32>,
    %get3A_3516 = vector.shape_cast %get3A_3515 : vector<16xf32> to vector<16xf32>
    %add3A_3517 = arith.addf %add3A_3513, %get3A_3516 : vector<16xf32>
    %get3A_3518 = arith.constant 2320 : index
    %get3A_3519 = tpu.vector_load %arg7[%get3A_3518] {strides = array<i32>} : memref<3328xf32, #tpu.memory_space<vmem>>, vector<16xf32>,
    %get3A_3520 = vector.shape_cast %get3A_3519 : vector<16xf32> to vector<16xf32>
    %add3A_3521 = arith.addf %add3A_3517, %get3A_3520 : vector<16xf32>
    %get3A_3522 = arith.constant 2448 : index
    %get3A_3523 = tpu.vector_load %arg7[%get3A_3522] {strides = array<i32>} : memref<3328xf32, #tpu.memory_space<vmem>>, vector<16xf32>,
    %get3A_3524 = vector.shape_cast %get3A_3523 : vector<16xf32> to vector<16xf32>
    %add3A_3525 = arith.addf %add3A_3521, %get3A_3524 : vector<16xf32>
    %get3A_3526 = arith.constant 2576 : index
    %get3A_3527 = tpu.vector_load %arg7[%get3A_3526] {strides = array<i32>} : memref<3328xf32, #tpu.memory_space<vmem>>, vector<16xf32>,
    %get3A_3528 = vector.shape_cast %get3A_3527 : vector<16xf32> to vector<16xf32>
    %add3A_3529 = arith.addf %add3A_3525, %get3A_3528 : vector<16xf32>
    %get3A_3530 = arith.constant 2704 : index
    %get3A_3531 = tpu.vector_load %arg7[%get3A_3530] {strides = array<i32>} : memref<3328xf32, #tpu.memory_space<vmem>>, vector<16xf32>,
    %get3A_3532 = vector.shape_cast %get3A_3531 : vector<16xf32> to vector<16xf32>
    %add3A_3533 = arith.addf %add3A_3529, %get3A_3532 : vector<16xf32>
    %get3A_3534 = arith.constant 2832 : index
    %get3A_3535 = tpu.vector_load %arg7[%get3A_3534] {strides = array<i32>} : memref<3328xf32, #tpu.memory_space<vmem>>, vector<16xf32>,
    %get3A_3536 = vector.shape_cast %get3A_3535 : vector<16xf32> to vector<16xf32>
    %add3A_3537 = arith.addf %add3A_3533, %get3A_3536 : vector<16xf32>
    %get3A_3538 = arith.constant 2960 : index
    %get3A_3539 = tpu.vector_load %arg7[%get3A_3538] {strides = array<i32>} : memref<3328xf32, #tpu.memory_space<vmem>>, vector<16xf32>,
    %get3A_3540 = vector.shape_cast %get3A_3539 : vector<16xf32> to vector<16xf32>
    %add3A_3541 = arith.addf %add3A_3537, %get3A_3540 : vector<16xf32>
    %get3A_3542 = arith.constant 3088 : index
    %get3A_3543 = tpu.vector_load %arg7[%get3A_3542] {strides = array<i32>} : memref<3328xf32, #tpu.memory_space<vmem>>, vector<16xf32>,
    %get3A_3544 = vector.shape_cast %get3A_3543 : vector<16xf32> to vector<16xf32>
    %add3A_3545 = arith.addf %add3A_3541, %get3A_3544 : vector<16xf32>
    %get3A_3546 = arith.constant 3216 : index
    %get3A_3547 = tpu.vector_load %arg7[%get3A_3546] {strides = array<i32>} : memref<3328xf32, #tpu.memory_space<vmem>>, vector<16xf32>,
    %get3A_3548 = vector.shape_cast %get3A_3547 : vector<16xf32> to vector<16xf32>
    %add3A_3549 = arith.addf %add3A_3545, %get3A_3548 : vector<16xf32>
    %swap3A_3550 = arith.constant 16 : index
    %swap3A_3551 = tpu.vector_load %arg8[%swap3A_3550] {strides = array<i32>} : memref<128xf32, #tpu.memory_space<vmem>>, vector<16xf32>,
    %swap3A_3552 = vector.shape_cast %swap3A_3551 : vector<16xf32> to vector<16xf32>
    %swap3A_3553 = vector.shape_cast %add3A_3549 : vector<16xf32> to vector<16xf32>
    tpu.vector_store %arg8[%swap3A_3550], %swap3A_3553 {strides = array<i32>} : memref<128xf32, #tpu.memory_space<vmem>>, vector<16xf32>,
    %get3A_3554 = arith.constant 32 : index
    %get3A_3555 = tpu.vector_load %arg7[%get3A_3554] {strides = array<i32>} : memref<3328xf32, #tpu.memory_space<vmem>>, vector<16xf32>,
    %get3A_3556 = vector.shape_cast %get3A_3555 : vector<16xf32> to vector<16xf32>
    %add3A_3557 = arith.addf %get3A_3337, %get3A_3556 : vector<16xf32>
    %get3A_3558 = arith.constant 160 : index
    %get3A_3559 = tpu.vector_load %arg7[%get3A_3558] {strides = array<i32>} : memref<3328xf32, #tpu.memory_space<vmem>>, vector<16xf32>,
    %get3A_3560 = vector.shape_cast %get3A_3559 : vector<16xf32> to vector<16xf32>
    %add3A_3561 = arith.addf %add3A_3557, %get3A_3560 : vector<16xf32>
    %get3A_3562 = arith.constant 288 : index
    %get3A_3563 = tpu.vector_load %arg7[%get3A_3562] {strides = array<i32>} : memref<3328xf32, #tpu.memory_space<vmem>>, vector<16xf32>,
    %get3A_3564 = vector.shape_cast %get3A_3563 : vector<16xf32> to vector<16xf32>
    %add3A_3565 = arith.addf %add3A_3561, %get3A_3564 : vector<16xf32>
    %get3A_3566 = arith.constant 416 : index
    %get3A_3567 = tpu.vector_load %arg7[%get3A_3566] {strides = array<i32>} : memref<3328xf32, #tpu.memory_space<vmem>>, vector<16xf32>,
    %get3A_3568 = vector.shape_cast %get3A_3567 : vector<16xf32> to vector<16xf32>
    %add3A_3569 = arith.addf %add3A_3565, %get3A_3568 : vector<16xf32>
    %get3A_3570 = arith.constant 544 : index
    %get3A_3571 = tpu.vector_load %arg7[%get3A_3570] {strides = array<i32>} : memref<3328xf32, #tpu.memory_space<vmem>>, vector<16xf32>,
    %get3A_3572 = vector.shape_cast %get3A_3571 : vector<16xf32> to vector<16xf32>
    %add3A_3573 = arith.addf %add3A_3569, %get3A_3572 : vector<16xf32>
    %get3A_3574 = arith.constant 672 : index
    %get3A_3575 = tpu.vector_load %arg7[%get3A_3574] {strides = array<i32>} : memref<3328xf32, #tpu.memory_space<vmem>>, vector<16xf32>,
    %get3A_3576 = vector.shape_cast %get3A_3575 : vector<16xf32> to vector<16xf32>
    %add3A_3577 = arith.addf %add3A_3573, %get3A_3576 : vector<16xf32>
    %get3A_3578 = arith.constant 800 : index
    %get3A_3579 = tpu.vector_load %arg7[%get3A_3578] {strides = array<i32>} : memref<3328xf32, #tpu.memory_space<vmem>>, vector<16xf32>,
    %get3A_3580 = vector.shape_cast %get3A_3579 : vector<16xf32> to vector<16xf32>
    %add3A_3581 = arith.addf %add3A_3577, %get3A_3580 : vector<16xf32>
    %get3A_3582 = arith.constant 928 : index
    %get3A_3583 = tpu.vector_load %arg7[%get3A_3582] {strides = array<i32>} : memref<3328xf32, #tpu.memory_space<vmem>>, vector<16xf32>,
    %get3A_3584 = vector.shape_cast %get3A_3583 : vector<16xf32> to vector<16xf32>
    %add3A_3585 = arith.addf %add3A_3581, %get3A_3584 : vector<16xf32>
    %get3A_3586 = arith.constant 1056 : index
    %get3A_3587 = tpu.vector_load %arg7[%get3A_3586] {strides = array<i32>} : memref<3328xf32, #tpu.memory_space<vmem>>, vector<16xf32>,
    %get3A_3588 = vector.shape_cast %get3A_3587 : vector<16xf32> to vector<16xf32>
    %add3A_3589 = arith.addf %add3A_3585, %get3A_3588 : vector<16xf32>
    %get3A_3590 = arith.constant 1184 : index
    %get3A_3591 = tpu.vector_load %arg7[%get3A_3590] {strides = array<i32>} : memref<3328xf32, #tpu.memory_space<vmem>>, vector<16xf32>,
    %get3A_3592 = vector.shape_cast %get3A_3591 : vector<16xf32> to vector<16xf32>
    %add3A_3593 = arith.addf %add3A_3589, %get3A_3592 : vector<16xf32>
    %get3A_3594 = arith.constant 1312 : index
    %get3A_3595 = tpu.vector_load %arg7[%get3A_3594] {strides = array<i32>} : memref<3328xf32, #tpu.memory_space<vmem>>, vector<16xf32>,
    %get3A_3596 = vector.shape_cast %get3A_3595 : vector<16xf32> to vector<16xf32>
    %add3A_3597 = arith.addf %add3A_3593, %get3A_3596 : vector<16xf32>
    %get3A_3598 = arith.constant 1440 : index
    %get3A_3599 = tpu.vector_load %arg7[%get3A_3598] {strides = array<i32>} : memref<3328xf32, #tpu.memory_space<vmem>>, vector<16xf32>,
    %get3A_3600 = vector.shape_cast %get3A_3599 : vector<16xf32> to vector<16xf32>
    %add3A_3601 = arith.addf %add3A_3597, %get3A_3600 : vector<16xf32>
    %get3A_3602 = arith.constant 1568 : index
    %get3A_3603 = tpu.vector_load %arg7[%get3A_3602] {strides = array<i32>} : memref<3328xf32, #tpu.memory_space<vmem>>, vector<16xf32>,
    %get3A_3604 = vector.shape_cast %get3A_3603 : vector<16xf32> to vector<16xf32>
    %add3A_3605 = arith.addf %add3A_3601, %get3A_3604 : vector<16xf32>
    %get3A_3606 = arith.constant 1696 : index
    %get3A_3607 = tpu.vector_load %arg7[%get3A_3606] {strides = array<i32>} : memref<3328xf32, #tpu.memory_space<vmem>>, vector<16xf32>,
    %get3A_3608 = vector.shape_cast %get3A_3607 : vector<16xf32> to vector<16xf32>
    %add3A_3609 = arith.addf %add3A_3605, %get3A_3608 : vector<16xf32>
    %get3A_3610 = arith.constant 1824 : index
    %get3A_3611 = tpu.vector_load %arg7[%get3A_3610] {strides = array<i32>} : memref<3328xf32, #tpu.memory_space<vmem>>, vector<16xf32>,
    %get3A_3612 = vector.shape_cast %get3A_3611 : vector<16xf32> to vector<16xf32>
    %add3A_3613 = arith.addf %add3A_3609, %get3A_3612 : vector<16xf32>
    %get3A_3614 = arith.constant 1952 : index
    %get3A_3615 = tpu.vector_load %arg7[%get3A_3614] {strides = array<i32>} : memref<3328xf32, #tpu.memory_space<vmem>>, vector<16xf32>,
    %get3A_3616 = vector.shape_cast %get3A_3615 : vector<16xf32> to vector<16xf32>
    %add3A_3617 = arith.addf %add3A_3613, %get3A_3616 : vector<16xf32>
    %get3A_3618 = arith.constant 2080 : index
    %get3A_3619 = tpu.vector_load %arg7[%get3A_3618] {strides = array<i32>} : memref<3328xf32, #tpu.memory_space<vmem>>, vector<16xf32>,
    %get3A_3620 = vector.shape_cast %get3A_3619 : vector<16xf32> to vector<16xf32>
    %add3A_3621 = arith.addf %add3A_3617, %get3A_3620 : vector<16xf32>
    %get3A_3622 = arith.constant 2208 : index
    %get3A_3623 = tpu.vector_load %arg7[%get3A_3622] {strides = array<i32>} : memref<3328xf32, #tpu.memory_space<vmem>>, vector<16xf32>,
    %get3A_3624 = vector.shape_cast %get3A_3623 : vector<16xf32> to vector<16xf32>
    %add3A_3625 = arith.addf %add3A_3621, %get3A_3624 : vector<16xf32>
    %get3A_3626 = arith.constant 2336 : index
    %get3A_3627 = tpu.vector_load %arg7[%get3A_3626] {strides = array<i32>} : memref<3328xf32, #tpu.memory_space<vmem>>, vector<16xf32>,
    %get3A_3628 = vector.shape_cast %get3A_3627 : vector<16xf32> to vector<16xf32>
    %add3A_3629 = arith.addf %add3A_3625, %get3A_3628 : vector<16xf32>
    %get3A_3630 = arith.constant 2464 : index
    %get3A_3631 = tpu.vector_load %arg7[%get3A_3630] {strides = array<i32>} : memref<3328xf32, #tpu.memory_space<vmem>>, vector<16xf32>,
    %get3A_3632 = vector.shape_cast %get3A_3631 : vector<16xf32> to vector<16xf32>
    %add3A_3633 = arith.addf %add3A_3629, %get3A_3632 : vector<16xf32>
    %get3A_3634 = arith.constant 2592 : index
    %get3A_3635 = tpu.vector_load %arg7[%get3A_3634] {strides = array<i32>} : memref<3328xf32, #tpu.memory_space<vmem>>, vector<16xf32>,
    %get3A_3636 = vector.shape_cast %get3A_3635 : vector<16xf32> to vector<16xf32>
    %add3A_3637 = arith.addf %add3A_3633, %get3A_3636 : vector<16xf32>
    %get3A_3638 = arith.constant 2720 : index
    %get3A_3639 = tpu.vector_load %arg7[%get3A_3638] {strides = array<i32>} : memref<3328xf32, #tpu.memory_space<vmem>>, vector<16xf32>,
    %get3A_3640 = vector.shape_cast %get3A_3639 : vector<16xf32> to vector<16xf32>
    %add3A_3641 = arith.addf %add3A_3637, %get3A_3640 : vector<16xf32>
    %get3A_3642 = arith.constant 2848 : index
    %get3A_3643 = tpu.vector_load %arg7[%get3A_3642] {strides = array<i32>} : memref<3328xf32, #tpu.memory_space<vmem>>, vector<16xf32>,
    %get3A_3644 = vector.shape_cast %get3A_3643 : vector<16xf32> to vector<16xf32>
    %add3A_3645 = arith.addf %add3A_3641, %get3A_3644 : vector<16xf32>
    %get3A_3646 = arith.constant 2976 : index
    %get3A_3647 = tpu.vector_load %arg7[%get3A_3646] {strides = array<i32>} : memref<3328xf32, #tpu.memory_space<vmem>>, vector<16xf32>,
    %get3A_3648 = vector.shape_cast %get3A_3647 : vector<16xf32> to vector<16xf32>
    %add3A_3649 = arith.addf %add3A_3645, %get3A_3648 : vector<16xf32>
    %get3A_3650 = arith.constant 3104 : index
    %get3A_3651 = tpu.vector_load %arg7[%get3A_3650] {strides = array<i32>} : memref<3328xf32, #tpu.memory_space<vmem>>, vector<16xf32>,
    %get3A_3652 = vector.shape_cast %get3A_3651 : vector<16xf32> to vector<16xf32>
    %add3A_3653 = arith.addf %add3A_3649, %get3A_3652 : vector<16xf32>
    %get3A_3654 = arith.constant 3232 : index
    %get3A_3655 = tpu.vector_load %arg7[%get3A_3654] {strides = array<i32>} : memref<3328xf32, #tpu.memory_space<vmem>>, vector<16xf32>,
    %get3A_3656 = vector.shape_cast %get3A_3655 : vector<16xf32> to vector<16xf32>
    %add3A_3657 = arith.addf %add3A_3653, %get3A_3656 : vector<16xf32>
    %swap3A_3658 = arith.constant 32 : index
    %swap3A_3659 = tpu.vector_load %arg8[%swap3A_3658] {strides = array<i32>} : memref<128xf32, #tpu.memory_space<vmem>>, vector<16xf32>,
    %swap3A_3660 = vector.shape_cast %swap3A_3659 : vector<16xf32> to vector<16xf32>
    %swap3A_3661 = vector.shape_cast %add3A_3657 : vector<16xf32> to vector<16xf32>
    tpu.vector_store %arg8[%swap3A_3658], %swap3A_3661 {strides = array<i32>} : memref<128xf32, #tpu.memory_space<vmem>>, vector<16xf32>,
    %get3A_3662 = arith.constant 48 : index
    %get3A_3663 = tpu.vector_load %arg7[%get3A_3662] {strides = array<i32>} : memref<3328xf32, #tpu.memory_space<vmem>>, vector<16xf32>,
    %get3A_3664 = vector.shape_cast %get3A_3663 : vector<16xf32> to vector<16xf32>
    %add3A_3665 = arith.addf %get3A_3337, %get3A_3664 : vector<16xf32>
    %get3A_3666 = arith.constant 176 : index
    %get3A_3667 = tpu.vector_load %arg7[%get3A_3666] {strides = array<i32>} : memref<3328xf32, #tpu.memory_space<vmem>>, vector<16xf32>,
    %get3A_3668 = vector.shape_cast %get3A_3667 : vector<16xf32> to vector<16xf32>
    %add3A_3669 = arith.addf %add3A_3665, %get3A_3668 : vector<16xf32>
    %get3A_3670 = arith.constant 304 : index
    %get3A_3671 = tpu.vector_load %arg7[%get3A_3670] {strides = array<i32>} : memref<3328xf32, #tpu.memory_space<vmem>>, vector<16xf32>,
    %get3A_3672 = vector.shape_cast %get3A_3671 : vector<16xf32> to vector<16xf32>
    %add3A_3673 = arith.addf %add3A_3669, %get3A_3672 : vector<16xf32>
    %get3A_3674 = arith.constant 432 : index
    %get3A_3675 = tpu.vector_load %arg7[%get3A_3674] {strides = array<i32>} : memref<3328xf32, #tpu.memory_space<vmem>>, vector<16xf32>,
    %get3A_3676 = vector.shape_cast %get3A_3675 : vector<16xf32> to vector<16xf32>
    %add3A_3677 = arith.addf %add3A_3673, %get3A_3676 : vector<16xf32>
    %get3A_3678 = arith.constant 560 : index
    %get3A_3679 = tpu.vector_load %arg7[%get3A_3678] {strides = array<i32>} : memref<3328xf32, #tpu.memory_space<vmem>>, vector<16xf32>,
    %get3A_3680 = vector.shape_cast %get3A_3679 : vector<16xf32> to vector<16xf32>
    %add3A_3681 = arith.addf %add3A_3677, %get3A_3680 : vector<16xf32>
    %get3A_3682 = arith.constant 688 : index
    %get3A_3683 = tpu.vector_load %arg7[%get3A_3682] {strides = array<i32>} : memref<3328xf32, #tpu.memory_space<vmem>>, vector<16xf32>,
    %get3A_3684 = vector.shape_cast %get3A_3683 : vector<16xf32> to vector<16xf32>
    %add3A_3685 = arith.addf %add3A_3681, %get3A_3684 : vector<16xf32>
    %get3A_3686 = arith.constant 816 : index
    %get3A_3687 = tpu.vector_load %arg7[%get3A_3686] {strides = array<i32>} : memref<3328xf32, #tpu.memory_space<vmem>>, vector<16xf32>,
    %get3A_3688 = vector.shape_cast %get3A_3687 : vector<16xf32> to vector<16xf32>
    %add3A_3689 = arith.addf %add3A_3685, %get3A_3688 : vector<16xf32>
    %get3A_3690 = arith.constant 944 : index
    %get3A_3691 = tpu.vector_load %arg7[%get3A_3690] {strides = array<i32>} : memref<3328xf32, #tpu.memory_space<vmem>>, vector<16xf32>,
    %get3A_3692 = vector.shape_cast %get3A_3691 : vector<16xf32> to vector<16xf32>
    %add3A_3693 = arith.addf %add3A_3689, %get3A_3692 : vector<16xf32>
    %get3A_3694 = arith.constant 1072 : index
    %get3A_3695 = tpu.vector_load %arg7[%get3A_3694] {strides = array<i32>} : memref<3328xf32, #tpu.memory_space<vmem>>, vector<16xf32>,
    %get3A_3696 = vector.shape_cast %get3A_3695 : vector<16xf32> to vector<16xf32>
    %add3A_3697 = arith.addf %add3A_3693, %get3A_3696 : vector<16xf32>
    %get3A_3698 = arith.constant 1200 : index
    %get3A_3699 = tpu.vector_load %arg7[%get3A_3698] {strides = array<i32>} : memref<3328xf32, #tpu.memory_space<vmem>>, vector<16xf32>,
    %get3A_3700 = vector.shape_cast %get3A_3699 : vector<16xf32> to vector<16xf32>
    %add3A_3701 = arith.addf %add3A_3697, %get3A_3700 : vector<16xf32>
    %get3A_3702 = arith.constant 1328 : index
    %get3A_3703 = tpu.vector_load %arg7[%get3A_3702] {strides = array<i32>} : memref<3328xf32, #tpu.memory_space<vmem>>, vector<16xf32>,
    %get3A_3704 = vector.shape_cast %get3A_3703 : vector<16xf32> to vector<16xf32>
    %add3A_3705 = arith.addf %add3A_3701, %get3A_3704 : vector<16xf32>
    %get3A_3706 = arith.constant 1456 : index
    %get3A_3707 = tpu.vector_load %arg7[%get3A_3706] {strides = array<i32>} : memref<3328xf32, #tpu.memory_space<vmem>>, vector<16xf32>,
    %get3A_3708 = vector.shape_cast %get3A_3707 : vector<16xf32> to vector<16xf32>
    %add3A_3709 = arith.addf %add3A_3705, %get3A_3708 : vector<16xf32>
    %get3A_3710 = arith.constant 1584 : index
    %get3A_3711 = tpu.vector_load %arg7[%get3A_3710] {strides = array<i32>} : memref<3328xf32, #tpu.memory_space<vmem>>, vector<16xf32>,
    %get3A_3712 = vector.shape_cast %get3A_3711 : vector<16xf32> to vector<16xf32>
    %add3A_3713 = arith.addf %add3A_3709, %get3A_3712 : vector<16xf32>
    %get3A_3714 = arith.constant 1712 : index
    %get3A_3715 = tpu.vector_load %arg7[%get3A_3714] {strides = array<i32>} : memref<3328xf32, #tpu.memory_space<vmem>>, vector<16xf32>,
    %get3A_3716 = vector.shape_cast %get3A_3715 : vector<16xf32> to vector<16xf32>
    %add3A_3717 = arith.addf %add3A_3713, %get3A_3716 : vector<16xf32>
    %get3A_3718 = arith.constant 1840 : index
    %get3A_3719 = tpu.vector_load %arg7[%get3A_3718] {strides = array<i32>} : memref<3328xf32, #tpu.memory_space<vmem>>, vector<16xf32>,
    %get3A_3720 = vector.shape_cast %get3A_3719 : vector<16xf32> to vector<16xf32>
    %add3A_3721 = arith.addf %add3A_3717, %get3A_3720 : vector<16xf32>
    %get3A_3722 = arith.constant 1968 : index
    %get3A_3723 = tpu.vector_load %arg7[%get3A_3722] {strides = array<i32>} : memref<3328xf32, #tpu.memory_space<vmem>>, vector<16xf32>,
    %get3A_3724 = vector.shape_cast %get3A_3723 : vector<16xf32> to vector<16xf32>
    %add3A_3725 = arith.addf %add3A_3721, %get3A_3724 : vector<16xf32>
    %get3A_3726 = arith.constant 2096 : index
    %get3A_3727 = tpu.vector_load %arg7[%get3A_3726] {strides = array<i32>} : memref<3328xf32, #tpu.memory_space<vmem>>, vector<16xf32>,
    %get3A_3728 = vector.shape_cast %get3A_3727 : vector<16xf32> to vector<16xf32>
    %add3A_3729 = arith.addf %add3A_3725, %get3A_3728 : vector<16xf32>
    %get3A_3730 = arith.constant 2224 : index
    %get3A_3731 = tpu.vector_load %arg7[%get3A_3730] {strides = array<i32>} : memref<3328xf32, #tpu.memory_space<vmem>>, vector<16xf32>,
    %get3A_3732 = vector.shape_cast %get3A_3731 : vector<16xf32> to vector<16xf32>
    %add3A_3733 = arith.addf %add3A_3729, %get3A_3732 : vector<16xf32>
    %get3A_3734 = arith.constant 2352 : index
    %get3A_3735 = tpu.vector_load %arg7[%get3A_3734] {strides = array<i32>} : memref<3328xf32, #tpu.memory_space<vmem>>, vector<16xf32>,
    %get3A_3736 = vector.shape_cast %get3A_3735 : vector<16xf32> to vector<16xf32>
    %add3A_3737 = arith.addf %add3A_3733, %get3A_3736 : vector<16xf32>
    %get3A_3738 = arith.constant 2480 : index
    %get3A_3739 = tpu.vector_load %arg7[%get3A_3738] {strides = array<i32>} : memref<3328xf32, #tpu.memory_space<vmem>>, vector<16xf32>,
    %get3A_3740 = vector.shape_cast %get3A_3739 : vector<16xf32> to vector<16xf32>
    %add3A_3741 = arith.addf %add3A_3737, %get3A_3740 : vector<16xf32>
    %get3A_3742 = arith.constant 2608 : index
    %get3A_3743 = tpu.vector_load %arg7[%get3A_3742] {strides = array<i32>} : memref<3328xf32, #tpu.memory_space<vmem>>, vector<16xf32>,
    %get3A_3744 = vector.shape_cast %get3A_3743 : vector<16xf32> to vector<16xf32>
    %add3A_3745 = arith.addf %add3A_3741, %get3A_3744 : vector<16xf32>
    %get3A_3746 = arith.constant 2736 : index
    %get3A_3747 = tpu.vector_load %arg7[%get3A_3746] {strides = array<i32>} : memref<3328xf32, #tpu.memory_space<vmem>>, vector<16xf32>,
    %get3A_3748 = vector.shape_cast %get3A_3747 : vector<16xf32> to vector<16xf32>
    %add3A_3749 = arith.addf %add3A_3745, %get3A_3748 : vector<16xf32>
    %get3A_3750 = arith.constant 2864 : index
    %get3A_3751 = tpu.vector_load %arg7[%get3A_3750] {strides = array<i32>} : memref<3328xf32, #tpu.memory_space<vmem>>, vector<16xf32>,
    %get3A_3752 = vector.shape_cast %get3A_3751 : vector<16xf32> to vector<16xf32>
    %add3A_3753 = arith.addf %add3A_3749, %get3A_3752 : vector<16xf32>
    %get3A_3754 = arith.constant 2992 : index
    %get3A_3755 = tpu.vector_load %arg7[%get3A_3754] {strides = array<i32>} : memref<3328xf32, #tpu.memory_space<vmem>>, vector<16xf32>,
    %get3A_3756 = vector.shape_cast %get3A_3755 : vector<16xf32> to vector<16xf32>
    %add3A_3757 = arith.addf %add3A_3753, %get3A_3756 : vector<16xf32>
    %get3A_3758 = arith.constant 3120 : index
    %get3A_3759 = tpu.vector_load %arg7[%get3A_3758] {strides = array<i32>} : memref<3328xf32, #tpu.memory_space<vmem>>, vector<16xf32>,
    %get3A_3760 = vector.shape_cast %get3A_3759 : vector<16xf32> to vector<16xf32>
    %add3A_3761 = arith.addf %add3A_3757, %get3A_3760 : vector<16xf32>
    %get3A_3762 = arith.constant 3248 : index
    %get3A_3763 = tpu.vector_load %arg7[%get3A_3762] {strides = array<i32>} : memref<3328xf32, #tpu.memory_space<vmem>>, vector<16xf32>,
    %get3A_3764 = vector.shape_cast %get3A_3763 : vector<16xf32> to vector<16xf32>
    %add3A_3765 = arith.addf %add3A_3761, %get3A_3764 : vector<16xf32>
    %swap3A_3766 = arith.constant 48 : index
    %swap3A_3767 = tpu.vector_load %arg8[%swap3A_3766] {strides = array<i32>} : memref<128xf32, #tpu.memory_space<vmem>>, vector<16xf32>,
    %swap3A_3768 = vector.shape_cast %swap3A_3767 : vector<16xf32> to vector<16xf32>
    %swap3A_3769 = vector.shape_cast %add3A_3765 : vector<16xf32> to vector<16xf32>
    tpu.vector_store %arg8[%swap3A_3766], %swap3A_3769 {strides = array<i32>} : memref<128xf32, #tpu.memory_space<vmem>>, vector<16xf32>,
    %get3A_3770 = arith.constant 64 : index
    %get3A_3771 = tpu.vector_load %arg7[%get3A_3770] {strides = array<i32>} : memref<3328xf32, #tpu.memory_space<vmem>>, vector<16xf32>,
    %get3A_3772 = vector.shape_cast %get3A_3771 : vector<16xf32> to vector<16xf32>
    %add3A_3773 = arith.addf %get3A_3337, %get3A_3772 : vector<16xf32>
    %get3A_3774 = arith.constant 192 : index
    %get3A_3775 = tpu.vector_load %arg7[%get3A_3774] {strides = array<i32>} : memref<3328xf32, #tpu.memory_space<vmem>>, vector<16xf32>,
    %get3A_3776 = vector.shape_cast %get3A_3775 : vector<16xf32> to vector<16xf32>
    %add3A_3777 = arith.addf %add3A_3773, %get3A_3776 : vector<16xf32>
    %get3A_3778 = arith.constant 320 : index
    %get3A_3779 = tpu.vector_load %arg7[%get3A_3778] {strides = array<i32>} : memref<3328xf32, #tpu.memory_space<vmem>>, vector<16xf32>,
    %get3A_3780 = vector.shape_cast %get3A_3779 : vector<16xf32> to vector<16xf32>
    %add3A_3781 = arith.addf %add3A_3777, %get3A_3780 : vector<16xf32>
    %get3A_3782 = arith.constant 448 : index
    %get3A_3783 = tpu.vector_load %arg7[%get3A_3782] {strides = array<i32>} : memref<3328xf32, #tpu.memory_space<vmem>>, vector<16xf32>,
    %get3A_3784 = vector.shape_cast %get3A_3783 : vector<16xf32> to vector<16xf32>
    %add3A_3785 = arith.addf %add3A_3781, %get3A_3784 : vector<16xf32>
    %get3A_3786 = arith.constant 576 : index
    %get3A_3787 = tpu.vector_load %arg7[%get3A_3786] {strides = array<i32>} : memref<3328xf32, #tpu.memory_space<vmem>>, vector<16xf32>,
    %get3A_3788 = vector.shape_cast %get3A_3787 : vector<16xf32> to vector<16xf32>
    %add3A_3789 = arith.addf %add3A_3785, %get3A_3788 : vector<16xf32>
    %get3A_3790 = arith.constant 704 : index
    %get3A_3791 = tpu.vector_load %arg7[%get3A_3790] {strides = array<i32>} : memref<3328xf32, #tpu.memory_space<vmem>>, vector<16xf32>,
    %get3A_3792 = vector.shape_cast %get3A_3791 : vector<16xf32> to vector<16xf32>
    %add3A_3793 = arith.addf %add3A_3789, %get3A_3792 : vector<16xf32>
    %get3A_3794 = arith.constant 832 : index
    %get3A_3795 = tpu.vector_load %arg7[%get3A_3794] {strides = array<i32>} : memref<3328xf32, #tpu.memory_space<vmem>>, vector<16xf32>,
    %get3A_3796 = vector.shape_cast %get3A_3795 : vector<16xf32> to vector<16xf32>
    %add3A_3797 = arith.addf %add3A_3793, %get3A_3796 : vector<16xf32>
    %get3A_3798 = arith.constant 960 : index
    %get3A_3799 = tpu.vector_load %arg7[%get3A_3798] {strides = array<i32>} : memref<3328xf32, #tpu.memory_space<vmem>>, vector<16xf32>,
    %get3A_3800 = vector.shape_cast %get3A_3799 : vector<16xf32> to vector<16xf32>
    %add3A_3801 = arith.addf %add3A_3797, %get3A_3800 : vector<16xf32>
    %get3A_3802 = arith.constant 1088 : index
    %get3A_3803 = tpu.vector_load %arg7[%get3A_3802] {strides = array<i32>} : memref<3328xf32, #tpu.memory_space<vmem>>, vector<16xf32>,
    %get3A_3804 = vector.shape_cast %get3A_3803 : vector<16xf32> to vector<16xf32>
    %add3A_3805 = arith.addf %add3A_3801, %get3A_3804 : vector<16xf32>
    %get3A_3806 = arith.constant 1216 : index
    %get3A_3807 = tpu.vector_load %arg7[%get3A_3806] {strides = array<i32>} : memref<3328xf32, #tpu.memory_space<vmem>>, vector<16xf32>,
    %get3A_3808 = vector.shape_cast %get3A_3807 : vector<16xf32> to vector<16xf32>
    %add3A_3809 = arith.addf %add3A_3805, %get3A_3808 : vector<16xf32>
    %get3A_3810 = arith.constant 1344 : index
    %get3A_3811 = tpu.vector_load %arg7[%get3A_3810] {strides = array<i32>} : memref<3328xf32, #tpu.memory_space<vmem>>, vector<16xf32>,
    %get3A_3812 = vector.shape_cast %get3A_3811 : vector<16xf32> to vector<16xf32>
    %add3A_3813 = arith.addf %add3A_3809, %get3A_3812 : vector<16xf32>
    %get3A_3814 = arith.constant 1472 : index
    %get3A_3815 = tpu.vector_load %arg7[%get3A_3814] {strides = array<i32>} : memref<3328xf32, #tpu.memory_space<vmem>>, vector<16xf32>,
    %get3A_3816 = vector.shape_cast %get3A_3815 : vector<16xf32> to vector<16xf32>
    %add3A_3817 = arith.addf %add3A_3813, %get3A_3816 : vector<16xf32>
    %get3A_3818 = arith.constant 1600 : index
    %get3A_3819 = tpu.vector_load %arg7[%get3A_3818] {strides = array<i32>} : memref<3328xf32, #tpu.memory_space<vmem>>, vector<16xf32>,
    %get3A_3820 = vector.shape_cast %get3A_3819 : vector<16xf32> to vector<16xf32>
    %add3A_3821 = arith.addf %add3A_3817, %get3A_3820 : vector<16xf32>
    %get3A_3822 = arith.constant 1728 : index
    %get3A_3823 = tpu.vector_load %arg7[%get3A_3822] {strides = array<i32>} : memref<3328xf32, #tpu.memory_space<vmem>>, vector<16xf32>,
    %get3A_3824 = vector.shape_cast %get3A_3823 : vector<16xf32> to vector<16xf32>
    %add3A_3825 = arith.addf %add3A_3821, %get3A_3824 : vector<16xf32>
    %get3A_3826 = arith.constant 1856 : index
    %get3A_3827 = tpu.vector_load %arg7[%get3A_3826] {strides = array<i32>} : memref<3328xf32, #tpu.memory_space<vmem>>, vector<16xf32>,
    %get3A_3828 = vector.shape_cast %get3A_3827 : vector<16xf32> to vector<16xf32>
    %add3A_3829 = arith.addf %add3A_3825, %get3A_3828 : vector<16xf32>
    %get3A_3830 = arith.constant 1984 : index
    %get3A_3831 = tpu.vector_load %arg7[%get3A_3830] {strides = array<i32>} : memref<3328xf32, #tpu.memory_space<vmem>>, vector<16xf32>,
    %get3A_3832 = vector.shape_cast %get3A_3831 : vector<16xf32> to vector<16xf32>
    %add3A_3833 = arith.addf %add3A_3829, %get3A_3832 : vector<16xf32>
    %get3A_3834 = arith.constant 2112 : index
    %get3A_3835 = tpu.vector_load %arg7[%get3A_3834] {strides = array<i32>} : memref<3328xf32, #tpu.memory_space<vmem>>, vector<16xf32>,
    %get3A_3836 = vector.shape_cast %get3A_3835 : vector<16xf32> to vector<16xf32>
    %add3A_3837 = arith.addf %add3A_3833, %get3A_3836 : vector<16xf32>
    %get3A_3838 = arith.constant 2240 : index
    %get3A_3839 = tpu.vector_load %arg7[%get3A_3838] {strides = array<i32>} : memref<3328xf32, #tpu.memory_space<vmem>>, vector<16xf32>,
    %get3A_3840 = vector.shape_cast %get3A_3839 : vector<16xf32> to vector<16xf32>
    %add3A_3841 = arith.addf %add3A_3837, %get3A_3840 : vector<16xf32>
    %get3A_3842 = arith.constant 2368 : index
    %get3A_3843 = tpu.vector_load %arg7[%get3A_3842] {strides = array<i32>} : memref<3328xf32, #tpu.memory_space<vmem>>, vector<16xf32>,
    %get3A_3844 = vector.shape_cast %get3A_3843 : vector<16xf32> to vector<16xf32>
    %add3A_3845 = arith.addf %add3A_3841, %get3A_3844 : vector<16xf32>
    %get3A_3846 = arith.constant 2496 : index
    %get3A_3847 = tpu.vector_load %arg7[%get3A_3846] {strides = array<i32>} : memref<3328xf32, #tpu.memory_space<vmem>>, vector<16xf32>,
    %get3A_3848 = vector.shape_cast %get3A_3847 : vector<16xf32> to vector<16xf32>
    %add3A_3849 = arith.addf %add3A_3845, %get3A_3848 : vector<16xf32>
    %get3A_3850 = arith.constant 2624 : index
    %get3A_3851 = tpu.vector_load %arg7[%get3A_3850] {strides = array<i32>} : memref<3328xf32, #tpu.memory_space<vmem>>, vector<16xf32>,
    %get3A_3852 = vector.shape_cast %get3A_3851 : vector<16xf32> to vector<16xf32>
    %add3A_3853 = arith.addf %add3A_3849, %get3A_3852 : vector<16xf32>
    %get3A_3854 = arith.constant 2752 : index
    %get3A_3855 = tpu.vector_load %arg7[%get3A_3854] {strides = array<i32>} : memref<3328xf32, #tpu.memory_space<vmem>>, vector<16xf32>,
    %get3A_3856 = vector.shape_cast %get3A_3855 : vector<16xf32> to vector<16xf32>
    %add3A_3857 = arith.addf %add3A_3853, %get3A_3856 : vector<16xf32>
    %get3A_3858 = arith.constant 2880 : index
    %get3A_3859 = tpu.vector_load %arg7[%get3A_3858] {strides = array<i32>} : memref<3328xf32, #tpu.memory_space<vmem>>, vector<16xf32>,
    %get3A_3860 = vector.shape_cast %get3A_3859 : vector<16xf32> to vector<16xf32>
    %add3A_3861 = arith.addf %add3A_3857, %get3A_3860 : vector<16xf32>
    %get3A_3862 = arith.constant 3008 : index
    %get3A_3863 = tpu.vector_load %arg7[%get3A_3862] {strides = array<i32>} : memref<3328xf32, #tpu.memory_space<vmem>>, vector<16xf32>,
    %get3A_3864 = vector.shape_cast %get3A_3863 : vector<16xf32> to vector<16xf32>
    %add3A_3865 = arith.addf %add3A_3861, %get3A_3864 : vector<16xf32>
    %get3A_3866 = arith.constant 3136 : index
    %get3A_3867 = tpu.vector_load %arg7[%get3A_3866] {strides = array<i32>} : memref<3328xf32, #tpu.memory_space<vmem>>, vector<16xf32>,
    %get3A_3868 = vector.shape_cast %get3A_3867 : vector<16xf32> to vector<16xf32>
    %add3A_3869 = arith.addf %add3A_3865, %get3A_3868 : vector<16xf32>
    %get3A_3870 = arith.constant 3264 : index
    %get3A_3871 = tpu.vector_load %arg7[%get3A_3870] {strides = array<i32>} : memref<3328xf32, #tpu.memory_space<vmem>>, vector<16xf32>,
    %get3A_3872 = vector.shape_cast %get3A_3871 : vector<16xf32> to vector<16xf32>
    %add3A_3873 = arith.addf %add3A_3869, %get3A_3872 : vector<16xf32>
    %swap3A_3874 = arith.constant 64 : index
    %swap3A_3875 = tpu.vector_load %arg8[%swap3A_3874] {strides = array<i32>} : memref<128xf32, #tpu.memory_space<vmem>>, vector<16xf32>,
    %swap3A_3876 = vector.shape_cast %swap3A_3875 : vector<16xf32> to vector<16xf32>
    %swap3A_3877 = vector.shape_cast %add3A_3873 : vector<16xf32> to vector<16xf32>
    tpu.vector_store %arg8[%swap3A_3874], %swap3A_3877 {strides = array<i32>} : memref<128xf32, #tpu.memory_space<vmem>>, vector<16xf32>,
    %get3A_3878 = arith.constant 80 : index
    %get3A_3879 = tpu.vector_load %arg7[%get3A_3878] {strides = array<i32>} : memref<3328xf32, #tpu.memory_space<vmem>>, vector<16xf32>,
    %get3A_3880 = vector.shape_cast %get3A_3879 : vector<16xf32> to vector<16xf32>
    %add3A_3881 = arith.addf %get3A_3337, %get3A_3880 : vector<16xf32>
    %get3A_3882 = arith.constant 208 : index
    %get3A_3883 = tpu.vector_load %arg7[%get3A_3882] {strides = array<i32>} : memref<3328xf32, #tpu.memory_space<vmem>>, vector<16xf32>,
    %get3A_3884 = vector.shape_cast %get3A_3883 : vector<16xf32> to vector<16xf32>
    %add3A_3885 = arith.addf %add3A_3881, %get3A_3884 : vector<16xf32>
    %get3A_3886 = arith.constant 336 : index
    %get3A_3887 = tpu.vector_load %arg7[%get3A_3886] {strides = array<i32>} : memref<3328xf32, #tpu.memory_space<vmem>>, vector<16xf32>,
    %get3A_3888 = vector.shape_cast %get3A_3887 : vector<16xf32> to vector<16xf32>
    %add3A_3889 = arith.addf %add3A_3885, %get3A_3888 : vector<16xf32>
    %get3A_3890 = arith.constant 464 : index
    %get3A_3891 = tpu.vector_load %arg7[%get3A_3890] {strides = array<i32>} : memref<3328xf32, #tpu.memory_space<vmem>>, vector<16xf32>,
    %get3A_3892 = vector.shape_cast %get3A_3891 : vector<16xf32> to vector<16xf32>
    %add3A_3893 = arith.addf %add3A_3889, %get3A_3892 : vector<16xf32>
    %get3A_3894 = arith.constant 592 : index
    %get3A_3895 = tpu.vector_load %arg7[%get3A_3894] {strides = array<i32>} : memref<3328xf32, #tpu.memory_space<vmem>>, vector<16xf32>,
    %get3A_3896 = vector.shape_cast %get3A_3895 : vector<16xf32> to vector<16xf32>
    %add3A_3897 = arith.addf %add3A_3893, %get3A_3896 : vector<16xf32>
    %get3A_3898 = arith.constant 720 : index
    %get3A_3899 = tpu.vector_load %arg7[%get3A_3898] {strides = array<i32>} : memref<3328xf32, #tpu.memory_space<vmem>>, vector<16xf32>,
    %get3A_3900 = vector.shape_cast %get3A_3899 : vector<16xf32> to vector<16xf32>
    %add3A_3901 = arith.addf %add3A_3897, %get3A_3900 : vector<16xf32>
    %get3A_3902 = arith.constant 848 : index
    %get3A_3903 = tpu.vector_load %arg7[%get3A_3902] {strides = array<i32>} : memref<3328xf32, #tpu.memory_space<vmem>>, vector<16xf32>,
    %get3A_3904 = vector.shape_cast %get3A_3903 : vector<16xf32> to vector<16xf32>
    %add3A_3905 = arith.addf %add3A_3901, %get3A_3904 : vector<16xf32>
    %get3A_3906 = arith.constant 976 : index
    %get3A_3907 = tpu.vector_load %arg7[%get3A_3906] {strides = array<i32>} : memref<3328xf32, #tpu.memory_space<vmem>>, vector<16xf32>,
    %get3A_3908 = vector.shape_cast %get3A_3907 : vector<16xf32> to vector<16xf32>
    %add3A_3909 = arith.addf %add3A_3905, %get3A_3908 : vector<16xf32>
    %get3A_3910 = arith.constant 1104 : index
    %get3A_3911 = tpu.vector_load %arg7[%get3A_3910] {strides = array<i32>} : memref<3328xf32, #tpu.memory_space<vmem>>, vector<16xf32>,
    %get3A_3912 = vector.shape_cast %get3A_3911 : vector<16xf32> to vector<16xf32>
    %add3A_3913 = arith.addf %add3A_3909, %get3A_3912 : vector<16xf32>
    %get3A_3914 = arith.constant 1232 : index
    %get3A_3915 = tpu.vector_load %arg7[%get3A_3914] {strides = array<i32>} : memref<3328xf32, #tpu.memory_space<vmem>>, vector<16xf32>,
    %get3A_3916 = vector.shape_cast %get3A_3915 : vector<16xf32> to vector<16xf32>
    %add3A_3917 = arith.addf %add3A_3913, %get3A_3916 : vector<16xf32>
    %get3A_3918 = arith.constant 1360 : index
    %get3A_3919 = tpu.vector_load %arg7[%get3A_3918] {strides = array<i32>} : memref<3328xf32, #tpu.memory_space<vmem>>, vector<16xf32>,
    %get3A_3920 = vector.shape_cast %get3A_3919 : vector<16xf32> to vector<16xf32>
    %add3A_3921 = arith.addf %add3A_3917, %get3A_3920 : vector<16xf32>
    %get3A_3922 = arith.constant 1488 : index
    %get3A_3923 = tpu.vector_load %arg7[%get3A_3922] {strides = array<i32>} : memref<3328xf32, #tpu.memory_space<vmem>>, vector<16xf32>,
    %get3A_3924 = vector.shape_cast %get3A_3923 : vector<16xf32> to vector<16xf32>
    %add3A_3925 = arith.addf %add3A_3921, %get3A_3924 : vector<16xf32>
    %get3A_3926 = arith.constant 1616 : index
    %get3A_3927 = tpu.vector_load %arg7[%get3A_3926] {strides = array<i32>} : memref<3328xf32, #tpu.memory_space<vmem>>, vector<16xf32>,
    %get3A_3928 = vector.shape_cast %get3A_3927 : vector<16xf32> to vector<16xf32>
    %add3A_3929 = arith.addf %add3A_3925, %get3A_3928 : vector<16xf32>
    %get3A_3930 = arith.constant 1744 : index
    %get3A_3931 = tpu.vector_load %arg7[%get3A_3930] {strides = array<i32>} : memref<3328xf32, #tpu.memory_space<vmem>>, vector<16xf32>,
    %get3A_3932 = vector.shape_cast %get3A_3931 : vector<16xf32> to vector<16xf32>
    %add3A_3933 = arith.addf %add3A_3929, %get3A_3932 : vector<16xf32>
    %get3A_3934 = arith.constant 1872 : index
    %get3A_3935 = tpu.vector_load %arg7[%get3A_3934] {strides = array<i32>} : memref<3328xf32, #tpu.memory_space<vmem>>, vector<16xf32>,
    %get3A_3936 = vector.shape_cast %get3A_3935 : vector<16xf32> to vector<16xf32>
    %add3A_3937 = arith.addf %add3A_3933, %get3A_3936 : vector<16xf32>
    %get3A_3938 = arith.constant 2000 : index
    %get3A_3939 = tpu.vector_load %arg7[%get3A_3938] {strides = array<i32>} : memref<3328xf32, #tpu.memory_space<vmem>>, vector<16xf32>,
    %get3A_3940 = vector.shape_cast %get3A_3939 : vector<16xf32> to vector<16xf32>
    %add3A_3941 = arith.addf %add3A_3937, %get3A_3940 : vector<16xf32>
    %get3A_3942 = arith.constant 2128 : index
    %get3A_3943 = tpu.vector_load %arg7[%get3A_3942] {strides = array<i32>} : memref<3328xf32, #tpu.memory_space<vmem>>, vector<16xf32>,
    %get3A_3944 = vector.shape_cast %get3A_3943 : vector<16xf32> to vector<16xf32>
    %add3A_3945 = arith.addf %add3A_3941, %get3A_3944 : vector<16xf32>
    %get3A_3946 = arith.constant 2256 : index
    %get3A_3947 = tpu.vector_load %arg7[%get3A_3946] {strides = array<i32>} : memref<3328xf32, #tpu.memory_space<vmem>>, vector<16xf32>,
    %get3A_3948 = vector.shape_cast %get3A_3947 : vector<16xf32> to vector<16xf32>
    %add3A_3949 = arith.addf %add3A_3945, %get3A_3948 : vector<16xf32>
    %get3A_3950 = arith.constant 2384 : index
    %get3A_3951 = tpu.vector_load %arg7[%get3A_3950] {strides = array<i32>} : memref<3328xf32, #tpu.memory_space<vmem>>, vector<16xf32>,
    %get3A_3952 = vector.shape_cast %get3A_3951 : vector<16xf32> to vector<16xf32>
    %add3A_3953 = arith.addf %add3A_3949, %get3A_3952 : vector<16xf32>
    %get3A_3954 = arith.constant 2512 : index
    %get3A_3955 = tpu.vector_load %arg7[%get3A_3954] {strides = array<i32>} : memref<3328xf32, #tpu.memory_space<vmem>>, vector<16xf32>,
    %get3A_3956 = vector.shape_cast %get3A_3955 : vector<16xf32> to vector<16xf32>
    %add3A_3957 = arith.addf %add3A_3953, %get3A_3956 : vector<16xf32>
    %get3A_3958 = arith.constant 2640 : index
    %get3A_3959 = tpu.vector_load %arg7[%get3A_3958] {strides = array<i32>} : memref<3328xf32, #tpu.memory_space<vmem>>, vector<16xf32>,
    %get3A_3960 = vector.shape_cast %get3A_3959 : vector<16xf32> to vector<16xf32>
    %add3A_3961 = arith.addf %add3A_3957, %get3A_3960 : vector<16xf32>
    %get3A_3962 = arith.constant 2768 : index
    %get3A_3963 = tpu.vector_load %arg7[%get3A_3962] {strides = array<i32>} : memref<3328xf32, #tpu.memory_space<vmem>>, vector<16xf32>,
    %get3A_3964 = vector.shape_cast %get3A_3963 : vector<16xf32> to vector<16xf32>
    %add3A_3965 = arith.addf %add3A_3961, %get3A_3964 : vector<16xf32>
    %get3A_3966 = arith.constant 2896 : index
    %get3A_3967 = tpu.vector_load %arg7[%get3A_3966] {strides = array<i32>} : memref<3328xf32, #tpu.memory_space<vmem>>, vector<16xf32>,
    %get3A_3968 = vector.shape_cast %get3A_3967 : vector<16xf32> to vector<16xf32>
    %add3A_3969 = arith.addf %add3A_3965, %get3A_3968 : vector<16xf32>
    %get3A_3970 = arith.constant 3024 : index
    %get3A_3971 = tpu.vector_load %arg7[%get3A_3970] {strides = array<i32>} : memref<3328xf32, #tpu.memory_space<vmem>>, vector<16xf32>,
    %get3A_3972 = vector.shape_cast %get3A_3971 : vector<16xf32> to vector<16xf32>
    %add3A_3973 = arith.addf %add3A_3969, %get3A_3972 : vector<16xf32>
    %get3A_3974 = arith.constant 3152 : index
    %get3A_3975 = tpu.vector_load %arg7[%get3A_3974] {strides = array<i32>} : memref<3328xf32, #tpu.memory_space<vmem>>, vector<16xf32>,
    %get3A_3976 = vector.shape_cast %get3A_3975 : vector<16xf32> to vector<16xf32>
    %add3A_3977 = arith.addf %add3A_3973, %get3A_3976 : vector<16xf32>
    %get3A_3978 = arith.constant 3280 : index
    %get3A_3979 = tpu.vector_load %arg7[%get3A_3978] {strides = array<i32>} : memref<3328xf32, #tpu.memory_space<vmem>>, vector<16xf32>,
    %get3A_3980 = vector.shape_cast %get3A_3979 : vector<16xf32> to vector<16xf32>
    %add3A_3981 = arith.addf %add3A_3977, %get3A_3980 : vector<16xf32>
    %swap3A_3982 = arith.constant 80 : index
    %swap3A_3983 = tpu.vector_load %arg8[%swap3A_3982] {strides = array<i32>} : memref<128xf32, #tpu.memory_space<vmem>>, vector<16xf32>,
    %swap3A_3984 = vector.shape_cast %swap3A_3983 : vector<16xf32> to vector<16xf32>
    %swap3A_3985 = vector.shape_cast %add3A_3981 : vector<16xf32> to vector<16xf32>
    tpu.vector_store %arg8[%swap3A_3982], %swap3A_3985 {strides = array<i32>} : memref<128xf32, #tpu.memory_space<vmem>>, vector<16xf32>,
    %get3A_3986 = arith.constant 96 : index
    %get3A_3987 = tpu.vector_load %arg7[%get3A_3986] {strides = array<i32>} : memref<3328xf32, #tpu.memory_space<vmem>>, vector<16xf32>,
    %get3A_3988 = vector.shape_cast %get3A_3987 : vector<16xf32> to vector<16xf32>
    %add3A_3989 = arith.addf %get3A_3337, %get3A_3988 : vector<16xf32>
    %get3A_3990 = arith.constant 224 : index
    %get3A_3991 = tpu.vector_load %arg7[%get3A_3990] {strides = array<i32>} : memref<3328xf32, #tpu.memory_space<vmem>>, vector<16xf32>,
    %get3A_3992 = vector.shape_cast %get3A_3991 : vector<16xf32> to vector<16xf32>
    %add3A_3993 = arith.addf %add3A_3989, %get3A_3992 : vector<16xf32>
    %get3A_3994 = arith.constant 352 : index
    %get3A_3995 = tpu.vector_load %arg7[%get3A_3994] {strides = array<i32>} : memref<3328xf32, #tpu.memory_space<vmem>>, vector<16xf32>,
    %get3A_3996 = vector.shape_cast %get3A_3995 : vector<16xf32> to vector<16xf32>
    %add3A_3997 = arith.addf %add3A_3993, %get3A_3996 : vector<16xf32>
    %get3A_3998 = arith.constant 480 : index
    %get3A_3999 = tpu.vector_load %arg7[%get3A_3998] {strides = array<i32>} : memref<3328xf32, #tpu.memory_space<vmem>>, vector<16xf32>,
    %get3A_4000 = vector.shape_cast %get3A_3999 : vector<16xf32> to vector<16xf32>
    %add3A_4001 = arith.addf %add3A_3997, %get3A_4000 : vector<16xf32>
    %get3A_4002 = arith.constant 608 : index
    %get3A_4003 = tpu.vector_load %arg7[%get3A_4002] {strides = array<i32>} : memref<3328xf32, #tpu.memory_space<vmem>>, vector<16xf32>,
    %get3A_4004 = vector.shape_cast %get3A_4003 : vector<16xf32> to vector<16xf32>
    %add3A_4005 = arith.addf %add3A_4001, %get3A_4004 : vector<16xf32>
    %get3A_4006 = arith.constant 736 : index
    %get3A_4007 = tpu.vector_load %arg7[%get3A_4006] {strides = array<i32>} : memref<3328xf32, #tpu.memory_space<vmem>>, vector<16xf32>,
    %get3A_4008 = vector.shape_cast %get3A_4007 : vector<16xf32> to vector<16xf32>
    %add3A_4009 = arith.addf %add3A_4005, %get3A_4008 : vector<16xf32>
    %get3A_4010 = arith.constant 864 : index
    %get3A_4011 = tpu.vector_load %arg7[%get3A_4010] {strides = array<i32>} : memref<3328xf32, #tpu.memory_space<vmem>>, vector<16xf32>,
    %get3A_4012 = vector.shape_cast %get3A_4011 : vector<16xf32> to vector<16xf32>
    %add3A_4013 = arith.addf %add3A_4009, %get3A_4012 : vector<16xf32>
    %get3A_4014 = arith.constant 992 : index
    %get3A_4015 = tpu.vector_load %arg7[%get3A_4014] {strides = array<i32>} : memref<3328xf32, #tpu.memory_space<vmem>>, vector<16xf32>,
    %get3A_4016 = vector.shape_cast %get3A_4015 : vector<16xf32> to vector<16xf32>
    %add3A_4017 = arith.addf %add3A_4013, %get3A_4016 : vector<16xf32>
    %get3A_4018 = arith.constant 1120 : index
    %get3A_4019 = tpu.vector_load %arg7[%get3A_4018] {strides = array<i32>} : memref<3328xf32, #tpu.memory_space<vmem>>, vector<16xf32>,
    %get3A_4020 = vector.shape_cast %get3A_4019 : vector<16xf32> to vector<16xf32>
    %add3A_4021 = arith.addf %add3A_4017, %get3A_4020 : vector<16xf32>
    %get3A_4022 = arith.constant 1248 : index
    %get3A_4023 = tpu.vector_load %arg7[%get3A_4022] {strides = array<i32>} : memref<3328xf32, #tpu.memory_space<vmem>>, vector<16xf32>,
    %get3A_4024 = vector.shape_cast %get3A_4023 : vector<16xf32> to vector<16xf32>
    %add3A_4025 = arith.addf %add3A_4021, %get3A_4024 : vector<16xf32>
    %get3A_4026 = arith.constant 1376 : index
    %get3A_4027 = tpu.vector_load %arg7[%get3A_4026] {strides = array<i32>} : memref<3328xf32, #tpu.memory_space<vmem>>, vector<16xf32>,
    %get3A_4028 = vector.shape_cast %get3A_4027 : vector<16xf32> to vector<16xf32>
    %add3A_4029 = arith.addf %add3A_4025, %get3A_4028 : vector<16xf32>
    %get3A_4030 = arith.constant 1504 : index
    %get3A_4031 = tpu.vector_load %arg7[%get3A_4030] {strides = array<i32>} : memref<3328xf32, #tpu.memory_space<vmem>>, vector<16xf32>,
    %get3A_4032 = vector.shape_cast %get3A_4031 : vector<16xf32> to vector<16xf32>
    %add3A_4033 = arith.addf %add3A_4029, %get3A_4032 : vector<16xf32>
    %get3A_4034 = arith.constant 1632 : index
    %get3A_4035 = tpu.vector_load %arg7[%get3A_4034] {strides = array<i32>} : memref<3328xf32, #tpu.memory_space<vmem>>, vector<16xf32>,
    %get3A_4036 = vector.shape_cast %get3A_4035 : vector<16xf32> to vector<16xf32>
    %add3A_4037 = arith.addf %add3A_4033, %get3A_4036 : vector<16xf32>
    %get3A_4038 = arith.constant 1760 : index
    %get3A_4039 = tpu.vector_load %arg7[%get3A_4038] {strides = array<i32>} : memref<3328xf32, #tpu.memory_space<vmem>>, vector<16xf32>,
    %get3A_4040 = vector.shape_cast %get3A_4039 : vector<16xf32> to vector<16xf32>
    %add3A_4041 = arith.addf %add3A_4037, %get3A_4040 : vector<16xf32>
    %get3A_4042 = arith.constant 1888 : index
    %get3A_4043 = tpu.vector_load %arg7[%get3A_4042] {strides = array<i32>} : memref<3328xf32, #tpu.memory_space<vmem>>, vector<16xf32>,
    %get3A_4044 = vector.shape_cast %get3A_4043 : vector<16xf32> to vector<16xf32>
    %add3A_4045 = arith.addf %add3A_4041, %get3A_4044 : vector<16xf32>
    %get3A_4046 = arith.constant 2016 : index
    %get3A_4047 = tpu.vector_load %arg7[%get3A_4046] {strides = array<i32>} : memref<3328xf32, #tpu.memory_space<vmem>>, vector<16xf32>,
    %get3A_4048 = vector.shape_cast %get3A_4047 : vector<16xf32> to vector<16xf32>
    %add3A_4049 = arith.addf %add3A_4045, %get3A_4048 : vector<16xf32>
    %get3A_4050 = arith.constant 2144 : index
    %get3A_4051 = tpu.vector_load %arg7[%get3A_4050] {strides = array<i32>} : memref<3328xf32, #tpu.memory_space<vmem>>, vector<16xf32>,
    %get3A_4052 = vector.shape_cast %get3A_4051 : vector<16xf32> to vector<16xf32>
    %add3A_4053 = arith.addf %add3A_4049, %get3A_4052 : vector<16xf32>
    %get3A_4054 = arith.constant 2272 : index
    %get3A_4055 = tpu.vector_load %arg7[%get3A_4054] {strides = array<i32>} : memref<3328xf32, #tpu.memory_space<vmem>>, vector<16xf32>,
    %get3A_4056 = vector.shape_cast %get3A_4055 : vector<16xf32> to vector<16xf32>
    %add3A_4057 = arith.addf %add3A_4053, %get3A_4056 : vector<16xf32>
    %get3A_4058 = arith.constant 2400 : index
    %get3A_4059 = tpu.vector_load %arg7[%get3A_4058] {strides = array<i32>} : memref<3328xf32, #tpu.memory_space<vmem>>, vector<16xf32>,
    %get3A_4060 = vector.shape_cast %get3A_4059 : vector<16xf32> to vector<16xf32>
    %add3A_4061 = arith.addf %add3A_4057, %get3A_4060 : vector<16xf32>
    %get3A_4062 = arith.constant 2528 : index
    %get3A_4063 = tpu.vector_load %arg7[%get3A_4062] {strides = array<i32>} : memref<3328xf32, #tpu.memory_space<vmem>>, vector<16xf32>,
    %get3A_4064 = vector.shape_cast %get3A_4063 : vector<16xf32> to vector<16xf32>
    %add3A_4065 = arith.addf %add3A_4061, %get3A_4064 : vector<16xf32>
    %get3A_4066 = arith.constant 2656 : index
    %get3A_4067 = tpu.vector_load %arg7[%get3A_4066] {strides = array<i32>} : memref<3328xf32, #tpu.memory_space<vmem>>, vector<16xf32>,
    %get3A_4068 = vector.shape_cast %get3A_4067 : vector<16xf32> to vector<16xf32>
    %add3A_4069 = arith.addf %add3A_4065, %get3A_4068 : vector<16xf32>
    %get3A_4070 = arith.constant 2784 : index
    %get3A_4071 = tpu.vector_load %arg7[%get3A_4070] {strides = array<i32>} : memref<3328xf32, #tpu.memory_space<vmem>>, vector<16xf32>,
    %get3A_4072 = vector.shape_cast %get3A_4071 : vector<16xf32> to vector<16xf32>
    %add3A_4073 = arith.addf %add3A_4069, %get3A_4072 : vector<16xf32>
    %get3A_4074 = arith.constant 2912 : index
    %get3A_4075 = tpu.vector_load %arg7[%get3A_4074] {strides = array<i32>} : memref<3328xf32, #tpu.memory_space<vmem>>, vector<16xf32>,
    %get3A_4076 = vector.shape_cast %get3A_4075 : vector<16xf32> to vector<16xf32>
    %add3A_4077 = arith.addf %add3A_4073, %get3A_4076 : vector<16xf32>
    %get3A_4078 = arith.constant 3040 : index
    %get3A_4079 = tpu.vector_load %arg7[%get3A_4078] {strides = array<i32>} : memref<3328xf32, #tpu.memory_space<vmem>>, vector<16xf32>,
    %get3A_4080 = vector.shape_cast %get3A_4079 : vector<16xf32> to vector<16xf32>
    %add3A_4081 = arith.addf %add3A_4077, %get3A_4080 : vector<16xf32>
    %get3A_4082 = arith.constant 3168 : index
    %get3A_4083 = tpu.vector_load %arg7[%get3A_4082] {strides = array<i32>} : memref<3328xf32, #tpu.memory_space<vmem>>, vector<16xf32>,
    %get3A_4084 = vector.shape_cast %get3A_4083 : vector<16xf32> to vector<16xf32>
    %add3A_4085 = arith.addf %add3A_4081, %get3A_4084 : vector<16xf32>
    %get3A_4086 = arith.constant 3296 : index
    %get3A_4087 = tpu.vector_load %arg7[%get3A_4086] {strides = array<i32>} : memref<3328xf32, #tpu.memory_space<vmem>>, vector<16xf32>,
    %get3A_4088 = vector.shape_cast %get3A_4087 : vector<16xf32> to vector<16xf32>
    %add3A_4089 = arith.addf %add3A_4085, %get3A_4088 : vector<16xf32>
    %swap3A_4090 = arith.constant 96 : index
    %swap3A_4091 = tpu.vector_load %arg8[%swap3A_4090] {strides = array<i32>} : memref<128xf32, #tpu.memory_space<vmem>>, vector<16xf32>,
    %swap3A_4092 = vector.shape_cast %swap3A_4091 : vector<16xf32> to vector<16xf32>
    %swap3A_4093 = vector.shape_cast %add3A_4089 : vector<16xf32> to vector<16xf32>
    tpu.vector_store %arg8[%swap3A_4090], %swap3A_4093 {strides = array<i32>} : memref<128xf32, #tpu.memory_space<vmem>>, vector<16xf32>,
    %get3A_4094 = arith.constant 112 : index
    %get3A_4095 = tpu.vector_load %arg7[%get3A_4094] {strides = array<i32>} : memref<3328xf32, #tpu.memory_space<vmem>>, vector<16xf32>,
    %get3A_4096 = vector.shape_cast %get3A_4095 : vector<16xf32> to vector<16xf32>
    %add3A_4097 = arith.addf %get3A_3337, %get3A_4096 : vector<16xf32>
    %get3A_4098 = arith.constant 240 : index
    %get3A_4099 = tpu.vector_load %arg7[%get3A_4098] {strides = array<i32>} : memref<3328xf32, #tpu.memory_space<vmem>>, vector<16xf32>,
    %get3A_4100 = vector.shape_cast %get3A_4099 : vector<16xf32> to vector<16xf32>
    %add3A_4101 = arith.addf %add3A_4097, %get3A_4100 : vector<16xf32>
    %get3A_4102 = arith.constant 368 : index
    %get3A_4103 = tpu.vector_load %arg7[%get3A_4102] {strides = array<i32>} : memref<3328xf32, #tpu.memory_space<vmem>>, vector<16xf32>,
    %get3A_4104 = vector.shape_cast %get3A_4103 : vector<16xf32> to vector<16xf32>
    %add3A_4105 = arith.addf %add3A_4101, %get3A_4104 : vector<16xf32>
    %get3A_4106 = arith.constant 496 : index
    %get3A_4107 = tpu.vector_load %arg7[%get3A_4106] {strides = array<i32>} : memref<3328xf32, #tpu.memory_space<vmem>>, vector<16xf32>,
    %get3A_4108 = vector.shape_cast %get3A_4107 : vector<16xf32> to vector<16xf32>
    %add3A_4109 = arith.addf %add3A_4105, %get3A_4108 : vector<16xf32>
    %get3A_4110 = arith.constant 624 : index
    %get3A_4111 = tpu.vector_load %arg7[%get3A_4110] {strides = array<i32>} : memref<3328xf32, #tpu.memory_space<vmem>>, vector<16xf32>,
    %get3A_4112 = vector.shape_cast %get3A_4111 : vector<16xf32> to vector<16xf32>
    %add3A_4113 = arith.addf %add3A_4109, %get3A_4112 : vector<16xf32>
    %get3A_4114 = arith.constant 752 : index
    %get3A_4115 = tpu.vector_load %arg7[%get3A_4114] {strides = array<i32>} : memref<3328xf32, #tpu.memory_space<vmem>>, vector<16xf32>,
    %get3A_4116 = vector.shape_cast %get3A_4115 : vector<16xf32> to vector<16xf32>
    %add3A_4117 = arith.addf %add3A_4113, %get3A_4116 : vector<16xf32>
    %get3A_4118 = arith.constant 880 : index
    %get3A_4119 = tpu.vector_load %arg7[%get3A_4118] {strides = array<i32>} : memref<3328xf32, #tpu.memory_space<vmem>>, vector<16xf32>,
    %get3A_4120 = vector.shape_cast %get3A_4119 : vector<16xf32> to vector<16xf32>
    %add3A_4121 = arith.addf %add3A_4117, %get3A_4120 : vector<16xf32>
    %get3A_4122 = arith.constant 1008 : index
    %get3A_4123 = tpu.vector_load %arg7[%get3A_4122] {strides = array<i32>} : memref<3328xf32, #tpu.memory_space<vmem>>, vector<16xf32>,
    %get3A_4124 = vector.shape_cast %get3A_4123 : vector<16xf32> to vector<16xf32>
    %add3A_4125 = arith.addf %add3A_4121, %get3A_4124 : vector<16xf32>
    %get3A_4126 = arith.constant 1136 : index
    %get3A_4127 = tpu.vector_load %arg7[%get3A_4126] {strides = array<i32>} : memref<3328xf32, #tpu.memory_space<vmem>>, vector<16xf32>,
    %get3A_4128 = vector.shape_cast %get3A_4127 : vector<16xf32> to vector<16xf32>
    %add3A_4129 = arith.addf %add3A_4125, %get3A_4128 : vector<16xf32>
    %get3A_4130 = arith.constant 1264 : index
    %get3A_4131 = tpu.vector_load %arg7[%get3A_4130] {strides = array<i32>} : memref<3328xf32, #tpu.memory_space<vmem>>, vector<16xf32>,
    %get3A_4132 = vector.shape_cast %get3A_4131 : vector<16xf32> to vector<16xf32>
    %add3A_4133 = arith.addf %add3A_4129, %get3A_4132 : vector<16xf32>
    %get3A_4134 = arith.constant 1392 : index
    %get3A_4135 = tpu.vector_load %arg7[%get3A_4134] {strides = array<i32>} : memref<3328xf32, #tpu.memory_space<vmem>>, vector<16xf32>,
    %get3A_4136 = vector.shape_cast %get3A_4135 : vector<16xf32> to vector<16xf32>
    %add3A_4137 = arith.addf %add3A_4133, %get3A_4136 : vector<16xf32>
    %get3A_4138 = arith.constant 1520 : index
    %get3A_4139 = tpu.vector_load %arg7[%get3A_4138] {strides = array<i32>} : memref<3328xf32, #tpu.memory_space<vmem>>, vector<16xf32>,
    %get3A_4140 = vector.shape_cast %get3A_4139 : vector<16xf32> to vector<16xf32>
    %add3A_4141 = arith.addf %add3A_4137, %get3A_4140 : vector<16xf32>
    %get3A_4142 = arith.constant 1648 : index
    %get3A_4143 = tpu.vector_load %arg7[%get3A_4142] {strides = array<i32>} : memref<3328xf32, #tpu.memory_space<vmem>>, vector<16xf32>,
    %get3A_4144 = vector.shape_cast %get3A_4143 : vector<16xf32> to vector<16xf32>
    %add3A_4145 = arith.addf %add3A_4141, %get3A_4144 : vector<16xf32>
    %get3A_4146 = arith.constant 1776 : index
    %get3A_4147 = tpu.vector_load %arg7[%get3A_4146] {strides = array<i32>} : memref<3328xf32, #tpu.memory_space<vmem>>, vector<16xf32>,
    %get3A_4148 = vector.shape_cast %get3A_4147 : vector<16xf32> to vector<16xf32>
    %add3A_4149 = arith.addf %add3A_4145, %get3A_4148 : vector<16xf32>
    %get3A_4150 = arith.constant 1904 : index
    %get3A_4151 = tpu.vector_load %arg7[%get3A_4150] {strides = array<i32>} : memref<3328xf32, #tpu.memory_space<vmem>>, vector<16xf32>,
    %get3A_4152 = vector.shape_cast %get3A_4151 : vector<16xf32> to vector<16xf32>
    %add3A_4153 = arith.addf %add3A_4149, %get3A_4152 : vector<16xf32>
    %get3A_4154 = arith.constant 2032 : index
    %get3A_4155 = tpu.vector_load %arg7[%get3A_4154] {strides = array<i32>} : memref<3328xf32, #tpu.memory_space<vmem>>, vector<16xf32>,
    %get3A_4156 = vector.shape_cast %get3A_4155 : vector<16xf32> to vector<16xf32>
    %add3A_4157 = arith.addf %add3A_4153, %get3A_4156 : vector<16xf32>
    %get3A_4158 = arith.constant 2160 : index
    %get3A_4159 = tpu.vector_load %arg7[%get3A_4158] {strides = array<i32>} : memref<3328xf32, #tpu.memory_space<vmem>>, vector<16xf32>,
    %get3A_4160 = vector.shape_cast %get3A_4159 : vector<16xf32> to vector<16xf32>
    %add3A_4161 = arith.addf %add3A_4157, %get3A_4160 : vector<16xf32>
    %get3A_4162 = arith.constant 2288 : index
    %get3A_4163 = tpu.vector_load %arg7[%get3A_4162] {strides = array<i32>} : memref<3328xf32, #tpu.memory_space<vmem>>, vector<16xf32>,
    %get3A_4164 = vector.shape_cast %get3A_4163 : vector<16xf32> to vector<16xf32>
    %add3A_4165 = arith.addf %add3A_4161, %get3A_4164 : vector<16xf32>
    %get3A_4166 = arith.constant 2416 : index
    %get3A_4167 = tpu.vector_load %arg7[%get3A_4166] {strides = array<i32>} : memref<3328xf32, #tpu.memory_space<vmem>>, vector<16xf32>,
    %get3A_4168 = vector.shape_cast %get3A_4167 : vector<16xf32> to vector<16xf32>
    %add3A_4169 = arith.addf %add3A_4165, %get3A_4168 : vector<16xf32>
    %get3A_4170 = arith.constant 2544 : index
    %get3A_4171 = tpu.vector_load %arg7[%get3A_4170] {strides = array<i32>} : memref<3328xf32, #tpu.memory_space<vmem>>, vector<16xf32>,
    %get3A_4172 = vector.shape_cast %get3A_4171 : vector<16xf32> to vector<16xf32>
    %add3A_4173 = arith.addf %add3A_4169, %get3A_4172 : vector<16xf32>
    %get3A_4174 = arith.constant 2672 : index
    %get3A_4175 = tpu.vector_load %arg7[%get3A_4174] {strides = array<i32>} : memref<3328xf32, #tpu.memory_space<vmem>>, vector<16xf32>,
    %get3A_4176 = vector.shape_cast %get3A_4175 : vector<16xf32> to vector<16xf32>
    %add3A_4177 = arith.addf %add3A_4173, %get3A_4176 : vector<16xf32>
    %get3A_4178 = arith.constant 2800 : index
    %get3A_4179 = tpu.vector_load %arg7[%get3A_4178] {strides = array<i32>} : memref<3328xf32, #tpu.memory_space<vmem>>, vector<16xf32>,
    %get3A_4180 = vector.shape_cast %get3A_4179 : vector<16xf32> to vector<16xf32>
    %add3A_4181 = arith.addf %add3A_4177, %get3A_4180 : vector<16xf32>
    %get3A_4182 = arith.constant 2928 : index
    %get3A_4183 = tpu.vector_load %arg7[%get3A_4182] {strides = array<i32>} : memref<3328xf32, #tpu.memory_space<vmem>>, vector<16xf32>,
    %get3A_4184 = vector.shape_cast %get3A_4183 : vector<16xf32> to vector<16xf32>
    %add3A_4185 = arith.addf %add3A_4181, %get3A_4184 : vector<16xf32>
    %get3A_4186 = arith.constant 3056 : index
    %get3A_4187 = tpu.vector_load %arg7[%get3A_4186] {strides = array<i32>} : memref<3328xf32, #tpu.memory_space<vmem>>, vector<16xf32>,
    %get3A_4188 = vector.shape_cast %get3A_4187 : vector<16xf32> to vector<16xf32>
    %add3A_4189 = arith.addf %add3A_4185, %get3A_4188 : vector<16xf32>
    %get3A_4190 = arith.constant 3184 : index
    %get3A_4191 = tpu.vector_load %arg7[%get3A_4190] {strides = array<i32>} : memref<3328xf32, #tpu.memory_space<vmem>>, vector<16xf32>,
    %get3A_4192 = vector.shape_cast %get3A_4191 : vector<16xf32> to vector<16xf32>
    %add3A_4193 = arith.addf %add3A_4189, %get3A_4192 : vector<16xf32>
    %get3A_4194 = arith.constant 3312 : index
    %get3A_4195 = tpu.vector_load %arg7[%get3A_4194] {strides = array<i32>} : memref<3328xf32, #tpu.memory_space<vmem>>, vector<16xf32>,
    %get3A_4196 = vector.shape_cast %get3A_4195 : vector<16xf32> to vector<16xf32>
    %add3A_4197 = arith.addf %add3A_4193, %get3A_4196 : vector<16xf32>
    %swap3A_4198 = arith.constant 112 : index
    %swap3A_4199 = tpu.vector_load %arg8[%swap3A_4198] {strides = array<i32>} : memref<128xf32, #tpu.memory_space<vmem>>, vector<16xf32>,
    %swap3A_4200 = vector.shape_cast %swap3A_4199 : vector<16xf32> to vector<16xf32>
    %swap3A_4201 = vector.shape_cast %add3A_4197 : vector<16xf32> to vector<16xf32>
    tpu.vector_store %arg8[%swap3A_4198], %swap3A_4201 {strides = array<i32>} : memref<128xf32, #tpu.memory_space<vmem>>, vector<16xf32>,
    %mul3A_4202 = arith.constant 128 : i32
    %mul3A_4203 = arith.muli %add3A, %mul3A_4202 : i32
    "tpu.region"() ({
      %run_scoped3A = tpu.sem_alloc : memref<!tpu.dma_semaphore, #tpu.memory_space<semaphore_mem>>
      %dma_start3A_4204 = tpu.memref_slice %arg5[%mul3A_4203] : memref<4096xf32, #tpu.memory_space<hbm>> -> memref<128xf32, #tpu.memory_space<hbm>>
      %dma_start3A_4205 = tpu.memref_slice %arg5[%mul3A_4203] : memref<4096xf32, #tpu.memory_space<hbm>> -> memref<128xf32, #tpu.memory_space<hbm>>
      tpu.enqueue_dma source(%arg8 : memref<128xf32, #tpu.memory_space<vmem>>) target(%dma_start3A_4205 : memref<128xf32, #tpu.memory_space<hbm>>) target_semaphore(%run_scoped3A : memref<!tpu.dma_semaphore, #tpu.memory_space<semaphore_mem>>)
      %dma_wait3A_4206 = tpu.memref_slice %arg5[%mul3A_4203] : memref<4096xf32, #tpu.memory_space<hbm>> -> memref<128xf32, #tpu.memory_space<hbm>>
      %dma_wait3A_4207 = tpu.memref_slice %arg5[%mul3A_4203] : memref<4096xf32, #tpu.memory_space<hbm>> -> memref<128xf32, #tpu.memory_space<hbm>>
      tpu.wait_dma2 semaphore(%run_scoped3A : memref<!tpu.dma_semaphore, #tpu.memory_space<semaphore_mem>>) src(%arg8 : memref<128xf32, #tpu.memory_space<vmem>>) dst(%dma_wait3A_4207 : memref<128xf32, #tpu.memory_space<hbm>>)
      tpu.yield
    }) : () -> ()
    return
  }
}

</mosaic_0001>

<sc_bundles>
// kernel: kernel.3.cloned.1.call-start
scs
__scs_entry_jumppad:
0x0: {  	(pc) =	sbr.rel $0x88, $3  }
0x1: {  	(tag) =	ssettag $0x0;
	lr =	simm.s32 $0x1  }
0x2: {  	[smem:$0x3F9E] =	sst lr;
	_ =	strace $0xD0000000  }
0x3: {  	_ = 	snop  }
0x4: {  	_ = 	snop  }
0x5: {  	_ = 	snop  }
0x6: {  	_ = 	snop  }
0x7: {  	_ = 	snop  }
__scs_overlays_trampoline_lowered:
0x8: {  	[smem:$0x3FAD] =	sst s0  }
0x9: {  	[smem:$0x3FAE] =	sst s1  }
0xa: {  	[smem:$0x3FAF] =	sst s2  }
0xb: {  	[smem:$0x3FB0] =	sst s3  }
0xc: {  	[smem:$0x3FB1] =	sst s4  }
0xd: {  	[smem:$0x3FB2] =	sst s5  }
0xe: {  	[smem:$0x3FB3] =	sst s6  }
0xf: {  	[smem:$0x3FB4] =	sst s7  }
0x10: {  	[smem:$0x3FB5] =	sst s8  }
0x11: {  	[smem:$0x3FB6] =	sst s9;
	s0 =	simm.s32 @!p0 $0x0  }
0x12: {  	s1 =	sld [smem:$0x3F9C];
	s0 =	simm.s32 @p0 $0x1  }
0x13: {  	[smem:$0x3FB7] =	sst s0;
	s0 =	simm.s32 @!p1 $0x0  }
0x14: {  	s2 =	sld [smem:$0x3F9B];
	s0 =	simm.s32 @p1 $0x1  }
0x15: {  	[smem:$0x3FB8] =	sst s0;
	s0 =	simm.s32 @!p2 $0x0  }
0x16: {  	s3 =	sld [smem:$0x3FDB];
	s0 =	simm.s32 @p2 $0x1  }
0x17: {  	s4 =	simm.s32 $0x1BF5;
	[smem:$0x3FBA] =	sst s0  }
0x18: {  	s0 =	sld [smem:$0x3F9D];
	_ =	swait.ge [sflag:s4], $0x0  }
0x19: {  	s7 =	sld [smem:$0x3F9E]  }
0x1a: {  	s8 =	sadd.s32 $0xFFFFE003, lr  }
0x1b: {  	s9 =	sadd.s32 $0xFFFFFEF7, lr;
	s5 =	simm.s32 $0xFFFFFFFF;
	p2 =	slt.u32 s8, $0xFFFFF086  }
0x1c: {  	p1 =	slt.u32 s9, $0xF7A;
	s5 =	simm.s32 @!p2 $0x0  }
0x1d: {  	s5 =	simm.s32 @p1 $0x1;
	p0 =	seq.s32 s7, s2  }
0x1e: {  	s7 =	smul.u32 @!p0 $0xF7A, s2;
	p2 =	seq.s32 @!p0 s5, $0x0  }
0x1f: {  	s9 =	smul.u32 $0xF7A, s1;
	s8 =	simm.s32 @!p0 $0x1BF5;
	p2 =	por !p2, p0  }
0x20: {  	[sflag:s8] =	ssyncset.s32 @!p0 $0xFFFFF086;
	s6 =	sadd.s32 @!p0 s3, s7;
	s7 =	simm.s32 @!p0 $0x108  }
0x21: {  	s3 =	sadd.s32 s3, s9;
	s6 =	sadd.s32 @!p0 $0x88, s6;
	s7 =	simm.s32 @p2 $0x1082  }
0x22: {  	[simem:s7], [sflag:s8] =	dma.local @!p0 [hbm:s6], $0xF7A  }
0x23: {  	s9 =	sor.u32 $0xD0000000, s2;
	s6 =	simm.s32 $0x108;
	_ =	swait.ge @!p0 [sflag:s8], $0x0  }
0x24: {  	s3 =	sadd.s32 $0x88, s3;
	s6 =	simm.s32 @!p1 $0x1082;
	[sflag:s4] =	ssyncset.s32 $0xFFFFF086  }
0x25: {  	[simem:s6], [sflag:s4] =	dma.local [hbm:s3], $0xF7A  }
0x26: {  	[smem:$0x3F9E] =	sst s1;
	(tag) =	ssettag s2;
	_ =	strace s9  }
0x27: {  	s1 =	sld [smem:$0x3FAE]  }
0x28: {  	s2 =	sld [smem:$0x3FAF]  }
0x29: {  	s4 =	sld [smem:$0x3FB1]  }
0x2a: {  	p0 =	seq.s32 s5, $0x0;
	s5 =	sld [smem:$0x3FB2]  }
0x2b: {  	s6 =	sld [smem:$0x3FB3]  }
0x2c: {  	s7 =	sld [smem:$0x3FB4]  }
0x2d: {  	s3 =	simm.s32 $0x108;
	s8 =	sld [smem:$0x3FB5]  }
0x2e: {  	s3 =	simm.s32 @!p0 $0x1082;
	s9 =	sld [smem:$0x3FB6]  }
0x2f: {  	lr =	sadd.s32 s0, s3;
	s0 =	sld [smem:$0x3FAD]  }
0x30: {  	s3 =	sld [smem:$0x3FB0]  }
0x31: {  	[smem:$0x3FB9] =	sst s10  }
0x32: {  	s10 =	sld [smem:$0x3FB7];
	_ =	sdelay $0x3  }
0x33: {  	p0 =	seq.s32 s10, $0x1;
	s10 =	sld [smem:$0x3FB9];
	_ =	sdelay $0x3  }
0x34: {  	[smem:$0x3FB9] =	sst s10  }
0x35: {  	s10 =	sld [smem:$0x3FB8];
	_ =	sdelay $0x3  }
0x36: {  	p1 =	seq.s32 s10, $0x1;
	s10 =	sld [smem:$0x3FB9];
	_ =	sdelay $0x3  }
0x37: {  	[smem:$0x3FB9] =	sst s10  }
0x38: {  	s10 =	sld [smem:$0x3FBA]  }
0x39: {  	_ = 	snop;
	(pc) =	sbr.ind lr, $3  }
0x3a: {  	_ = 	snop  }
0x3b: {  	_ = 	snop  }
0x3c: {  	p2 =	seq.s32 s10, $0x1;
	s10 =	sld [smem:$0x3FB9]  }
0x3d: {  	_ =	shalt  }
0x3e: {  	_ =	shalt  }
0x3f: {  	_ =	shalt  }
0x40: {  	_ =	shalt  }
0x41: {  	_ =	shalt  }
0x42: {  	_ =	shalt  }
0x43: {  	_ =	shalt  }
0x44: {  	_ =	shalt  }
0x45: {  	_ =	shalt  }
0x46: {  	_ =	shalt  }
0x47: {  	_ =	shalt  }
0x48: {  	_ =	shalt  }
0x49: {  	_ =	shalt  }
0x4a: {  	_ =	shalt  }
0x4b: {  	_ =	shalt  }
0x4c: {  	_ =	shalt  }
0x4d: {  	_ =	shalt  }
0x4e: {  	_ =	shalt  }
0x4f: {  	_ =	shalt  }
0x50: {  	_ =	shalt  }
0x51: {  	_ =	shalt  }
0x52: {  	_ =	shalt  }
0x53: {  	_ =	shalt  }
0x54: {  	_ =	shalt  }
0x55: {  	_ =	shalt  }
0x56: {  	_ =	shalt  }
0x57: {  	_ =	shalt  }
0x58: {  	_ =	shalt  }
0x59: {  	_ =	shalt  }
0x5a: {  	_ =	shalt  }
0x5b: {  	_ =	shalt  }
0x5c: {  	_ =	shalt  }
0x5d: {  	_ =	shalt  }
0x5e: {  	_ =	shalt  }
0x5f: {  	_ =	shalt  }
0x60: {  	_ =	shalt  }
0x61: {  	_ =	shalt  }
0x62: {  	_ =	shalt  }
0x63: {  	_ =	shalt  }
0x64: {  	_ =	shalt  }
0x65: {  	_ =	shalt  }
0x66: {  	_ =	shalt  }
0x67: {  	_ =	shalt  }
0x68: {  	_ =	shalt  }
0x69: {  	_ =	shalt  }
0x6a: {  	_ =	shalt  }
0x6b: {  	_ =	shalt  }
0x6c: {  	_ =	shalt  }
0x6d: {  	_ =	shalt  }
0x6e: {  	_ =	shalt  }
0x6f: {  	_ =	shalt  }
0x70: {  	_ =	shalt  }
0x71: {  	_ =	shalt  }
0x72: {  	_ =	shalt  }
0x73: {  	_ =	shalt  }
0x74: {  	_ =	shalt  }
0x75: {  	_ =	shalt  }
0x76: {  	_ =	shalt  }
0x77: {  	_ =	shalt  }
0x78: {  	_ =	shalt  }
0x79: {  	_ =	shalt  }
0x7a: {  	_ =	shalt  }
0x7b: {  	_ =	shalt  }
0x7c: {  	_ =	shalt  }
0x7d: {  	_ =	shalt  }
0x7e: {  	_ =	shalt  }
0x7f: {  	_ =	shalt  }
0x80: {  	_ =	shalt  }
0x81: {  	_ =	shalt  }
0x82: {  	_ =	shalt  }
0x83: {  	_ =	shalt  }
0x84: {  	_ =	shalt  }
0x85: {  	_ =	shalt  }
0x86: {  	_ =	shalt  }
0x87: {  	_ =	shalt  }
.Lfunc_end0:
.L_simem_size_0:
called_computation_lowered:
.L_overlay_start_0:
0x88: {  	s2 =	sld [smem:$0x3FD9]  }
0x89: {  	s3 =	sld [smem:$0x3FFE];
	_ =	sdelay $0x1  }
0x8a: {  	s1 =	srdreg.scid  }
0x8b: {  	s0 =	sand.u32 $0x1, s1  }
0x8c: {  	s17 =	sshll.u32 s0, $0xA;
	s2 =	sadd.s32 s3, s2  }
0x8d: {  	s2 =	sadd.s32 s2, s17  }
0x8e: {  	[smem:$0x3FC5] =	sst s2  }
0x8f: {  	_ = 	snop  }
0x90: {  	s2 =	sld [smem:$0x3FC9]  }
0x91: {  	s18 =	sld [smem:$0x3FD0];
	(tm) =	ssettm $0x1  }
0x92: {  	s4 =	sld [smem:$0x3FFB];
	_ =	sdelay $0x3  }
0x93: {  	_ =	strace s4  }
0x94: {  	s4 =	sld [smem:$0x3FFC];
	_ =	sdelay $0x3  }
0x95: {  	_ =	strace s4  }
0x96: {  	s4 =	sld [smem:$0x3FFD];
	_ =	sdelay $0x3  }
0x97: {  	_ =	strace s4  }
0x98: {  	_ =	strace $0x8FFFFFFF  }
0x99: {  	s19 =	sld [smem:$0x3FDB];
	_ =	sdelay $0x1  }
0x9a: {  	s5 =	simm.s32 $_scs_section_size  }
0x9b: {  	s6 =	simm.s32 $_size__tile_overlayer_lowered;
	s7 =	simm.s32 $_tile_overlayer_lowered  }
0x9c: {  	s22 =	simm.s32 $0x1BFF;
	s21 =	sshll.u32 s7, $0x1;
	s4 =	sadd.s32 s5, s19  }
0x9d: {  	s8 =	simm.s32 $0x0;
	s20 =	sshll.u32 s6, $0x1;
	s6 =	sadd.s32 s21, s4  }
0x9e: {  	[timem:s8], [sflag:s22] =	dma.local [hbm:s6], s20  }
0x9f: {  	_ =	swait.ge [sflag:s22], s20  }
0xa0: {  	s5 =	ssub.s32 $0x0, s20;
	[sflag:s22] =	ssyncset.done $0x0  }
0xa1: {  	[sflag:s22] =	ssyncadd.s32 s5;
	_ =	sdelay $0x1  }
0xa2: {  	s23 =	simm.s32 $0x1B8B  }
0xa3: {  	_ =	swait.ge [sflag:s23], $0x1  }
0xa4: {  	[sflag:s23] =	ssyncset.done $0x0  }
0xa5: {  	s25 =	simm.s32 $0x1B8E;
	s24 =	sld [smem:$0x3FFE];
	[sflag:s23] =	ssyncadd.s32 $0xFFFFFFFF  }
0xa6: {  	s26 =	simm.s32 $execute0_lowered;
	[smem:$0x3FD2] =	sst s25  }
0xa7: {  	s6 =	sshll.u32 s26, $0x1;
	_ =	strace $0x80000046;
	[dreg:$0x1] =	wrdreg $0xFFFFFFFF  }
0xa8: {  	s28 =	simm.s32 $_size_execute0_lowered;
	s4 =	sadd.s32 s4, s6;
	[dreg:$0x0] =	wrdreg $0x0  }
0xa9: {  	s6 =	sshll.u32 s28, $0x1;
	[dreg:$0x2] =	wrdreg s4  }
0xaa: {  	[dreg:$0x3] =	wrdreg s6  }
0xab: {  	[dreg:$0x4] =	wrdreg $0xC0  }
0xac: {  	_ =	task [dreg:s8], $0x5FFFF  }
0xad: {  	[dreg:$0x1] =	wrdreg $0xFFFFFFFF  }
0xae: {  	[dreg:$0x0] =	wrdreg $0x60  }
0xaf: {  	[dreg:$0x2] =	wrdreg s2  }
0xb0: {  	[dreg:$0x3] =	wrdreg s24  }
0xb1: {  	[dreg:$0x4] =	wrdreg s18  }
0xb2: {  	[dreg:$0x5] =	wrdreg $0x9  }
0xb3: {  	_ =	task.clear_ibuf [dreg:s8], $0x6FFFF;
	_ =	strace $0x90000046  }
0xb4: {  	s29 =	simm.s32 $0x9;
	_ =	strace $0x80000048  }
0xb5: {  	_ =	swait.ge [sflag:s29], $0x1  }
0xb6: {  	[sflag:s29] =	ssyncadd.s32 $0xFFFFFFFF  }
0xb7: {  	_ =	strace $0x90000048  }
0xb8: {  	_ =	sfence  }
0xb9: {  	s30 =	sld [smem:$0x0];
	_ =	sdelay $0x2  }
0xba: {  	s31 =	sshll.u32 s1, $0xD;
	s1 =	sshrl.u32 s1, $0x2  }
0xbb: {  	s3 =	sand.u32 $0x4000, s31;
	s1 =	sadd.s32 s1, s30  }
0xbc: {  	s0 =	sor.u32 s3, s0;
	s1 =	sshll.u32 s1, $0x11  }
0xbd: {  	s0 =	sor.u32 s1, s0  }
0xbe: {  	s0 =	sadd.s32 $0x8F2B, s0  }
0xbf: {  	[sflag:s0] =	ssyncadd.remote.s32 $0x1  }
0xc0: {  	_ =	sfence.sel $0xFFFF  }
0xc1: {  	[dreg:$0x0] =	wrdreg $0xFFFFFFFF;
	(pc) =	sbr.abs _section_cstart, $3  }
0xc2: {  	[dreg:$0x1] =	wrdreg $0xFFFFFFFF  }
0xc3: {  	_ =	task.clear_ibuf [dreg:s8], $0x2FFFF;
	_ =	strace $0x9FFFFFFF  }
0xc4: {  	(tm) =	ssettm $0x7FFFFFFF  }
0xc5: {  	_ =	shalt  }
tec
execute0_lowered:
.L_overlay_start_1:
0x0: {  	(tag) =	ssettag $0x1  }
0x1: {  	s3 =	rddreg [dreg:$0x0]  }
0x2: {  	s1 =	rddreg [dreg:$0x1];
	s2 =	srdreg.scid  }
0x3: {  	s4 =	rddreg [dreg:$0x2];
	s5 =	sand.u32 $0x1, s2;
	s2 =	simm.s32 $0x0  }
0x4: {  	s8 =	sadd.s32 $0x4FA00, s1;
	[smem:$0x7FF] =	sst s2  }
0x5: {  	s17 =	simm.s32 $0x8000;
	_ =	strace $0x80000047;
	[dreg:$0x4] =	wrdreg s8  }
0x6: {  	s18 =	simm.s32 $0x1D80;
	[dreg:$0x7] =	wrdreg s17  }
0x7: {  	s19 =	simm.s32 $0x1000;
	[dreg:$0x8] =	wrdreg s18  }
0x8: {  	s20 =	simm.s32 $0x1080;
	[dreg:$0x9] =	wrdreg s19  }
0x9: {  	s21 =	simm.s32 $0x100;
	[dreg:$0xa] =	wrdreg s20  }
0xa: {  	s22 =	simm.s32 $0x1100;
	[dreg:$0xb] =	wrdreg s21  }
0xb: {  	s23 =	simm.s32 $0x180;
	[dreg:$0xc] =	wrdreg s22  }
0xc: {  	s24 =	simm.s32 $0x1180;
	[dreg:$0xd] =	wrdreg s23  }
0xd: {  	s25 =	simm.s32 $0x200;
	[dreg:$0xe] =	wrdreg s24  }
0xe: {  	s0 =	stileid.u32;
	s26 =	simm.s32 $0x1200;
	[dreg:$0xf] =	wrdreg s25  }
0xf: {  	s6 =	sshll.u32 s0, $0x1;
	s0 =	simm.s32 $0x280;
	[dreg:$0x10] =	wrdreg s26  }
0x10: {  	s9 =	simm.s32 $0x380;
	s10 =	simm.s32 $0x1380;
	[dreg:$0x11] =	wrdreg s0  }
0x11: {  	s11 =	simm.s32 $0x1400;
	s12 =	simm.s32 $0x480;
	[dreg:$0x15] =	wrdreg s9  }
0x12: {  	s13 =	simm.s32 $0x1480;
	s14 =	simm.s32 $0x500;
	[dreg:$0x16] =	wrdreg s10  }
0x13: {  	s15 =	simm.s32 $0x1500;
	s16 =	simm.s32 $0x580;
	[dreg:$0x17] =	wrdreg s11  }
0x14: {  	s28 =	simm.s32 $0x1C00;
	s29 =	simm.s32 $0xC80;
	[dreg:$0x18] =	wrdreg s12  }
0x15: {  	s30 =	simm.s32 $0x1C80;
	s31 =	simm.s32 $0x2;
	[dreg:$0x19] =	wrdreg s13  }
0x16: {  	s6 =	sor.u32 s5, s6;
	s5 =	ssub.s32 $0x2, s5;
	[dreg:$0x1a] =	wrdreg s14  }
0x17: {  	s7 =	sshll.u32 s6, $0x7;
	s6 =	sshll.u32 s6, $0x4;
	[dreg:$0x1b] =	wrdreg s15  }
0x18: {  	s8 =	simm.s32 $0x1300;
	[dreg:$0x1c] =	wrdreg s16;
	s17 =	simm.s32 $0x1580  }
0x19: {  	s18 =	simm.s32 $0x600;
	s19 =	simm.s32 $0x1600;
	[dreg:$0x14] =	wrdreg s8  }
0x1a: {  	s20 =	sshrl.u32 s5, $0x1;
	s21 =	simm.s32 $0x680;
	[dreg:$0x1d] =	wrdreg s17  }
0x1b: {  	s22 =	simm.s32 $0x1680;
	s23 =	simm.s32 $0x700;
	[dreg:$0x1e] =	wrdreg s18  }
0x1c: {  	s24 =	simm.s32 $0x1700;
	s25 =	simm.s32 $0x780;
	[dreg:$0x1f] =	wrdreg s19  }
0x1d: {  	s26 =	simm.s32 $0x1780;
	s9 =	simm.s32 $0x1;
	[smem:$0x7F8] =	sst s21  }
0x1e: {  	s10 =	simm.s32 $0x80;
	s13 =	simm.s32 $0x880;
	[smem:$0x7F9] =	sst s22  }
0x1f: {  	s14 =	simm.s32 $0x1880;
	s15 =	simm.s32 $0x900;
	[smem:$0x7FA] =	sst s23  }
0x20: {  	s16 =	simm.s32 $0x1900;
	s3 =	sadd.s32 s3, s7;
	[smem:$0x7FB] =	sst s24  }
0x21: {  	s4 =	sadd.s32 s4, s6;
	s6 =	simm.s32 $0x1280;
	[smem:$0x7FC] =	sst s25  }
0x22: {  	s5 =	ssub.s32 s5, s20;
	s8 =	simm.s32 $0x3;
	[smem:$0x7FD] =	sst s26  }
0x23: {  	s17 =	simm.s32 $0x980;
	s18 =	simm.s32 $0x1980;
	s19 =	simm.s32 $0xA00  }
0x24: {  	s20 =	simm.s32 $0x1A00;
	s21 =	simm.s32 $0xA80;
	s22 =	simm.s32 $0x1A80  }
0x25: {  	s23 =	simm.s32 $0xB00;
	s24 =	simm.s32 $0x1B00;
	s25 =	simm.s32 $0xB80  }
0x26: {  	s26 =	simm.s32 $0x1B80;
	s7 =	sadd.s32 $0x3000, s3;
	[dreg:$0x6] =	wrdreg s4  }
0x27: {  	[dreg:$0x12] =	wrdreg s6;
	s4 =	sadd.s32 $0x400, s1;
	s5 =	smax.u32 s5, $0x1  }
0x28: {  	s6 =	simm.s32 $0x400;
	[dreg:$0x5] =	wrdreg s7;
	s7 =	simm.s32 $0x300  }
0x29: {  	s1 =	simm.s32 $0x1D00;
	[dreg:$0x13] =	wrdreg s7;
	s7 =	simm.s32 $0xC00  }
.LBB2_1:
0x2a: {  	s0 =	rddreg [dreg:$0x7]  }
0x2b: {  	s11 =	rddreg [dreg:$0x4]  }
0x2c: {  	[tilespmem:s2], [sflag:$0x1] =	stream.strided.gather [hbm4b:s3+s6], $0xC00, s0, s6, $0x38;
	[tilespmem:$0x1E00] =	vst v63  }
0x2d: {  	s0 =	rddreg [dreg:$0x5]  }
0x2e: {  	[tilespmem:s7], [sflag:$0x1] =	stream.linear.gather [hbm4b:s0+s2], $0x100, $0x38;
	[tilespmem:$0x1E00] =	vst v63  }
0x2f: {  	s12 =	rddreg [dreg:$0x8]  }
0x30: {  	[tilespmem:s12], [sflag:$0x3] =	stream.linear.gather [hbm4b:s11+s2], $0x80, $0x38;
	[tilespmem:$0x1E00] =	vst v63  }
0x31: {  	_ =	swait.ge [sflag:s8], $0x80  }
0x32: {  	[sflag:s8] =	ssyncset.done $0x0  }
0x33: {  	[sflag:s8] =	ssyncadd.s32 $0xFFFFFF80  }
0x34: {  	_ =	swait.ge [sflag:s9], $0xD00  }
0x35: {  	[sflag:s9] =	ssyncset.done $0x0  }
0x36: {  	s11 =	rddreg [dreg:$0x9];
	[sflag:s9] =	ssyncadd.s32 $0xFFFFF300  }
0x37: {  	[tilespmem:s11], [sflag:$0x2] =	stream.indirect.gather [hbm4b:s4+s10], $0x1, s2, s10, $0xb8;
	[tilespmem:$0x1E00] =	vst v63  }
0x38: {  	v0 =	vld [tilespmem:$0x80]  }
0x39: {  	v1 =	vld [tilespmem:$0x90]  }
0x3a: {  	v2 =	vld [tilespmem:$0xA0]  }
0x3b: {  	v3 =	vld [tilespmem:$0xB0]  }
0x3c: {  	v4 =	vld [tilespmem:$0xC0]  }
0x3d: {  	v5 =	vld [tilespmem:$0xD0];
	v0 =	vadd.s32 $0x186A0, v0  }
0x3e: {  	v15 =	vld [tilespmem:$0xE0];
	v14 =	vadd.s32 $0x186A0, v1;
	[tilespmem:$0x80] =	vst v0  }
0x3f: {  	v17 =	vld [tilespmem:$0xF0];
	v16 =	vadd.s32 $0x186A0, v2;
	[tilespmem:$0x90] =	vst v14  }
0x40: {  	v18 =	vadd.s32 $0x186A0, v3;
	[tilespmem:$0xA0] =	vst v16  }
0x41: {  	v19 =	vadd.s32 $0x186A0, v4;
	[tilespmem:$0xB0] =	vst v18  }
0x42: {  	v20 =	vadd.s32 $0x186A0, v5;
	[tilespmem:$0xC0] =	vst v19  }
0x43: {  	v21 =	vadd.s32 $0x186A0, v15;
	[tilespmem:$0xD0] =	vst v20  }
0x44: {  	v22 =	vadd.s32 $0x186A0, v17;
	[tilespmem:$0xE0] =	vst v21  }
0x45: {  	s12 =	rddreg [dreg:$0xa];
	[tilespmem:$0xF0] =	vst v22  }
0x46: {  	[tilespmem:s12], [sflag:$0x2] =	stream.indirect.gather [hbm4b:s4+s10], $0x1, s10, s10, $0xb8;
	[tilespmem:$0x1E00] =	vst v63  }
0x47: {  	v23 =	vld [tilespmem:$0x100]  }
0x48: {  	v24 =	vld [tilespmem:$0x110]  }
0x49: {  	v25 =	vld [tilespmem:$0x120]  }
0x4a: {  	v26 =	vld [tilespmem:$0x130]  }
0x4b: {  	v27 =	vld [tilespmem:$0x140]  }
0x4c: {  	v28 =	vld [tilespmem:$0x150];
	v0 =	vadd.s32 $0x30D40, v23  }
0x4d: {  	v30 =	vld [tilespmem:$0x160];
	v29 =	vadd.s32 $0x30D40, v24;
	[tilespmem:$0x100] =	vst v0  }
0x4e: {  	v32 =	vld [tilespmem:$0x170];
	v31 =	vadd.s32 $0x30D40, v25;
	[tilespmem:$0x110] =	vst v29  }
0x4f: {  	v33 =	vadd.s32 $0x30D40, v26;
	[tilespmem:$0x120] =	vst v31  }
0x50: {  	v34 =	vadd.s32 $0x30D40, v27;
	[tilespmem:$0x130] =	vst v33  }
0x51: {  	v35 =	vadd.s32 $0x30D40, v28;
	[tilespmem:$0x140] =	vst v34  }
0x52: {  	v36 =	vadd.s32 $0x30D40, v30;
	[tilespmem:$0x150] =	vst v35  }
0x53: {  	s11 =	rddreg [dreg:$0xb];
	v37 =	vadd.s32 $0x30D40, v32;
	[tilespmem:$0x160] =	vst v36  }
0x54: {  	s12 =	rddreg [dreg:$0xc];
	[tilespmem:$0x170] =	vst v37  }
0x55: {  	[tilespmem:s12], [sflag:$0x2] =	stream.indirect.gather [hbm4b:s4+s10], $0x1, s11, s10, $0xb8;
	[tilespmem:$0x1E00] =	vst v63  }
0x56: {  	v38 =	vld [tilespmem:$0x180]  }
0x57: {  	v39 =	vld [tilespmem:$0x190]  }
0x58: {  	v40 =	vld [tilespmem:$0x1A0]  }
0x59: {  	v41 =	vld [tilespmem:$0x1B0]  }
0x5a: {  	v42 =	vld [tilespmem:$0x1C0]  }
0x5b: {  	v43 =	vld [tilespmem:$0x1D0];
	v0 =	vadd.s32 $0x493E0, v38  }
0x5c: {  	v45 =	vld [tilespmem:$0x1E0];
	v44 =	vadd.s32 $0x493E0, v39;
	[tilespmem:$0x180] =	vst v0  }
0x5d: {  	v47 =	vld [tilespmem:$0x1F0];
	v46 =	vadd.s32 $0x493E0, v40;
	[tilespmem:$0x190] =	vst v44  }
0x5e: {  	v48 =	vadd.s32 $0x493E0, v41;
	[tilespmem:$0x1A0] =	vst v46  }
0x5f: {  	v49 =	vadd.s32 $0x493E0, v42;
	[tilespmem:$0x1B0] =	vst v48  }
0x60: {  	v50 =	vadd.s32 $0x493E0, v43;
	[tilespmem:$0x1C0] =	vst v49  }
0x61: {  	v51 =	vadd.s32 $0x493E0, v45;
	[tilespmem:$0x1D0] =	vst v50  }
0x62: {  	s11 =	rddreg [dreg:$0xd];
	v52 =	vadd.s32 $0x493E0, v47;
	[tilespmem:$0x1E0] =	vst v51  }
0x63: {  	s12 =	rddreg [dreg:$0xe];
	[tilespmem:$0x1F0] =	vst v52  }
0x64: {  	[tilespmem:s12], [sflag:$0x2] =	stream.indirect.gather [hbm4b:s4+s10], $0x1, s11, s10, $0xb8;
	[tilespmem:$0x1E00] =	vst v63  }
0x65: {  	v53 =	vld [tilespmem:$0x200]  }
0x66: {  	v54 =	vld [tilespmem:$0x210]  }
0x67: {  	v55 =	vld [tilespmem:$0x220]  }
0x68: {  	v56 =	vld [tilespmem:$0x230]  }
0x69: {  	v57 =	vld [tilespmem:$0x240]  }
0x6a: {  	v58 =	vld [tilespmem:$0x250];
	v0 =	vadd.s32 $0x61A80, v53  }
0x6b: {  	v60 =	vld [tilespmem:$0x260];
	v59 =	vadd.s32 $0x61A80, v54;
	[tilespmem:$0x200] =	vst v0  }
0x6c: {  	v62 =	vld [tilespmem:$0x270];
	v61 =	vadd.s32 $0x61A80, v55;
	[tilespmem:$0x210] =	vst v59  }
0x6d: {  	v63 =	vadd.s32 $0x61A80, v56;
	[tilespmem:$0x220] =	vst v61  }
0x6e: {  	v4 =	vadd.s32 $0x61A80, v57;
	[tilespmem:$0x230] =	vst v63  }
0x6f: {  	v5 =	vadd.s32 $0x61A80, v58;
	[tilespmem:$0x240] =	vst v4  }
0x70: {  	v6 =	vadd.s32 $0x61A80, v60;
	[tilespmem:$0x250] =	vst v5  }
0x71: {  	s11 =	rddreg [dreg:$0xf];
	v7 =	vadd.s32 $0x61A80, v62;
	[tilespmem:$0x260] =	vst v6  }
0x72: {  	s12 =	rddreg [dreg:$0x10];
	[tilespmem:$0x270] =	vst v7  }
0x73: {  	[tilespmem:s12], [sflag:$0x2] =	stream.indirect.gather [hbm4b:s4+s10], $0x1, s11, s10, $0xb8;
	[tilespmem:$0x1E00] =	vst v63  }
0x74: {  	v8 =	vld [tilespmem:$0x280]  }
0x75: {  	v9 =	vld [tilespmem:$0x290]  }
0x76: {  	v10 =	vld [tilespmem:$0x2A0]  }
0x77: {  	v11 =	vld [tilespmem:$0x2B0]  }
0x78: {  	v12 =	vld [tilespmem:$0x2C0]  }
0x79: {  	v13 =	vld [tilespmem:$0x2D0];
	v0 =	vadd.s32 $0x7A120, v8  }
0x7a: {  	v15 =	vld [tilespmem:$0x2E0];
	v14 =	vadd.s32 $0x7A120, v9;
	[tilespmem:$0x280] =	vst v0  }
0x7b: {  	v17 =	vld [tilespmem:$0x2F0];
	v16 =	vadd.s32 $0x7A120, v10;
	[tilespmem:$0x290] =	vst v14  }
0x7c: {  	v18 =	vadd.s32 $0x7A120, v11;
	[tilespmem:$0x2A0] =	vst v16  }
0x7d: {  	v19 =	vadd.s32 $0x7A120, v12;
	[tilespmem:$0x2B0] =	vst v18  }
0x7e: {  	v20 =	vadd.s32 $0x7A120, v13;
	[tilespmem:$0x2C0] =	vst v19  }
0x7f: {  	v21 =	vadd.s32 $0x7A120, v15;
	[tilespmem:$0x2D0] =	vst v20  }
0x80: {  	s11 =	rddreg [dreg:$0x11];
	v22 =	vadd.s32 $0x7A120, v17;
	[tilespmem:$0x2E0] =	vst v21  }
0x81: {  	s12 =	rddreg [dreg:$0x12];
	[tilespmem:$0x2F0] =	vst v22  }
0x82: {  	[tilespmem:s12], [sflag:$0x2] =	stream.indirect.gather [hbm4b:s4+s10], $0x1, s11, s10, $0xb8;
	[tilespmem:$0x1E00] =	vst v63  }
0x83: {  	v23 =	vld [tilespmem:$0x300]  }
0x84: {  	v24 =	vld [tilespmem:$0x310]  }
0x85: {  	v25 =	vld [tilespmem:$0x320]  }
0x86: {  	v26 =	vld [tilespmem:$0x330]  }
0x87: {  	v27 =	vld [tilespmem:$0x340]  }
0x88: {  	v28 =	vld [tilespmem:$0x350];
	v0 =	vadd.s32 $0x927C0, v23  }
0x89: {  	v30 =	vld [tilespmem:$0x360];
	v29 =	vadd.s32 $0x927C0, v24;
	[tilespmem:$0x300] =	vst v0  }
0x8a: {  	v32 =	vld [tilespmem:$0x370];
	v31 =	vadd.s32 $0x927C0, v25;
	[tilespmem:$0x310] =	vst v29  }
0x8b: {  	v33 =	vadd.s32 $0x927C0, v26;
	[tilespmem:$0x320] =	vst v31  }
0x8c: {  	v34 =	vadd.s32 $0x927C0, v27;
	[tilespmem:$0x330] =	vst v33  }
0x8d: {  	v35 =	vadd.s32 $0x927C0, v28;
	[tilespmem:$0x340] =	vst v34  }
0x8e: {  	v36 =	vadd.s32 $0x927C0, v30;
	[tilespmem:$0x350] =	vst v35  }
0x8f: {  	s11 =	rddreg [dreg:$0x13];
	v37 =	vadd.s32 $0x927C0, v32;
	[tilespmem:$0x360] =	vst v36  }
0x90: {  	s12 =	rddreg [dreg:$0x14];
	[tilespmem:$0x370] =	vst v37  }
0x91: {  	[tilespmem:s12], [sflag:$0x2] =	stream.indirect.gather [hbm4b:s4+s10], $0x1, s11, s10, $0xb8;
	[tilespmem:$0x1E00] =	vst v63  }
0x92: {  	v38 =	vld [tilespmem:$0x380]  }
0x93: {  	v39 =	vld [tilespmem:$0x390]  }
0x94: {  	v40 =	vld [tilespmem:$0x3A0]  }
0x95: {  	v41 =	vld [tilespmem:$0x3B0]  }
0x96: {  	v42 =	vld [tilespmem:$0x3C0]  }
0x97: {  	v43 =	vld [tilespmem:$0x3D0];
	v0 =	vadd.s32 $0xAAE60, v38  }
0x98: {  	v45 =	vld [tilespmem:$0x3E0];
	v44 =	vadd.s32 $0xAAE60, v39;
	[tilespmem:$0x380] =	vst v0  }
0x99: {  	v47 =	vld [tilespmem:$0x3F0];
	v46 =	vadd.s32 $0xAAE60, v40;
	[tilespmem:$0x390] =	vst v44  }
0x9a: {  	v48 =	vadd.s32 $0xAAE60, v41;
	[tilespmem:$0x3A0] =	vst v46  }
0x9b: {  	v49 =	vadd.s32 $0xAAE60, v42;
	[tilespmem:$0x3B0] =	vst v48  }
0x9c: {  	v50 =	vadd.s32 $0xAAE60, v43;
	[tilespmem:$0x3C0] =	vst v49  }
0x9d: {  	v51 =	vadd.s32 $0xAAE60, v45;
	[tilespmem:$0x3D0] =	vst v50  }
0x9e: {  	s11 =	rddreg [dreg:$0x15];
	v52 =	vadd.s32 $0xAAE60, v47;
	[tilespmem:$0x3E0] =	vst v51  }
0x9f: {  	s12 =	rddreg [dreg:$0x16];
	[tilespmem:$0x3F0] =	vst v52  }
0xa0: {  	[tilespmem:s12], [sflag:$0x2] =	stream.indirect.gather [hbm4b:s4+s10], $0x1, s11, s10, $0xb8;
	[tilespmem:$0x1E00] =	vst v63  }
0xa1: {  	v53 =	vld [tilespmem:$0x400]  }
0xa2: {  	v54 =	vld [tilespmem:$0x410]  }
0xa3: {  	v55 =	vld [tilespmem:$0x420]  }
0xa4: {  	v56 =	vld [tilespmem:$0x430]  }
0xa5: {  	v57 =	vld [tilespmem:$0x440]  }
0xa6: {  	v58 =	vld [tilespmem:$0x450];
	v0 =	vadd.s32 $0xC3500, v53  }
0xa7: {  	v60 =	vld [tilespmem:$0x460];
	v59 =	vadd.s32 $0xC3500, v54;
	[tilespmem:$0x400] =	vst v0  }
0xa8: {  	v62 =	vld [tilespmem:$0x470];
	v61 =	vadd.s32 $0xC3500, v55;
	[tilespmem:$0x410] =	vst v59  }
0xa9: {  	v63 =	vadd.s32 $0xC3500, v56;
	[tilespmem:$0x420] =	vst v61  }
0xaa: {  	v4 =	vadd.s32 $0xC3500, v57;
	[tilespmem:$0x430] =	vst v63  }
0xab: {  	v5 =	vadd.s32 $0xC3500, v58;
	[tilespmem:$0x440] =	vst v4  }
0xac: {  	v6 =	vadd.s32 $0xC3500, v60;
	[tilespmem:$0x450] =	vst v5  }
0xad: {  	v7 =	vadd.s32 $0xC3500, v62;
	[tilespmem:$0x460] =	vst v6  }
0xae: {  	s12 =	rddreg [dreg:$0x17];
	[tilespmem:$0x470] =	vst v7  }
0xaf: {  	[tilespmem:s12], [sflag:$0x2] =	stream.indirect.gather [hbm4b:s4+s10], $0x1, s6, s10, $0xb8;
	[tilespmem:$0x1E00] =	vst v63  }
0xb0: {  	v8 =	vld [tilespmem:$0x480]  }
0xb1: {  	v9 =	vld [tilespmem:$0x490]  }
0xb2: {  	v10 =	vld [tilespmem:$0x4A0]  }
0xb3: {  	v11 =	vld [tilespmem:$0x4B0]  }
0xb4: {  	v12 =	vld [tilespmem:$0x4C0]  }
0xb5: {  	v13 =	vld [tilespmem:$0x4D0];
	v0 =	vadd.s32 $0xDBBA0, v8  }
0xb6: {  	v15 =	vld [tilespmem:$0x4E0];
	v14 =	vadd.s32 $0xDBBA0, v9;
	[tilespmem:$0x480] =	vst v0  }
0xb7: {  	v17 =	vld [tilespmem:$0x4F0];
	v16 =	vadd.s32 $0xDBBA0, v10;
	[tilespmem:$0x490] =	vst v14  }
0xb8: {  	v18 =	vadd.s32 $0xDBBA0, v11;
	[tilespmem:$0x4A0] =	vst v16  }
0xb9: {  	v19 =	vadd.s32 $0xDBBA0, v12;
	[tilespmem:$0x4B0] =	vst v18  }
0xba: {  	v20 =	vadd.s32 $0xDBBA0, v13;
	[tilespmem:$0x4C0] =	vst v19  }
0xbb: {  	v21 =	vadd.s32 $0xDBBA0, v15;
	[tilespmem:$0x4D0] =	vst v20  }
0xbc: {  	s11 =	rddreg [dreg:$0x18];
	v22 =	vadd.s32 $0xDBBA0, v17;
	[tilespmem:$0x4E0] =	vst v21  }
0xbd: {  	s12 =	rddreg [dreg:$0x19];
	[tilespmem:$0x4F0] =	vst v22  }
0xbe: {  	[tilespmem:s12], [sflag:$0x2] =	stream.indirect.gather [hbm4b:s4+s10], $0x1, s11, s10, $0xb8;
	[tilespmem:$0x1E00] =	vst v63  }
0xbf: {  	v23 =	vld [tilespmem:$0x500]  }
0xc0: {  	v24 =	vld [tilespmem:$0x510]  }
0xc1: {  	v25 =	vld [tilespmem:$0x520]  }
0xc2: {  	v26 =	vld [tilespmem:$0x530]  }
0xc3: {  	v27 =	vld [tilespmem:$0x540]  }
0xc4: {  	v28 =	vld [tilespmem:$0x550];
	v0 =	vadd.s32 $0xF4240, v23  }
0xc5: {  	v30 =	vld [tilespmem:$0x560];
	v29 =	vadd.s32 $0xF4240, v24;
	[tilespmem:$0x500] =	vst v0  }
0xc6: {  	v32 =	vld [tilespmem:$0x570];
	v31 =	vadd.s32 $0xF4240, v25;
	[tilespmem:$0x510] =	vst v29  }
0xc7: {  	v33 =	vadd.s32 $0xF4240, v26;
	[tilespmem:$0x520] =	vst v31  }
0xc8: {  	v34 =	vadd.s32 $0xF4240, v27;
	[tilespmem:$0x530] =	vst v33  }
0xc9: {  	v35 =	vadd.s32 $0xF4240, v28;
	[tilespmem:$0x540] =	vst v34  }
0xca: {  	v36 =	vadd.s32 $0xF4240, v30;
	[tilespmem:$0x550] =	vst v35  }
0xcb: {  	s11 =	rddreg [dreg:$0x1a];
	v37 =	vadd.s32 $0xF4240, v32;
	[tilespmem:$0x560] =	vst v36  }
0xcc: {  	s12 =	rddreg [dreg:$0x1b];
	[tilespmem:$0x570] =	vst v37  }
0xcd: {  	[tilespmem:s12], [sflag:$0x2] =	stream.indirect.gather [hbm4b:s4+s10], $0x1, s11, s10, $0xb8;
	[tilespmem:$0x1E00] =	vst v63  }
0xce: {  	v38 =	vld [tilespmem:$0x580]  }
0xcf: {  	v39 =	vld [tilespmem:$0x590]  }
0xd0: {  	v40 =	vld [tilespmem:$0x5A0]  }
0xd1: {  	v41 =	vld [tilespmem:$0x5B0]  }
0xd2: {  	v42 =	vld [tilespmem:$0x5C0]  }
0xd3: {  	v43 =	vld [tilespmem:$0x5D0];
	v0 =	vadd.s32 $0x10C8E0, v38  }
0xd4: {  	v45 =	vld [tilespmem:$0x5E0];
	v44 =	vadd.s32 $0x10C8E0, v39;
	[tilespmem:$0x580] =	vst v0  }
0xd5: {  	v47 =	vld [tilespmem:$0x5F0];
	v46 =	vadd.s32 $0x10C8E0, v40;
	[tilespmem:$0x590] =	vst v44  }
0xd6: {  	v48 =	vadd.s32 $0x10C8E0, v41;
	[tilespmem:$0x5A0] =	vst v46  }
0xd7: {  	v49 =	vadd.s32 $0x10C8E0, v42;
	[tilespmem:$0x5B0] =	vst v48  }
0xd8: {  	v50 =	vadd.s32 $0x10C8E0, v43;
	[tilespmem:$0x5C0] =	vst v49  }
0xd9: {  	v51 =	vadd.s32 $0x10C8E0, v45;
	[tilespmem:$0x5D0] =	vst v50  }
0xda: {  	s11 =	rddreg [dreg:$0x1c];
	v52 =	vadd.s32 $0x10C8E0, v47;
	[tilespmem:$0x5E0] =	vst v51  }
0xdb: {  	s12 =	rddreg [dreg:$0x1d];
	[tilespmem:$0x5F0] =	vst v52  }
0xdc: {  	[tilespmem:s12], [sflag:$0x2] =	stream.indirect.gather [hbm4b:s4+s10], $0x1, s11, s10, $0xb8;
	[tilespmem:$0x1E00] =	vst v63  }
0xdd: {  	v53 =	vld [tilespmem:$0x600]  }
0xde: {  	v54 =	vld [tilespmem:$0x610]  }
0xdf: {  	v55 =	vld [tilespmem:$0x620]  }
0xe0: {  	v56 =	vld [tilespmem:$0x630]  }
0xe1: {  	v57 =	vld [tilespmem:$0x640]  }
0xe2: {  	v58 =	vld [tilespmem:$0x650];
	v0 =	vadd.s32 $0x124F80, v53  }
0xe3: {  	v60 =	vld [tilespmem:$0x660];
	v59 =	vadd.s32 $0x124F80, v54;
	[tilespmem:$0x600] =	vst v0  }
0xe4: {  	v62 =	vld [tilespmem:$0x670];
	v61 =	vadd.s32 $0x124F80, v55;
	[tilespmem:$0x610] =	vst v59  }
0xe5: {  	v63 =	vadd.s32 $0x124F80, v56;
	[tilespmem:$0x620] =	vst v61  }
0xe6: {  	v4 =	vadd.s32 $0x124F80, v57;
	[tilespmem:$0x630] =	vst v63  }
0xe7: {  	v5 =	vadd.s32 $0x124F80, v58;
	[tilespmem:$0x640] =	vst v4  }
0xe8: {  	v6 =	vadd.s32 $0x124F80, v60;
	[tilespmem:$0x650] =	vst v5  }
0xe9: {  	s11 =	rddreg [dreg:$0x1e];
	v7 =	vadd.s32 $0x124F80, v62;
	[tilespmem:$0x660] =	vst v6  }
0xea: {  	s12 =	rddreg [dreg:$0x1f];
	[tilespmem:$0x670] =	vst v7  }
0xeb: {  	[tilespmem:s12], [sflag:$0x2] =	stream.indirect.gather [hbm4b:s4+s10], $0x1, s11, s10, $0xb8;
	[tilespmem:$0x1E00] =	vst v63  }
0xec: {  	v8 =	vld [tilespmem:$0x680]  }
0xed: {  	v9 =	vld [tilespmem:$0x690]  }
0xee: {  	v10 =	vld [tilespmem:$0x6A0]  }
0xef: {  	v11 =	vld [tilespmem:$0x6B0]  }
0xf0: {  	v12 =	vld [tilespmem:$0x6C0]  }
0xf1: {  	v13 =	vld [tilespmem:$0x6D0];
	v0 =	vadd.s32 $0x13D620, v8  }
0xf2: {  	v15 =	vld [tilespmem:$0x6E0];
	v14 =	vadd.s32 $0x13D620, v9;
	[tilespmem:$0x680] =	vst v0  }
0xf3: {  	v17 =	vld [tilespmem:$0x6F0];
	v16 =	vadd.s32 $0x13D620, v10;
	[tilespmem:$0x690] =	vst v14  }
0xf4: {  	v18 =	vadd.s32 $0x13D620, v11;
	[tilespmem:$0x6A0] =	vst v16  }
0xf5: {  	v19 =	vadd.s32 $0x13D620, v12;
	[tilespmem:$0x6B0] =	vst v18  }
0xf6: {  	s11 =	sld [smem:$0x7F8];
	v20 =	vadd.s32 $0x13D620, v13;
	[tilespmem:$0x6C0] =	vst v19  }
0xf7: {  	s12 =	sld [smem:$0x7F9];
	v21 =	vadd.s32 $0x13D620, v15;
	[tilespmem:$0x6D0] =	vst v20  }
0xf8: {  	v22 =	vadd.s32 $0x13D620, v17;
	[tilespmem:$0x6E0] =	vst v21  }
0xf9: {  	[tilespmem:$0x6F0] =	vst v22  }
0xfa: {  	[tilespmem:s12], [sflag:$0x2] =	stream.indirect.gather [hbm4b:s4+s10], $0x1, s11, s10, $0xb8;
	[tilespmem:$0x1E00] =	vst v63  }
0xfb: {  	v23 =	vld [tilespmem:$0x700]  }
0xfc: {  	v24 =	vld [tilespmem:$0x710]  }
0xfd: {  	v25 =	vld [tilespmem:$0x720]  }
0xfe: {  	v26 =	vld [tilespmem:$0x730]  }
0xff: {  	v27 =	vld [tilespmem:$0x740]  }
0x100: {  	v28 =	vld [tilespmem:$0x750];
	v0 =	vadd.s32 $0x155CC0, v23  }
0x101: {  	v30 =	vld [tilespmem:$0x760];
	v29 =	vadd.s32 $0x155CC0, v24;
	[tilespmem:$0x700] =	vst v0  }
0x102: {  	v32 =	vld [tilespmem:$0x770];
	v31 =	vadd.s32 $0x155CC0, v25;
	[tilespmem:$0x710] =	vst v29  }
0x103: {  	v33 =	vadd.s32 $0x155CC0, v26;
	[tilespmem:$0x720] =	vst v31  }
0x104: {  	v34 =	vadd.s32 $0x155CC0, v27;
	[tilespmem:$0x730] =	vst v33  }
0x105: {  	s11 =	sld [smem:$0x7FA];
	v35 =	vadd.s32 $0x155CC0, v28;
	[tilespmem:$0x740] =	vst v34  }
0x106: {  	s12 =	sld [smem:$0x7FB];
	v36 =	vadd.s32 $0x155CC0, v30;
	[tilespmem:$0x750] =	vst v35  }
0x107: {  	v37 =	vadd.s32 $0x155CC0, v32;
	[tilespmem:$0x760] =	vst v36  }
0x108: {  	[tilespmem:$0x770] =	vst v37  }
0x109: {  	[tilespmem:s12], [sflag:$0x2] =	stream.indirect.gather [hbm4b:s4+s10], $0x1, s11, s10, $0xb8;
	[tilespmem:$0x1E00] =	vst v63  }
0x10a: {  	v38 =	vld [tilespmem:$0x780]  }
0x10b: {  	v39 =	vld [tilespmem:$0x790]  }
0x10c: {  	v40 =	vld [tilespmem:$0x7A0]  }
0x10d: {  	v41 =	vld [tilespmem:$0x7B0]  }
0x10e: {  	v42 =	vld [tilespmem:$0x7C0]  }
0x10f: {  	v43 =	vld [tilespmem:$0x7D0];
	v0 =	vadd.s32 $0x16E360, v38  }
0x110: {  	v45 =	vld [tilespmem:$0x7E0];
	v44 =	vadd.s32 $0x16E360, v39;
	[tilespmem:$0x780] =	vst v0  }
0x111: {  	v47 =	vld [tilespmem:$0x7F0];
	v46 =	vadd.s32 $0x16E360, v40;
	[tilespmem:$0x790] =	vst v44  }
0x112: {  	v48 =	vadd.s32 $0x16E360, v41;
	[tilespmem:$0x7A0] =	vst v46  }
0x113: {  	v49 =	vadd.s32 $0x16E360, v42;
	[tilespmem:$0x7B0] =	vst v48  }
0x114: {  	s11 =	sld [smem:$0x7FC];
	v50 =	vadd.s32 $0x16E360, v43;
	[tilespmem:$0x7C0] =	vst v49  }
0x115: {  	s12 =	sld [smem:$0x7FD];
	v51 =	vadd.s32 $0x16E360, v45;
	[tilespmem:$0x7D0] =	vst v50  }
0x116: {  	v52 =	vadd.s32 $0x16E360, v47;
	[tilespmem:$0x7E0] =	vst v51  }
0x117: {  	[tilespmem:$0x7F0] =	vst v52  }
0x118: {  	[tilespmem:s12], [sflag:$0x2] =	stream.indirect.gather [hbm4b:s4+s10], $0x1, s11, s10, $0xb8;
	[tilespmem:$0x1E00] =	vst v63  }
0x119: {  	v53 =	vld [tilespmem:$0x800]  }
0x11a: {  	v54 =	vld [tilespmem:$0x810]  }
0x11b: {  	v55 =	vld [tilespmem:$0x820]  }
0x11c: {  	v56 =	vld [tilespmem:$0x830]  }
0x11d: {  	v57 =	vld [tilespmem:$0x840]  }
0x11e: {  	v58 =	vld [tilespmem:$0x850];
	v0 =	vadd.s32 $0x186A00, v53  }
0x11f: {  	v60 =	vld [tilespmem:$0x860];
	v59 =	vadd.s32 $0x186A00, v54;
	[tilespmem:$0x800] =	vst v0  }
0x120: {  	v62 =	vld [tilespmem:$0x870];
	v61 =	vadd.s32 $0x186A00, v55;
	[tilespmem:$0x810] =	vst v59  }
0x121: {  	v63 =	vadd.s32 $0x186A00, v56;
	[tilespmem:$0x820] =	vst v61  }
0x122: {  	v4 =	vadd.s32 $0x186A00, v57;
	[tilespmem:$0x830] =	vst v63  }
0x123: {  	v5 =	vadd.s32 $0x186A00, v58;
	[tilespmem:$0x840] =	vst v4  }
0x124: {  	v6 =	vadd.s32 $0x186A00, v60;
	[tilespmem:$0x850] =	vst v5  }
0x125: {  	v7 =	vadd.s32 $0x186A00, v62;
	[tilespmem:$0x860] =	vst v6  }
0x126: {  	s11 =	simm.s32 $0x800;
	s12 =	simm.s32 $0x1800;
	[tilespmem:$0x870] =	vst v7  }
0x127: {  	[tilespmem:s12], [sflag:$0x2] =	stream.indirect.gather [hbm4b:s4+s10], $0x1, s11, s10, $0xb8;
	[tilespmem:$0x1E00] =	vst v63  }
0x128: {  	v8 =	vld [tilespmem:$0x880]  }
0x129: {  	v9 =	vld [tilespmem:$0x890]  }
0x12a: {  	v10 =	vld [tilespmem:$0x8A0]  }
0x12b: {  	v11 =	vld [tilespmem:$0x8B0]  }
0x12c: {  	v12 =	vld [tilespmem:$0x8C0]  }
0x12d: {  	v13 =	vld [tilespmem:$0x8D0];
	v0 =	vadd.s32 $0x19F0A0, v8  }
0x12e: {  	v15 =	vld [tilespmem:$0x8E0];
	v14 =	vadd.s32 $0x19F0A0, v9;
	[tilespmem:$0x880] =	vst v0  }
0x12f: {  	v17 =	vld [tilespmem:$0x8F0];
	v16 =	vadd.s32 $0x19F0A0, v10;
	[tilespmem:$0x890] =	vst v14  }
0x130: {  	v18 =	vadd.s32 $0x19F0A0, v11;
	[tilespmem:$0x8A0] =	vst v16  }
0x131: {  	v19 =	vadd.s32 $0x19F0A0, v12;
	[tilespmem:$0x8B0] =	vst v18  }
0x132: {  	v20 =	vadd.s32 $0x19F0A0, v13;
	[tilespmem:$0x8C0] =	vst v19  }
0x133: {  	v21 =	vadd.s32 $0x19F0A0, v15;
	[tilespmem:$0x8D0] =	vst v20  }
0x134: {  	v22 =	vadd.s32 $0x19F0A0, v17;
	[tilespmem:$0x8E0] =	vst v21  }
0x135: {  	[tilespmem:$0x8F0] =	vst v22  }
0x136: {  	[tilespmem:s14], [sflag:$0x2] =	stream.indirect.gather [hbm4b:s4+s10], $0x1, s13, s10, $0xb8;
	[tilespmem:$0x1E00] =	vst v63  }
0x137: {  	v23 =	vld [tilespmem:$0x900]  }
0x138: {  	v24 =	vld [tilespmem:$0x910]  }
0x139: {  	v25 =	vld [tilespmem:$0x920]  }
0x13a: {  	v26 =	vld [tilespmem:$0x930]  }
0x13b: {  	v27 =	vld [tilespmem:$0x940]  }
0x13c: {  	v28 =	vld [tilespmem:$0x950];
	v0 =	vadd.s32 $0x1B7740, v23  }
0x13d: {  	v30 =	vld [tilespmem:$0x960];
	v29 =	vadd.s32 $0x1B7740, v24;
	[tilespmem:$0x900] =	vst v0  }
0x13e: {  	v32 =	vld [tilespmem:$0x970];
	v31 =	vadd.s32 $0x1B7740, v25;
	[tilespmem:$0x910] =	vst v29  }
0x13f: {  	v33 =	vadd.s32 $0x1B7740, v26;
	[tilespmem:$0x920] =	vst v31  }
0x140: {  	v34 =	vadd.s32 $0x1B7740, v27;
	[tilespmem:$0x930] =	vst v33  }
0x141: {  	v35 =	vadd.s32 $0x1B7740, v28;
	[tilespmem:$0x940] =	vst v34  }
0x142: {  	v36 =	vadd.s32 $0x1B7740, v30;
	[tilespmem:$0x950] =	vst v35  }
0x143: {  	v37 =	vadd.s32 $0x1B7740, v32;
	[tilespmem:$0x960] =	vst v36  }
0x144: {  	[tilespmem:$0x970] =	vst v37  }
0x145: {  	[tilespmem:s16], [sflag:$0x2] =	stream.indirect.gather [hbm4b:s4+s10], $0x1, s15, s10, $0xb8;
	[tilespmem:$0x1E00] =	vst v63  }
0x146: {  	v38 =	vld [tilespmem:$0x980]  }
0x147: {  	v39 =	vld [tilespmem:$0x990]  }
0x148: {  	v40 =	vld [tilespmem:$0x9A0]  }
0x149: {  	v41 =	vld [tilespmem:$0x9B0]  }
0x14a: {  	v42 =	vld [tilespmem:$0x9C0]  }
0x14b: {  	v43 =	vld [tilespmem:$0x9D0];
	v0 =	vadd.s32 $0x1CFDE0, v38  }
0x14c: {  	v45 =	vld [tilespmem:$0x9E0];
	v44 =	vadd.s32 $0x1CFDE0, v39;
	[tilespmem:$0x980] =	vst v0  }
0x14d: {  	v47 =	vld [tilespmem:$0x9F0];
	v46 =	vadd.s32 $0x1CFDE0, v40;
	[tilespmem:$0x990] =	vst v44  }
0x14e: {  	v48 =	vadd.s32 $0x1CFDE0, v41;
	[tilespmem:$0x9A0] =	vst v46  }
0x14f: {  	v49 =	vadd.s32 $0x1CFDE0, v42;
	[tilespmem:$0x9B0] =	vst v48  }
0x150: {  	v50 =	vadd.s32 $0x1CFDE0, v43;
	[tilespmem:$0x9C0] =	vst v49  }
0x151: {  	v51 =	vadd.s32 $0x1CFDE0, v45;
	[tilespmem:$0x9D0] =	vst v50  }
0x152: {  	v52 =	vadd.s32 $0x1CFDE0, v47;
	[tilespmem:$0x9E0] =	vst v51  }
0x153: {  	[tilespmem:$0x9F0] =	vst v52  }
0x154: {  	[tilespmem:s18], [sflag:$0x2] =	stream.indirect.gather [hbm4b:s4+s10], $0x1, s17, s10, $0xb8;
	[tilespmem:$0x1E00] =	vst v63  }
0x155: {  	v53 =	vld [tilespmem:$0xA00]  }
0x156: {  	v54 =	vld [tilespmem:$0xA10]  }
0x157: {  	v55 =	vld [tilespmem:$0xA20]  }
0x158: {  	v56 =	vld [tilespmem:$0xA30]  }
0x159: {  	v57 =	vld [tilespmem:$0xA40]  }
0x15a: {  	v58 =	vld [tilespmem:$0xA50];
	v0 =	vadd.s32 $0x1E8480, v53  }
0x15b: {  	v60 =	vld [tilespmem:$0xA60];
	v59 =	vadd.s32 $0x1E8480, v54;
	[tilespmem:$0xA00] =	vst v0  }
0x15c: {  	v62 =	vld [tilespmem:$0xA70];
	v61 =	vadd.s32 $0x1E8480, v55;
	[tilespmem:$0xA10] =	vst v59  }
0x15d: {  	v63 =	vadd.s32 $0x1E8480, v56;
	[tilespmem:$0xA20] =	vst v61  }
0x15e: {  	v4 =	vadd.s32 $0x1E8480, v57;
	[tilespmem:$0xA30] =	vst v63  }
0x15f: {  	v5 =	vadd.s32 $0x1E8480, v58;
	[tilespmem:$0xA40] =	vst v4  }
0x160: {  	v6 =	vadd.s32 $0x1E8480, v60;
	[tilespmem:$0xA50] =	vst v5  }
0x161: {  	v7 =	vadd.s32 $0x1E8480, v62;
	[tilespmem:$0xA60] =	vst v6  }
0x162: {  	[tilespmem:$0xA70] =	vst v7  }
0x163: {  	[tilespmem:s20], [sflag:$0x2] =	stream.indirect.gather [hbm4b:s4+s10], $0x1, s19, s10, $0xb8;
	[tilespmem:$0x1E00] =	vst v63  }
0x164: {  	v8 =	vld [tilespmem:$0xA80]  }
0x165: {  	v9 =	vld [tilespmem:$0xA90]  }
0x166: {  	v10 =	vld [tilespmem:$0xAA0]  }
0x167: {  	v11 =	vld [tilespmem:$0xAB0]  }
0x168: {  	v12 =	vld [tilespmem:$0xAC0]  }
0x169: {  	v13 =	vld [tilespmem:$0xAD0];
	v0 =	vadd.s32 $0x200B20, v8  }
0x16a: {  	v15 =	vld [tilespmem:$0xAE0];
	v14 =	vadd.s32 $0x200B20, v9;
	[tilespmem:$0xA80] =	vst v0  }
0x16b: {  	v17 =	vld [tilespmem:$0xAF0];
	v16 =	vadd.s32 $0x200B20, v10;
	[tilespmem:$0xA90] =	vst v14  }
0x16c: {  	v18 =	vadd.s32 $0x200B20, v11;
	[tilespmem:$0xAA0] =	vst v16  }
0x16d: {  	v19 =	vadd.s32 $0x200B20, v12;
	[tilespmem:$0xAB0] =	vst v18  }
0x16e: {  	v20 =	vadd.s32 $0x200B20, v13;
	[tilespmem:$0xAC0] =	vst v19  }
0x16f: {  	v21 =	vadd.s32 $0x200B20, v15;
	[tilespmem:$0xAD0] =	vst v20  }
0x170: {  	v22 =	vadd.s32 $0x200B20, v17;
	[tilespmem:$0xAE0] =	vst v21  }
0x171: {  	[tilespmem:$0xAF0] =	vst v22  }
0x172: {  	[tilespmem:s22], [sflag:$0x2] =	stream.indirect.gather [hbm4b:s4+s10], $0x1, s21, s10, $0xb8;
	[tilespmem:$0x1E00] =	vst v63  }
0x173: {  	v23 =	vld [tilespmem:$0xB00]  }
0x174: {  	v24 =	vld [tilespmem:$0xB10]  }
0x175: {  	v25 =	vld [tilespmem:$0xB20]  }
0x176: {  	v26 =	vld [tilespmem:$0xB30]  }
0x177: {  	v27 =	vld [tilespmem:$0xB40]  }
0x178: {  	v28 =	vld [tilespmem:$0xB50];
	v0 =	vadd.s32 $0x2191C0, v23  }
0x179: {  	v30 =	vld [tilespmem:$0xB60];
	v29 =	vadd.s32 $0x2191C0, v24;
	[tilespmem:$0xB00] =	vst v0  }
0x17a: {  	v32 =	vld [tilespmem:$0xB70];
	v31 =	vadd.s32 $0x2191C0, v25;
	[tilespmem:$0xB10] =	vst v29  }
0x17b: {  	v33 =	vadd.s32 $0x2191C0, v26;
	[tilespmem:$0xB20] =	vst v31  }
0x17c: {  	v34 =	vadd.s32 $0x2191C0, v27;
	[tilespmem:$0xB30] =	vst v33  }
0x17d: {  	v35 =	vadd.s32 $0x2191C0, v28;
	[tilespmem:$0xB40] =	vst v34  }
0x17e: {  	v36 =	vadd.s32 $0x2191C0, v30;
	[tilespmem:$0xB50] =	vst v35  }
0x17f: {  	v37 =	vadd.s32 $0x2191C0, v32;
	[tilespmem:$0xB60] =	vst v36  }
0x180: {  	[tilespmem:$0xB70] =	vst v37  }
0x181: {  	[tilespmem:s24], [sflag:$0x2] =	stream.indirect.gather [hbm4b:s4+s10], $0x1, s23, s10, $0xb8;
	[tilespmem:$0x1E00] =	vst v63  }
0x182: {  	v38 =	vld [tilespmem:$0xB80]  }
0x183: {  	v39 =	vld [tilespmem:$0xB90]  }
0x184: {  	v40 =	vld [tilespmem:$0xBA0]  }
0x185: {  	v41 =	vld [tilespmem:$0xBB0]  }
0x186: {  	v42 =	vld [tilespmem:$0xBC0]  }
0x187: {  	v43 =	vld [tilespmem:$0xBD0];
	v0 =	vadd.s32 $0x231860, v38  }
0x188: {  	v45 =	vld [tilespmem:$0xBE0];
	v44 =	vadd.s32 $0x231860, v39;
	[tilespmem:$0xB80] =	vst v0  }
0x189: {  	v47 =	vld [tilespmem:$0xBF0];
	v46 =	vadd.s32 $0x231860, v40;
	[tilespmem:$0xB90] =	vst v44  }
0x18a: {  	v48 =	vadd.s32 $0x231860, v41;
	[tilespmem:$0xBA0] =	vst v46  }
0x18b: {  	v49 =	vadd.s32 $0x231860, v42;
	[tilespmem:$0xBB0] =	vst v48  }
0x18c: {  	v50 =	vadd.s32 $0x231860, v43;
	[tilespmem:$0xBC0] =	vst v49  }
0x18d: {  	v51 =	vadd.s32 $0x231860, v45;
	[tilespmem:$0xBD0] =	vst v50  }
0x18e: {  	v52 =	vadd.s32 $0x231860, v47;
	[tilespmem:$0xBE0] =	vst v51  }
0x18f: {  	[tilespmem:$0xBF0] =	vst v52  }
0x190: {  	[tilespmem:s26], [sflag:$0x2] =	stream.indirect.gather [hbm4b:s4+s10], $0x1, s25, s10, $0xb8;
	[tilespmem:$0x1E00] =	vst v63  }
0x191: {  	v53 =	vld [tilespmem:$0xC00]  }
0x192: {  	v54 =	vld [tilespmem:$0xC10]  }
0x193: {  	v55 =	vld [tilespmem:$0xC20]  }
0x194: {  	v56 =	vld [tilespmem:$0xC30]  }
0x195: {  	v57 =	vld [tilespmem:$0xC40]  }
0x196: {  	v58 =	vld [tilespmem:$0xC50];
	v0 =	vadd.s32 $0x249F00, v53  }
0x197: {  	v60 =	vld [tilespmem:$0xC60];
	v59 =	vadd.s32 $0x249F00, v54;
	[tilespmem:$0xC00] =	vst v0  }
0x198: {  	v62 =	vld [tilespmem:$0xC70];
	v61 =	vadd.s32 $0x249F00, v55;
	[tilespmem:$0xC10] =	vst v59  }
0x199: {  	v63 =	vadd.s32 $0x249F00, v56;
	[tilespmem:$0xC20] =	vst v61  }
0x19a: {  	v4 =	vadd.s32 $0x249F00, v57;
	[tilespmem:$0xC30] =	vst v63  }
0x19b: {  	v5 =	vadd.s32 $0x249F00, v58;
	[tilespmem:$0xC40] =	vst v4  }
0x19c: {  	v6 =	vadd.s32 $0x249F00, v60;
	[tilespmem:$0xC50] =	vst v5  }
0x19d: {  	v7 =	vadd.s32 $0x249F00, v62;
	[tilespmem:$0xC60] =	vst v6  }
0x19e: {  	[tilespmem:$0xC70] =	vst v7  }
0x19f: {  	[tilespmem:s28], [sflag:$0x2] =	stream.indirect.gather [hbm4b:s4+s10], $0x1, s7, s10, $0xb8;
	[tilespmem:$0x1E00] =	vst v63  }
0x1a0: {  	v8 =	vld [tilespmem:$0xC80]  }
0x1a1: {  	v9 =	vld [tilespmem:$0xC90]  }
0x1a2: {  	v10 =	vld [tilespmem:$0xCA0]  }
0x1a3: {  	v11 =	vld [tilespmem:$0xCB0]  }
0x1a4: {  	v12 =	vld [tilespmem:$0xCC0]  }
0x1a5: {  	v13 =	vld [tilespmem:$0xCD0];
	v0 =	vadd.s32 $0x2625A0, v8  }
0x1a6: {  	v15 =	vld [tilespmem:$0xCE0];
	v14 =	vadd.s32 $0x2625A0, v9;
	[tilespmem:$0xC80] =	vst v0  }
0x1a7: {  	v17 =	vld [tilespmem:$0xCF0];
	v16 =	vadd.s32 $0x2625A0, v10;
	[tilespmem:$0xC90] =	vst v14  }
0x1a8: {  	v18 =	vadd.s32 $0x2625A0, v11;
	[tilespmem:$0xCA0] =	vst v16  }
0x1a9: {  	v19 =	vadd.s32 $0x2625A0, v12;
	[tilespmem:$0xCB0] =	vst v18  }
0x1aa: {  	v20 =	vadd.s32 $0x2625A0, v13;
	[tilespmem:$0xCC0] =	vst v19  }
0x1ab: {  	v21 =	vadd.s32 $0x2625A0, v15;
	[tilespmem:$0xCD0] =	vst v20  }
0x1ac: {  	v22 =	vadd.s32 $0x2625A0, v17;
	[tilespmem:$0xCE0] =	vst v21  }
0x1ad: {  	[tilespmem:$0xCF0] =	vst v22  }
0x1ae: {  	[tilespmem:s30], [sflag:$0x2] =	stream.indirect.gather [hbm4b:s4+s10], $0x1, s29, s10, $0xb8;
	[tilespmem:$0x1E00] =	vst v63  }
0x1af: {  	_ =	swait.ge [sflag:s31], $0x80  }
0x1b0: {  	[sflag:s31] =	ssyncset.done $0x0  }
0x1b1: {  	[sflag:s31] =	ssyncadd.s32 $0xFFFFFF80  }
0x1b2: {  	_ =	swait.ge [sflag:s31], $0x80  }
0x1b3: {  	[sflag:s31] =	ssyncset.done $0x0  }
0x1b4: {  	[sflag:s31] =	ssyncadd.s32 $0xFFFFFF80  }
0x1b5: {  	_ =	swait.ge [sflag:s31], $0x80  }
0x1b6: {  	[sflag:s31] =	ssyncset.done $0x0  }
0x1b7: {  	[sflag:s31] =	ssyncadd.s32 $0xFFFFFF80  }
0x1b8: {  	_ =	swait.ge [sflag:s31], $0x80  }
0x1b9: {  	[sflag:s31] =	ssyncset.done $0x0  }
0x1ba: {  	[sflag:s31] =	ssyncadd.s32 $0xFFFFFF80  }
0x1bb: {  	_ =	swait.ge [sflag:s31], $0x80  }
0x1bc: {  	[sflag:s31] =	ssyncset.done $0x0  }
0x1bd: {  	[sflag:s31] =	ssyncadd.s32 $0xFFFFFF80  }
0x1be: {  	_ =	swait.ge [sflag:s31], $0x80  }
0x1bf: {  	[sflag:s31] =	ssyncset.done $0x0  }
0x1c0: {  	[sflag:s31] =	ssyncadd.s32 $0xFFFFFF80  }
0x1c1: {  	_ =	swait.ge [sflag:s31], $0x80  }
0x1c2: {  	[sflag:s31] =	ssyncset.done $0x0  }
0x1c3: {  	[sflag:s31] =	ssyncadd.s32 $0xFFFFFF80  }
0x1c4: {  	_ =	swait.ge [sflag:s31], $0x80  }
0x1c5: {  	[sflag:s31] =	ssyncset.done $0x0  }
0x1c6: {  	[sflag:s31] =	ssyncadd.s32 $0xFFFFFF80  }
0x1c7: {  	_ =	swait.ge [sflag:s31], $0x80  }
0x1c8: {  	[sflag:s31] =	ssyncset.done $0x0  }
0x1c9: {  	[sflag:s31] =	ssyncadd.s32 $0xFFFFFF80  }
0x1ca: {  	_ =	swait.ge [sflag:s31], $0x80  }
0x1cb: {  	[sflag:s31] =	ssyncset.done $0x0  }
0x1cc: {  	[sflag:s31] =	ssyncadd.s32 $0xFFFFFF80  }
0x1cd: {  	_ =	swait.ge [sflag:s31], $0x80  }
0x1ce: {  	[sflag:s31] =	ssyncset.done $0x0  }
0x1cf: {  	[sflag:s31] =	ssyncadd.s32 $0xFFFFFF80  }
0x1d0: {  	_ =	swait.ge [sflag:s31], $0x80  }
0x1d1: {  	[sflag:s31] =	ssyncset.done $0x0  }
0x1d2: {  	[sflag:s31] =	ssyncadd.s32 $0xFFFFFF80  }
0x1d3: {  	_ =	swait.ge [sflag:s31], $0x80  }
0x1d4: {  	[sflag:s31] =	ssyncset.done $0x0  }
0x1d5: {  	[sflag:s31] =	ssyncadd.s32 $0xFFFFFF80  }
0x1d6: {  	_ =	swait.ge [sflag:s31], $0x80  }
0x1d7: {  	[sflag:s31] =	ssyncset.done $0x0  }
0x1d8: {  	[sflag:s31] =	ssyncadd.s32 $0xFFFFFF80  }
0x1d9: {  	_ =	swait.ge [sflag:s31], $0x80  }
0x1da: {  	[sflag:s31] =	ssyncset.done $0x0  }
0x1db: {  	[sflag:s31] =	ssyncadd.s32 $0xFFFFFF80  }
0x1dc: {  	_ =	swait.ge [sflag:s31], $0x80  }
0x1dd: {  	[sflag:s31] =	ssyncset.done $0x0  }
0x1de: {  	[sflag:s31] =	ssyncadd.s32 $0xFFFFFF80  }
0x1df: {  	_ =	swait.ge [sflag:s31], $0x80  }
0x1e0: {  	[sflag:s31] =	ssyncset.done $0x0  }
0x1e1: {  	[sflag:s31] =	ssyncadd.s32 $0xFFFFFF80  }
0x1e2: {  	_ =	swait.ge [sflag:s31], $0x80  }
0x1e3: {  	[sflag:s31] =	ssyncset.done $0x0  }
0x1e4: {  	[sflag:s31] =	ssyncadd.s32 $0xFFFFFF80  }
0x1e5: {  	_ =	swait.ge [sflag:s31], $0x80  }
0x1e6: {  	[sflag:s31] =	ssyncset.done $0x0  }
0x1e7: {  	[sflag:s31] =	ssyncadd.s32 $0xFFFFFF80  }
0x1e8: {  	_ =	swait.ge [sflag:s31], $0x80  }
0x1e9: {  	[sflag:s31] =	ssyncset.done $0x0  }
0x1ea: {  	[sflag:s31] =	ssyncadd.s32 $0xFFFFFF80  }
0x1eb: {  	_ =	swait.ge [sflag:s31], $0x80  }
0x1ec: {  	[sflag:s31] =	ssyncset.done $0x0  }
0x1ed: {  	[sflag:s31] =	ssyncadd.s32 $0xFFFFFF80  }
0x1ee: {  	_ =	swait.ge [sflag:s31], $0x80  }
0x1ef: {  	[sflag:s31] =	ssyncset.done $0x0  }
0x1f0: {  	[sflag:s31] =	ssyncadd.s32 $0xFFFFFF80  }
0x1f1: {  	_ =	swait.ge [sflag:s31], $0x80  }
0x1f2: {  	[sflag:s31] =	ssyncset.done $0x0  }
0x1f3: {  	[sflag:s31] =	ssyncadd.s32 $0xFFFFFF80  }
0x1f4: {  	_ =	swait.ge [sflag:s31], $0x80  }
0x1f5: {  	[sflag:s31] =	ssyncset.done $0x0  }
0x1f6: {  	[sflag:s31] =	ssyncadd.s32 $0xFFFFFF80  }
0x1f7: {  	_ =	swait.ge [sflag:s31], $0x80  }
0x1f8: {  	[sflag:s31] =	ssyncset.done $0x0  }
0x1f9: {  	[sflag:s31] =	ssyncadd.s32 $0xFFFFFF80  }
0x1fa: {  	_ =	swait.ge [sflag:s31], $0x80  }
0x1fb: {  	[sflag:s31] =	ssyncset.done $0x0  }
0x1fc: {  	[sflag:s31] =	ssyncadd.s32 $0xFFFFFF80  }
0x1fd: {  	v3 =	vld [tilespmem:$0x1D80]  }
0x1fe: {  	v40 =	vld [tilespmem:$0x1000]  }
0x1ff: {  	v2 =	vld [tilespmem:$0x1080]  }
0x200: {  	v39 =	vld [tilespmem:$0x1100]  }
0x201: {  	v44 =	vld [tilespmem:$0x1180]  }
0x202: {  	v47 =	vld [tilespmem:$0x1200]  }
0x203: {  	v52 =	vld [tilespmem:$0x1280]  }
0x204: {  	v56 =	vld [tilespmem:$0x1300]  }
0x205: {  	v60 =	vld [tilespmem:$0x1380]  }
0x206: {  	v23 =	vld [tilespmem:$0x1400]  }
0x207: {  	v24 =	vld [tilespmem:$0x1480]  }
0x208: {  	v25 =	vld [tilespmem:$0x1500]  }
0x209: {  	v26 =	vld [tilespmem:$0x1580]  }
0x20a: {  	v27 =	vld [tilespmem:$0x1600]  }
0x20b: {  	v28 =	vld [tilespmem:$0x1680]  }
0x20c: {  	v29 =	vld [tilespmem:$0x1700]  }
0x20d: {  	v30 =	vld [tilespmem:$0x1780]  }
0x20e: {  	v31 =	vld [tilespmem:$0x1800]  }
0x20f: {  	v32 =	vld [tilespmem:$0x1880]  }
0x210: {  	v33 =	vld [tilespmem:$0x1900]  }
0x211: {  	v34 =	vld [tilespmem:$0x1980]  }
0x212: {  	v35 =	vld [tilespmem:$0x1A00]  }
0x213: {  	v36 =	vld [tilespmem:$0x1A80]  }
0x214: {  	v37 =	vld [tilespmem:$0x1B00]  }
0x215: {  	v38 =	vld [tilespmem:$0x1B80]  }
0x216: {  	v41 =	vld [tilespmem:$0x1C00]  }
0x217: {  	v42 =	vld [tilespmem:$0x1C80]  }
0x218: {  	v18 =	vld [tilespmem:$0x1110]  }
0x219: {  	v22 =	vld [tilespmem:$0x1190]  }
0x21a: {  	v45 =	vld [tilespmem:$0x1410]  }
0x21b: {  	v49 =	vld [tilespmem:$0x1490]  }
0x21c: {  	v54 =	vld [tilespmem:$0x1510]  }
0x21d: {  	v57 =	vld [tilespmem:$0x1590]  }
0x21e: {  	v61 =	vld [tilespmem:$0x1610]  }
0x21f: {  	v43 =	vld [tilespmem:$0x1690]  }
0x220: {  	v46 =	vld [tilespmem:$0x1710]  }
0x221: {  	v48 =	vld [tilespmem:$0x1790]  }
0x222: {  	v50 =	vld [tilespmem:$0x1810]  }
0x223: {  	v51 =	vld [tilespmem:$0x1890]  }
0x224: {  	v53 =	vld [tilespmem:$0x1910]  }
0x225: {  	v55 =	vld [tilespmem:$0x1990]  }
0x226: {  	v58 =	vld [tilespmem:$0x1A10]  }
0x227: {  	v59 =	vld [tilespmem:$0x1A90]  }
0x228: {  	v62 =	vld [tilespmem:$0x1B10]  }
0x229: {  	v63 =	vld [tilespmem:$0x1B90]  }
0x22a: {  	v4 =	vld [tilespmem:$0x1C10]  }
0x22b: {  	v5 =	vld [tilespmem:$0x1C90]  }
0x22c: {  	v21 =	vld [tilespmem:$0x1120]  }
0x22d: {  	v11 =	vld [tilespmem:$0x11A0]  }
0x22e: {  	v13 =	vld [tilespmem:$0x1220]  }
0x22f: {  	v15 =	vld [tilespmem:$0x12A0]  }
0x230: {  	v17 =	vld [tilespmem:$0x1320]  }
0x231: {  	v20 =	vld [tilespmem:$0x13A0]  }
0x232: {  	v6 =	vld [tilespmem:$0x1920]  }
0x233: {  	v7 =	vld [tilespmem:$0x19A0]  }
0x234: {  	v8 =	vld [tilespmem:$0x1A20]  }
0x235: {  	v9 =	vld [tilespmem:$0x1AA0]  }
0x236: {  	v10 =	vld [tilespmem:$0x1B20]  }
0x237: {  	v12 =	vld [tilespmem:$0x1BA0]  }
0x238: {  	v14 =	vld [tilespmem:$0x1C20]  }
0x239: {  	v16 =	vld [tilespmem:$0x1CA0]  }
0x23a: {  	v19 =	vld [tilespmem:$0x15B0]  }
0x23b: {  	v0 =	vld [tilespmem:$0x1B30]  }
0x23c: {  	[tilespmem:$0x1FD20] =	vst v30;
	v30 =	vld [tilespmem:$0x1010]  }
0x23d: {  	[tilespmem:$0x1FD60] =	vst v32;
	v32 =	vld [tilespmem:$0x1090]  }
0x23e: {  	[tilespmem:$0x1FCC0] =	vst v26;
	v26 =	vld [tilespmem:$0x1210]  }
0x23f: {  	[tilespmem:$0x1FD00] =	vst v29;
	v29 =	vld [tilespmem:$0x1290]  }
0x240: {  	[tilespmem:$0x1FDA0] =	vst v34;
	v34 =	vld [tilespmem:$0x1310]  }
0x241: {  	[tilespmem:$0x1FEA0] =	vst v41;
	v41 =	vld [tilespmem:$0x1390]  }
0x242: {  	[tilespmem:$0x1FDD0] =	vst v35;
	v35 =	vld [tilespmem:$0x1020]  }
0x243: {  	[tilespmem:$0x1FC90] =	vst v23;
	v23 =	vld [tilespmem:$0x10A0]  }
0x244: {  	[tilespmem:$0x1FCB0] =	vst v25;
	v25 =	vld [tilespmem:$0x1420]  }
0x245: {  	[tilespmem:$0x1FCE0] =	vst v28;
	v28 =	vld [tilespmem:$0x14A0]  }
0x246: {  	[tilespmem:$0x1FD80] =	vst v33;
	v33 =	vld [tilespmem:$0x1520]  }
0x247: {  	[tilespmem:$0x1FE60] =	vst v38;
	v38 =	vld [tilespmem:$0x15A0]  }
0x248: {  	[tilespmem:$0x1FCF0] =	vst v43;
	v43 =	vld [tilespmem:$0x1620]  }
0x249: {  	[tilespmem:$0x1FD30] =	vst v48;
	v48 =	vld [tilespmem:$0x16A0]  }
0x24a: {  	[tilespmem:$0x1FD70] =	vst v51;
	v51 =	vld [tilespmem:$0x1720]  }
0x24b: {  	[tilespmem:$0x1FDC0] =	vst v55;
	v55 =	vld [tilespmem:$0x17A0]  }
0x24c: {  	[tilespmem:$0x1FE20] =	vst v59;
	v59 =	vld [tilespmem:$0x1820]  }
0x24d: {  	[tilespmem:$0x1FE80] =	vst v63;
	v63 =	vld [tilespmem:$0x18A0]  }
0x24e: {  	[tilespmem:$0x1FE30] =	vst v37;
	v37 =	vld [tilespmem:$0x1030]  }
0x24f: {  	[tilespmem:$0x1FEC0] =	vst v4;
	v4 =	vld [tilespmem:$0x10B0]  }
0x250: {  	[tilespmem:$0x1FF00] =	vst v5;
	v5 =	vld [tilespmem:$0x1130]  }
0x251: {  	[tilespmem:$0x1FDB0] =	vst v6;
	v6 =	vld [tilespmem:$0x11B0]  }
0x252: {  	[tilespmem:$0x1FDE0] =	vst v7;
	v7 =	vld [tilespmem:$0x1230]  }
0x253: {  	[tilespmem:$0x1FE10] =	vst v8;
	v8 =	vld [tilespmem:$0x12B0]  }
0x254: {  	[tilespmem:$0x1FE40] =	vst v9;
	v9 =	vld [tilespmem:$0x1330]  }
0x255: {  	[tilespmem:$0x1FE70] =	vst v10;
	v10 =	vld [tilespmem:$0x13B0]  }
0x256: {  	[tilespmem:$0x1FEB0] =	vst v12;
	v12 =	vld [tilespmem:$0x1430]  }
0x257: {  	[tilespmem:$0x1FEF0] =	vst v14;
	v14 =	vld [tilespmem:$0x14B0]  }
0x258: {  	[tilespmem:$0x1FF20] =	vst v16;
	v16 =	vld [tilespmem:$0x1530]  }
0x259: {  	[tilespmem:$0x1FCA0] =	vst v24;
	v24 =	vld [tilespmem:$0x1630]  }
0x25a: {  	[tilespmem:$0x1FCD0] =	vst v27;
	v27 =	vld [tilespmem:$0x16B0]  }
0x25b: {  	[tilespmem:$0x1FD40] =	vst v31;
	v31 =	vld [tilespmem:$0x1730]  }
0x25c: {  	[tilespmem:$0x1FE00] =	vst v36;
	v36 =	vld [tilespmem:$0x17B0]  }
0x25d: {  	[tilespmem:$0x1FEE0] =	vst v42;
	v42 =	vld [tilespmem:$0x1830]  }
0x25e: {  	[tilespmem:$0x1FD10] =	vst v46;
	v46 =	vld [tilespmem:$0x18B0]  }
0x25f: {  	[tilespmem:$0x1FE90] =	vst v0;
	v0 =	vld [tilespmem:$0x1BB0]  }
0x260: {  	[tilespmem:$0x1FD50] =	vst v50;
	v50 =	vld [tilespmem:$0x1930]  }
0x261: {  	[tilespmem:$0x1FD90] =	vst v53;
	v53 =	vld [tilespmem:$0x19B0]  }
0x262: {  	[tilespmem:$0x1FDF0] =	vst v58;
	v58 =	vld [tilespmem:$0x1A30]  }
0x263: {  	[tilespmem:$0x1FE50] =	vst v62;
	v62 =	vld [tilespmem:$0x1AB0];
	v1 =	vadd.f32 v30, v3  }
0x264: {  	[tilespmem:$0x1FED0] =	vst v0;
	v0 =	vld [tilespmem:$0x1C30]  }
0x265: {  	v30 =	vld [tilespmem:$0x1240];
	v1 =	vadd.f32 v32, v1;
	v32 =	vadd.f32 v37, v3  }
0x266: {  	v37 =	vld [tilespmem:$0x1340]  }
0x267: {  	v4 =	vadd.f32 v4, v32;
	v32 =	vld [tilespmem:$0x1440]  }
0x268: {  	v1 =	vadd.f32 v18, v1;
	v18 =	vld [tilespmem:$0x1640]  }
0x269: {  	[tilespmem:$0x1FF10] =	vst v0;
	v0 =	vld [tilespmem:$0x1CB0]  }
0x26a: {  	v1 =	vadd.f32 v22, v1;
	v4 =	vadd.f32 v5, v4;
	v22 =	vld [tilespmem:$0x1540]  }
0x26b: {  	v5 =	vld [tilespmem:$0x18D0]  }
0x26c: {  	v1 =	vadd.f32 v26, v1;
	v4 =	vadd.f32 v6, v4;
	v26 =	vld [tilespmem:$0x16C0]  }
0x26d: {  	[tilespmem:$0x1FF70] =	vst v18;
	v18 =	vld [tilespmem:$0x1FCD0]  }
0x26e: {  	[tilespmem:$0x1FF40] =	vst v0;
	v0 =	vld [tilespmem:$0x1040];
	v4 =	vadd.f32 v7, v4  }
0x26f: {  	v1 =	vadd.f32 v29, v1;
	v29 =	vld [tilespmem:$0x1FD30]  }
0x270: {  	v4 =	vadd.f32 v8, v4;
	v8 =	vld [tilespmem:$0x1FC90]  }
0x271: {  	v1 =	vadd.f32 v34, v1;
	v34 =	vld [tilespmem:$0x1FD50]  }
0x272: {  	[tilespmem:$0x1FF80] =	vst v26;
	v26 =	vld [tilespmem:$0x1FD10]  }
0x273: {  	v4 =	vadd.f32 v9, v4;
	v9 =	vld [tilespmem:$0x19C0]  }
0x274: {  	v1 =	vadd.f32 v41, v1;
	v41 =	vld [tilespmem:$0x1FD80]  }
0x275: {  	[tilespmem:$0x1FF30] =	vst v0;
	v0 =	vld [tilespmem:$0x10C0]  }
0x276: {  	v1 =	vadd.f32 v45, v1;
	v45 =	vld [tilespmem:$0x1FDC0]  }
0x277: {  	v4 =	vadd.f32 v10, v4;
	v10 =	vld [tilespmem:$0x1AD0]  }
0x278: {  	v1 =	vadd.f32 v49, v1;
	v49 =	vld [tilespmem:$0x1C40]  }
0x279: {  	v4 =	vadd.f32 v12, v4;
	v12 =	vld [tilespmem:$0x1750]  }
0x27a: {  	[tilespmem:$0x1FF50] =	vst v0;
	v0 =	vld [tilespmem:$0x1140]  }
0x27b: {  	v4 =	vadd.f32 v14, v4;
	v14 =	vld [tilespmem:$0x1050]  }
0x27c: {  	v1 =	vadd.f32 v54, v1;
	v54 =	vld [tilespmem:$0x1FE00]  }
0x27d: {  	v4 =	vadd.f32 v16, v4;
	v16 =	vld [tilespmem:$0x1150]  }
0x27e: {  	v1 =	vadd.f32 v57, v1;
	v57 =	vld [tilespmem:$0x1FE20]  }
0x27f: {  	v4 =	vadd.f32 v19, v4;
	v19 =	vld [tilespmem:$0x1FCE0]  }
0x280: {  	v1 =	vadd.f32 v61, v1;
	v61 =	vld [tilespmem:$0x1FE50]  }
0x281: {  	[tilespmem:$0x1FF60] =	vst v0;
	v0 =	vadd.f32 v40, v3;
	v40 =	vld [tilespmem:$0x11C0]  }
0x282: {  	v4 =	vadd.f32 v24, v4;
	v24 =	vld [tilespmem:$0x1250]  }
0x283: {  	v0 =	vadd.f32 v2, v0;
	v2 =	vadd.f32 v35, v3;
	v35 =	vld [tilespmem:$0x12C0]  }
0x284: {  	v4 =	vadd.f32 v27, v4;
	v27 =	vld [tilespmem:$0x13D0]  }
0x285: {  	v2 =	vadd.f32 v23, v2;
	v23 =	vld [tilespmem:$0x13C0]  }
0x286: {  	v0 =	vadd.f32 v39, v0;
	v39 =	vld [tilespmem:$0x15C0]  }
0x287: {  	v4 =	vadd.f32 v31, v4;
	v31 =	vld [tilespmem:$0x1550]  }
0x288: {  	v2 =	vadd.f32 v21, v2;
	v21 =	vld [tilespmem:$0x14C0]  }
0x289: {  	v0 =	vadd.f32 v44, v0;
	v44 =	vld [tilespmem:$0x1740]  }
0x28a: {  	v4 =	vadd.f32 v36, v4;
	v36 =	vld [tilespmem:$0x1FD60]  }
0x28b: {  	v0 =	vadd.f32 v47, v0;
	v47 =	vld [tilespmem:$0x17C0]  }
0x28c: {  	v2 =	vadd.f32 v11, v2;
	v11 =	vld [tilespmem:$0x1A40]  }
0x28d: {  	v4 =	vadd.f32 v42, v4;
	v42 =	vld [tilespmem:$0x1FD90]  }
0x28e: {  	v0 =	vadd.f32 v52, v0;
	v52 =	vld [tilespmem:$0x1840]  }
0x28f: {  	v2 =	vadd.f32 v13, v2;
	v13 =	vld [tilespmem:$0x1FCA0]  }
0x290: {  	[tilespmem:$0x1FF90] =	vst v44;
	v44 =	vld [tilespmem:$0x1FDB0]  }
0x291: {  	v4 =	vadd.f32 v46, v4;
	v46 =	vld [tilespmem:$0x1FDD0]  }
0x292: {  	v0 =	vadd.f32 v56, v0;
	v56 =	vld [tilespmem:$0x18C0]  }
0x293: {  	v2 =	vadd.f32 v15, v2;
	v15 =	vld [tilespmem:$0x1FCB0]  }
0x294: {  	[tilespmem:$0x1FFA0] =	vst v47;
	v47 =	vld [tilespmem:$0x1CC0]  }
0x295: {  	[tilespmem:$0x1FFF0] =	vst v11;
	v11 =	vld [tilespmem:$0x17D0]  }
0x296: {  	v0 =	vadd.f32 v60, v0;
	v60 =	vld [tilespmem:$0x1940]  }
0x297: {  	v4 =	vadd.f32 v50, v4;
	v2 =	vadd.f32 v17, v2;
	v17 =	vld [tilespmem:$0x1FCC0]  }
0x298: {  	[tilespmem:$0x1FFB0] =	vst v52;
	v52 =	vld [tilespmem:$0x1BC0]  }
0x299: {  	v4 =	vadd.f32 v53, v4;
	v53 =	vld [tilespmem:$0x1FEF0]  }
0x29a: {  	v2 =	vadd.f32 v20, v2;
	v20 =	vld [tilespmem:$0x1FCF0]  }
0x29b: {  	v0 =	vadd.f32 v8, v0;
	v8 =	vld [tilespmem:$0x1850]  }
0x29c: {  	[tilespmem:$0x1FFC0] =	vst v56;
	v56 =	vld [tilespmem:$0x1B40]  }
0x29d: {  	v4 =	vadd.f32 v58, v4;
	v58 =	vld [tilespmem:$0x1FE30]  }
0x29e: {  	v2 =	vadd.f32 v25, v2;
	v25 =	vld [tilespmem:$0x1FD00]  }
0x29f: {  	v0 =	vadd.f32 v13, v0;
	v13 =	vld [tilespmem:$0x1A50]  }
0x2a0: {  	[tilespmem:$0x1FFD0] =	vst v60;
	v60 =	vld [tilespmem:$0x1AC0]  }
0x2a1: {  	v0 =	vadd.f32 v15, v0;
	v2 =	vadd.f32 v28, v2;
	v15 =	vld [tilespmem:$0x10D0]  }
0x2a2: {  	v28 =	vld [tilespmem:$0x1FD20];
	v1 =	vadd.f32 v20, v1  }
0x2a3: {  	v0 =	vadd.f32 v17, v0;
	v2 =	vadd.f32 v33, v2;
	v33 =	vld [tilespmem:$0x1FD40]  }
0x2a4: {  	v1 =	vadd.f32 v26, v1;
	v26 =	vld [tilespmem:$0x1350]  }
0x2a5: {  	v0 =	vadd.f32 v18, v0;
	v2 =	vadd.f32 v38, v2;
	v38 =	vld [tilespmem:$0x1FD70]  }
0x2a6: {  	v1 =	vadd.f32 v29, v1;
	v29 =	vld [tilespmem:$0x14D0]  }
0x2a7: {  	v0 =	vadd.f32 v19, v0;
	v19 =	vld [tilespmem:$0x11D0]  }
0x2a8: {  	v2 =	vadd.f32 v43, v2;
	v43 =	vld [tilespmem:$0x1FDA0]  }
0x2a9: {  	v1 =	vadd.f32 v34, v1;
	v34 =	vld [tilespmem:$0x1650]  }
0x2aa: {  	v0 =	vadd.f32 v25, v0;
	v25 =	vld [tilespmem:$0x12D0]  }
0x2ab: {  	v2 =	vadd.f32 v48, v2;
	v48 =	vld [tilespmem:$0x1FDE0]  }
0x2ac: {  	v14 =	vadd.f32 v14, v3;
	v1 =	vadd.f32 v38, v1;
	v38 =	vld [tilespmem:$0x1FE60]  }
0x2ad: {  	v0 =	vadd.f32 v28, v0;
	v28 =	vld [tilespmem:$0x1450]  }
0x2ae: {  	v14 =	vadd.f32 v15, v14;
	v2 =	vadd.f32 v51, v2;
	v51 =	vld [tilespmem:$0x1FDF0]  }
0x2af: {  	v1 =	vadd.f32 v42, v1;
	v0 =	vadd.f32 v33, v0;
	v33 =	vld [tilespmem:$0x15D0]  }
0x2b0: {  	v2 =	vadd.f32 v55, v2;
	v55 =	vld [tilespmem:$0x1FE10]  }
0x2b1: {  	v14 =	vadd.f32 v16, v14;
	v1 =	vadd.f32 v45, v1;
	v45 =	vld [tilespmem:$0x1FEA0]  }
0x2b2: {  	v0 =	vadd.f32 v36, v0;
	v36 =	vld [tilespmem:$0x16D0]  }
0x2b3: {  	v14 =	vadd.f32 v19, v14;
	v2 =	vadd.f32 v59, v2;
	v59 =	vld [tilespmem:$0x1FE40]  }
0x2b4: {  	v1 =	vadd.f32 v51, v1;
	v51 =	vld [tilespmem:$0x1FEE0]  }
0x2b5: {  	v14 =	vadd.f32 v24, v14;
	v0 =	vadd.f32 v41, v0;
	v41 =	vld [tilespmem:$0x1FE70]  }
0x2b6: {  	v2 =	vadd.f32 v63, v2;
	v1 =	vadd.f32 v57, v1;
	v57 =	vld [tilespmem:$0x1FF10]  }
0x2b7: {  	v0 =	vadd.f32 v43, v0;
	v43 =	vld [tilespmem:$0x1FE80]  }
0x2b8: {  	v14 =	vadd.f32 v25, v14;
	v2 =	vadd.f32 v44, v2;
	v44 =	vld [tilespmem:$0x1FE90]  }
0x2b9: {  	v63 =	vadd.f32 v61, v1;
	v1 =	vld [tilespmem:$0x1BD0]  }
0x2ba: {  	v14 =	vadd.f32 v26, v14;
	v61 =	vld [tilespmem:$0x1FF30]  }
0x2bb: {  	v50 =	vadd.f32 v48, v2;
	v2 =	vld [tilespmem:$0x1950]  }
0x2bc: {  	v14 =	vadd.f32 v27, v14;
	v0 =	vadd.f32 v46, v0;
	v46 =	vld [tilespmem:$0x1FEB0]  }
0x2bd: {  	v48 =	vld [tilespmem:$0x1FEC0]  }
0x2be: {  	v14 =	vadd.f32 v28, v14;
	v28 =	vld [tilespmem:$0x1FFA0]  }
0x2bf: {  	v7 =	vadd.f32 v54, v0;
	v0 =	vld [tilespmem:$0x19D0]  }
0x2c0: {  	v6 =	vadd.f32 v55, v50;
	v50 =	vld [tilespmem:$0x1FED0]  }
0x2c1: {  	v54 =	vld [tilespmem:$0x1070]  }
0x2c2: {  	v55 =	vld [tilespmem:$0x1FF00]  }
0x2c3: {  	v17 =	vadd.f32 v43, v63;
	v63 =	vld [tilespmem:$0x10F0]  }
0x2c4: {  	v43 =	vld [tilespmem:$0x1560]  }
0x2c5: {  	v14 =	vadd.f32 v29, v14;
	v29 =	vld [tilespmem:$0x1870]  }
0x2c6: {  	[tilespmem:$0x1FFE0] =	vst v9;
	v9 =	vadd.f32 v59, v6;
	v6 =	vld [tilespmem:$0x1B50]  }
0x2c7: {  	v7 =	vadd.f32 v58, v7;
	v58 =	vld [tilespmem:$0x10E0]  }
0x2c8: {  	v59 =	vld [tilespmem:$0x1FF20]  }
0x2c9: {  	v4 =	vadd.f32 v62, v4;
	v62 =	vadd.f32 v61, v3;
	v61 =	vld [tilespmem:$0x12F0]  }
0x2ca: {  	v17 =	vadd.f32 v48, v17;
	v48 =	vld [tilespmem:$0x1160]  }
0x2cb: {  	v14 =	vadd.f32 v31, v14;
	v31 =	vld [tilespmem:$0x1FFB0]  }
0x2cc: {  	v4 =	vadd.f32 v44, v4;
	v42 =	vadd.f32 v41, v9;
	v9 =	vld [tilespmem:$0x1C50]  }
0x2cd: {  	v41 =	vld [tilespmem:$0x1060]  }
0x2ce: {  	v7 =	vadd.f32 v38, v7;
	v38 =	vadd.f32 v50, v4;
	v50 =	vld [tilespmem:$0x1FF50]  }
0x2cf: {  	v4 =	vadd.f32 v55, v17;
	v55 =	vld [tilespmem:$0x11F0]  }
0x2d0: {  	v14 =	vadd.f32 v33, v14;
	v33 =	vld [tilespmem:$0x1960]  }
0x2d1: {  	v20 =	vadd.f32 v45, v7;
	v7 =	vld [tilespmem:$0x1CD0]  }
0x2d2: {  	v18 =	vadd.f32 v46, v42;
	v46 =	vld [tilespmem:$0x1FF40]  }
0x2d3: {  	v41 =	vadd.f32 v41, v3;
	v3 =	vadd.f32 v54, v3;
	v54 =	vld [tilespmem:$0x1FF60]  }
0x2d4: {  	v45 =	vld [tilespmem:$0x15E0];
	v38 =	vadd.f32 v57, v38  }
0x2d5: {  	v57 =	vld [tilespmem:$0x1260];
	v14 =	vadd.f32 v34, v14;
	v18 =	vadd.f32 v53, v18  }
0x2d6: {  	v20 =	vadd.f32 v51, v20;
	v51 =	vld [tilespmem:$0x1170];
	v44 =	vadd.f32 v50, v62  }
0x2d7: {  	v53 =	vld [tilespmem:$0x11E0];
	v14 =	vadd.f32 v36, v14;
	v17 =	vadd.f32 v59, v18  }
0x2d8: {  	v34 =	vld [tilespmem:$0x1FFC0];
	v41 =	vadd.f32 v58, v41;
	v42 =	vadd.f32 v54, v44  }
0x2d9: {  	v36 =	vld [tilespmem:$0x19E0];
	v18 =	vadd.f32 v46, v38;
	v3 =	vadd.f32 v63, v3  }
0x2da: {  	v58 =	vld [tilespmem:$0x1270];
	v38 =	vadd.f32 v48, v41;
	v40 =	vadd.f32 v40, v42  }
0x2db: {  	v59 =	vld [tilespmem:$0x12E0];
	v3 =	vadd.f32 v51, v3  }
0x2dc: {  	v62 =	vld [tilespmem:$0x1360];
	v15 =	vadd.f32 v53, v38;
	v30 =	vadd.f32 v30, v40  }
0x2dd: {  	v50 =	vld [tilespmem:$0x1670];
	v3 =	vadd.f32 v55, v3  }
0x2de: {  	v63 =	vld [tilespmem:$0x1370];
	v15 =	vadd.f32 v57, v15;
	v30 =	vadd.f32 v35, v30  }
0x2df: {  	v3 =	vadd.f32 v58, v3;
	v35 =	vld [tilespmem:$0x13E0]  }
0x2e0: {  	v15 =	vadd.f32 v59, v15;
	v30 =	vadd.f32 v37, v30;
	v37 =	vld [tilespmem:$0x13F0]  }
0x2e1: {  	v38 =	vld [tilespmem:$0x1460];
	v3 =	vadd.f32 v61, v3  }
0x2e2: {  	v40 =	vld [tilespmem:$0x1470];
	v15 =	vadd.f32 v62, v15  }
0x2e3: {  	v41 =	vld [tilespmem:$0x14E0];
	v3 =	vadd.f32 v63, v3;
	v23 =	vadd.f32 v23, v30  }
0x2e4: {  	v42 =	vld [tilespmem:$0x14F0];
	v15 =	vadd.f32 v35, v15  }
0x2e5: {  	v46 =	vld [tilespmem:$0x15F0];
	v23 =	vadd.f32 v32, v23;
	v3 =	vadd.f32 v37, v3  }
0x2e6: {  	v44 =	vld [tilespmem:$0x1570];
	v15 =	vadd.f32 v38, v15  }
0x2e7: {  	v48 =	vld [tilespmem:$0x1660];
	v21 =	vadd.f32 v21, v23;
	v3 =	vadd.f32 v40, v3  }
0x2e8: {  	v53 =	vld [tilespmem:$0x1FF70];
	v15 =	vadd.f32 v41, v15  }
0x2e9: {  	v51 =	vld [tilespmem:$0x16E0];
	v21 =	vadd.f32 v22, v21;
	v3 =	vadd.f32 v42, v3  }
0x2ea: {  	v57 =	vld [tilespmem:$0x1FF80];
	v15 =	vadd.f32 v43, v15  }
0x2eb: {  	v54 =	vld [tilespmem:$0x16F0];
	v21 =	vadd.f32 v39, v21;
	v3 =	vadd.f32 v44, v3  }
0x2ec: {  	v61 =	vld [tilespmem:$0x1FF90];
	v15 =	vadd.f32 v45, v15  }
0x2ed: {  	v55 =	vld [tilespmem:$0x1760];
	v21 =	vadd.f32 v53, v21;
	v3 =	vadd.f32 v46, v3  }
0x2ee: {  	v58 =	vld [tilespmem:$0x1770];
	v15 =	vadd.f32 v48, v15  }
0x2ef: {  	v59 =	vld [tilespmem:$0x17E0];
	v21 =	vadd.f32 v57, v21;
	v3 =	vadd.f32 v50, v3  }
0x2f0: {  	v12 =	vadd.f32 v12, v14;
	v62 =	vld [tilespmem:$0x17F0];
	v15 =	vadd.f32 v51, v15  }
0x2f1: {  	v63 =	vld [tilespmem:$0x1860];
	v21 =	vadd.f32 v61, v21;
	v3 =	vadd.f32 v54, v3  }
0x2f2: {  	v11 =	vadd.f32 v11, v12;
	v30 =	vld [tilespmem:$0x18E0];
	v15 =	vadd.f32 v55, v15  }
0x2f3: {  	v32 =	vld [tilespmem:$0x18F0];
	v21 =	vadd.f32 v28, v21;
	v3 =	vadd.f32 v58, v3  }
0x2f4: {  	v8 =	vadd.f32 v8, v11;
	v37 =	vld [tilespmem:$0x1FFD0];
	v15 =	vadd.f32 v59, v15  }
0x2f5: {  	v35 =	vld [tilespmem:$0x1970];
	v21 =	vadd.f32 v31, v21;
	v3 =	vadd.f32 v62, v3  }
0x2f6: {  	v5 =	vadd.f32 v5, v8;
	v40 =	vld [tilespmem:$0x1FFE0];
	v14 =	vadd.f32 v63, v15  }
0x2f7: {  	v38 =	vld [tilespmem:$0x19F0];
	v21 =	vadd.f32 v34, v21;
	v3 =	vadd.f32 v29, v3  }
0x2f8: {  	v2 =	vadd.f32 v2, v5;
	v44 =	vld [tilespmem:$0x1FFF0];
	v12 =	vadd.f32 v30, v14  }
0x2f9: {  	v39 =	vld [tilespmem:$0x1A60];
	v16 =	vadd.f32 v37, v21;
	v3 =	vadd.f32 v32, v3  }
0x2fa: {  	v0 =	vadd.f32 v0, v2;
	v41 =	vld [tilespmem:$0x1A70];
	v11 =	vadd.f32 v33, v12  }
0x2fb: {  	v43 =	vld [tilespmem:$0x1AE0];
	v16 =	vadd.f32 v40, v16;
	v42 =	vadd.f32 v35, v3  }
0x2fc: {  	v0 =	vadd.f32 v13, v0;
	v45 =	vld [tilespmem:$0x1AF0];
	v8 =	vadd.f32 v36, v11  }
0x2fd: {  	v46 =	vld [tilespmem:$0x1B60];
	v15 =	vadd.f32 v44, v16;
	v2 =	vadd.f32 v38, v42  }
0x2fe: {  	v0 =	vadd.f32 v10, v0;
	v50 =	vld [tilespmem:$0x1B70];
	v5 =	vadd.f32 v39, v8  }
0x2ff: {  	v51 =	vld [tilespmem:$0x1BE0];
	v48 =	vadd.f32 v60, v15;
	v2 =	vadd.f32 v41, v2  }
0x300: {  	v0 =	vadd.f32 v6, v0;
	v54 =	vld [tilespmem:$0x1BF0];
	v3 =	vadd.f32 v43, v5  }
0x301: {  	v55 =	vld [tilespmem:$0x1C60];
	v53 =	vadd.f32 v56, v48;
	v2 =	vadd.f32 v45, v2  }
0x302: {  	v0 =	vadd.f32 v1, v0;
	v57 =	vld [tilespmem:$0x1C70];
	v3 =	vadd.f32 v46, v3  }
0x303: {  	v59 =	vld [tilespmem:$0x1CE0];
	v56 =	vadd.f32 v52, v53;
	v58 =	vadd.f32 v50, v2  }
0x304: {  	[tilespmem:$0x1D10] =	vst v4;
	v0 =	vadd.f32 v9, v0;
	v61 =	vld [tilespmem:$0x1CF0];
	v3 =	vadd.f32 v51, v3  }
0x305: {  	[tilespmem:$0x1D00] =	vst v20;
	v60 =	vadd.f32 v49, v56;
	v1 =	vadd.f32 v54, v58  }
0x306: {  	[tilespmem:$0x1D20] =	vst v17;
	v0 =	vadd.f32 v7, v0;
	v3 =	vadd.f32 v55, v3  }
0x307: {  	[tilespmem:$0x1D30] =	vst v18;
	v62 =	vadd.f32 v47, v60;
	v1 =	vadd.f32 v57, v1  }
0x308: {  	[tilespmem:$0x1D50] =	vst v0;
	v2 =	vadd.f32 v59, v3  }
0x309: {  	[tilespmem:$0x1D40] =	vst v62;
	v63 =	vadd.f32 v61, v1  }
0x30a: {  	p0 =	sne.s32 s5, $0x1;
	[tilespmem:$0x1D60] =	vst v2  }
.Ltmp0:
0x30b: {  	s12 =	rddreg [dreg:$0x6];
	[tilespmem:$0x1D70] =	vst v63;
	(pc) =	sbr.rel @p0 .LBB2_1-.Ltmp0, $4  }
0x30c: {  	[hbm4b:s12+s2] =	stream.linear.scatter [tilespmem:s1], [sflag:$0x3], $0x80, $0x38;
	[tilespmem:$0x1E00] =	vst v63  }
0x30d: {  	_ =	swait.ge [sflag:s8], $0x80  }
0x30e: {  	[sflag:s8] =	ssyncset.done $0x0  }
0x30f: {  	s5 =	sadd.s32 $0xFFFFFFFF, s5;
	[sflag:s8] =	ssyncadd.s32 $0xFFFFFF80  }
0x310: {  	_ =	sfence.sel $0x180000  }
0x311: {  	[bflag:$0x0] =	sbarrier.arrive $0xFFFF  }
0x312: {  	_ =	strace $0x90000047  }
0x313: {  	s0 =	stileid.u32;
	[bflag:$0x2] =	sbarrier.arrive $0xFFFF  }
0x314: {  	p0 =	sne.s32 s0, $0x0;
	s0 =	rddreg [dreg:$0x3]  }
0x315: {  	s0 =	sadd.s32 @!p0 $0x100000, s0  }
0x316: {  	[sflag:s0] =	ssyncadd.tile.s32 @!p0 $0x1;
	_ =	shalt  }
.Lfunc_end2:
_tile_overlayer_lowered:
.L_overlay_start_2:
0x317: {  	(tag) =	ssettag $0x2  }
0x318: {  	s0 =	rddreg [dreg:$0x0];
	s2 =	stileid.u32  }
0x319: {  	s1 =	rddreg [dreg:$0x1];
	p0 =	sne.s32 s2, $0x0  }
0x31a: {  	s3 =	rddreg [dreg:$0x2];
	[bflag:$0x3] =	sbarrier.arrive $0xFFFF;
	s2 =	simm.s32 @!p0 $0x1C03  }
0x31b: {  	[timem:s3], [sflag:s2] =	dma.local @!p0 [hbm:s0], s1  }
0x31c: {  	s0 =	simm.s32 @!p0 $0x3  }
0x31d: {  	_ =	swait.ge @!p0 [sflag:s0], s1  }
0x31e: {  	s1 =	ssub.s32 @!p0 $0x0, s1;
	[sflag:s0] =	ssyncset.done @!p0 $0x0  }
0x31f: {  	[sflag:s0] =	ssyncadd.s32 @!p0 s1  }
0x320: {  	[bflag:$0x3] =	sbarrier.arrive $0xFFFF  }
0x321: {  	_ =	shalt  }

</sc_bundles>
